<compile_context>
chip_gen: v7x
topology: tpu7x:2x2x1
jax: 0.10.2.dev20260603
libtpu: 0.0.44.dev20260713+nightly
codegen_flags: <defaults>
</compile_context>

<pallas_src>
import functools
import math

import jax
import jax.numpy as jnp
from jax import lax
from jax.experimental import pallas as pl
from jax.experimental.pallas import tpu as pltpu
from jax.experimental.pallas import tpu_sc as plsc

N = 10000
E = 320000
D = 128

NC = 2
NS = 16
LANES = 16

C = 64
TCH = E // C
T0 = 2500
NZB = N // C
NZT = N - NZB * C
WBI = (NZB + NS) // NS
VPR = D // LANES


def _mm_body(h_ref, w_ref, hp_ref):
    hp_ref[...] = jnp.dot(h_ref[...], w_ref[...],
                          preferred_element_type=jnp.float32)


def _combine_body(aw_ref, p0_ref, p1_ref, o_ref):
    a = aw_ref[0, 0]
    for j in range(1, 8):
        a = a + aw_ref[0, j]
    o_ref[...] = a * (p0_ref[0] + p1_ref[0])


def _sc_body(hp_hbm, ei_hbm, out_hbm,
             hs0, hs1, hs2, hd0, hd1, hd2,
             si0, si1, si2, di0, di1, di2, dc0, dc1, dc2,
             acc,
             sg0, sg1, sg2, ss0, ss1, ss2,
             fi0, fi1, fi2, fd0, fd1, fd2):
    cid = lax.axis_index("c")
    sid = lax.axis_index("s")
    hs = (hs0, hs1, hs2)
    hd = (hd0, hd1, hd2)
    sidx = (si0, si1, si2)
    didx = (di0, di1, di2)
    dsct = (dc0, dc1, dc2)
    sg = (sg0, sg1, sg2)
    ss = (ss0, ss1, ss2)
    fi = (fi0, fi1, fi2)
    fd = (fd0, fd1, fd2)

    q0, r0 = divmod(T0, NS)
    q1, r1 = divmod(TCH - T0, NS)
    is0 = cid == 0
    my_n = jnp.where(is0,
                     q0 + (sid < r0).astype(jnp.int32),
                     q1 + (sid < r1).astype(jnp.int32))
    my_s = jnp.where(is0,
                     sid * q0 + jnp.minimum(sid, r0),
                     T0 + sid * q1 + jnp.minimum(sid, r1))

    def _idx_base(cn):
        return pl.multiple_of((my_s + cn) * C, C)

    def _zrow(e, _):
        for j in range(VPR):
            hs0[e, pl.ds(j * LANES, LANES)] = jnp.zeros((LANES,), jnp.float32)
        return 0
    lax.fori_loop(0, C, _zrow, 0)
    for r in range(WBI):
        b = r * NS + sid

        @pl.when(b < NZB)
        def _():
            pltpu.sync_copy(hs0, acc.at[pl.ds(pl.multiple_of(b * C, C), C)])

    @pl.when(sid == 0)
    def _():
        pltpu.sync_copy(hs0.at[pl.ds(0, NZT)], acc.at[pl.ds(NZB * C, NZT)])
    plsc.subcore_barrier()

    def _fetch_gidx(cn, b):
        pltpu.async_copy(ei_hbm.at[0, pl.ds(_idx_base(cn), C)], sidx[b], fi[b])
        pltpu.async_copy(ei_hbm.at[1, pl.ds(_idx_base(cn), C)], didx[b], fi[b])

    def _wait_gidx(cn, b):
        pltpu.make_async_copy(ei_hbm.at[0, pl.ds(_idx_base(cn), C)], sidx[b],
                              fi[b]).wait()
        pltpu.make_async_copy(ei_hbm.at[1, pl.ds(_idx_base(cn), C)], didx[b],
                              fi[b]).wait()

    def _issue_gather(b):
        pltpu.async_copy(hp_hbm.at[sidx[b]], hs[b], sg[b])
        pltpu.async_copy(hp_hbm.at[didx[b]], hd[b], sg[b])

    def _wait_gather(b):
        pltpu.make_async_copy(hp_hbm.at[sidx[b]], hs[b], sg[b]).wait()
        pltpu.make_async_copy(hp_hbm.at[didx[b]], hd[b], sg[b]).wait()

    def _fetch_sidx(cn, b):
        pltpu.async_copy(ei_hbm.at[1, pl.ds(_idx_base(cn), C)], dsct[b], fd[b])

    def _wait_sidx(cn, b):
        pltpu.make_async_copy(ei_hbm.at[1, pl.ds(_idx_base(cn), C)], dsct[b],
                              fd[b]).wait()

    def _compute_chunk(b):
        hsb, hdb = hs[b], hd[b]

        @plsc.parallel_loop(0, C, 1, unroll=4)
        def _(e):
            vs = [hsb[e, pl.ds(j * LANES, LANES)] for j in range(VPR)]
            vd = [hdb[e, pl.ds(j * LANES, LANES)] for j in range(VPR)]
            acc_v = vs[0] * vd[0]
            for j in range(1, VPR):
                acc_v = acc_v + vs[j] * vd[j]
            lanes = lax.iota(jnp.int32, LANES)
            for shift in (8, 4, 2, 1):
                perm = jnp.bitwise_xor(lanes, shift)
                acc_v = acc_v + acc_v.at[perm].get(mode="promise_in_bounds")
            for j in range(VPR):
                hsb[e, pl.ds(j * LANES, LANES)] = vs[j] * acc_v

    _fetch_gidx(0, 0)
    _fetch_gidx(1, 1)
    _fetch_gidx(2, 2)
    _fetch_sidx(0, 0)
    _fetch_sidx(1, 1)
    _wait_gidx(0, 0)
    _wait_gidx(1, 1)
    _issue_gather(0)
    _issue_gather(1)

    def _outer(i, _):
        for p in range(3):
            b = p
            b2 = (p + 2) % 3
            g = 3 * i + p

            @pl.when(g < my_n)
            def _():
                _wait_gather(b)

                @pl.when(g + 3 < my_n)
                def _():
                    _fetch_gidx(g + 3, b)
                _compute_chunk(b)
                _wait_sidx(g, b)
                pltpu.async_copy(hs[b], acc.at[dsct[b]], ss[b], add=True)

            @pl.when(g + 2 < my_n)
            def _():
                if p == 0:
                    @pl.when(i > 0)
                    def _():
                        pltpu.make_async_copy(hs[b2], acc.at[dsct[b2]],
                                              ss[b2]).wait()
                else:
                    pltpu.make_async_copy(hs[b2], acc.at[dsct[b2]],
                                          ss[b2]).wait()
                _wait_gidx(g + 2, b2)
                _issue_gather(b2)
                _fetch_sidx(g + 2, b2)
        return 0

    lax.fori_loop(0, (my_n + 2) // 3, _outer, 0)
    for b in range(3):
        pltpu.make_async_copy(hs[b], acc.at[dsct[b]], ss[b]).wait()

    plsc.subcore_barrier()
    for r in range(WBI):
        b = r * NS + sid

        @pl.when(b < NZB)
        def _():
            base = pl.multiple_of(b * C, C)
            pltpu.sync_copy(acc.at[pl.ds(base, C)],
                            out_hbm.at[cid, pl.ds(base, C)])

    @pl.when(sid == 0)
    def _():
        pltpu.sync_copy(acc.at[pl.ds(NZB * C, NZT)],
                        out_hbm.at[cid, pl.ds(NZB * C, NZT)])


def kernel(h, edge_index, W, attention_w):
    mm_grid = 10
    rows = N // mm_grid
    hp = pl.pallas_call(
        _mm_body,
        grid=(mm_grid,),
        in_specs=[
            pl.BlockSpec((rows, D), lambda i: (i, 0)),
            pl.BlockSpec((D, D), lambda i: (0, 0)),
        ],
        out_specs=pl.BlockSpec((rows, D), lambda i: (i, 0)),
        out_shape=jax.ShapeDtypeStruct((N, D), jnp.float32),
    )(h, W)

    mesh = plsc.VectorSubcoreMesh(core_axis_name="c", subcore_axis_name="s",
                                  num_cores=NC, num_subcores=NS)
    partials = pl.kernel(
        _sc_body,
        out_type=jax.ShapeDtypeStruct((NC, N, D), jnp.float32),
        mesh=mesh,
        scratch_types=(
            [pltpu.VMEM((C, D), jnp.float32)] * 6
            + [pltpu.VMEM((C,), jnp.int32)] * 9
            + [pltpu.VMEM_SHARED((N, D), jnp.float32)]
            + [pltpu.SemaphoreType.DMA] * 12
        ),
    )(hp, edge_index)

    grid = 10
    rows_o = N // grid
    out = pl.pallas_call(
        _combine_body,
        grid=(grid,),
        in_specs=[
            pl.BlockSpec((1, 8), lambda i: (0, 0), memory_space=pltpu.SMEM),
            pl.BlockSpec((1, rows_o, D), lambda i: (0, i, 0)),
            pl.BlockSpec((1, rows_o, D), lambda i: (1, i, 0)),
        ],
        out_specs=pl.BlockSpec((rows_o, D), lambda i: (i, 0)),
        out_shape=jax.ShapeDtypeStruct((N, D), jnp.float32),
    )(attention_w, partials, partials)
    return out

# --- scband reference (transcript-rebuilt; emitter-appended) ---
"""Pipeline reference for scband-gatlayer-40767829574576 (READ-ONLY COPY).

The authoritative reference and input builder live on the scoring server;
editing this copy changes nothing except your own understanding.
"""

import jax, jax.numpy as jnp
import numpy as np
import math

N = 10000
E = 320000
D_IN = 128
D_OUT = 128
H = 8


def setup_inputs(seed: int = 0) -> dict:
    key = jax.random.key(seed)
    k1, k2, k3, k4 = jax.random.split(key, 4)
    h = jax.random.normal(k1, (N, D_IN), dtype=jnp.float32)
    edge_index = jax.random.randint(k2, (2, E), 0, N, dtype=jnp.int32)
    stdv = 1.0 / math.sqrt(D_OUT)
    W = jax.random.uniform(k3, (D_IN, D_OUT), dtype=jnp.float32, minval=-stdv, maxval=stdv)
    attention_w = jax.random.normal(k4, (1, H), dtype=jnp.float32)
    return {"h": h, "edge_index": edge_index, "W": W, "attention_w": attention_w}


def reference(h, edge_index, W, attention_w):
    # graph.ndata['h'] = h @ W
    hp = jnp.matmul(h, W)  # [N, D_OUT]
    src = edge_index[0]
    dst = edge_index[1]
    # gcn_msg: per-edge dot-product attention message
    hs = jnp.take(hp, src, axis=0)  # edge.src['h'] -> [E, D_OUT]
    hd = jnp.take(hp, dst, axis=0)  # edge.dst['h'] -> [E, D_OUT]
    dot_attent = jnp.sum(hs * hd, axis=-1)[:, None]  # [E, 1]
    msg = (dot_attent * hs)[:, None, :]  # [E, 1, D_OUT]
    msg = jnp.matmul(jnp.transpose(msg, (0, 2, 1)), attention_w)  # [E, D_OUT, H]
    msg = jnp.sum(msg, axis=2, keepdims=True)  # [E, D_OUT, 1]
    msg = jnp.transpose(msg, (0, 2, 1))[:, 0, :]  # squeeze -> [E, D_OUT]
    # gcn_reduce: sum over mailbox == scatter-add by destination node
    out = jax.ops.segment_sum(msg, dst, num_segments=N)  # [N, D_OUT]
    return out

if __name__ == "__main__":
    import jax
    _d = setup_inputs()
    print(jax.jit(kernel)(*tuple(_d.values())))

</pallas_src>

<mosaic_0001>
#map = affine_map<(d0, d1) -> (0, 0)>
#map1 = affine_map<(d0, d1) -> (0, 0, 0)>
module attributes {stable_mosaic.version = 14 : i64} {
  func.func @_sc_body(%arg0: i32, %arg1: i32, %arg2: memref<10000x128xf32, #tpu.memory_space<hbm>>, %arg3: memref<2x320000xi32, #tpu.memory_space<hbm>>, %arg4: memref<2x10000x128xf32, #tpu.memory_space<hbm>>, %arg5: memref<64x128xf32, #tpu.memory_space<vmem>>, %arg6: memref<64x128xf32, #tpu.memory_space<vmem>>, %arg7: memref<64x128xf32, #tpu.memory_space<vmem>>, %arg8: memref<64x128xf32, #tpu.memory_space<vmem>>, %arg9: memref<64x128xf32, #tpu.memory_space<vmem>>, %arg10: memref<64x128xf32, #tpu.memory_space<vmem>>, %arg11: memref<64xi32, #tpu.memory_space<vmem>>, %arg12: memref<64xi32, #tpu.memory_space<vmem>>, %arg13: memref<64xi32, #tpu.memory_space<vmem>>, %arg14: memref<64xi32, #tpu.memory_space<vmem>>, %arg15: memref<64xi32, #tpu.memory_space<vmem>>, %arg16: memref<64xi32, #tpu.memory_space<vmem>>, %arg17: memref<64xi32, #tpu.memory_space<vmem>>, %arg18: memref<64xi32, #tpu.memory_space<vmem>>, %arg19: memref<64xi32, #tpu.memory_space<vmem>>, %arg20: memref<10000x128xf32, #tpu.memory_space<vmem_shared>>, %arg21: memref<!tpu.dma_semaphore, #tpu.memory_space<semaphore_mem>>, %arg22: memref<!tpu.dma_semaphore, #tpu.memory_space<semaphore_mem>>, %arg23: memref<!tpu.dma_semaphore, #tpu.memory_space<semaphore_mem>>, %arg24: memref<!tpu.dma_semaphore, #tpu.memory_space<semaphore_mem>>, %arg25: memref<!tpu.dma_semaphore, #tpu.memory_space<semaphore_mem>>, %arg26: memref<!tpu.dma_semaphore, #tpu.memory_space<semaphore_mem>>, %arg27: memref<!tpu.dma_semaphore, #tpu.memory_space<semaphore_mem>>, %arg28: memref<!tpu.dma_semaphore, #tpu.memory_space<semaphore_mem>>, %arg29: memref<!tpu.dma_semaphore, #tpu.memory_space<semaphore_mem>>, %arg30: memref<!tpu.dma_semaphore, #tpu.memory_space<semaphore_mem>>, %arg31: memref<!tpu.dma_semaphore, #tpu.memory_space<semaphore_mem>>, %arg32: memref<!tpu.dma_semaphore, #tpu.memory_space<semaphore_mem>>) attributes {dimension_semantics = [#tpu.dimension_semantics<core_parallel>, #tpu.dimension_semantics<subcore_parallel>], iteration_bounds = array<i64: 2, 16>, scalar_prefetch = 0 : i64, scratch_operands = 28 : i64, tpu.core_type = #tpu.core_type<sc_vector_subcore>, window_params = [{transform_indices = #map}, {transform_indices = #map}, {transform_indices = #map1}]} {
    %eq3A = arith.constant 0 : i32
    %eq3A_0 = arith.cmpi eq, %arg0, %eq3A : i32
    %lt3A = arith.constant 4 : i32
    %lt3A_1 = arith.cmpi slt, %arg1, %lt3A : i32
    %convert_element_type3A = arith.extui %lt3A_1 : i1 to i32
    %add3A = arith.constant 156 : i32
    %add3A_2 = arith.addi %add3A, %convert_element_type3A : i32
    %lt3A_3 = arith.constant 4 : i32
    %lt3A_4 = arith.cmpi slt, %arg1, %lt3A_3 : i32
    %convert_element_type3A_5 = arith.extui %lt3A_4 : i1 to i32
    %add3A_6 = arith.constant 156 : i32
    %add3A_7 = arith.addi %add3A_6, %convert_element_type3A_5 : i32
    %select_n3A = arith.select %eq3A_0, %add3A_2, %add3A_7 : i32
    %mul3A = arith.constant 156 : i32
    %mul3A_8 = arith.muli %arg1, %mul3A : i32
    %min3A = arith.constant 4 : i32
    %min3A_9 = arith.minsi %arg1, %min3A : i32
    %add3A_10 = arith.addi %mul3A_8, %min3A_9 : i32
    %mul3A_11 = arith.constant 156 : i32
    %mul3A_12 = arith.muli %arg1, %mul3A_11 : i32
    %add3A_13 = arith.constant 2500 : i32
    %add3A_14 = arith.addi %add3A_13, %mul3A_12 : i32
    %min3A_15 = arith.constant 4 : i32
    %min3A_16 = arith.minsi %arg1, %min3A_15 : i32
    %add3A_17 = arith.addi %add3A_14, %min3A_16 : i32
    %select_n3A_18 = arith.select %eq3A_0, %add3A_10, %add3A_17 : i32
    %scan3A = arith.constant 0 : i32
    %scan3A_19 = arith.constant 0 : i32
    %scan3A_20 = arith.constant 64 : i32
    %scan3A_21 = arith.addi %scan3A_19, %scan3A_20 : i32
    %scan3A_22 = arith.constant 1 : i32
    %scan3A_23 = scf.for %scan3A_343 = %scan3A_19 to %scan3A_21 step %scan3A_22 iter_args(%scan3A_344 = %scan3A) -> (i32)  : i32 {
      %broadcast_in_dim3A = arith.constant 0.000000e+00 : f32
      %broadcast_in_dim3A_345 = vector.broadcast %broadcast_in_dim3A : f32 to vector<16xf32>
      %swap3A = arith.index_cast %scan3A_343 : i32 to index
      %swap3A_346 = arith.constant 0 : index
      %swap3A_347 = tpu.vector_load %arg5[%swap3A, %swap3A_346] {strides = array<i32>} : memref<64x128xf32, #tpu.memory_space<vmem>>, vector<1x16xf32>,
      %swap3A_348 = vector.shape_cast %swap3A_347 : vector<1x16xf32> to vector<16xf32>
      %swap3A_349 = vector.shape_cast %broadcast_in_dim3A_345 : vector<16xf32> to vector<1x16xf32>
      tpu.vector_store %arg5[%swap3A, %swap3A_346], %swap3A_349 {strides = array<i32>} : memref<64x128xf32, #tpu.memory_space<vmem>>, vector<1x16xf32>,
      %broadcast_in_dim3A_350 = arith.constant 0.000000e+00 : f32
      %broadcast_in_dim3A_351 = vector.broadcast %broadcast_in_dim3A_350 : f32 to vector<16xf32>
      %swap3A_352 = arith.index_cast %scan3A_343 : i32 to index
      %swap3A_353 = arith.constant 16 : index
      %swap3A_354 = tpu.vector_load %arg5[%swap3A_352, %swap3A_353] {strides = array<i32>} : memref<64x128xf32, #tpu.memory_space<vmem>>, vector<1x16xf32>,
      %swap3A_355 = vector.shape_cast %swap3A_354 : vector<1x16xf32> to vector<16xf32>
      %swap3A_356 = vector.shape_cast %broadcast_in_dim3A_351 : vector<16xf32> to vector<1x16xf32>
      tpu.vector_store %arg5[%swap3A_352, %swap3A_353], %swap3A_356 {strides = array<i32>} : memref<64x128xf32, #tpu.memory_space<vmem>>, vector<1x16xf32>,
      %broadcast_in_dim3A_357 = arith.constant 0.000000e+00 : f32
      %broadcast_in_dim3A_358 = vector.broadcast %broadcast_in_dim3A_357 : f32 to vector<16xf32>
      %swap3A_359 = arith.index_cast %scan3A_343 : i32 to index
      %swap3A_360 = arith.constant 32 : index
      %swap3A_361 = tpu.vector_load %arg5[%swap3A_359, %swap3A_360] {strides = array<i32>} : memref<64x128xf32, #tpu.memory_space<vmem>>, vector<1x16xf32>,
      %swap3A_362 = vector.shape_cast %swap3A_361 : vector<1x16xf32> to vector<16xf32>
      %swap3A_363 = vector.shape_cast %broadcast_in_dim3A_358 : vector<16xf32> to vector<1x16xf32>
      tpu.vector_store %arg5[%swap3A_359, %swap3A_360], %swap3A_363 {strides = array<i32>} : memref<64x128xf32, #tpu.memory_space<vmem>>, vector<1x16xf32>,
      %broadcast_in_dim3A_364 = arith.constant 0.000000e+00 : f32
      %broadcast_in_dim3A_365 = vector.broadcast %broadcast_in_dim3A_364 : f32 to vector<16xf32>
      %swap3A_366 = arith.index_cast %scan3A_343 : i32 to index
      %swap3A_367 = arith.constant 48 : index
      %swap3A_368 = tpu.vector_load %arg5[%swap3A_366, %swap3A_367] {strides = array<i32>} : memref<64x128xf32, #tpu.memory_space<vmem>>, vector<1x16xf32>,
      %swap3A_369 = vector.shape_cast %swap3A_368 : vector<1x16xf32> to vector<16xf32>
      %swap3A_370 = vector.shape_cast %broadcast_in_dim3A_365 : vector<16xf32> to vector<1x16xf32>
      tpu.vector_store %arg5[%swap3A_366, %swap3A_367], %swap3A_370 {strides = array<i32>} : memref<64x128xf32, #tpu.memory_space<vmem>>, vector<1x16xf32>,
      %broadcast_in_dim3A_371 = arith.constant 0.000000e+00 : f32
      %broadcast_in_dim3A_372 = vector.broadcast %broadcast_in_dim3A_371 : f32 to vector<16xf32>
      %swap3A_373 = arith.index_cast %scan3A_343 : i32 to index
      %swap3A_374 = arith.constant 64 : index
      %swap3A_375 = tpu.vector_load %arg5[%swap3A_373, %swap3A_374] {strides = array<i32>} : memref<64x128xf32, #tpu.memory_space<vmem>>, vector<1x16xf32>,
      %swap3A_376 = vector.shape_cast %swap3A_375 : vector<1x16xf32> to vector<16xf32>
      %swap3A_377 = vector.shape_cast %broadcast_in_dim3A_372 : vector<16xf32> to vector<1x16xf32>
      tpu.vector_store %arg5[%swap3A_373, %swap3A_374], %swap3A_377 {strides = array<i32>} : memref<64x128xf32, #tpu.memory_space<vmem>>, vector<1x16xf32>,
      %broadcast_in_dim3A_378 = arith.constant 0.000000e+00 : f32
      %broadcast_in_dim3A_379 = vector.broadcast %broadcast_in_dim3A_378 : f32 to vector<16xf32>
      %swap3A_380 = arith.index_cast %scan3A_343 : i32 to index
      %swap3A_381 = arith.constant 80 : index
      %swap3A_382 = tpu.vector_load %arg5[%swap3A_380, %swap3A_381] {strides = array<i32>} : memref<64x128xf32, #tpu.memory_space<vmem>>, vector<1x16xf32>,
      %swap3A_383 = vector.shape_cast %swap3A_382 : vector<1x16xf32> to vector<16xf32>
      %swap3A_384 = vector.shape_cast %broadcast_in_dim3A_379 : vector<16xf32> to vector<1x16xf32>
      tpu.vector_store %arg5[%swap3A_380, %swap3A_381], %swap3A_384 {strides = array<i32>} : memref<64x128xf32, #tpu.memory_space<vmem>>, vector<1x16xf32>,
      %broadcast_in_dim3A_385 = arith.constant 0.000000e+00 : f32
      %broadcast_in_dim3A_386 = vector.broadcast %broadcast_in_dim3A_385 : f32 to vector<16xf32>
      %swap3A_387 = arith.index_cast %scan3A_343 : i32 to index
      %swap3A_388 = arith.constant 96 : index
      %swap3A_389 = tpu.vector_load %arg5[%swap3A_387, %swap3A_388] {strides = array<i32>} : memref<64x128xf32, #tpu.memory_space<vmem>>, vector<1x16xf32>,
      %swap3A_390 = vector.shape_cast %swap3A_389 : vector<1x16xf32> to vector<16xf32>
      %swap3A_391 = vector.shape_cast %broadcast_in_dim3A_386 : vector<16xf32> to vector<1x16xf32>
      tpu.vector_store %arg5[%swap3A_387, %swap3A_388], %swap3A_391 {strides = array<i32>} : memref<64x128xf32, #tpu.memory_space<vmem>>, vector<1x16xf32>,
      %broadcast_in_dim3A_392 = arith.constant 0.000000e+00 : f32
      %broadcast_in_dim3A_393 = vector.broadcast %broadcast_in_dim3A_392 : f32 to vector<16xf32>
      %swap3A_394 = arith.index_cast %scan3A_343 : i32 to index
      %swap3A_395 = arith.constant 112 : index
      %swap3A_396 = tpu.vector_load %arg5[%swap3A_394, %swap3A_395] {strides = array<i32>} : memref<64x128xf32, #tpu.memory_space<vmem>>, vector<1x16xf32>,
      %swap3A_397 = vector.shape_cast %swap3A_396 : vector<1x16xf32> to vector<16xf32>
      %swap3A_398 = vector.shape_cast %broadcast_in_dim3A_393 : vector<16xf32> to vector<1x16xf32>
      tpu.vector_store %arg5[%swap3A_394, %swap3A_395], %swap3A_398 {strides = array<i32>} : memref<64x128xf32, #tpu.memory_space<vmem>>, vector<1x16xf32>,
      %scan3A_399 = arith.constant 0 : i32
      scf.yield %scan3A_399 : i32
    }
    %scan3A_24 = arith.constant 64 : i32
    %add3A_25 = arith.constant 0 : i32
    %add3A_26 = arith.addi %add3A_25, %arg1 : i32
    %lt3A_27 = arith.constant 156 : i32
    %lt3A_28 = arith.cmpi slt, %add3A_26, %lt3A_27 : i32
    %convert_element_type3A_29 = arith.extui %lt3A_28 : i1 to i32
    %cond3A = arith.constant 0 : i32
    %cond3A_30 = arith.cmpi ne, %convert_element_type3A_29, %cond3A : i32
    scf.if %cond3A_30 {
      %mul3A_343 = arith.constant 64 : i32
      %mul3A_344 = arith.muli %add3A_26, %mul3A_343 : i32
      %multiple_of3A_345 = tpu.assume_multiple %mul3A_344, 64 : i32
      "tpu.region"() ({
        %run_scoped3A = tpu.sem_alloc : memref<!tpu.dma_semaphore, #tpu.memory_space<semaphore_mem>>
        %dma_start3A_346 = arith.constant 0 : i32
        %dma_start3A_347 = tpu.memref_slice %arg20[%multiple_of3A_345, %dma_start3A_346] : memref<10000x128xf32, #tpu.memory_space<vmem_shared>> -> memref<64x128xf32, #tpu.memory_space<vmem_shared>>
        %dma_start3A_348 = arith.constant 0 : i32
        %dma_start3A_349 = tpu.memref_slice %arg20[%multiple_of3A_345, %dma_start3A_348] : memref<10000x128xf32, #tpu.memory_space<vmem_shared>> -> memref<64x128xf32, #tpu.memory_space<vmem_shared>>
        tpu.enqueue_dma source(%arg5 : memref<64x128xf32, #tpu.memory_space<vmem>>) target(%dma_start3A_349 : memref<64x128xf32, #tpu.memory_space<vmem_shared>>) target_semaphore(%run_scoped3A : memref<!tpu.dma_semaphore, #tpu.memory_space<semaphore_mem>>)
        %dma_wait3A_350 = arith.constant 0 : i32
        %dma_wait3A_351 = tpu.memref_slice %arg20[%multiple_of3A_345, %dma_wait3A_350] : memref<10000x128xf32, #tpu.memory_space<vmem_shared>> -> memref<64x128xf32, #tpu.memory_space<vmem_shared>>
        %dma_wait3A_352 = arith.constant 0 : i32
        %dma_wait3A_353 = tpu.memref_slice %arg20[%multiple_of3A_345, %dma_wait3A_352] : memref<10000x128xf32, #tpu.memory_space<vmem_shared>> -> memref<64x128xf32, #tpu.memory_space<vmem_shared>>
        tpu.wait_dma2 semaphore(%run_scoped3A : memref<!tpu.dma_semaphore, #tpu.memory_space<semaphore_mem>>) src(%arg5 : memref<64x128xf32, #tpu.memory_space<vmem>>) dst(%dma_wait3A_353 : memref<64x128xf32, #tpu.memory_space<vmem_shared>>)
        tpu.yield
      }) : () -> ()
    } else {
    }
    %add3A_31 = arith.constant 16 : i32
    %add3A_32 = arith.addi %add3A_31, %arg1 : i32
    %lt3A_33 = arith.constant 156 : i32
    %lt3A_34 = arith.cmpi slt, %add3A_32, %lt3A_33 : i32
    %convert_element_type3A_35 = arith.extui %lt3A_34 : i1 to i32
    %cond3A_36 = arith.constant 0 : i32
    %cond3A_37 = arith.cmpi ne, %convert_element_type3A_35, %cond3A_36 : i32
    scf.if %cond3A_37 {
      %mul3A_343 = arith.constant 64 : i32
      %mul3A_344 = arith.muli %add3A_32, %mul3A_343 : i32
      %multiple_of3A_345 = tpu.assume_multiple %mul3A_344, 64 : i32
      "tpu.region"() ({
        %run_scoped3A = tpu.sem_alloc : memref<!tpu.dma_semaphore, #tpu.memory_space<semaphore_mem>>
        %dma_start3A_346 = arith.constant 0 : i32
        %dma_start3A_347 = tpu.memref_slice %arg20[%multiple_of3A_345, %dma_start3A_346] : memref<10000x128xf32, #tpu.memory_space<vmem_shared>> -> memref<64x128xf32, #tpu.memory_space<vmem_shared>>
        %dma_start3A_348 = arith.constant 0 : i32
        %dma_start3A_349 = tpu.memref_slice %arg20[%multiple_of3A_345, %dma_start3A_348] : memref<10000x128xf32, #tpu.memory_space<vmem_shared>> -> memref<64x128xf32, #tpu.memory_space<vmem_shared>>
        tpu.enqueue_dma source(%arg5 : memref<64x128xf32, #tpu.memory_space<vmem>>) target(%dma_start3A_349 : memref<64x128xf32, #tpu.memory_space<vmem_shared>>) target_semaphore(%run_scoped3A : memref<!tpu.dma_semaphore, #tpu.memory_space<semaphore_mem>>)
        %dma_wait3A_350 = arith.constant 0 : i32
        %dma_wait3A_351 = tpu.memref_slice %arg20[%multiple_of3A_345, %dma_wait3A_350] : memref<10000x128xf32, #tpu.memory_space<vmem_shared>> -> memref<64x128xf32, #tpu.memory_space<vmem_shared>>
        %dma_wait3A_352 = arith.constant 0 : i32
        %dma_wait3A_353 = tpu.memref_slice %arg20[%multiple_of3A_345, %dma_wait3A_352] : memref<10000x128xf32, #tpu.memory_space<vmem_shared>> -> memref<64x128xf32, #tpu.memory_space<vmem_shared>>
        tpu.wait_dma2 semaphore(%run_scoped3A : memref<!tpu.dma_semaphore, #tpu.memory_space<semaphore_mem>>) src(%arg5 : memref<64x128xf32, #tpu.memory_space<vmem>>) dst(%dma_wait3A_353 : memref<64x128xf32, #tpu.memory_space<vmem_shared>>)
        tpu.yield
      }) : () -> ()
    } else {
    }
    %add3A_38 = arith.constant 32 : i32
    %add3A_39 = arith.addi %add3A_38, %arg1 : i32
    %lt3A_40 = arith.constant 156 : i32
    %lt3A_41 = arith.cmpi slt, %add3A_39, %lt3A_40 : i32
    %convert_element_type3A_42 = arith.extui %lt3A_41 : i1 to i32
    %cond3A_43 = arith.constant 0 : i32
    %cond3A_44 = arith.cmpi ne, %convert_element_type3A_42, %cond3A_43 : i32
    scf.if %cond3A_44 {
      %mul3A_343 = arith.constant 64 : i32
      %mul3A_344 = arith.muli %add3A_39, %mul3A_343 : i32
      %multiple_of3A_345 = tpu.assume_multiple %mul3A_344, 64 : i32
      "tpu.region"() ({
        %run_scoped3A = tpu.sem_alloc : memref<!tpu.dma_semaphore, #tpu.memory_space<semaphore_mem>>
        %dma_start3A_346 = arith.constant 0 : i32
        %dma_start3A_347 = tpu.memref_slice %arg20[%multiple_of3A_345, %dma_start3A_346] : memref<10000x128xf32, #tpu.memory_space<vmem_shared>> -> memref<64x128xf32, #tpu.memory_space<vmem_shared>>
        %dma_start3A_348 = arith.constant 0 : i32
        %dma_start3A_349 = tpu.memref_slice %arg20[%multiple_of3A_345, %dma_start3A_348] : memref<10000x128xf32, #tpu.memory_space<vmem_shared>> -> memref<64x128xf32, #tpu.memory_space<vmem_shared>>
        tpu.enqueue_dma source(%arg5 : memref<64x128xf32, #tpu.memory_space<vmem>>) target(%dma_start3A_349 : memref<64x128xf32, #tpu.memory_space<vmem_shared>>) target_semaphore(%run_scoped3A : memref<!tpu.dma_semaphore, #tpu.memory_space<semaphore_mem>>)
        %dma_wait3A_350 = arith.constant 0 : i32
        %dma_wait3A_351 = tpu.memref_slice %arg20[%multiple_of3A_345, %dma_wait3A_350] : memref<10000x128xf32, #tpu.memory_space<vmem_shared>> -> memref<64x128xf32, #tpu.memory_space<vmem_shared>>
        %dma_wait3A_352 = arith.constant 0 : i32
        %dma_wait3A_353 = tpu.memref_slice %arg20[%multiple_of3A_345, %dma_wait3A_352] : memref<10000x128xf32, #tpu.memory_space<vmem_shared>> -> memref<64x128xf32, #tpu.memory_space<vmem_shared>>
        tpu.wait_dma2 semaphore(%run_scoped3A : memref<!tpu.dma_semaphore, #tpu.memory_space<semaphore_mem>>) src(%arg5 : memref<64x128xf32, #tpu.memory_space<vmem>>) dst(%dma_wait3A_353 : memref<64x128xf32, #tpu.memory_space<vmem_shared>>)
        tpu.yield
      }) : () -> ()
    } else {
    }
    %add3A_45 = arith.constant 48 : i32
    %add3A_46 = arith.addi %add3A_45, %arg1 : i32
    %lt3A_47 = arith.constant 156 : i32
    %lt3A_48 = arith.cmpi slt, %add3A_46, %lt3A_47 : i32
    %convert_element_type3A_49 = arith.extui %lt3A_48 : i1 to i32
    %cond3A_50 = arith.constant 0 : i32
    %cond3A_51 = arith.cmpi ne, %convert_element_type3A_49, %cond3A_50 : i32
    scf.if %cond3A_51 {
      %mul3A_343 = arith.constant 64 : i32
      %mul3A_344 = arith.muli %add3A_46, %mul3A_343 : i32
      %multiple_of3A_345 = tpu.assume_multiple %mul3A_344, 64 : i32
      "tpu.region"() ({
        %run_scoped3A = tpu.sem_alloc : memref<!tpu.dma_semaphore, #tpu.memory_space<semaphore_mem>>
        %dma_start3A_346 = arith.constant 0 : i32
        %dma_start3A_347 = tpu.memref_slice %arg20[%multiple_of3A_345, %dma_start3A_346] : memref<10000x128xf32, #tpu.memory_space<vmem_shared>> -> memref<64x128xf32, #tpu.memory_space<vmem_shared>>
        %dma_start3A_348 = arith.constant 0 : i32
        %dma_start3A_349 = tpu.memref_slice %arg20[%multiple_of3A_345, %dma_start3A_348] : memref<10000x128xf32, #tpu.memory_space<vmem_shared>> -> memref<64x128xf32, #tpu.memory_space<vmem_shared>>
        tpu.enqueue_dma source(%arg5 : memref<64x128xf32, #tpu.memory_space<vmem>>) target(%dma_start3A_349 : memref<64x128xf32, #tpu.memory_space<vmem_shared>>) target_semaphore(%run_scoped3A : memref<!tpu.dma_semaphore, #tpu.memory_space<semaphore_mem>>)
        %dma_wait3A_350 = arith.constant 0 : i32
        %dma_wait3A_351 = tpu.memref_slice %arg20[%multiple_of3A_345, %dma_wait3A_350] : memref<10000x128xf32, #tpu.memory_space<vmem_shared>> -> memref<64x128xf32, #tpu.memory_space<vmem_shared>>
        %dma_wait3A_352 = arith.constant 0 : i32
        %dma_wait3A_353 = tpu.memref_slice %arg20[%multiple_of3A_345, %dma_wait3A_352] : memref<10000x128xf32, #tpu.memory_space<vmem_shared>> -> memref<64x128xf32, #tpu.memory_space<vmem_shared>>
        tpu.wait_dma2 semaphore(%run_scoped3A : memref<!tpu.dma_semaphore, #tpu.memory_space<semaphore_mem>>) src(%arg5 : memref<64x128xf32, #tpu.memory_space<vmem>>) dst(%dma_wait3A_353 : memref<64x128xf32, #tpu.memory_space<vmem_shared>>)
        tpu.yield
      }) : () -> ()
    } else {
    }
    %add3A_52 = arith.constant 64 : i32
    %add3A_53 = arith.addi %add3A_52, %arg1 : i32
    %lt3A_54 = arith.constant 156 : i32
    %lt3A_55 = arith.cmpi slt, %add3A_53, %lt3A_54 : i32
    %convert_element_type3A_56 = arith.extui %lt3A_55 : i1 to i32
    %cond3A_57 = arith.constant 0 : i32
    %cond3A_58 = arith.cmpi ne, %convert_element_type3A_56, %cond3A_57 : i32
    scf.if %cond3A_58 {
      %mul3A_343 = arith.constant 64 : i32
      %mul3A_344 = arith.muli %add3A_53, %mul3A_343 : i32
      %multiple_of3A_345 = tpu.assume_multiple %mul3A_344, 64 : i32
      "tpu.region"() ({
        %run_scoped3A = tpu.sem_alloc : memref<!tpu.dma_semaphore, #tpu.memory_space<semaphore_mem>>
        %dma_start3A_346 = arith.constant 0 : i32
        %dma_start3A_347 = tpu.memref_slice %arg20[%multiple_of3A_345, %dma_start3A_346] : memref<10000x128xf32, #tpu.memory_space<vmem_shared>> -> memref<64x128xf32, #tpu.memory_space<vmem_shared>>
        %dma_start3A_348 = arith.constant 0 : i32
        %dma_start3A_349 = tpu.memref_slice %arg20[%multiple_of3A_345, %dma_start3A_348] : memref<10000x128xf32, #tpu.memory_space<vmem_shared>> -> memref<64x128xf32, #tpu.memory_space<vmem_shared>>
        tpu.enqueue_dma source(%arg5 : memref<64x128xf32, #tpu.memory_space<vmem>>) target(%dma_start3A_349 : memref<64x128xf32, #tpu.memory_space<vmem_shared>>) target_semaphore(%run_scoped3A : memref<!tpu.dma_semaphore, #tpu.memory_space<semaphore_mem>>)
        %dma_wait3A_350 = arith.constant 0 : i32
        %dma_wait3A_351 = tpu.memref_slice %arg20[%multiple_of3A_345, %dma_wait3A_350] : memref<10000x128xf32, #tpu.memory_space<vmem_shared>> -> memref<64x128xf32, #tpu.memory_space<vmem_shared>>
        %dma_wait3A_352 = arith.constant 0 : i32
        %dma_wait3A_353 = tpu.memref_slice %arg20[%multiple_of3A_345, %dma_wait3A_352] : memref<10000x128xf32, #tpu.memory_space<vmem_shared>> -> memref<64x128xf32, #tpu.memory_space<vmem_shared>>
        tpu.wait_dma2 semaphore(%run_scoped3A : memref<!tpu.dma_semaphore, #tpu.memory_space<semaphore_mem>>) src(%arg5 : memref<64x128xf32, #tpu.memory_space<vmem>>) dst(%dma_wait3A_353 : memref<64x128xf32, #tpu.memory_space<vmem_shared>>)
        tpu.yield
      }) : () -> ()
    } else {
    }
    %add3A_59 = arith.constant 80 : i32
    %add3A_60 = arith.addi %add3A_59, %arg1 : i32
    %lt3A_61 = arith.constant 156 : i32
    %lt3A_62 = arith.cmpi slt, %add3A_60, %lt3A_61 : i32
    %convert_element_type3A_63 = arith.extui %lt3A_62 : i1 to i32
    %cond3A_64 = arith.constant 0 : i32
    %cond3A_65 = arith.cmpi ne, %convert_element_type3A_63, %cond3A_64 : i32
    scf.if %cond3A_65 {
      %mul3A_343 = arith.constant 64 : i32
      %mul3A_344 = arith.muli %add3A_60, %mul3A_343 : i32
      %multiple_of3A_345 = tpu.assume_multiple %mul3A_344, 64 : i32
      "tpu.region"() ({
        %run_scoped3A = tpu.sem_alloc : memref<!tpu.dma_semaphore, #tpu.memory_space<semaphore_mem>>
        %dma_start3A_346 = arith.constant 0 : i32
        %dma_start3A_347 = tpu.memref_slice %arg20[%multiple_of3A_345, %dma_start3A_346] : memref<10000x128xf32, #tpu.memory_space<vmem_shared>> -> memref<64x128xf32, #tpu.memory_space<vmem_shared>>
        %dma_start3A_348 = arith.constant 0 : i32
        %dma_start3A_349 = tpu.memref_slice %arg20[%multiple_of3A_345, %dma_start3A_348] : memref<10000x128xf32, #tpu.memory_space<vmem_shared>> -> memref<64x128xf32, #tpu.memory_space<vmem_shared>>
        tpu.enqueue_dma source(%arg5 : memref<64x128xf32, #tpu.memory_space<vmem>>) target(%dma_start3A_349 : memref<64x128xf32, #tpu.memory_space<vmem_shared>>) target_semaphore(%run_scoped3A : memref<!tpu.dma_semaphore, #tpu.memory_space<semaphore_mem>>)
        %dma_wait3A_350 = arith.constant 0 : i32
        %dma_wait3A_351 = tpu.memref_slice %arg20[%multiple_of3A_345, %dma_wait3A_350] : memref<10000x128xf32, #tpu.memory_space<vmem_shared>> -> memref<64x128xf32, #tpu.memory_space<vmem_shared>>
        %dma_wait3A_352 = arith.constant 0 : i32
        %dma_wait3A_353 = tpu.memref_slice %arg20[%multiple_of3A_345, %dma_wait3A_352] : memref<10000x128xf32, #tpu.memory_space<vmem_shared>> -> memref<64x128xf32, #tpu.memory_space<vmem_shared>>
        tpu.wait_dma2 semaphore(%run_scoped3A : memref<!tpu.dma_semaphore, #tpu.memory_space<semaphore_mem>>) src(%arg5 : memref<64x128xf32, #tpu.memory_space<vmem>>) dst(%dma_wait3A_353 : memref<64x128xf32, #tpu.memory_space<vmem_shared>>)
        tpu.yield
      }) : () -> ()
    } else {
    }
    %add3A_66 = arith.constant 96 : i32
    %add3A_67 = arith.addi %add3A_66, %arg1 : i32
    %lt3A_68 = arith.constant 156 : i32
    %lt3A_69 = arith.cmpi slt, %add3A_67, %lt3A_68 : i32
    %convert_element_type3A_70 = arith.extui %lt3A_69 : i1 to i32
    %cond3A_71 = arith.constant 0 : i32
    %cond3A_72 = arith.cmpi ne, %convert_element_type3A_70, %cond3A_71 : i32
    scf.if %cond3A_72 {
      %mul3A_343 = arith.constant 64 : i32
      %mul3A_344 = arith.muli %add3A_67, %mul3A_343 : i32
      %multiple_of3A_345 = tpu.assume_multiple %mul3A_344, 64 : i32
      "tpu.region"() ({
        %run_scoped3A = tpu.sem_alloc : memref<!tpu.dma_semaphore, #tpu.memory_space<semaphore_mem>>
        %dma_start3A_346 = arith.constant 0 : i32
        %dma_start3A_347 = tpu.memref_slice %arg20[%multiple_of3A_345, %dma_start3A_346] : memref<10000x128xf32, #tpu.memory_space<vmem_shared>> -> memref<64x128xf32, #tpu.memory_space<vmem_shared>>
        %dma_start3A_348 = arith.constant 0 : i32
        %dma_start3A_349 = tpu.memref_slice %arg20[%multiple_of3A_345, %dma_start3A_348] : memref<10000x128xf32, #tpu.memory_space<vmem_shared>> -> memref<64x128xf32, #tpu.memory_space<vmem_shared>>
        tpu.enqueue_dma source(%arg5 : memref<64x128xf32, #tpu.memory_space<vmem>>) target(%dma_start3A_349 : memref<64x128xf32, #tpu.memory_space<vmem_shared>>) target_semaphore(%run_scoped3A : memref<!tpu.dma_semaphore, #tpu.memory_space<semaphore_mem>>)
        %dma_wait3A_350 = arith.constant 0 : i32
        %dma_wait3A_351 = tpu.memref_slice %arg20[%multiple_of3A_345, %dma_wait3A_350] : memref<10000x128xf32, #tpu.memory_space<vmem_shared>> -> memref<64x128xf32, #tpu.memory_space<vmem_shared>>
        %dma_wait3A_352 = arith.constant 0 : i32
        %dma_wait3A_353 = tpu.memref_slice %arg20[%multiple_of3A_345, %dma_wait3A_352] : memref<10000x128xf32, #tpu.memory_space<vmem_shared>> -> memref<64x128xf32, #tpu.memory_space<vmem_shared>>
        tpu.wait_dma2 semaphore(%run_scoped3A : memref<!tpu.dma_semaphore, #tpu.memory_space<semaphore_mem>>) src(%arg5 : memref<64x128xf32, #tpu.memory_space<vmem>>) dst(%dma_wait3A_353 : memref<64x128xf32, #tpu.memory_space<vmem_shared>>)
        tpu.yield
      }) : () -> ()
    } else {
    }
    %add3A_73 = arith.constant 112 : i32
    %add3A_74 = arith.addi %add3A_73, %arg1 : i32
    %lt3A_75 = arith.constant 156 : i32
    %lt3A_76 = arith.cmpi slt, %add3A_74, %lt3A_75 : i32
    %convert_element_type3A_77 = arith.extui %lt3A_76 : i1 to i32
    %cond3A_78 = arith.constant 0 : i32
    %cond3A_79 = arith.cmpi ne, %convert_element_type3A_77, %cond3A_78 : i32
    scf.if %cond3A_79 {
      %mul3A_343 = arith.constant 64 : i32
      %mul3A_344 = arith.muli %add3A_74, %mul3A_343 : i32
      %multiple_of3A_345 = tpu.assume_multiple %mul3A_344, 64 : i32
      "tpu.region"() ({
        %run_scoped3A = tpu.sem_alloc : memref<!tpu.dma_semaphore, #tpu.memory_space<semaphore_mem>>
        %dma_start3A_346 = arith.constant 0 : i32
        %dma_start3A_347 = tpu.memref_slice %arg20[%multiple_of3A_345, %dma_start3A_346] : memref<10000x128xf32, #tpu.memory_space<vmem_shared>> -> memref<64x128xf32, #tpu.memory_space<vmem_shared>>
        %dma_start3A_348 = arith.constant 0 : i32
        %dma_start3A_349 = tpu.memref_slice %arg20[%multiple_of3A_345, %dma_start3A_348] : memref<10000x128xf32, #tpu.memory_space<vmem_shared>> -> memref<64x128xf32, #tpu.memory_space<vmem_shared>>
        tpu.enqueue_dma source(%arg5 : memref<64x128xf32, #tpu.memory_space<vmem>>) target(%dma_start3A_349 : memref<64x128xf32, #tpu.memory_space<vmem_shared>>) target_semaphore(%run_scoped3A : memref<!tpu.dma_semaphore, #tpu.memory_space<semaphore_mem>>)
        %dma_wait3A_350 = arith.constant 0 : i32
        %dma_wait3A_351 = tpu.memref_slice %arg20[%multiple_of3A_345, %dma_wait3A_350] : memref<10000x128xf32, #tpu.memory_space<vmem_shared>> -> memref<64x128xf32, #tpu.memory_space<vmem_shared>>
        %dma_wait3A_352 = arith.constant 0 : i32
        %dma_wait3A_353 = tpu.memref_slice %arg20[%multiple_of3A_345, %dma_wait3A_352] : memref<10000x128xf32, #tpu.memory_space<vmem_shared>> -> memref<64x128xf32, #tpu.memory_space<vmem_shared>>
        tpu.wait_dma2 semaphore(%run_scoped3A : memref<!tpu.dma_semaphore, #tpu.memory_space<semaphore_mem>>) src(%arg5 : memref<64x128xf32, #tpu.memory_space<vmem>>) dst(%dma_wait3A_353 : memref<64x128xf32, #tpu.memory_space<vmem_shared>>)
        tpu.yield
      }) : () -> ()
    } else {
    }
    %add3A_80 = arith.constant 128 : i32
    %add3A_81 = arith.addi %add3A_80, %arg1 : i32
    %lt3A_82 = arith.constant 156 : i32
    %lt3A_83 = arith.cmpi slt, %add3A_81, %lt3A_82 : i32
    %convert_element_type3A_84 = arith.extui %lt3A_83 : i1 to i32
    %cond3A_85 = arith.constant 0 : i32
    %cond3A_86 = arith.cmpi ne, %convert_element_type3A_84, %cond3A_85 : i32
    scf.if %cond3A_86 {
      %mul3A_343 = arith.constant 64 : i32
      %mul3A_344 = arith.muli %add3A_81, %mul3A_343 : i32
      %multiple_of3A_345 = tpu.assume_multiple %mul3A_344, 64 : i32
      "tpu.region"() ({
        %run_scoped3A = tpu.sem_alloc : memref<!tpu.dma_semaphore, #tpu.memory_space<semaphore_mem>>
        %dma_start3A_346 = arith.constant 0 : i32
        %dma_start3A_347 = tpu.memref_slice %arg20[%multiple_of3A_345, %dma_start3A_346] : memref<10000x128xf32, #tpu.memory_space<vmem_shared>> -> memref<64x128xf32, #tpu.memory_space<vmem_shared>>
        %dma_start3A_348 = arith.constant 0 : i32
        %dma_start3A_349 = tpu.memref_slice %arg20[%multiple_of3A_345, %dma_start3A_348] : memref<10000x128xf32, #tpu.memory_space<vmem_shared>> -> memref<64x128xf32, #tpu.memory_space<vmem_shared>>
        tpu.enqueue_dma source(%arg5 : memref<64x128xf32, #tpu.memory_space<vmem>>) target(%dma_start3A_349 : memref<64x128xf32, #tpu.memory_space<vmem_shared>>) target_semaphore(%run_scoped3A : memref<!tpu.dma_semaphore, #tpu.memory_space<semaphore_mem>>)
        %dma_wait3A_350 = arith.constant 0 : i32
        %dma_wait3A_351 = tpu.memref_slice %arg20[%multiple_of3A_345, %dma_wait3A_350] : memref<10000x128xf32, #tpu.memory_space<vmem_shared>> -> memref<64x128xf32, #tpu.memory_space<vmem_shared>>
        %dma_wait3A_352 = arith.constant 0 : i32
        %dma_wait3A_353 = tpu.memref_slice %arg20[%multiple_of3A_345, %dma_wait3A_352] : memref<10000x128xf32, #tpu.memory_space<vmem_shared>> -> memref<64x128xf32, #tpu.memory_space<vmem_shared>>
        tpu.wait_dma2 semaphore(%run_scoped3A : memref<!tpu.dma_semaphore, #tpu.memory_space<semaphore_mem>>) src(%arg5 : memref<64x128xf32, #tpu.memory_space<vmem>>) dst(%dma_wait3A_353 : memref<64x128xf32, #tpu.memory_space<vmem_shared>>)
        tpu.yield
      }) : () -> ()
    } else {
    }
    %add3A_87 = arith.constant 144 : i32
    %add3A_88 = arith.addi %add3A_87, %arg1 : i32
    %lt3A_89 = arith.constant 156 : i32
    %lt3A_90 = arith.cmpi slt, %add3A_88, %lt3A_89 : i32
    %convert_element_type3A_91 = arith.extui %lt3A_90 : i1 to i32
    %cond3A_92 = arith.constant 0 : i32
    %cond3A_93 = arith.cmpi ne, %convert_element_type3A_91, %cond3A_92 : i32
    scf.if %cond3A_93 {
      %mul3A_343 = arith.constant 64 : i32
      %mul3A_344 = arith.muli %add3A_88, %mul3A_343 : i32
      %multiple_of3A_345 = tpu.assume_multiple %mul3A_344, 64 : i32
      "tpu.region"() ({
        %run_scoped3A = tpu.sem_alloc : memref<!tpu.dma_semaphore, #tpu.memory_space<semaphore_mem>>
        %dma_start3A_346 = arith.constant 0 : i32
        %dma_start3A_347 = tpu.memref_slice %arg20[%multiple_of3A_345, %dma_start3A_346] : memref<10000x128xf32, #tpu.memory_space<vmem_shared>> -> memref<64x128xf32, #tpu.memory_space<vmem_shared>>
        %dma_start3A_348 = arith.constant 0 : i32
        %dma_start3A_349 = tpu.memref_slice %arg20[%multiple_of3A_345, %dma_start3A_348] : memref<10000x128xf32, #tpu.memory_space<vmem_shared>> -> memref<64x128xf32, #tpu.memory_space<vmem_shared>>
        tpu.enqueue_dma source(%arg5 : memref<64x128xf32, #tpu.memory_space<vmem>>) target(%dma_start3A_349 : memref<64x128xf32, #tpu.memory_space<vmem_shared>>) target_semaphore(%run_scoped3A : memref<!tpu.dma_semaphore, #tpu.memory_space<semaphore_mem>>)
        %dma_wait3A_350 = arith.constant 0 : i32
        %dma_wait3A_351 = tpu.memref_slice %arg20[%multiple_of3A_345, %dma_wait3A_350] : memref<10000x128xf32, #tpu.memory_space<vmem_shared>> -> memref<64x128xf32, #tpu.memory_space<vmem_shared>>
        %dma_wait3A_352 = arith.constant 0 : i32
        %dma_wait3A_353 = tpu.memref_slice %arg20[%multiple_of3A_345, %dma_wait3A_352] : memref<10000x128xf32, #tpu.memory_space<vmem_shared>> -> memref<64x128xf32, #tpu.memory_space<vmem_shared>>
        tpu.wait_dma2 semaphore(%run_scoped3A : memref<!tpu.dma_semaphore, #tpu.memory_space<semaphore_mem>>) src(%arg5 : memref<64x128xf32, #tpu.memory_space<vmem>>) dst(%dma_wait3A_353 : memref<64x128xf32, #tpu.memory_space<vmem_shared>>)
        tpu.yield
      }) : () -> ()
    } else {
    }
    %eq3A_94 = arith.constant 0 : i32
    %eq3A_95 = arith.cmpi eq, %arg1, %eq3A_94 : i32
    %convert_element_type3A_96 = arith.extui %eq3A_95 : i1 to i32
    %cond3A_97 = arith.constant 0 : i32
    %cond3A_98 = arith.cmpi ne, %convert_element_type3A_96, %cond3A_97 : i32
    scf.if %cond3A_98 {
      "tpu.region"() ({
        %run_scoped3A = tpu.sem_alloc : memref<!tpu.dma_semaphore, #tpu.memory_space<semaphore_mem>>
        %dma_start3A_343 = arith.constant 0 : i32
        %dma_start3A_344 = arith.constant 0 : i32
        %dma_start3A_345 = tpu.memref_slice %arg5[%dma_start3A_343, %dma_start3A_344] : memref<64x128xf32, #tpu.memory_space<vmem>> -> memref<16x128xf32, #tpu.memory_space<vmem>>
        %dma_start3A_346 = arith.constant 9984 : i32
        %dma_start3A_347 = arith.constant 0 : i32
        %dma_start3A_348 = tpu.memref_slice %arg20[%dma_start3A_346, %dma_start3A_347] : memref<10000x128xf32, #tpu.memory_space<vmem_shared>> -> memref<16x128xf32, #tpu.memory_space<vmem_shared>>
        %dma_start3A_349 = arith.constant 9984 : i32
        %dma_start3A_350 = arith.constant 0 : i32
        %dma_start3A_351 = tpu.memref_slice %arg20[%dma_start3A_349, %dma_start3A_350] : memref<10000x128xf32, #tpu.memory_space<vmem_shared>> -> memref<16x128xf32, #tpu.memory_space<vmem_shared>>
        %dma_start3A_352 = arith.constant 0 : i32
        %dma_start3A_353 = arith.constant 0 : i32
        %dma_start3A_354 = tpu.memref_slice %arg5[%dma_start3A_352, %dma_start3A_353] : memref<64x128xf32, #tpu.memory_space<vmem>> -> memref<16x128xf32, #tpu.memory_space<vmem>>
        tpu.enqueue_dma source(%dma_start3A_354 : memref<16x128xf32, #tpu.memory_space<vmem>>) target(%dma_start3A_351 : memref<16x128xf32, #tpu.memory_space<vmem_shared>>) target_semaphore(%run_scoped3A : memref<!tpu.dma_semaphore, #tpu.memory_space<semaphore_mem>>)
        %dma_wait3A_355 = arith.constant 0 : i32
        %dma_wait3A_356 = arith.constant 0 : i32
        %dma_wait3A_357 = tpu.memref_slice %arg5[%dma_wait3A_355, %dma_wait3A_356] : memref<64x128xf32, #tpu.memory_space<vmem>> -> memref<16x128xf32, #tpu.memory_space<vmem>>
        %dma_wait3A_358 = arith.constant 9984 : i32
        %dma_wait3A_359 = arith.constant 0 : i32
        %dma_wait3A_360 = tpu.memref_slice %arg20[%dma_wait3A_358, %dma_wait3A_359] : memref<10000x128xf32, #tpu.memory_space<vmem_shared>> -> memref<16x128xf32, #tpu.memory_space<vmem_shared>>
        %dma_wait3A_361 = arith.constant 9984 : i32
        %dma_wait3A_362 = arith.constant 0 : i32
        %dma_wait3A_363 = tpu.memref_slice %arg20[%dma_wait3A_361, %dma_wait3A_362] : memref<10000x128xf32, #tpu.memory_space<vmem_shared>> -> memref<16x128xf32, #tpu.memory_space<vmem_shared>>
        %dma_wait3A_364 = arith.constant 0 : i32
        %dma_wait3A_365 = arith.constant 0 : i32
        %dma_wait3A_366 = tpu.memref_slice %arg5[%dma_wait3A_364, %dma_wait3A_365] : memref<64x128xf32, #tpu.memory_space<vmem>> -> memref<16x128xf32, #tpu.memory_space<vmem>>
        tpu.wait_dma2 semaphore(%run_scoped3A : memref<!tpu.dma_semaphore, #tpu.memory_space<semaphore_mem>>) src(%dma_wait3A_366 : memref<16x128xf32, #tpu.memory_space<vmem>>) dst(%dma_wait3A_363 : memref<16x128xf32, #tpu.memory_space<vmem_shared>>)
        tpu.yield
      }) : () -> ()
    } else {
    }
    %barrier3A = arith.constant 0 : index
    tpu.barrier barrier_id(%barrier3A)
    %add3A_99 = arith.constant 0 : i32
    %add3A_100 = arith.addi %select_n3A_18, %add3A_99 : i32
    %mul3A_101 = arith.constant 64 : i32
    %mul3A_102 = arith.muli %add3A_100, %mul3A_101 : i32
    %multiple_of3A = tpu.assume_multiple %mul3A_102, 64 : i32
    %dma_start3A = arith.constant 0 : i32
    %dma_start3A_103 = tpu.memref_slice %arg3[%dma_start3A, %multiple_of3A] : memref<2x320000xi32, #tpu.memory_space<hbm>> -> memref<1x64xi32, #tpu.memory_space<hbm>>
    %dma_start3A_104 = tpu.memref_squeeze %dma_start3A_103 : memref<1x64xi32, #tpu.memory_space<hbm>> -> memref<64xi32, #tpu.memory_space<hbm>>
    %dma_start3A_105 = tpu.memref_slice %arg3[%dma_start3A, %multiple_of3A] : memref<2x320000xi32, #tpu.memory_space<hbm>> -> memref<1x64xi32, #tpu.memory_space<hbm>>
    %dma_start3A_106 = tpu.memref_squeeze %dma_start3A_105 : memref<1x64xi32, #tpu.memory_space<hbm>> -> memref<64xi32, #tpu.memory_space<hbm>>
    tpu.enqueue_dma source(%dma_start3A_106 : memref<64xi32, #tpu.memory_space<hbm>>) target(%arg11 : memref<64xi32, #tpu.memory_space<vmem>>) target_semaphore(%arg27 : memref<!tpu.dma_semaphore, #tpu.memory_space<semaphore_mem>>)
    %add3A_107 = arith.constant 0 : i32
    %add3A_108 = arith.addi %select_n3A_18, %add3A_107 : i32
    %mul3A_109 = arith.constant 64 : i32
    %mul3A_110 = arith.muli %add3A_108, %mul3A_109 : i32
    %multiple_of3A_111 = tpu.assume_multiple %mul3A_110, 64 : i32
    %dma_start3A_112 = arith.constant 1 : i32
    %dma_start3A_113 = tpu.memref_slice %arg3[%dma_start3A_112, %multiple_of3A_111] : memref<2x320000xi32, #tpu.memory_space<hbm>> -> memref<1x64xi32, #tpu.memory_space<hbm>>
    %dma_start3A_114 = tpu.memref_squeeze %dma_start3A_113 : memref<1x64xi32, #tpu.memory_space<hbm>> -> memref<64xi32, #tpu.memory_space<hbm>>
    %dma_start3A_115 = tpu.memref_slice %arg3[%dma_start3A_112, %multiple_of3A_111] : memref<2x320000xi32, #tpu.memory_space<hbm>> -> memref<1x64xi32, #tpu.memory_space<hbm>>
    %dma_start3A_116 = tpu.memref_squeeze %dma_start3A_115 : memref<1x64xi32, #tpu.memory_space<hbm>> -> memref<64xi32, #tpu.memory_space<hbm>>
    tpu.enqueue_dma source(%dma_start3A_116 : memref<64xi32, #tpu.memory_space<hbm>>) target(%arg14 : memref<64xi32, #tpu.memory_space<vmem>>) target_semaphore(%arg27 : memref<!tpu.dma_semaphore, #tpu.memory_space<semaphore_mem>>)
    %add3A_117 = arith.constant 1 : i32
    %add3A_118 = arith.addi %select_n3A_18, %add3A_117 : i32
    %mul3A_119 = arith.constant 64 : i32
    %mul3A_120 = arith.muli %add3A_118, %mul3A_119 : i32
    %multiple_of3A_121 = tpu.assume_multiple %mul3A_120, 64 : i32
    %dma_start3A_122 = arith.constant 0 : i32
    %dma_start3A_123 = tpu.memref_slice %arg3[%dma_start3A_122, %multiple_of3A_121] : memref<2x320000xi32, #tpu.memory_space<hbm>> -> memref<1x64xi32, #tpu.memory_space<hbm>>
    %dma_start3A_124 = tpu.memref_squeeze %dma_start3A_123 : memref<1x64xi32, #tpu.memory_space<hbm>> -> memref<64xi32, #tpu.memory_space<hbm>>
    %dma_start3A_125 = tpu.memref_slice %arg3[%dma_start3A_122, %multiple_of3A_121] : memref<2x320000xi32, #tpu.memory_space<hbm>> -> memref<1x64xi32, #tpu.memory_space<hbm>>
    %dma_start3A_126 = tpu.memref_squeeze %dma_start3A_125 : memref<1x64xi32, #tpu.memory_space<hbm>> -> memref<64xi32, #tpu.memory_space<hbm>>
    tpu.enqueue_dma source(%dma_start3A_126 : memref<64xi32, #tpu.memory_space<hbm>>) target(%arg12 : memref<64xi32, #tpu.memory_space<vmem>>) target_semaphore(%arg28 : memref<!tpu.dma_semaphore, #tpu.memory_space<semaphore_mem>>)
    %add3A_127 = arith.constant 1 : i32
    %add3A_128 = arith.addi %select_n3A_18, %add3A_127 : i32
    %mul3A_129 = arith.constant 64 : i32
    %mul3A_130 = arith.muli %add3A_128, %mul3A_129 : i32
    %multiple_of3A_131 = tpu.assume_multiple %mul3A_130, 64 : i32
    %dma_start3A_132 = arith.constant 1 : i32
    %dma_start3A_133 = tpu.memref_slice %arg3[%dma_start3A_132, %multiple_of3A_131] : memref<2x320000xi32, #tpu.memory_space<hbm>> -> memref<1x64xi32, #tpu.memory_space<hbm>>
    %dma_start3A_134 = tpu.memref_squeeze %dma_start3A_133 : memref<1x64xi32, #tpu.memory_space<hbm>> -> memref<64xi32, #tpu.memory_space<hbm>>
    %dma_start3A_135 = tpu.memref_slice %arg3[%dma_start3A_132, %multiple_of3A_131] : memref<2x320000xi32, #tpu.memory_space<hbm>> -> memref<1x64xi32, #tpu.memory_space<hbm>>
    %dma_start3A_136 = tpu.memref_squeeze %dma_start3A_135 : memref<1x64xi32, #tpu.memory_space<hbm>> -> memref<64xi32, #tpu.memory_space<hbm>>
    tpu.enqueue_dma source(%dma_start3A_136 : memref<64xi32, #tpu.memory_space<hbm>>) target(%arg15 : memref<64xi32, #tpu.memory_space<vmem>>) target_semaphore(%arg28 : memref<!tpu.dma_semaphore, #tpu.memory_space<semaphore_mem>>)
    %add3A_137 = arith.constant 2 : i32
    %add3A_138 = arith.addi %select_n3A_18, %add3A_137 : i32
    %mul3A_139 = arith.constant 64 : i32
    %mul3A_140 = arith.muli %add3A_138, %mul3A_139 : i32
    %multiple_of3A_141 = tpu.assume_multiple %mul3A_140, 64 : i32
    %dma_start3A_142 = arith.constant 0 : i32
    %dma_start3A_143 = tpu.memref_slice %arg3[%dma_start3A_142, %multiple_of3A_141] : memref<2x320000xi32, #tpu.memory_space<hbm>> -> memref<1x64xi32, #tpu.memory_space<hbm>>
    %dma_start3A_144 = tpu.memref_squeeze %dma_start3A_143 : memref<1x64xi32, #tpu.memory_space<hbm>> -> memref<64xi32, #tpu.memory_space<hbm>>
    %dma_start3A_145 = tpu.memref_slice %arg3[%dma_start3A_142, %multiple_of3A_141] : memref<2x320000xi32, #tpu.memory_space<hbm>> -> memref<1x64xi32, #tpu.memory_space<hbm>>
    %dma_start3A_146 = tpu.memref_squeeze %dma_start3A_145 : memref<1x64xi32, #tpu.memory_space<hbm>> -> memref<64xi32, #tpu.memory_space<hbm>>
    tpu.enqueue_dma source(%dma_start3A_146 : memref<64xi32, #tpu.memory_space<hbm>>) target(%arg13 : memref<64xi32, #tpu.memory_space<vmem>>) target_semaphore(%arg29 : memref<!tpu.dma_semaphore, #tpu.memory_space<semaphore_mem>>)
    %add3A_147 = arith.constant 2 : i32
    %add3A_148 = arith.addi %select_n3A_18, %add3A_147 : i32
    %mul3A_149 = arith.constant 64 : i32
    %mul3A_150 = arith.muli %add3A_148, %mul3A_149 : i32
    %multiple_of3A_151 = tpu.assume_multiple %mul3A_150, 64 : i32
    %dma_start3A_152 = arith.constant 1 : i32
    %dma_start3A_153 = tpu.memref_slice %arg3[%dma_start3A_152, %multiple_of3A_151] : memref<2x320000xi32, #tpu.memory_space<hbm>> -> memref<1x64xi32, #tpu.memory_space<hbm>>
    %dma_start3A_154 = tpu.memref_squeeze %dma_start3A_153 : memref<1x64xi32, #tpu.memory_space<hbm>> -> memref<64xi32, #tpu.memory_space<hbm>>
    %dma_start3A_155 = tpu.memref_slice %arg3[%dma_start3A_152, %multiple_of3A_151] : memref<2x320000xi32, #tpu.memory_space<hbm>> -> memref<1x64xi32, #tpu.memory_space<hbm>>
    %dma_start3A_156 = tpu.memref_squeeze %dma_start3A_155 : memref<1x64xi32, #tpu.memory_space<hbm>> -> memref<64xi32, #tpu.memory_space<hbm>>
    tpu.enqueue_dma source(%dma_start3A_156 : memref<64xi32, #tpu.memory_space<hbm>>) target(%arg16 : memref<64xi32, #tpu.memory_space<vmem>>) target_semaphore(%arg29 : memref<!tpu.dma_semaphore, #tpu.memory_space<semaphore_mem>>)
    %add3A_157 = arith.constant 0 : i32
    %add3A_158 = arith.addi %select_n3A_18, %add3A_157 : i32
    %mul3A_159 = arith.constant 64 : i32
    %mul3A_160 = arith.muli %add3A_158, %mul3A_159 : i32
    %multiple_of3A_161 = tpu.assume_multiple %mul3A_160, 64 : i32
    %dma_start3A_162 = arith.constant 1 : i32
    %dma_start3A_163 = tpu.memref_slice %arg3[%dma_start3A_162, %multiple_of3A_161] : memref<2x320000xi32, #tpu.memory_space<hbm>> -> memref<1x64xi32, #tpu.memory_space<hbm>>
    %dma_start3A_164 = tpu.memref_squeeze %dma_start3A_163 : memref<1x64xi32, #tpu.memory_space<hbm>> -> memref<64xi32, #tpu.memory_space<hbm>>
    %dma_start3A_165 = tpu.memref_slice %arg3[%dma_start3A_162, %multiple_of3A_161] : memref<2x320000xi32, #tpu.memory_space<hbm>> -> memref<1x64xi32, #tpu.memory_space<hbm>>
    %dma_start3A_166 = tpu.memref_squeeze %dma_start3A_165 : memref<1x64xi32, #tpu.memory_space<hbm>> -> memref<64xi32, #tpu.memory_space<hbm>>
    tpu.enqueue_dma source(%dma_start3A_166 : memref<64xi32, #tpu.memory_space<hbm>>) target(%arg17 : memref<64xi32, #tpu.memory_space<vmem>>) target_semaphore(%arg30 : memref<!tpu.dma_semaphore, #tpu.memory_space<semaphore_mem>>)
    %add3A_167 = arith.constant 1 : i32
    %add3A_168 = arith.addi %select_n3A_18, %add3A_167 : i32
    %mul3A_169 = arith.constant 64 : i32
    %mul3A_170 = arith.muli %add3A_168, %mul3A_169 : i32
    %multiple_of3A_171 = tpu.assume_multiple %mul3A_170, 64 : i32
    %dma_start3A_172 = arith.constant 1 : i32
    %dma_start3A_173 = tpu.memref_slice %arg3[%dma_start3A_172, %multiple_of3A_171] : memref<2x320000xi32, #tpu.memory_space<hbm>> -> memref<1x64xi32, #tpu.memory_space<hbm>>
    %dma_start3A_174 = tpu.memref_squeeze %dma_start3A_173 : memref<1x64xi32, #tpu.memory_space<hbm>> -> memref<64xi32, #tpu.memory_space<hbm>>
    %dma_start3A_175 = tpu.memref_slice %arg3[%dma_start3A_172, %multiple_of3A_171] : memref<2x320000xi32, #tpu.memory_space<hbm>> -> memref<1x64xi32, #tpu.memory_space<hbm>>
    %dma_start3A_176 = tpu.memref_squeeze %dma_start3A_175 : memref<1x64xi32, #tpu.memory_space<hbm>> -> memref<64xi32, #tpu.memory_space<hbm>>
    tpu.enqueue_dma source(%dma_start3A_176 : memref<64xi32, #tpu.memory_space<hbm>>) target(%arg18 : memref<64xi32, #tpu.memory_space<vmem>>) target_semaphore(%arg31 : memref<!tpu.dma_semaphore, #tpu.memory_space<semaphore_mem>>)
    %add3A_177 = arith.constant 0 : i32
    %add3A_178 = arith.addi %select_n3A_18, %add3A_177 : i32
    %mul3A_179 = arith.constant 64 : i32
    %mul3A_180 = arith.muli %add3A_178, %mul3A_179 : i32
    %multiple_of3A_181 = tpu.assume_multiple %mul3A_180, 64 : i32
    %dma_wait3A = arith.constant 0 : i32
    %dma_wait3A_182 = tpu.memref_slice %arg3[%dma_wait3A, %multiple_of3A_181] : memref<2x320000xi32, #tpu.memory_space<hbm>> -> memref<1x64xi32, #tpu.memory_space<hbm>>
    %dma_wait3A_183 = tpu.memref_squeeze %dma_wait3A_182 : memref<1x64xi32, #tpu.memory_space<hbm>> -> memref<64xi32, #tpu.memory_space<hbm>>
    %dma_wait3A_184 = tpu.memref_slice %arg3[%dma_wait3A, %multiple_of3A_181] : memref<2x320000xi32, #tpu.memory_space<hbm>> -> memref<1x64xi32, #tpu.memory_space<hbm>>
    %dma_wait3A_185 = tpu.memref_squeeze %dma_wait3A_184 : memref<1x64xi32, #tpu.memory_space<hbm>> -> memref<64xi32, #tpu.memory_space<hbm>>
    tpu.wait_dma2 semaphore(%arg27 : memref<!tpu.dma_semaphore, #tpu.memory_space<semaphore_mem>>) src(%dma_wait3A_185 : memref<64xi32, #tpu.memory_space<hbm>>) dst(%arg11 : memref<64xi32, #tpu.memory_space<vmem>>)
    %add3A_186 = arith.constant 0 : i32
    %add3A_187 = arith.addi %select_n3A_18, %add3A_186 : i32
    %mul3A_188 = arith.constant 64 : i32
    %mul3A_189 = arith.muli %add3A_187, %mul3A_188 : i32
    %multiple_of3A_190 = tpu.assume_multiple %mul3A_189, 64 : i32
    %dma_wait3A_191 = arith.constant 1 : i32
    %dma_wait3A_192 = tpu.memref_slice %arg3[%dma_wait3A_191, %multiple_of3A_190] : memref<2x320000xi32, #tpu.memory_space<hbm>> -> memref<1x64xi32, #tpu.memory_space<hbm>>
    %dma_wait3A_193 = tpu.memref_squeeze %dma_wait3A_192 : memref<1x64xi32, #tpu.memory_space<hbm>> -> memref<64xi32, #tpu.memory_space<hbm>>
    %dma_wait3A_194 = tpu.memref_slice %arg3[%dma_wait3A_191, %multiple_of3A_190] : memref<2x320000xi32, #tpu.memory_space<hbm>> -> memref<1x64xi32, #tpu.memory_space<hbm>>
    %dma_wait3A_195 = tpu.memref_squeeze %dma_wait3A_194 : memref<1x64xi32, #tpu.memory_space<hbm>> -> memref<64xi32, #tpu.memory_space<hbm>>
    tpu.wait_dma2 semaphore(%arg27 : memref<!tpu.dma_semaphore, #tpu.memory_space<semaphore_mem>>) src(%dma_wait3A_195 : memref<64xi32, #tpu.memory_space<hbm>>) dst(%arg14 : memref<64xi32, #tpu.memory_space<vmem>>)
    %add3A_196 = arith.constant 1 : i32
    %add3A_197 = arith.addi %select_n3A_18, %add3A_196 : i32
    %mul3A_198 = arith.constant 64 : i32
    %mul3A_199 = arith.muli %add3A_197, %mul3A_198 : i32
    %multiple_of3A_200 = tpu.assume_multiple %mul3A_199, 64 : i32
    %dma_wait3A_201 = arith.constant 0 : i32
    %dma_wait3A_202 = tpu.memref_slice %arg3[%dma_wait3A_201, %multiple_of3A_200] : memref<2x320000xi32, #tpu.memory_space<hbm>> -> memref<1x64xi32, #tpu.memory_space<hbm>>
    %dma_wait3A_203 = tpu.memref_squeeze %dma_wait3A_202 : memref<1x64xi32, #tpu.memory_space<hbm>> -> memref<64xi32, #tpu.memory_space<hbm>>
    %dma_wait3A_204 = tpu.memref_slice %arg3[%dma_wait3A_201, %multiple_of3A_200] : memref<2x320000xi32, #tpu.memory_space<hbm>> -> memref<1x64xi32, #tpu.memory_space<hbm>>
    %dma_wait3A_205 = tpu.memref_squeeze %dma_wait3A_204 : memref<1x64xi32, #tpu.memory_space<hbm>> -> memref<64xi32, #tpu.memory_space<hbm>>
    tpu.wait_dma2 semaphore(%arg28 : memref<!tpu.dma_semaphore, #tpu.memory_space<semaphore_mem>>) src(%dma_wait3A_205 : memref<64xi32, #tpu.memory_space<hbm>>) dst(%arg12 : memref<64xi32, #tpu.memory_space<vmem>>)
    %add3A_206 = arith.constant 1 : i32
    %add3A_207 = arith.addi %select_n3A_18, %add3A_206 : i32
    %mul3A_208 = arith.constant 64 : i32
    %mul3A_209 = arith.muli %add3A_207, %mul3A_208 : i32
    %multiple_of3A_210 = tpu.assume_multiple %mul3A_209, 64 : i32
    %dma_wait3A_211 = arith.constant 1 : i32
    %dma_wait3A_212 = tpu.memref_slice %arg3[%dma_wait3A_211, %multiple_of3A_210] : memref<2x320000xi32, #tpu.memory_space<hbm>> -> memref<1x64xi32, #tpu.memory_space<hbm>>
    %dma_wait3A_213 = tpu.memref_squeeze %dma_wait3A_212 : memref<1x64xi32, #tpu.memory_space<hbm>> -> memref<64xi32, #tpu.memory_space<hbm>>
    %dma_wait3A_214 = tpu.memref_slice %arg3[%dma_wait3A_211, %multiple_of3A_210] : memref<2x320000xi32, #tpu.memory_space<hbm>> -> memref<1x64xi32, #tpu.memory_space<hbm>>
    %dma_wait3A_215 = tpu.memref_squeeze %dma_wait3A_214 : memref<1x64xi32, #tpu.memory_space<hbm>> -> memref<64xi32, #tpu.memory_space<hbm>>
    tpu.wait_dma2 semaphore(%arg28 : memref<!tpu.dma_semaphore, #tpu.memory_space<semaphore_mem>>) src(%dma_wait3A_215 : memref<64xi32, #tpu.memory_space<hbm>>) dst(%arg15 : memref<64xi32, #tpu.memory_space<vmem>>)
    %dma_start3A_216 = arith.constant 0 : i32
    %dma_start3A_217 = arith.constant 0 : i32
    %dma_start3A_218 = tpu.memref_slice %arg2[%dma_start3A_216, %dma_start3A_217] : memref<10000x128xf32, #tpu.memory_space<hbm>> -> memref<10000x128xf32, #tpu.memory_space<hbm>>
    tpu.enqueue_indirect_dma source(%dma_start3A_218 : memref<10000x128xf32, #tpu.memory_space<hbm>>) target(%arg5 : memref<64x128xf32, #tpu.memory_space<vmem>>) offsets(%arg11 : memref<64xi32, #tpu.memory_space<vmem>>) semaphore(%arg21 : memref<!tpu.dma_semaphore, #tpu.memory_space<semaphore_mem>>)
    %dma_start3A_219 = arith.constant 0 : i32
    %dma_start3A_220 = arith.constant 0 : i32
    %dma_start3A_221 = tpu.memref_slice %arg2[%dma_start3A_219, %dma_start3A_220] : memref<10000x128xf32, #tpu.memory_space<hbm>> -> memref<10000x128xf32, #tpu.memory_space<hbm>>
    tpu.enqueue_indirect_dma source(%dma_start3A_221 : memref<10000x128xf32, #tpu.memory_space<hbm>>) target(%arg8 : memref<64x128xf32, #tpu.memory_space<vmem>>) offsets(%arg14 : memref<64xi32, #tpu.memory_space<vmem>>) semaphore(%arg21 : memref<!tpu.dma_semaphore, #tpu.memory_space<semaphore_mem>>)
    %dma_start3A_222 = arith.constant 0 : i32
    %dma_start3A_223 = arith.constant 0 : i32
    %dma_start3A_224 = tpu.memref_slice %arg2[%dma_start3A_222, %dma_start3A_223] : memref<10000x128xf32, #tpu.memory_space<hbm>> -> memref<10000x128xf32, #tpu.memory_space<hbm>>
    tpu.enqueue_indirect_dma source(%dma_start3A_224 : memref<10000x128xf32, #tpu.memory_space<hbm>>) target(%arg6 : memref<64x128xf32, #tpu.memory_space<vmem>>) offsets(%arg12 : memref<64xi32, #tpu.memory_space<vmem>>) semaphore(%arg22 : memref<!tpu.dma_semaphore, #tpu.memory_space<semaphore_mem>>)
    %dma_start3A_225 = arith.constant 0 : i32
    %dma_start3A_226 = arith.constant 0 : i32
    %dma_start3A_227 = tpu.memref_slice %arg2[%dma_start3A_225, %dma_start3A_226] : memref<10000x128xf32, #tpu.memory_space<hbm>> -> memref<10000x128xf32, #tpu.memory_space<hbm>>
    tpu.enqueue_indirect_dma source(%dma_start3A_227 : memref<10000x128xf32, #tpu.memory_space<hbm>>) target(%arg9 : memref<64x128xf32, #tpu.memory_space<vmem>>) offsets(%arg15 : memref<64xi32, #tpu.memory_space<vmem>>) semaphore(%arg22 : memref<!tpu.dma_semaphore, #tpu.memory_space<semaphore_mem>>)
    %add3A_228 = arith.constant 2 : i32
    %add3A_229 = arith.addi %select_n3A, %add3A_228 : i32
    %jit3A = arith.constant 3 : i32
    %div3A = arith.divsi %add3A_229, %jit3A : i32
    %sign3A = arith.constant 0 : i32
    %sign3A_230 = arith.cmpi sgt, %add3A_229, %sign3A : i32
    %sign3A_231 = arith.extui %sign3A_230 : i1 to i32
    %sign3A_232 = arith.constant 0 : i32
    %sign3A_233 = arith.cmpi slt, %add3A_229, %sign3A_232 : i32
    %sign3A_234 = arith.extui %sign3A_233 : i1 to i32
    %sign3A_235 = arith.subi %sign3A_231, %sign3A_234 : i32
    %sign3A_236 = arith.constant 0 : i32
    %sign3A_237 = arith.cmpi sgt, %jit3A, %sign3A_236 : i32
    %sign3A_238 = arith.extui %sign3A_237 : i1 to i32
    %sign3A_239 = arith.constant 0 : i32
    %sign3A_240 = arith.cmpi slt, %jit3A, %sign3A_239 : i32
    %sign3A_241 = arith.extui %sign3A_240 : i1 to i32
    %sign3A_242 = arith.subi %sign3A_238, %sign3A_241 : i32
    %ne3A = arith.cmpi ne, %sign3A_235, %sign3A_242 : i32
    %rem3A = arith.remsi %add3A_229, %jit3A : i32
    %ne3A_243 = arith.constant 0 : i32
    %ne3A_244 = arith.cmpi ne, %rem3A, %ne3A_243 : i32
    %and3A = arith.andi %ne3A, %ne3A_244 : i1
    %sub3A = arith.constant 1 : i32
    %sub3A_245 = arith.subi %div3A, %sub3A : i32
    %select_n3A_246 = arith.select %and3A, %sub3A_245, %div3A : i32
    %while3A = arith.constant 0 : i32
    %while3A_247 = arith.constant 0 : i32
    %while3A_248 = arith.subi %select_n3A_246, %while3A : i32
    %while3A_249 = arith.addi %while3A, %while3A_248 : i32
    %while3A_250 = arith.constant 1 : i32
    %while3A_251 = arith.divsi %while3A_248, %while3A_250 : i32
    %while3A_252 = arith.muli %while3A_251, %while3A_250 : i32
    %while3A_253 = arith.addi %while3A, %while3A_252 : i32
    %while3A_254 = arith.constant 1 : i32
    %while3A_255 = scf.for %while3A_343 = %while3A to %while3A_253 step %while3A_254 iter_args(%while3A_344 = %while3A_247) -> (i32)  : i32 {
      %mul3A_345 = arith.constant 3 : i32
      %mul3A_346 = arith.muli %mul3A_345, %while3A_343 : i32
      %add3A_347 = arith.constant 0 : i32
      %add3A_348 = arith.addi %mul3A_346, %add3A_347 : i32
      %lt3A_349 = arith.cmpi slt, %add3A_348, %select_n3A : i32
      %convert_element_type3A_350 = arith.extui %lt3A_349 : i1 to i32
      %cond3A_351 = arith.constant 0 : i32
      %cond3A_352 = arith.cmpi ne, %convert_element_type3A_350, %cond3A_351 : i32
      scf.if %cond3A_352 {
        %dma_wait3A_388 = arith.constant 0 : i32
        %dma_wait3A_389 = arith.constant 0 : i32
        %dma_wait3A_390 = tpu.memref_slice %arg2[%dma_wait3A_388, %dma_wait3A_389] : memref<10000x128xf32, #tpu.memory_space<hbm>> -> memref<10000x128xf32, #tpu.memory_space<hbm>>
        tpu.wait_indirect_dma semaphore(%arg21 : memref<!tpu.dma_semaphore, #tpu.memory_space<semaphore_mem>>) src(%dma_wait3A_390 : memref<10000x128xf32, #tpu.memory_space<hbm>>) dst(%arg5 : memref<64x128xf32, #tpu.memory_space<vmem>>)
        %dma_wait3A_391 = arith.constant 0 : i32
        %dma_wait3A_392 = arith.constant 0 : i32
        %dma_wait3A_393 = tpu.memref_slice %arg2[%dma_wait3A_391, %dma_wait3A_392] : memref<10000x128xf32, #tpu.memory_space<hbm>> -> memref<10000x128xf32, #tpu.memory_space<hbm>>
        tpu.wait_indirect_dma semaphore(%arg21 : memref<!tpu.dma_semaphore, #tpu.memory_space<semaphore_mem>>) src(%dma_wait3A_393 : memref<10000x128xf32, #tpu.memory_space<hbm>>) dst(%arg8 : memref<64x128xf32, #tpu.memory_space<vmem>>)
        %add3A_394 = arith.constant 3 : i32
        %add3A_395 = arith.addi %add3A_348, %add3A_394 : i32
        %lt3A_396 = arith.cmpi slt, %add3A_395, %select_n3A : i32
        %convert_element_type3A_397 = arith.extui %lt3A_396 : i1 to i32
        %cond3A_398 = arith.constant 0 : i32
        %cond3A_399 = arith.cmpi ne, %convert_element_type3A_397, %cond3A_398 : i32
        scf.if %cond3A_399 {
          %add3A_414 = arith.constant 3 : i32
          %add3A_415 = arith.addi %add3A_348, %add3A_414 : i32
          %add3A_416 = arith.addi %select_n3A_18, %add3A_415 : i32
          %mul3A_417 = arith.constant 64 : i32
          %mul3A_418 = arith.muli %add3A_416, %mul3A_417 : i32
          %multiple_of3A_419 = tpu.assume_multiple %mul3A_418, 64 : i32
          %dma_start3A_420 = arith.constant 0 : i32
          %dma_start3A_421 = tpu.memref_slice %arg3[%dma_start3A_420, %multiple_of3A_419] : memref<2x320000xi32, #tpu.memory_space<hbm>> -> memref<1x64xi32, #tpu.memory_space<hbm>>
          %dma_start3A_422 = tpu.memref_squeeze %dma_start3A_421 : memref<1x64xi32, #tpu.memory_space<hbm>> -> memref<64xi32, #tpu.memory_space<hbm>>
          %dma_start3A_423 = tpu.memref_slice %arg3[%dma_start3A_420, %multiple_of3A_419] : memref<2x320000xi32, #tpu.memory_space<hbm>> -> memref<1x64xi32, #tpu.memory_space<hbm>>
          %dma_start3A_424 = tpu.memref_squeeze %dma_start3A_423 : memref<1x64xi32, #tpu.memory_space<hbm>> -> memref<64xi32, #tpu.memory_space<hbm>>
          tpu.enqueue_dma source(%dma_start3A_424 : memref<64xi32, #tpu.memory_space<hbm>>) target(%arg11 : memref<64xi32, #tpu.memory_space<vmem>>) target_semaphore(%arg27 : memref<!tpu.dma_semaphore, #tpu.memory_space<semaphore_mem>>)
          %add3A_425 = arith.addi %select_n3A_18, %add3A_415 : i32
          %mul3A_426 = arith.constant 64 : i32
          %mul3A_427 = arith.muli %add3A_425, %mul3A_426 : i32
          %multiple_of3A_428 = tpu.assume_multiple %mul3A_427, 64 : i32
          %dma_start3A_429 = arith.constant 1 : i32
          %dma_start3A_430 = tpu.memref_slice %arg3[%dma_start3A_429, %multiple_of3A_428] : memref<2x320000xi32, #tpu.memory_space<hbm>> -> memref<1x64xi32, #tpu.memory_space<hbm>>
          %dma_start3A_431 = tpu.memref_squeeze %dma_start3A_430 : memref<1x64xi32, #tpu.memory_space<hbm>> -> memref<64xi32, #tpu.memory_space<hbm>>
          %dma_start3A_432 = tpu.memref_slice %arg3[%dma_start3A_429, %multiple_of3A_428] : memref<2x320000xi32, #tpu.memory_space<hbm>> -> memref<1x64xi32, #tpu.memory_space<hbm>>
          %dma_start3A_433 = tpu.memref_squeeze %dma_start3A_432 : memref<1x64xi32, #tpu.memory_space<hbm>> -> memref<64xi32, #tpu.memory_space<hbm>>
          tpu.enqueue_dma source(%dma_start3A_433 : memref<64xi32, #tpu.memory_space<hbm>>) target(%arg14 : memref<64xi32, #tpu.memory_space<vmem>>) target_semaphore(%arg27 : memref<!tpu.dma_semaphore, #tpu.memory_space<semaphore_mem>>)
        } else {
        }
        %parallel_loop3A = arith.constant 0 : i32
        %parallel_loop3A_400 = arith.constant 64 : i32
        %parallel_loop3A_401 = arith.constant 1 : i32
        scf.for %parallel_loop3A_414 = %parallel_loop3A to %parallel_loop3A_400 step %parallel_loop3A_401  : i32 {
          %parallel_loop3A_415 = arith.index_cast %parallel_loop3A_414 : i32 to index
          %parallel_loop3A_416 = arith.constant 0 : index
          %parallel_loop3A_417 = tpu.vector_load %arg5[%parallel_loop3A_415, %parallel_loop3A_416] {strides = array<i32>} : memref<64x128xf32, #tpu.memory_space<vmem>>, vector<1x16xf32>,
          %parallel_loop3A_418 = vector.shape_cast %parallel_loop3A_417 : vector<1x16xf32> to vector<16xf32>
          %parallel_loop3A_419 = arith.index_cast %parallel_loop3A_414 : i32 to index
          %parallel_loop3A_420 = arith.constant 16 : index
          %parallel_loop3A_421 = tpu.vector_load %arg5[%parallel_loop3A_419, %parallel_loop3A_420] {strides = array<i32>} : memref<64x128xf32, #tpu.memory_space<vmem>>, vector<1x16xf32>,
          %parallel_loop3A_422 = vector.shape_cast %parallel_loop3A_421 : vector<1x16xf32> to vector<16xf32>
          %parallel_loop3A_423 = arith.index_cast %parallel_loop3A_414 : i32 to index
          %parallel_loop3A_424 = arith.constant 32 : index
          %parallel_loop3A_425 = tpu.vector_load %arg5[%parallel_loop3A_423, %parallel_loop3A_424] {strides = array<i32>} : memref<64x128xf32, #tpu.memory_space<vmem>>, vector<1x16xf32>,
          %parallel_loop3A_426 = vector.shape_cast %parallel_loop3A_425 : vector<1x16xf32> to vector<16xf32>
          %parallel_loop3A_427 = arith.index_cast %parallel_loop3A_414 : i32 to index
          %parallel_loop3A_428 = arith.constant 48 : index
          %parallel_loop3A_429 = tpu.vector_load %arg5[%parallel_loop3A_427, %parallel_loop3A_428] {strides = array<i32>} : memref<64x128xf32, #tpu.memory_space<vmem>>, vector<1x16xf32>,
          %parallel_loop3A_430 = vector.shape_cast %parallel_loop3A_429 : vector<1x16xf32> to vector<16xf32>
          %parallel_loop3A_431 = arith.index_cast %parallel_loop3A_414 : i32 to index
          %parallel_loop3A_432 = arith.constant 64 : index
          %parallel_loop3A_433 = tpu.vector_load %arg5[%parallel_loop3A_431, %parallel_loop3A_432] {strides = array<i32>} : memref<64x128xf32, #tpu.memory_space<vmem>>, vector<1x16xf32>,
          %parallel_loop3A_434 = vector.shape_cast %parallel_loop3A_433 : vector<1x16xf32> to vector<16xf32>
          %parallel_loop3A_435 = arith.index_cast %parallel_loop3A_414 : i32 to index
          %parallel_loop3A_436 = arith.constant 80 : index
          %parallel_loop3A_437 = tpu.vector_load %arg5[%parallel_loop3A_435, %parallel_loop3A_436] {strides = array<i32>} : memref<64x128xf32, #tpu.memory_space<vmem>>, vector<1x16xf32>,
          %parallel_loop3A_438 = vector.shape_cast %parallel_loop3A_437 : vector<1x16xf32> to vector<16xf32>
          %parallel_loop3A_439 = arith.index_cast %parallel_loop3A_414 : i32 to index
          %parallel_loop3A_440 = arith.constant 96 : index
          %parallel_loop3A_441 = tpu.vector_load %arg5[%parallel_loop3A_439, %parallel_loop3A_440] {strides = array<i32>} : memref<64x128xf32, #tpu.memory_space<vmem>>, vector<1x16xf32>,
          %parallel_loop3A_442 = vector.shape_cast %parallel_loop3A_441 : vector<1x16xf32> to vector<16xf32>
          %parallel_loop3A_443 = arith.index_cast %parallel_loop3A_414 : i32 to index
          %parallel_loop3A_444 = arith.constant 112 : index
          %parallel_loop3A_445 = tpu.vector_load %arg5[%parallel_loop3A_443, %parallel_loop3A_444] {strides = array<i32>} : memref<64x128xf32, #tpu.memory_space<vmem>>, vector<1x16xf32>,
          %parallel_loop3A_446 = vector.shape_cast %parallel_loop3A_445 : vector<1x16xf32> to vector<16xf32>
          %parallel_loop3A_447 = arith.index_cast %parallel_loop3A_414 : i32 to index
          %parallel_loop3A_448 = arith.constant 0 : index
          %parallel_loop3A_449 = tpu.vector_load %arg8[%parallel_loop3A_447, %parallel_loop3A_448] {strides = array<i32>} : memref<64x128xf32, #tpu.memory_space<vmem>>, vector<1x16xf32>,
          %parallel_loop3A_450 = vector.shape_cast %parallel_loop3A_449 : vector<1x16xf32> to vector<16xf32>
          %parallel_loop3A_451 = arith.index_cast %parallel_loop3A_414 : i32 to index
          %parallel_loop3A_452 = arith.constant 16 : index
          %parallel_loop3A_453 = tpu.vector_load %arg8[%parallel_loop3A_451, %parallel_loop3A_452] {strides = array<i32>} : memref<64x128xf32, #tpu.memory_space<vmem>>, vector<1x16xf32>,
          %parallel_loop3A_454 = vector.shape_cast %parallel_loop3A_453 : vector<1x16xf32> to vector<16xf32>
          %parallel_loop3A_455 = arith.index_cast %parallel_loop3A_414 : i32 to index
          %parallel_loop3A_456 = arith.constant 32 : index
          %parallel_loop3A_457 = tpu.vector_load %arg8[%parallel_loop3A_455, %parallel_loop3A_456] {strides = array<i32>} : memref<64x128xf32, #tpu.memory_space<vmem>>, vector<1x16xf32>,
          %parallel_loop3A_458 = vector.shape_cast %parallel_loop3A_457 : vector<1x16xf32> to vector<16xf32>
          %parallel_loop3A_459 = arith.index_cast %parallel_loop3A_414 : i32 to index
          %parallel_loop3A_460 = arith.constant 48 : index
          %parallel_loop3A_461 = tpu.vector_load %arg8[%parallel_loop3A_459, %parallel_loop3A_460] {strides = array<i32>} : memref<64x128xf32, #tpu.memory_space<vmem>>, vector<1x16xf32>,
          %parallel_loop3A_462 = vector.shape_cast %parallel_loop3A_461 : vector<1x16xf32> to vector<16xf32>
          %parallel_loop3A_463 = arith.index_cast %parallel_loop3A_414 : i32 to index
          %parallel_loop3A_464 = arith.constant 64 : index
          %parallel_loop3A_465 = tpu.vector_load %arg8[%parallel_loop3A_463, %parallel_loop3A_464] {strides = array<i32>} : memref<64x128xf32, #tpu.memory_space<vmem>>, vector<1x16xf32>,
          %parallel_loop3A_466 = vector.shape_cast %parallel_loop3A_465 : vector<1x16xf32> to vector<16xf32>
          %parallel_loop3A_467 = arith.index_cast %parallel_loop3A_414 : i32 to index
          %parallel_loop3A_468 = arith.constant 80 : index
          %parallel_loop3A_469 = tpu.vector_load %arg8[%parallel_loop3A_467, %parallel_loop3A_468] {strides = array<i32>} : memref<64x128xf32, #tpu.memory_space<vmem>>, vector<1x16xf32>,
          %parallel_loop3A_470 = vector.shape_cast %parallel_loop3A_469 : vector<1x16xf32> to vector<16xf32>
          %parallel_loop3A_471 = arith.index_cast %parallel_loop3A_414 : i32 to index
          %parallel_loop3A_472 = arith.constant 96 : index
          %parallel_loop3A_473 = tpu.vector_load %arg8[%parallel_loop3A_471, %parallel_loop3A_472] {strides = array<i32>} : memref<64x128xf32, #tpu.memory_space<vmem>>, vector<1x16xf32>,
          %parallel_loop3A_474 = vector.shape_cast %parallel_loop3A_473 : vector<1x16xf32> to vector<16xf32>
          %parallel_loop3A_475 = arith.index_cast %parallel_loop3A_414 : i32 to index
          %parallel_loop3A_476 = arith.constant 112 : index
          %parallel_loop3A_477 = tpu.vector_load %arg8[%parallel_loop3A_475, %parallel_loop3A_476] {strides = array<i32>} : memref<64x128xf32, #tpu.memory_space<vmem>>, vector<1x16xf32>,
          %parallel_loop3A_478 = vector.shape_cast %parallel_loop3A_477 : vector<1x16xf32> to vector<16xf32>
          %parallel_loop3A_479 = arith.mulf %parallel_loop3A_418, %parallel_loop3A_450 : vector<16xf32>
          %parallel_loop3A_480 = arith.mulf %parallel_loop3A_422, %parallel_loop3A_454 : vector<16xf32>
          %parallel_loop3A_481 = arith.addf %parallel_loop3A_479, %parallel_loop3A_480 : vector<16xf32>
          %parallel_loop3A_482 = arith.mulf %parallel_loop3A_426, %parallel_loop3A_458 : vector<16xf32>
          %parallel_loop3A_483 = arith.addf %parallel_loop3A_481, %parallel_loop3A_482 : vector<16xf32>
          %parallel_loop3A_484 = arith.mulf %parallel_loop3A_430, %parallel_loop3A_462 : vector<16xf32>
          %parallel_loop3A_485 = arith.addf %parallel_loop3A_483, %parallel_loop3A_484 : vector<16xf32>
          %parallel_loop3A_486 = arith.mulf %parallel_loop3A_434, %parallel_loop3A_466 : vector<16xf32>
          %parallel_loop3A_487 = arith.addf %parallel_loop3A_485, %parallel_loop3A_486 : vector<16xf32>
          %parallel_loop3A_488 = arith.mulf %parallel_loop3A_438, %parallel_loop3A_470 : vector<16xf32>
          %parallel_loop3A_489 = arith.addf %parallel_loop3A_487, %parallel_loop3A_488 : vector<16xf32>
          %parallel_loop3A_490 = arith.mulf %parallel_loop3A_442, %parallel_loop3A_474 : vector<16xf32>
          %parallel_loop3A_491 = arith.addf %parallel_loop3A_489, %parallel_loop3A_490 : vector<16xf32>
          %parallel_loop3A_492 = arith.mulf %parallel_loop3A_446, %parallel_loop3A_478 : vector<16xf32>
          %parallel_loop3A_493 = arith.addf %parallel_loop3A_491, %parallel_loop3A_492 : vector<16xf32>
          %parallel_loop3A_494 = tpu.iota {dimensions = array<i32: 0>} : vector<16xi32>
          %parallel_loop3A_495 = arith.constant 8 : i32
          %parallel_loop3A_496 = vector.broadcast %parallel_loop3A_495 : i32 to vector<16xi32>
          %parallel_loop3A_497 = arith.xori %parallel_loop3A_494, %parallel_loop3A_496 : vector<16xi32>
          %parallel_loop3A_498 = arith.constant 0 : i32
          %parallel_loop3A_499 = vector.broadcast %parallel_loop3A_498 : i32 to vector<16xi32>
          %parallel_loop3A_500 = arith.cmpi slt, %parallel_loop3A_497, %parallel_loop3A_499 : vector<16xi32>
          %parallel_loop3A_501 = arith.constant 16 : i32
          %parallel_loop3A_502 = vector.broadcast %parallel_loop3A_501 : i32 to vector<16xi32>
          %parallel_loop3A_503 = arith.addi %parallel_loop3A_497, %parallel_loop3A_502 : vector<16xi32>
          %parallel_loop3A_504 = arith.select %parallel_loop3A_500, %parallel_loop3A_503, %parallel_loop3A_497 : vector<16xi1>, vector<16xi32>
          %parallel_loop3A_505 = vector.shape_cast %parallel_loop3A_504 : vector<16xi32> to vector<16x1xi32>
          %parallel_loop3A_506 = vector.shape_cast %parallel_loop3A_505 : vector<16x1xi32> to vector<16xi32>
          %parallel_loop3A_507 = tpu.dynamic_gather %parallel_loop3A_493[%parallel_loop3A_506] in [0] : vector<16xf32>, vector<16xi32> -> vector<16xf32>
          %parallel_loop3A_508 = arith.addf %parallel_loop3A_493, %parallel_loop3A_507 : vector<16xf32>
          %parallel_loop3A_509 = arith.constant 4 : i32
          %parallel_loop3A_510 = vector.broadcast %parallel_loop3A_509 : i32 to vector<16xi32>
          %parallel_loop3A_511 = arith.xori %parallel_loop3A_494, %parallel_loop3A_510 : vector<16xi32>
          %parallel_loop3A_512 = arith.constant 0 : i32
          %parallel_loop3A_513 = vector.broadcast %parallel_loop3A_512 : i32 to vector<16xi32>
          %parallel_loop3A_514 = arith.cmpi slt, %parallel_loop3A_511, %parallel_loop3A_513 : vector<16xi32>
          %parallel_loop3A_515 = arith.constant 16 : i32
          %parallel_loop3A_516 = vector.broadcast %parallel_loop3A_515 : i32 to vector<16xi32>
          %parallel_loop3A_517 = arith.addi %parallel_loop3A_511, %parallel_loop3A_516 : vector<16xi32>
          %parallel_loop3A_518 = arith.select %parallel_loop3A_514, %parallel_loop3A_517, %parallel_loop3A_511 : vector<16xi1>, vector<16xi32>
          %parallel_loop3A_519 = vector.shape_cast %parallel_loop3A_518 : vector<16xi32> to vector<16x1xi32>
          %parallel_loop3A_520 = vector.shape_cast %parallel_loop3A_519 : vector<16x1xi32> to vector<16xi32>
          %parallel_loop3A_521 = tpu.dynamic_gather %parallel_loop3A_508[%parallel_loop3A_520] in [0] : vector<16xf32>, vector<16xi32> -> vector<16xf32>
          %parallel_loop3A_522 = arith.addf %parallel_loop3A_508, %parallel_loop3A_521 : vector<16xf32>
          %parallel_loop3A_523 = arith.constant 2 : i32
          %parallel_loop3A_524 = vector.broadcast %parallel_loop3A_523 : i32 to vector<16xi32>
          %parallel_loop3A_525 = arith.xori %parallel_loop3A_494, %parallel_loop3A_524 : vector<16xi32>
          %parallel_loop3A_526 = arith.constant 0 : i32
          %parallel_loop3A_527 = vector.broadcast %parallel_loop3A_526 : i32 to vector<16xi32>
          %parallel_loop3A_528 = arith.cmpi slt, %parallel_loop3A_525, %parallel_loop3A_527 : vector<16xi32>
          %parallel_loop3A_529 = arith.constant 16 : i32
          %parallel_loop3A_530 = vector.broadcast %parallel_loop3A_529 : i32 to vector<16xi32>
          %parallel_loop3A_531 = arith.addi %parallel_loop3A_525, %parallel_loop3A_530 : vector<16xi32>
          %parallel_loop3A_532 = arith.select %parallel_loop3A_528, %parallel_loop3A_531, %parallel_loop3A_525 : vector<16xi1>, vector<16xi32>
          %parallel_loop3A_533 = vector.shape_cast %parallel_loop3A_532 : vector<16xi32> to vector<16x1xi32>
          %parallel_loop3A_534 = vector.shape_cast %parallel_loop3A_533 : vector<16x1xi32> to vector<16xi32>
          %parallel_loop3A_535 = tpu.dynamic_gather %parallel_loop3A_522[%parallel_loop3A_534] in [0] : vector<16xf32>, vector<16xi32> -> vector<16xf32>
          %parallel_loop3A_536 = arith.addf %parallel_loop3A_522, %parallel_loop3A_535 : vector<16xf32>
          %parallel_loop3A_537 = arith.constant 1 : i32
          %parallel_loop3A_538 = vector.broadcast %parallel_loop3A_537 : i32 to vector<16xi32>
          %parallel_loop3A_539 = arith.xori %parallel_loop3A_494, %parallel_loop3A_538 : vector<16xi32>
          %parallel_loop3A_540 = arith.constant 0 : i32
          %parallel_loop3A_541 = vector.broadcast %parallel_loop3A_540 : i32 to vector<16xi32>
          %parallel_loop3A_542 = arith.cmpi slt, %parallel_loop3A_539, %parallel_loop3A_541 : vector<16xi32>
          %parallel_loop3A_543 = arith.constant 16 : i32
          %parallel_loop3A_544 = vector.broadcast %parallel_loop3A_543 : i32 to vector<16xi32>
          %parallel_loop3A_545 = arith.addi %parallel_loop3A_539, %parallel_loop3A_544 : vector<16xi32>
          %parallel_loop3A_546 = arith.select %parallel_loop3A_542, %parallel_loop3A_545, %parallel_loop3A_539 : vector<16xi1>, vector<16xi32>
          %parallel_loop3A_547 = vector.shape_cast %parallel_loop3A_546 : vector<16xi32> to vector<16x1xi32>
          %parallel_loop3A_548 = vector.shape_cast %parallel_loop3A_547 : vector<16x1xi32> to vector<16xi32>
          %parallel_loop3A_549 = tpu.dynamic_gather %parallel_loop3A_536[%parallel_loop3A_548] in [0] : vector<16xf32>, vector<16xi32> -> vector<16xf32>
          %parallel_loop3A_550 = arith.addf %parallel_loop3A_536, %parallel_loop3A_549 : vector<16xf32>
          %parallel_loop3A_551 = arith.mulf %parallel_loop3A_418, %parallel_loop3A_550 : vector<16xf32>
          %parallel_loop3A_552 = arith.index_cast %parallel_loop3A_414 : i32 to index
          %parallel_loop3A_553 = arith.constant 0 : index
          %parallel_loop3A_554 = tpu.vector_load %arg5[%parallel_loop3A_552, %parallel_loop3A_553] {strides = array<i32>} : memref<64x128xf32, #tpu.memory_space<vmem>>, vector<1x16xf32>,
          %parallel_loop3A_555 = vector.shape_cast %parallel_loop3A_554 : vector<1x16xf32> to vector<16xf32>
          %parallel_loop3A_556 = vector.shape_cast %parallel_loop3A_551 : vector<16xf32> to vector<1x16xf32>
          tpu.vector_store %arg5[%parallel_loop3A_552, %parallel_loop3A_553], %parallel_loop3A_556 {strides = array<i32>} : memref<64x128xf32, #tpu.memory_space<vmem>>, vector<1x16xf32>,
          %parallel_loop3A_557 = arith.mulf %parallel_loop3A_422, %parallel_loop3A_550 : vector<16xf32>
          %parallel_loop3A_558 = arith.index_cast %parallel_loop3A_414 : i32 to index
          %parallel_loop3A_559 = arith.constant 16 : index
          %parallel_loop3A_560 = tpu.vector_load %arg5[%parallel_loop3A_558, %parallel_loop3A_559] {strides = array<i32>} : memref<64x128xf32, #tpu.memory_space<vmem>>, vector<1x16xf32>,
          %parallel_loop3A_561 = vector.shape_cast %parallel_loop3A_560 : vector<1x16xf32> to vector<16xf32>
          %parallel_loop3A_562 = vector.shape_cast %parallel_loop3A_557 : vector<16xf32> to vector<1x16xf32>
          tpu.vector_store %arg5[%parallel_loop3A_558, %parallel_loop3A_559], %parallel_loop3A_562 {strides = array<i32>} : memref<64x128xf32, #tpu.memory_space<vmem>>, vector<1x16xf32>,
          %parallel_loop3A_563 = arith.mulf %parallel_loop3A_426, %parallel_loop3A_550 : vector<16xf32>
          %parallel_loop3A_564 = arith.index_cast %parallel_loop3A_414 : i32 to index
          %parallel_loop3A_565 = arith.constant 32 : index
          %parallel_loop3A_566 = tpu.vector_load %arg5[%parallel_loop3A_564, %parallel_loop3A_565] {strides = array<i32>} : memref<64x128xf32, #tpu.memory_space<vmem>>, vector<1x16xf32>,
          %parallel_loop3A_567 = vector.shape_cast %parallel_loop3A_566 : vector<1x16xf32> to vector<16xf32>
          %parallel_loop3A_568 = vector.shape_cast %parallel_loop3A_563 : vector<16xf32> to vector<1x16xf32>
          tpu.vector_store %arg5[%parallel_loop3A_564, %parallel_loop3A_565], %parallel_loop3A_568 {strides = array<i32>} : memref<64x128xf32, #tpu.memory_space<vmem>>, vector<1x16xf32>,
          %parallel_loop3A_569 = arith.mulf %parallel_loop3A_430, %parallel_loop3A_550 : vector<16xf32>
          %parallel_loop3A_570 = arith.index_cast %parallel_loop3A_414 : i32 to index
          %parallel_loop3A_571 = arith.constant 48 : index
          %parallel_loop3A_572 = tpu.vector_load %arg5[%parallel_loop3A_570, %parallel_loop3A_571] {strides = array<i32>} : memref<64x128xf32, #tpu.memory_space<vmem>>, vector<1x16xf32>,
          %parallel_loop3A_573 = vector.shape_cast %parallel_loop3A_572 : vector<1x16xf32> to vector<16xf32>
          %parallel_loop3A_574 = vector.shape_cast %parallel_loop3A_569 : vector<16xf32> to vector<1x16xf32>
          tpu.vector_store %arg5[%parallel_loop3A_570, %parallel_loop3A_571], %parallel_loop3A_574 {strides = array<i32>} : memref<64x128xf32, #tpu.memory_space<vmem>>, vector<1x16xf32>,
          %parallel_loop3A_575 = arith.mulf %parallel_loop3A_434, %parallel_loop3A_550 : vector<16xf32>
          %parallel_loop3A_576 = arith.index_cast %parallel_loop3A_414 : i32 to index
          %parallel_loop3A_577 = arith.constant 64 : index
          %parallel_loop3A_578 = tpu.vector_load %arg5[%parallel_loop3A_576, %parallel_loop3A_577] {strides = array<i32>} : memref<64x128xf32, #tpu.memory_space<vmem>>, vector<1x16xf32>,
          %parallel_loop3A_579 = vector.shape_cast %parallel_loop3A_578 : vector<1x16xf32> to vector<16xf32>
          %parallel_loop3A_580 = vector.shape_cast %parallel_loop3A_575 : vector<16xf32> to vector<1x16xf32>
          tpu.vector_store %arg5[%parallel_loop3A_576, %parallel_loop3A_577], %parallel_loop3A_580 {strides = array<i32>} : memref<64x128xf32, #tpu.memory_space<vmem>>, vector<1x16xf32>,
          %parallel_loop3A_581 = arith.mulf %parallel_loop3A_438, %parallel_loop3A_550 : vector<16xf32>
          %parallel_loop3A_582 = arith.index_cast %parallel_loop3A_414 : i32 to index
          %parallel_loop3A_583 = arith.constant 80 : index
          %parallel_loop3A_584 = tpu.vector_load %arg5[%parallel_loop3A_582, %parallel_loop3A_583] {strides = array<i32>} : memref<64x128xf32, #tpu.memory_space<vmem>>, vector<1x16xf32>,
          %parallel_loop3A_585 = vector.shape_cast %parallel_loop3A_584 : vector<1x16xf32> to vector<16xf32>
          %parallel_loop3A_586 = vector.shape_cast %parallel_loop3A_581 : vector<16xf32> to vector<1x16xf32>
          tpu.vector_store %arg5[%parallel_loop3A_582, %parallel_loop3A_583], %parallel_loop3A_586 {strides = array<i32>} : memref<64x128xf32, #tpu.memory_space<vmem>>, vector<1x16xf32>,
          %parallel_loop3A_587 = arith.mulf %parallel_loop3A_442, %parallel_loop3A_550 : vector<16xf32>
          %parallel_loop3A_588 = arith.index_cast %parallel_loop3A_414 : i32 to index
          %parallel_loop3A_589 = arith.constant 96 : index
          %parallel_loop3A_590 = tpu.vector_load %arg5[%parallel_loop3A_588, %parallel_loop3A_589] {strides = array<i32>} : memref<64x128xf32, #tpu.memory_space<vmem>>, vector<1x16xf32>,
          %parallel_loop3A_591 = vector.shape_cast %parallel_loop3A_590 : vector<1x16xf32> to vector<16xf32>
          %parallel_loop3A_592 = vector.shape_cast %parallel_loop3A_587 : vector<16xf32> to vector<1x16xf32>
          tpu.vector_store %arg5[%parallel_loop3A_588, %parallel_loop3A_589], %parallel_loop3A_592 {strides = array<i32>} : memref<64x128xf32, #tpu.memory_space<vmem>>, vector<1x16xf32>,
          %parallel_loop3A_593 = arith.mulf %parallel_loop3A_446, %parallel_loop3A_550 : vector<16xf32>
          %parallel_loop3A_594 = arith.index_cast %parallel_loop3A_414 : i32 to index
          %parallel_loop3A_595 = arith.constant 112 : index
          %parallel_loop3A_596 = tpu.vector_load %arg5[%parallel_loop3A_594, %parallel_loop3A_595] {strides = array<i32>} : memref<64x128xf32, #tpu.memory_space<vmem>>, vector<1x16xf32>,
          %parallel_loop3A_597 = vector.shape_cast %parallel_loop3A_596 : vector<1x16xf32> to vector<16xf32>
          %parallel_loop3A_598 = vector.shape_cast %parallel_loop3A_593 : vector<16xf32> to vector<1x16xf32>
          tpu.vector_store %arg5[%parallel_loop3A_594, %parallel_loop3A_595], %parallel_loop3A_598 {strides = array<i32>} : memref<64x128xf32, #tpu.memory_space<vmem>>, vector<1x16xf32>,
        } {sc.loop_unroll_factor = 4 : i64, sc.parallel_access}
        %add3A_402 = arith.addi %select_n3A_18, %add3A_348 : i32
        %mul3A_403 = arith.constant 64 : i32
        %mul3A_404 = arith.muli %add3A_402, %mul3A_403 : i32
        %multiple_of3A_405 = tpu.assume_multiple %mul3A_404, 64 : i32
        %dma_wait3A_406 = arith.constant 1 : i32
        %dma_wait3A_407 = tpu.memref_slice %arg3[%dma_wait3A_406, %multiple_of3A_405] : memref<2x320000xi32, #tpu.memory_space<hbm>> -> memref<1x64xi32, #tpu.memory_space<hbm>>
        %dma_wait3A_408 = tpu.memref_squeeze %dma_wait3A_407 : memref<1x64xi32, #tpu.memory_space<hbm>> -> memref<64xi32, #tpu.memory_space<hbm>>
        %dma_wait3A_409 = tpu.memref_slice %arg3[%dma_wait3A_406, %multiple_of3A_405] : memref<2x320000xi32, #tpu.memory_space<hbm>> -> memref<1x64xi32, #tpu.memory_space<hbm>>
        %dma_wait3A_410 = tpu.memref_squeeze %dma_wait3A_409 : memref<1x64xi32, #tpu.memory_space<hbm>> -> memref<64xi32, #tpu.memory_space<hbm>>
        tpu.wait_dma2 semaphore(%arg30 : memref<!tpu.dma_semaphore, #tpu.memory_space<semaphore_mem>>) src(%dma_wait3A_410 : memref<64xi32, #tpu.memory_space<hbm>>) dst(%arg17 : memref<64xi32, #tpu.memory_space<vmem>>)
        %dma_start3A_411 = arith.constant 0 : i32
        %dma_start3A_412 = arith.constant 0 : i32
        %dma_start3A_413 = tpu.memref_slice %arg20[%dma_start3A_411, %dma_start3A_412] : memref<10000x128xf32, #tpu.memory_space<vmem_shared>> -> memref<10000x128xf32, #tpu.memory_space<vmem_shared>>
        tpu.enqueue_indirect_dma source(%arg5 : memref<64x128xf32, #tpu.memory_space<vmem>>) target(%dma_start3A_413 : memref<10000x128xf32, #tpu.memory_space<vmem_shared>>) offsets(%arg17 : memref<64xi32, #tpu.memory_space<vmem>>) semaphore(%arg24 : memref<!tpu.dma_semaphore, #tpu.memory_space<semaphore_mem>>) {add = true}
      } else {
      }
      %add3A_353 = arith.constant 2 : i32
      %add3A_354 = arith.addi %add3A_348, %add3A_353 : i32
      %lt3A_355 = arith.cmpi slt, %add3A_354, %select_n3A : i32
      %convert_element_type3A_356 = arith.extui %lt3A_355 : i1 to i32
      %cond3A_357 = arith.constant 0 : i32
      %cond3A_358 = arith.cmpi ne, %convert_element_type3A_356, %cond3A_357 : i32
      scf.if %cond3A_358 {
        %gt3A = arith.constant 0 : i32
        %gt3A_388 = arith.cmpi sgt, %while3A_343, %gt3A : i32
        %convert_element_type3A_389 = arith.extui %gt3A_388 : i1 to i32
        %cond3A_390 = arith.constant 0 : i32
        %cond3A_391 = arith.cmpi ne, %convert_element_type3A_389, %cond3A_390 : i32
        scf.if %cond3A_391 {
          %dma_wait3A_429 = arith.constant 0 : i32
          %dma_wait3A_430 = arith.constant 0 : i32
          %dma_wait3A_431 = tpu.memref_slice %arg20[%dma_wait3A_429, %dma_wait3A_430] : memref<10000x128xf32, #tpu.memory_space<vmem_shared>> -> memref<10000x128xf32, #tpu.memory_space<vmem_shared>>
          tpu.wait_indirect_dma semaphore(%arg26 : memref<!tpu.dma_semaphore, #tpu.memory_space<semaphore_mem>>) src(%arg7 : memref<64x128xf32, #tpu.memory_space<vmem>>) dst(%dma_wait3A_431 : memref<10000x128xf32, #tpu.memory_space<vmem_shared>>)
        } else {
        }
        %add3A_392 = arith.constant 2 : i32
        %add3A_393 = arith.addi %add3A_348, %add3A_392 : i32
        %add3A_394 = arith.addi %select_n3A_18, %add3A_393 : i32
        %mul3A_395 = arith.constant 64 : i32
        %mul3A_396 = arith.muli %add3A_394, %mul3A_395 : i32
        %multiple_of3A_397 = tpu.assume_multiple %mul3A_396, 64 : i32
        %dma_wait3A_398 = arith.constant 0 : i32
        %dma_wait3A_399 = tpu.memref_slice %arg3[%dma_wait3A_398, %multiple_of3A_397] : memref<2x320000xi32, #tpu.memory_space<hbm>> -> memref<1x64xi32, #tpu.memory_space<hbm>>
        %dma_wait3A_400 = tpu.memref_squeeze %dma_wait3A_399 : memref<1x64xi32, #tpu.memory_space<hbm>> -> memref<64xi32, #tpu.memory_space<hbm>>
        %dma_wait3A_401 = tpu.memref_slice %arg3[%dma_wait3A_398, %multiple_of3A_397] : memref<2x320000xi32, #tpu.memory_space<hbm>> -> memref<1x64xi32, #tpu.memory_space<hbm>>
        %dma_wait3A_402 = tpu.memref_squeeze %dma_wait3A_401 : memref<1x64xi32, #tpu.memory_space<hbm>> -> memref<64xi32, #tpu.memory_space<hbm>>
        tpu.wait_dma2 semaphore(%arg29 : memref<!tpu.dma_semaphore, #tpu.memory_space<semaphore_mem>>) src(%dma_wait3A_402 : memref<64xi32, #tpu.memory_space<hbm>>) dst(%arg13 : memref<64xi32, #tpu.memory_space<vmem>>)
        %add3A_403 = arith.addi %select_n3A_18, %add3A_393 : i32
        %mul3A_404 = arith.constant 64 : i32
        %mul3A_405 = arith.muli %add3A_403, %mul3A_404 : i32
        %multiple_of3A_406 = tpu.assume_multiple %mul3A_405, 64 : i32
        %dma_wait3A_407 = arith.constant 1 : i32
        %dma_wait3A_408 = tpu.memref_slice %arg3[%dma_wait3A_407, %multiple_of3A_406] : memref<2x320000xi32, #tpu.memory_space<hbm>> -> memref<1x64xi32, #tpu.memory_space<hbm>>
        %dma_wait3A_409 = tpu.memref_squeeze %dma_wait3A_408 : memref<1x64xi32, #tpu.memory_space<hbm>> -> memref<64xi32, #tpu.memory_space<hbm>>
        %dma_wait3A_410 = tpu.memref_slice %arg3[%dma_wait3A_407, %multiple_of3A_406] : memref<2x320000xi32, #tpu.memory_space<hbm>> -> memref<1x64xi32, #tpu.memory_space<hbm>>
        %dma_wait3A_411 = tpu.memref_squeeze %dma_wait3A_410 : memref<1x64xi32, #tpu.memory_space<hbm>> -> memref<64xi32, #tpu.memory_space<hbm>>
        tpu.wait_dma2 semaphore(%arg29 : memref<!tpu.dma_semaphore, #tpu.memory_space<semaphore_mem>>) src(%dma_wait3A_411 : memref<64xi32, #tpu.memory_space<hbm>>) dst(%arg16 : memref<64xi32, #tpu.memory_space<vmem>>)
        %dma_start3A_412 = arith.constant 0 : i32
        %dma_start3A_413 = arith.constant 0 : i32
        %dma_start3A_414 = tpu.memref_slice %arg2[%dma_start3A_412, %dma_start3A_413] : memref<10000x128xf32, #tpu.memory_space<hbm>> -> memref<10000x128xf32, #tpu.memory_space<hbm>>
        tpu.enqueue_indirect_dma source(%dma_start3A_414 : memref<10000x128xf32, #tpu.memory_space<hbm>>) target(%arg7 : memref<64x128xf32, #tpu.memory_space<vmem>>) offsets(%arg13 : memref<64xi32, #tpu.memory_space<vmem>>) semaphore(%arg23 : memref<!tpu.dma_semaphore, #tpu.memory_space<semaphore_mem>>)
        %dma_start3A_415 = arith.constant 0 : i32
        %dma_start3A_416 = arith.constant 0 : i32
        %dma_start3A_417 = tpu.memref_slice %arg2[%dma_start3A_415, %dma_start3A_416] : memref<10000x128xf32, #tpu.memory_space<hbm>> -> memref<10000x128xf32, #tpu.memory_space<hbm>>
        tpu.enqueue_indirect_dma source(%dma_start3A_417 : memref<10000x128xf32, #tpu.memory_space<hbm>>) target(%arg10 : memref<64x128xf32, #tpu.memory_space<vmem>>) offsets(%arg16 : memref<64xi32, #tpu.memory_space<vmem>>) semaphore(%arg23 : memref<!tpu.dma_semaphore, #tpu.memory_space<semaphore_mem>>)
        %add3A_418 = arith.constant 2 : i32
        %add3A_419 = arith.addi %add3A_348, %add3A_418 : i32
        %add3A_420 = arith.addi %select_n3A_18, %add3A_419 : i32
        %mul3A_421 = arith.constant 64 : i32
        %mul3A_422 = arith.muli %add3A_420, %mul3A_421 : i32
        %multiple_of3A_423 = tpu.assume_multiple %mul3A_422, 64 : i32
        %dma_start3A_424 = arith.constant 1 : i32
        %dma_start3A_425 = tpu.memref_slice %arg3[%dma_start3A_424, %multiple_of3A_423] : memref<2x320000xi32, #tpu.memory_space<hbm>> -> memref<1x64xi32, #tpu.memory_space<hbm>>
        %dma_start3A_426 = tpu.memref_squeeze %dma_start3A_425 : memref<1x64xi32, #tpu.memory_space<hbm>> -> memref<64xi32, #tpu.memory_space<hbm>>
        %dma_start3A_427 = tpu.memref_slice %arg3[%dma_start3A_424, %multiple_of3A_423] : memref<2x320000xi32, #tpu.memory_space<hbm>> -> memref<1x64xi32, #tpu.memory_space<hbm>>
        %dma_start3A_428 = tpu.memref_squeeze %dma_start3A_427 : memref<1x64xi32, #tpu.memory_space<hbm>> -> memref<64xi32, #tpu.memory_space<hbm>>
        tpu.enqueue_dma source(%dma_start3A_428 : memref<64xi32, #tpu.memory_space<hbm>>) target(%arg19 : memref<64xi32, #tpu.memory_space<vmem>>) target_semaphore(%arg32 : memref<!tpu.dma_semaphore, #tpu.memory_space<semaphore_mem>>)
      } else {
      }
      %mul3A_359 = arith.constant 3 : i32
      %mul3A_360 = arith.muli %mul3A_359, %while3A_343 : i32
      %add3A_361 = arith.constant 1 : i32
      %add3A_362 = arith.addi %mul3A_360, %add3A_361 : i32
      %lt3A_363 = arith.cmpi slt, %add3A_362, %select_n3A : i32
      %convert_element_type3A_364 = arith.extui %lt3A_363 : i1 to i32
      %cond3A_365 = arith.constant 0 : i32
      %cond3A_366 = arith.cmpi ne, %convert_element_type3A_364, %cond3A_365 : i32
      scf.if %cond3A_366 {
        %dma_wait3A_388 = arith.constant 0 : i32
        %dma_wait3A_389 = arith.constant 0 : i32
        %dma_wait3A_390 = tpu.memref_slice %arg2[%dma_wait3A_388, %dma_wait3A_389] : memref<10000x128xf32, #tpu.memory_space<hbm>> -> memref<10000x128xf32, #tpu.memory_space<hbm>>
        tpu.wait_indirect_dma semaphore(%arg22 : memref<!tpu.dma_semaphore, #tpu.memory_space<semaphore_mem>>) src(%dma_wait3A_390 : memref<10000x128xf32, #tpu.memory_space<hbm>>) dst(%arg6 : memref<64x128xf32, #tpu.memory_space<vmem>>)
        %dma_wait3A_391 = arith.constant 0 : i32
        %dma_wait3A_392 = arith.constant 0 : i32
        %dma_wait3A_393 = tpu.memref_slice %arg2[%dma_wait3A_391, %dma_wait3A_392] : memref<10000x128xf32, #tpu.memory_space<hbm>> -> memref<10000x128xf32, #tpu.memory_space<hbm>>
        tpu.wait_indirect_dma semaphore(%arg22 : memref<!tpu.dma_semaphore, #tpu.memory_space<semaphore_mem>>) src(%dma_wait3A_393 : memref<10000x128xf32, #tpu.memory_space<hbm>>) dst(%arg9 : memref<64x128xf32, #tpu.memory_space<vmem>>)
        %add3A_394 = arith.constant 3 : i32
        %add3A_395 = arith.addi %add3A_362, %add3A_394 : i32
        %lt3A_396 = arith.cmpi slt, %add3A_395, %select_n3A : i32
        %convert_element_type3A_397 = arith.extui %lt3A_396 : i1 to i32
        %cond3A_398 = arith.constant 0 : i32
        %cond3A_399 = arith.cmpi ne, %convert_element_type3A_397, %cond3A_398 : i32
        scf.if %cond3A_399 {
          %add3A_414 = arith.constant 3 : i32
          %add3A_415 = arith.addi %add3A_362, %add3A_414 : i32
          %add3A_416 = arith.addi %select_n3A_18, %add3A_415 : i32
          %mul3A_417 = arith.constant 64 : i32
          %mul3A_418 = arith.muli %add3A_416, %mul3A_417 : i32
          %multiple_of3A_419 = tpu.assume_multiple %mul3A_418, 64 : i32
          %dma_start3A_420 = arith.constant 0 : i32
          %dma_start3A_421 = tpu.memref_slice %arg3[%dma_start3A_420, %multiple_of3A_419] : memref<2x320000xi32, #tpu.memory_space<hbm>> -> memref<1x64xi32, #tpu.memory_space<hbm>>
          %dma_start3A_422 = tpu.memref_squeeze %dma_start3A_421 : memref<1x64xi32, #tpu.memory_space<hbm>> -> memref<64xi32, #tpu.memory_space<hbm>>
          %dma_start3A_423 = tpu.memref_slice %arg3[%dma_start3A_420, %multiple_of3A_419] : memref<2x320000xi32, #tpu.memory_space<hbm>> -> memref<1x64xi32, #tpu.memory_space<hbm>>
          %dma_start3A_424 = tpu.memref_squeeze %dma_start3A_423 : memref<1x64xi32, #tpu.memory_space<hbm>> -> memref<64xi32, #tpu.memory_space<hbm>>
          tpu.enqueue_dma source(%dma_start3A_424 : memref<64xi32, #tpu.memory_space<hbm>>) target(%arg12 : memref<64xi32, #tpu.memory_space<vmem>>) target_semaphore(%arg28 : memref<!tpu.dma_semaphore, #tpu.memory_space<semaphore_mem>>)
          %add3A_425 = arith.addi %select_n3A_18, %add3A_415 : i32
          %mul3A_426 = arith.constant 64 : i32
          %mul3A_427 = arith.muli %add3A_425, %mul3A_426 : i32
          %multiple_of3A_428 = tpu.assume_multiple %mul3A_427, 64 : i32
          %dma_start3A_429 = arith.constant 1 : i32
          %dma_start3A_430 = tpu.memref_slice %arg3[%dma_start3A_429, %multiple_of3A_428] : memref<2x320000xi32, #tpu.memory_space<hbm>> -> memref<1x64xi32, #tpu.memory_space<hbm>>
          %dma_start3A_431 = tpu.memref_squeeze %dma_start3A_430 : memref<1x64xi32, #tpu.memory_space<hbm>> -> memref<64xi32, #tpu.memory_space<hbm>>
          %dma_start3A_432 = tpu.memref_slice %arg3[%dma_start3A_429, %multiple_of3A_428] : memref<2x320000xi32, #tpu.memory_space<hbm>> -> memref<1x64xi32, #tpu.memory_space<hbm>>
          %dma_start3A_433 = tpu.memref_squeeze %dma_start3A_432 : memref<1x64xi32, #tpu.memory_space<hbm>> -> memref<64xi32, #tpu.memory_space<hbm>>
          tpu.enqueue_dma source(%dma_start3A_433 : memref<64xi32, #tpu.memory_space<hbm>>) target(%arg15 : memref<64xi32, #tpu.memory_space<vmem>>) target_semaphore(%arg28 : memref<!tpu.dma_semaphore, #tpu.memory_space<semaphore_mem>>)
        } else {
        }
        %parallel_loop3A = arith.constant 0 : i32
        %parallel_loop3A_400 = arith.constant 64 : i32
        %parallel_loop3A_401 = arith.constant 1 : i32
        scf.for %parallel_loop3A_414 = %parallel_loop3A to %parallel_loop3A_400 step %parallel_loop3A_401  : i32 {
          %parallel_loop3A_415 = arith.index_cast %parallel_loop3A_414 : i32 to index
          %parallel_loop3A_416 = arith.constant 0 : index
          %parallel_loop3A_417 = tpu.vector_load %arg6[%parallel_loop3A_415, %parallel_loop3A_416] {strides = array<i32>} : memref<64x128xf32, #tpu.memory_space<vmem>>, vector<1x16xf32>,
          %parallel_loop3A_418 = vector.shape_cast %parallel_loop3A_417 : vector<1x16xf32> to vector<16xf32>
          %parallel_loop3A_419 = arith.index_cast %parallel_loop3A_414 : i32 to index
          %parallel_loop3A_420 = arith.constant 16 : index
          %parallel_loop3A_421 = tpu.vector_load %arg6[%parallel_loop3A_419, %parallel_loop3A_420] {strides = array<i32>} : memref<64x128xf32, #tpu.memory_space<vmem>>, vector<1x16xf32>,
          %parallel_loop3A_422 = vector.shape_cast %parallel_loop3A_421 : vector<1x16xf32> to vector<16xf32>
          %parallel_loop3A_423 = arith.index_cast %parallel_loop3A_414 : i32 to index
          %parallel_loop3A_424 = arith.constant 32 : index
          %parallel_loop3A_425 = tpu.vector_load %arg6[%parallel_loop3A_423, %parallel_loop3A_424] {strides = array<i32>} : memref<64x128xf32, #tpu.memory_space<vmem>>, vector<1x16xf32>,
          %parallel_loop3A_426 = vector.shape_cast %parallel_loop3A_425 : vector<1x16xf32> to vector<16xf32>
          %parallel_loop3A_427 = arith.index_cast %parallel_loop3A_414 : i32 to index
          %parallel_loop3A_428 = arith.constant 48 : index
          %parallel_loop3A_429 = tpu.vector_load %arg6[%parallel_loop3A_427, %parallel_loop3A_428] {strides = array<i32>} : memref<64x128xf32, #tpu.memory_space<vmem>>, vector<1x16xf32>,
          %parallel_loop3A_430 = vector.shape_cast %parallel_loop3A_429 : vector<1x16xf32> to vector<16xf32>
          %parallel_loop3A_431 = arith.index_cast %parallel_loop3A_414 : i32 to index
          %parallel_loop3A_432 = arith.constant 64 : index
          %parallel_loop3A_433 = tpu.vector_load %arg6[%parallel_loop3A_431, %parallel_loop3A_432] {strides = array<i32>} : memref<64x128xf32, #tpu.memory_space<vmem>>, vector<1x16xf32>,
          %parallel_loop3A_434 = vector.shape_cast %parallel_loop3A_433 : vector<1x16xf32> to vector<16xf32>
          %parallel_loop3A_435 = arith.index_cast %parallel_loop3A_414 : i32 to index
          %parallel_loop3A_436 = arith.constant 80 : index
          %parallel_loop3A_437 = tpu.vector_load %arg6[%parallel_loop3A_435, %parallel_loop3A_436] {strides = array<i32>} : memref<64x128xf32, #tpu.memory_space<vmem>>, vector<1x16xf32>,
          %parallel_loop3A_438 = vector.shape_cast %parallel_loop3A_437 : vector<1x16xf32> to vector<16xf32>
          %parallel_loop3A_439 = arith.index_cast %parallel_loop3A_414 : i32 to index
          %parallel_loop3A_440 = arith.constant 96 : index
          %parallel_loop3A_441 = tpu.vector_load %arg6[%parallel_loop3A_439, %parallel_loop3A_440] {strides = array<i32>} : memref<64x128xf32, #tpu.memory_space<vmem>>, vector<1x16xf32>,
          %parallel_loop3A_442 = vector.shape_cast %parallel_loop3A_441 : vector<1x16xf32> to vector<16xf32>
          %parallel_loop3A_443 = arith.index_cast %parallel_loop3A_414 : i32 to index
          %parallel_loop3A_444 = arith.constant 112 : index
          %parallel_loop3A_445 = tpu.vector_load %arg6[%parallel_loop3A_443, %parallel_loop3A_444] {strides = array<i32>} : memref<64x128xf32, #tpu.memory_space<vmem>>, vector<1x16xf32>,
          %parallel_loop3A_446 = vector.shape_cast %parallel_loop3A_445 : vector<1x16xf32> to vector<16xf32>
          %parallel_loop3A_447 = arith.index_cast %parallel_loop3A_414 : i32 to index
          %parallel_loop3A_448 = arith.constant 0 : index
          %parallel_loop3A_449 = tpu.vector_load %arg9[%parallel_loop3A_447, %parallel_loop3A_448] {strides = array<i32>} : memref<64x128xf32, #tpu.memory_space<vmem>>, vector<1x16xf32>,
          %parallel_loop3A_450 = vector.shape_cast %parallel_loop3A_449 : vector<1x16xf32> to vector<16xf32>
          %parallel_loop3A_451 = arith.index_cast %parallel_loop3A_414 : i32 to index
          %parallel_loop3A_452 = arith.constant 16 : index
          %parallel_loop3A_453 = tpu.vector_load %arg9[%parallel_loop3A_451, %parallel_loop3A_452] {strides = array<i32>} : memref<64x128xf32, #tpu.memory_space<vmem>>, vector<1x16xf32>,
          %parallel_loop3A_454 = vector.shape_cast %parallel_loop3A_453 : vector<1x16xf32> to vector<16xf32>
          %parallel_loop3A_455 = arith.index_cast %parallel_loop3A_414 : i32 to index
          %parallel_loop3A_456 = arith.constant 32 : index
          %parallel_loop3A_457 = tpu.vector_load %arg9[%parallel_loop3A_455, %parallel_loop3A_456] {strides = array<i32>} : memref<64x128xf32, #tpu.memory_space<vmem>>, vector<1x16xf32>,
          %parallel_loop3A_458 = vector.shape_cast %parallel_loop3A_457 : vector<1x16xf32> to vector<16xf32>
          %parallel_loop3A_459 = arith.index_cast %parallel_loop3A_414 : i32 to index
          %parallel_loop3A_460 = arith.constant 48 : index
          %parallel_loop3A_461 = tpu.vector_load %arg9[%parallel_loop3A_459, %parallel_loop3A_460] {strides = array<i32>} : memref<64x128xf32, #tpu.memory_space<vmem>>, vector<1x16xf32>,
          %parallel_loop3A_462 = vector.shape_cast %parallel_loop3A_461 : vector<1x16xf32> to vector<16xf32>
          %parallel_loop3A_463 = arith.index_cast %parallel_loop3A_414 : i32 to index
          %parallel_loop3A_464 = arith.constant 64 : index
          %parallel_loop3A_465 = tpu.vector_load %arg9[%parallel_loop3A_463, %parallel_loop3A_464] {strides = array<i32>} : memref<64x128xf32, #tpu.memory_space<vmem>>, vector<1x16xf32>,
          %parallel_loop3A_466 = vector.shape_cast %parallel_loop3A_465 : vector<1x16xf32> to vector<16xf32>
          %parallel_loop3A_467 = arith.index_cast %parallel_loop3A_414 : i32 to index
          %parallel_loop3A_468 = arith.constant 80 : index
          %parallel_loop3A_469 = tpu.vector_load %arg9[%parallel_loop3A_467, %parallel_loop3A_468] {strides = array<i32>} : memref<64x128xf32, #tpu.memory_space<vmem>>, vector<1x16xf32>,
          %parallel_loop3A_470 = vector.shape_cast %parallel_loop3A_469 : vector<1x16xf32> to vector<16xf32>
          %parallel_loop3A_471 = arith.index_cast %parallel_loop3A_414 : i32 to index
          %parallel_loop3A_472 = arith.constant 96 : index
          %parallel_loop3A_473 = tpu.vector_load %arg9[%parallel_loop3A_471, %parallel_loop3A_472] {strides = array<i32>} : memref<64x128xf32, #tpu.memory_space<vmem>>, vector<1x16xf32>,
          %parallel_loop3A_474 = vector.shape_cast %parallel_loop3A_473 : vector<1x16xf32> to vector<16xf32>
          %parallel_loop3A_475 = arith.index_cast %parallel_loop3A_414 : i32 to index
          %parallel_loop3A_476 = arith.constant 112 : index
          %parallel_loop3A_477 = tpu.vector_load %arg9[%parallel_loop3A_475, %parallel_loop3A_476] {strides = array<i32>} : memref<64x128xf32, #tpu.memory_space<vmem>>, vector<1x16xf32>,
          %parallel_loop3A_478 = vector.shape_cast %parallel_loop3A_477 : vector<1x16xf32> to vector<16xf32>
          %parallel_loop3A_479 = arith.mulf %parallel_loop3A_418, %parallel_loop3A_450 : vector<16xf32>
          %parallel_loop3A_480 = arith.mulf %parallel_loop3A_422, %parallel_loop3A_454 : vector<16xf32>
          %parallel_loop3A_481 = arith.addf %parallel_loop3A_479, %parallel_loop3A_480 : vector<16xf32>
          %parallel_loop3A_482 = arith.mulf %parallel_loop3A_426, %parallel_loop3A_458 : vector<16xf32>
          %parallel_loop3A_483 = arith.addf %parallel_loop3A_481, %parallel_loop3A_482 : vector<16xf32>
          %parallel_loop3A_484 = arith.mulf %parallel_loop3A_430, %parallel_loop3A_462 : vector<16xf32>
          %parallel_loop3A_485 = arith.addf %parallel_loop3A_483, %parallel_loop3A_484 : vector<16xf32>
          %parallel_loop3A_486 = arith.mulf %parallel_loop3A_434, %parallel_loop3A_466 : vector<16xf32>
          %parallel_loop3A_487 = arith.addf %parallel_loop3A_485, %parallel_loop3A_486 : vector<16xf32>
          %parallel_loop3A_488 = arith.mulf %parallel_loop3A_438, %parallel_loop3A_470 : vector<16xf32>
          %parallel_loop3A_489 = arith.addf %parallel_loop3A_487, %parallel_loop3A_488 : vector<16xf32>
          %parallel_loop3A_490 = arith.mulf %parallel_loop3A_442, %parallel_loop3A_474 : vector<16xf32>
          %parallel_loop3A_491 = arith.addf %parallel_loop3A_489, %parallel_loop3A_490 : vector<16xf32>
          %parallel_loop3A_492 = arith.mulf %parallel_loop3A_446, %parallel_loop3A_478 : vector<16xf32>
          %parallel_loop3A_493 = arith.addf %parallel_loop3A_491, %parallel_loop3A_492 : vector<16xf32>
          %parallel_loop3A_494 = tpu.iota {dimensions = array<i32: 0>} : vector<16xi32>
          %parallel_loop3A_495 = arith.constant 8 : i32
          %parallel_loop3A_496 = vector.broadcast %parallel_loop3A_495 : i32 to vector<16xi32>
          %parallel_loop3A_497 = arith.xori %parallel_loop3A_494, %parallel_loop3A_496 : vector<16xi32>
          %parallel_loop3A_498 = arith.constant 0 : i32
          %parallel_loop3A_499 = vector.broadcast %parallel_loop3A_498 : i32 to vector<16xi32>
          %parallel_loop3A_500 = arith.cmpi slt, %parallel_loop3A_497, %parallel_loop3A_499 : vector<16xi32>
          %parallel_loop3A_501 = arith.constant 16 : i32
          %parallel_loop3A_502 = vector.broadcast %parallel_loop3A_501 : i32 to vector<16xi32>
          %parallel_loop3A_503 = arith.addi %parallel_loop3A_497, %parallel_loop3A_502 : vector<16xi32>
          %parallel_loop3A_504 = arith.select %parallel_loop3A_500, %parallel_loop3A_503, %parallel_loop3A_497 : vector<16xi1>, vector<16xi32>
          %parallel_loop3A_505 = vector.shape_cast %parallel_loop3A_504 : vector<16xi32> to vector<16x1xi32>
          %parallel_loop3A_506 = vector.shape_cast %parallel_loop3A_505 : vector<16x1xi32> to vector<16xi32>
          %parallel_loop3A_507 = tpu.dynamic_gather %parallel_loop3A_493[%parallel_loop3A_506] in [0] : vector<16xf32>, vector<16xi32> -> vector<16xf32>
          %parallel_loop3A_508 = arith.addf %parallel_loop3A_493, %parallel_loop3A_507 : vector<16xf32>
          %parallel_loop3A_509 = arith.constant 4 : i32
          %parallel_loop3A_510 = vector.broadcast %parallel_loop3A_509 : i32 to vector<16xi32>
          %parallel_loop3A_511 = arith.xori %parallel_loop3A_494, %parallel_loop3A_510 : vector<16xi32>
          %parallel_loop3A_512 = arith.constant 0 : i32
          %parallel_loop3A_513 = vector.broadcast %parallel_loop3A_512 : i32 to vector<16xi32>
          %parallel_loop3A_514 = arith.cmpi slt, %parallel_loop3A_511, %parallel_loop3A_513 : vector<16xi32>
          %parallel_loop3A_515 = arith.constant 16 : i32
          %parallel_loop3A_516 = vector.broadcast %parallel_loop3A_515 : i32 to vector<16xi32>
          %parallel_loop3A_517 = arith.addi %parallel_loop3A_511, %parallel_loop3A_516 : vector<16xi32>
          %parallel_loop3A_518 = arith.select %parallel_loop3A_514, %parallel_loop3A_517, %parallel_loop3A_511 : vector<16xi1>, vector<16xi32>
          %parallel_loop3A_519 = vector.shape_cast %parallel_loop3A_518 : vector<16xi32> to vector<16x1xi32>
          %parallel_loop3A_520 = vector.shape_cast %parallel_loop3A_519 : vector<16x1xi32> to vector<16xi32>
          %parallel_loop3A_521 = tpu.dynamic_gather %parallel_loop3A_508[%parallel_loop3A_520] in [0] : vector<16xf32>, vector<16xi32> -> vector<16xf32>
          %parallel_loop3A_522 = arith.addf %parallel_loop3A_508, %parallel_loop3A_521 : vector<16xf32>
          %parallel_loop3A_523 = arith.constant 2 : i32
          %parallel_loop3A_524 = vector.broadcast %parallel_loop3A_523 : i32 to vector<16xi32>
          %parallel_loop3A_525 = arith.xori %parallel_loop3A_494, %parallel_loop3A_524 : vector<16xi32>
          %parallel_loop3A_526 = arith.constant 0 : i32
          %parallel_loop3A_527 = vector.broadcast %parallel_loop3A_526 : i32 to vector<16xi32>
          %parallel_loop3A_528 = arith.cmpi slt, %parallel_loop3A_525, %parallel_loop3A_527 : vector<16xi32>
          %parallel_loop3A_529 = arith.constant 16 : i32
          %parallel_loop3A_530 = vector.broadcast %parallel_loop3A_529 : i32 to vector<16xi32>
          %parallel_loop3A_531 = arith.addi %parallel_loop3A_525, %parallel_loop3A_530 : vector<16xi32>
          %parallel_loop3A_532 = arith.select %parallel_loop3A_528, %parallel_loop3A_531, %parallel_loop3A_525 : vector<16xi1>, vector<16xi32>
          %parallel_loop3A_533 = vector.shape_cast %parallel_loop3A_532 : vector<16xi32> to vector<16x1xi32>
          %parallel_loop3A_534 = vector.shape_cast %parallel_loop3A_533 : vector<16x1xi32> to vector<16xi32>
          %parallel_loop3A_535 = tpu.dynamic_gather %parallel_loop3A_522[%parallel_loop3A_534] in [0] : vector<16xf32>, vector<16xi32> -> vector<16xf32>
          %parallel_loop3A_536 = arith.addf %parallel_loop3A_522, %parallel_loop3A_535 : vector<16xf32>
          %parallel_loop3A_537 = arith.constant 1 : i32
          %parallel_loop3A_538 = vector.broadcast %parallel_loop3A_537 : i32 to vector<16xi32>
          %parallel_loop3A_539 = arith.xori %parallel_loop3A_494, %parallel_loop3A_538 : vector<16xi32>
          %parallel_loop3A_540 = arith.constant 0 : i32
          %parallel_loop3A_541 = vector.broadcast %parallel_loop3A_540 : i32 to vector<16xi32>
          %parallel_loop3A_542 = arith.cmpi slt, %parallel_loop3A_539, %parallel_loop3A_541 : vector<16xi32>
          %parallel_loop3A_543 = arith.constant 16 : i32
          %parallel_loop3A_544 = vector.broadcast %parallel_loop3A_543 : i32 to vector<16xi32>
          %parallel_loop3A_545 = arith.addi %parallel_loop3A_539, %parallel_loop3A_544 : vector<16xi32>
          %parallel_loop3A_546 = arith.select %parallel_loop3A_542, %parallel_loop3A_545, %parallel_loop3A_539 : vector<16xi1>, vector<16xi32>
          %parallel_loop3A_547 = vector.shape_cast %parallel_loop3A_546 : vector<16xi32> to vector<16x1xi32>
          %parallel_loop3A_548 = vector.shape_cast %parallel_loop3A_547 : vector<16x1xi32> to vector<16xi32>
          %parallel_loop3A_549 = tpu.dynamic_gather %parallel_loop3A_536[%parallel_loop3A_548] in [0] : vector<16xf32>, vector<16xi32> -> vector<16xf32>
          %parallel_loop3A_550 = arith.addf %parallel_loop3A_536, %parallel_loop3A_549 : vector<16xf32>
          %parallel_loop3A_551 = arith.mulf %parallel_loop3A_418, %parallel_loop3A_550 : vector<16xf32>
          %parallel_loop3A_552 = arith.index_cast %parallel_loop3A_414 : i32 to index
          %parallel_loop3A_553 = arith.constant 0 : index
          %parallel_loop3A_554 = tpu.vector_load %arg6[%parallel_loop3A_552, %parallel_loop3A_553] {strides = array<i32>} : memref<64x128xf32, #tpu.memory_space<vmem>>, vector<1x16xf32>,
          %parallel_loop3A_555 = vector.shape_cast %parallel_loop3A_554 : vector<1x16xf32> to vector<16xf32>
          %parallel_loop3A_556 = vector.shape_cast %parallel_loop3A_551 : vector<16xf32> to vector<1x16xf32>
          tpu.vector_store %arg6[%parallel_loop3A_552, %parallel_loop3A_553], %parallel_loop3A_556 {strides = array<i32>} : memref<64x128xf32, #tpu.memory_space<vmem>>, vector<1x16xf32>,
          %parallel_loop3A_557 = arith.mulf %parallel_loop3A_422, %parallel_loop3A_550 : vector<16xf32>
          %parallel_loop3A_558 = arith.index_cast %parallel_loop3A_414 : i32 to index
          %parallel_loop3A_559 = arith.constant 16 : index
          %parallel_loop3A_560 = tpu.vector_load %arg6[%parallel_loop3A_558, %parallel_loop3A_559] {strides = array<i32>} : memref<64x128xf32, #tpu.memory_space<vmem>>, vector<1x16xf32>,
          %parallel_loop3A_561 = vector.shape_cast %parallel_loop3A_560 : vector<1x16xf32> to vector<16xf32>
          %parallel_loop3A_562 = vector.shape_cast %parallel_loop3A_557 : vector<16xf32> to vector<1x16xf32>
          tpu.vector_store %arg6[%parallel_loop3A_558, %parallel_loop3A_559], %parallel_loop3A_562 {strides = array<i32>} : memref<64x128xf32, #tpu.memory_space<vmem>>, vector<1x16xf32>,
          %parallel_loop3A_563 = arith.mulf %parallel_loop3A_426, %parallel_loop3A_550 : vector<16xf32>
          %parallel_loop3A_564 = arith.index_cast %parallel_loop3A_414 : i32 to index
          %parallel_loop3A_565 = arith.constant 32 : index
          %parallel_loop3A_566 = tpu.vector_load %arg6[%parallel_loop3A_564, %parallel_loop3A_565] {strides = array<i32>} : memref<64x128xf32, #tpu.memory_space<vmem>>, vector<1x16xf32>,
          %parallel_loop3A_567 = vector.shape_cast %parallel_loop3A_566 : vector<1x16xf32> to vector<16xf32>
          %parallel_loop3A_568 = vector.shape_cast %parallel_loop3A_563 : vector<16xf32> to vector<1x16xf32>
          tpu.vector_store %arg6[%parallel_loop3A_564, %parallel_loop3A_565], %parallel_loop3A_568 {strides = array<i32>} : memref<64x128xf32, #tpu.memory_space<vmem>>, vector<1x16xf32>,
          %parallel_loop3A_569 = arith.mulf %parallel_loop3A_430, %parallel_loop3A_550 : vector<16xf32>
          %parallel_loop3A_570 = arith.index_cast %parallel_loop3A_414 : i32 to index
          %parallel_loop3A_571 = arith.constant 48 : index
          %parallel_loop3A_572 = tpu.vector_load %arg6[%parallel_loop3A_570, %parallel_loop3A_571] {strides = array<i32>} : memref<64x128xf32, #tpu.memory_space<vmem>>, vector<1x16xf32>,
          %parallel_loop3A_573 = vector.shape_cast %parallel_loop3A_572 : vector<1x16xf32> to vector<16xf32>
          %parallel_loop3A_574 = vector.shape_cast %parallel_loop3A_569 : vector<16xf32> to vector<1x16xf32>
          tpu.vector_store %arg6[%parallel_loop3A_570, %parallel_loop3A_571], %parallel_loop3A_574 {strides = array<i32>} : memref<64x128xf32, #tpu.memory_space<vmem>>, vector<1x16xf32>,
          %parallel_loop3A_575 = arith.mulf %parallel_loop3A_434, %parallel_loop3A_550 : vector<16xf32>
          %parallel_loop3A_576 = arith.index_cast %parallel_loop3A_414 : i32 to index
          %parallel_loop3A_577 = arith.constant 64 : index
          %parallel_loop3A_578 = tpu.vector_load %arg6[%parallel_loop3A_576, %parallel_loop3A_577] {strides = array<i32>} : memref<64x128xf32, #tpu.memory_space<vmem>>, vector<1x16xf32>,
          %parallel_loop3A_579 = vector.shape_cast %parallel_loop3A_578 : vector<1x16xf32> to vector<16xf32>
          %parallel_loop3A_580 = vector.shape_cast %parallel_loop3A_575 : vector<16xf32> to vector<1x16xf32>
          tpu.vector_store %arg6[%parallel_loop3A_576, %parallel_loop3A_577], %parallel_loop3A_580 {strides = array<i32>} : memref<64x128xf32, #tpu.memory_space<vmem>>, vector<1x16xf32>,
          %parallel_loop3A_581 = arith.mulf %parallel_loop3A_438, %parallel_loop3A_550 : vector<16xf32>
          %parallel_loop3A_582 = arith.index_cast %parallel_loop3A_414 : i32 to index
          %parallel_loop3A_583 = arith.constant 80 : index
          %parallel_loop3A_584 = tpu.vector_load %arg6[%parallel_loop3A_582, %parallel_loop3A_583] {strides = array<i32>} : memref<64x128xf32, #tpu.memory_space<vmem>>, vector<1x16xf32>,
          %parallel_loop3A_585 = vector.shape_cast %parallel_loop3A_584 : vector<1x16xf32> to vector<16xf32>
          %parallel_loop3A_586 = vector.shape_cast %parallel_loop3A_581 : vector<16xf32> to vector<1x16xf32>
          tpu.vector_store %arg6[%parallel_loop3A_582, %parallel_loop3A_583], %parallel_loop3A_586 {strides = array<i32>} : memref<64x128xf32, #tpu.memory_space<vmem>>, vector<1x16xf32>,
          %parallel_loop3A_587 = arith.mulf %parallel_loop3A_442, %parallel_loop3A_550 : vector<16xf32>
          %parallel_loop3A_588 = arith.index_cast %parallel_loop3A_414 : i32 to index
          %parallel_loop3A_589 = arith.constant 96 : index
          %parallel_loop3A_590 = tpu.vector_load %arg6[%parallel_loop3A_588, %parallel_loop3A_589] {strides = array<i32>} : memref<64x128xf32, #tpu.memory_space<vmem>>, vector<1x16xf32>,
          %parallel_loop3A_591 = vector.shape_cast %parallel_loop3A_590 : vector<1x16xf32> to vector<16xf32>
          %parallel_loop3A_592 = vector.shape_cast %parallel_loop3A_587 : vector<16xf32> to vector<1x16xf32>
          tpu.vector_store %arg6[%parallel_loop3A_588, %parallel_loop3A_589], %parallel_loop3A_592 {strides = array<i32>} : memref<64x128xf32, #tpu.memory_space<vmem>>, vector<1x16xf32>,
          %parallel_loop3A_593 = arith.mulf %parallel_loop3A_446, %parallel_loop3A_550 : vector<16xf32>
          %parallel_loop3A_594 = arith.index_cast %parallel_loop3A_414 : i32 to index
          %parallel_loop3A_595 = arith.constant 112 : index
          %parallel_loop3A_596 = tpu.vector_load %arg6[%parallel_loop3A_594, %parallel_loop3A_595] {strides = array<i32>} : memref<64x128xf32, #tpu.memory_space<vmem>>, vector<1x16xf32>,
          %parallel_loop3A_597 = vector.shape_cast %parallel_loop3A_596 : vector<1x16xf32> to vector<16xf32>
          %parallel_loop3A_598 = vector.shape_cast %parallel_loop3A_593 : vector<16xf32> to vector<1x16xf32>
          tpu.vector_store %arg6[%parallel_loop3A_594, %parallel_loop3A_595], %parallel_loop3A_598 {strides = array<i32>} : memref<64x128xf32, #tpu.memory_space<vmem>>, vector<1x16xf32>,
        } {sc.loop_unroll_factor = 4 : i64, sc.parallel_access}
        %add3A_402 = arith.addi %select_n3A_18, %add3A_362 : i32
        %mul3A_403 = arith.constant 64 : i32
        %mul3A_404 = arith.muli %add3A_402, %mul3A_403 : i32
        %multiple_of3A_405 = tpu.assume_multiple %mul3A_404, 64 : i32
        %dma_wait3A_406 = arith.constant 1 : i32
        %dma_wait3A_407 = tpu.memref_slice %arg3[%dma_wait3A_406, %multiple_of3A_405] : memref<2x320000xi32, #tpu.memory_space<hbm>> -> memref<1x64xi32, #tpu.memory_space<hbm>>
        %dma_wait3A_408 = tpu.memref_squeeze %dma_wait3A_407 : memref<1x64xi32, #tpu.memory_space<hbm>> -> memref<64xi32, #tpu.memory_space<hbm>>
        %dma_wait3A_409 = tpu.memref_slice %arg3[%dma_wait3A_406, %multiple_of3A_405] : memref<2x320000xi32, #tpu.memory_space<hbm>> -> memref<1x64xi32, #tpu.memory_space<hbm>>
        %dma_wait3A_410 = tpu.memref_squeeze %dma_wait3A_409 : memref<1x64xi32, #tpu.memory_space<hbm>> -> memref<64xi32, #tpu.memory_space<hbm>>
        tpu.wait_dma2 semaphore(%arg31 : memref<!tpu.dma_semaphore, #tpu.memory_space<semaphore_mem>>) src(%dma_wait3A_410 : memref<64xi32, #tpu.memory_space<hbm>>) dst(%arg18 : memref<64xi32, #tpu.memory_space<vmem>>)
        %dma_start3A_411 = arith.constant 0 : i32
        %dma_start3A_412 = arith.constant 0 : i32
        %dma_start3A_413 = tpu.memref_slice %arg20[%dma_start3A_411, %dma_start3A_412] : memref<10000x128xf32, #tpu.memory_space<vmem_shared>> -> memref<10000x128xf32, #tpu.memory_space<vmem_shared>>
        tpu.enqueue_indirect_dma source(%arg6 : memref<64x128xf32, #tpu.memory_space<vmem>>) target(%dma_start3A_413 : memref<10000x128xf32, #tpu.memory_space<vmem_shared>>) offsets(%arg18 : memref<64xi32, #tpu.memory_space<vmem>>) semaphore(%arg25 : memref<!tpu.dma_semaphore, #tpu.memory_space<semaphore_mem>>) {add = true}
      } else {
      }
      %add3A_367 = arith.constant 2 : i32
      %add3A_368 = arith.addi %add3A_362, %add3A_367 : i32
      %lt3A_369 = arith.cmpi slt, %add3A_368, %select_n3A : i32
      %convert_element_type3A_370 = arith.extui %lt3A_369 : i1 to i32
      %cond3A_371 = arith.constant 0 : i32
      %cond3A_372 = arith.cmpi ne, %convert_element_type3A_370, %cond3A_371 : i32
      scf.if %cond3A_372 {
        %dma_wait3A_388 = arith.constant 0 : i32
        %dma_wait3A_389 = arith.constant 0 : i32
        %dma_wait3A_390 = tpu.memref_slice %arg20[%dma_wait3A_388, %dma_wait3A_389] : memref<10000x128xf32, #tpu.memory_space<vmem_shared>> -> memref<10000x128xf32, #tpu.memory_space<vmem_shared>>
        tpu.wait_indirect_dma semaphore(%arg24 : memref<!tpu.dma_semaphore, #tpu.memory_space<semaphore_mem>>) src(%arg5 : memref<64x128xf32, #tpu.memory_space<vmem>>) dst(%dma_wait3A_390 : memref<10000x128xf32, #tpu.memory_space<vmem_shared>>)
        %add3A_391 = arith.constant 2 : i32
        %add3A_392 = arith.addi %add3A_362, %add3A_391 : i32
        %add3A_393 = arith.addi %select_n3A_18, %add3A_392 : i32
        %mul3A_394 = arith.constant 64 : i32
        %mul3A_395 = arith.muli %add3A_393, %mul3A_394 : i32
        %multiple_of3A_396 = tpu.assume_multiple %mul3A_395, 64 : i32
        %dma_wait3A_397 = arith.constant 0 : i32
        %dma_wait3A_398 = tpu.memref_slice %arg3[%dma_wait3A_397, %multiple_of3A_396] : memref<2x320000xi32, #tpu.memory_space<hbm>> -> memref<1x64xi32, #tpu.memory_space<hbm>>
        %dma_wait3A_399 = tpu.memref_squeeze %dma_wait3A_398 : memref<1x64xi32, #tpu.memory_space<hbm>> -> memref<64xi32, #tpu.memory_space<hbm>>
        %dma_wait3A_400 = tpu.memref_slice %arg3[%dma_wait3A_397, %multiple_of3A_396] : memref<2x320000xi32, #tpu.memory_space<hbm>> -> memref<1x64xi32, #tpu.memory_space<hbm>>
        %dma_wait3A_401 = tpu.memref_squeeze %dma_wait3A_400 : memref<1x64xi32, #tpu.memory_space<hbm>> -> memref<64xi32, #tpu.memory_space<hbm>>
        tpu.wait_dma2 semaphore(%arg27 : memref<!tpu.dma_semaphore, #tpu.memory_space<semaphore_mem>>) src(%dma_wait3A_401 : memref<64xi32, #tpu.memory_space<hbm>>) dst(%arg11 : memref<64xi32, #tpu.memory_space<vmem>>)
        %add3A_402 = arith.addi %select_n3A_18, %add3A_392 : i32
        %mul3A_403 = arith.constant 64 : i32
        %mul3A_404 = arith.muli %add3A_402, %mul3A_403 : i32
        %multiple_of3A_405 = tpu.assume_multiple %mul3A_404, 64 : i32
        %dma_wait3A_406 = arith.constant 1 : i32
        %dma_wait3A_407 = tpu.memref_slice %arg3[%dma_wait3A_406, %multiple_of3A_405] : memref<2x320000xi32, #tpu.memory_space<hbm>> -> memref<1x64xi32, #tpu.memory_space<hbm>>
        %dma_wait3A_408 = tpu.memref_squeeze %dma_wait3A_407 : memref<1x64xi32, #tpu.memory_space<hbm>> -> memref<64xi32, #tpu.memory_space<hbm>>
        %dma_wait3A_409 = tpu.memref_slice %arg3[%dma_wait3A_406, %multiple_of3A_405] : memref<2x320000xi32, #tpu.memory_space<hbm>> -> memref<1x64xi32, #tpu.memory_space<hbm>>
        %dma_wait3A_410 = tpu.memref_squeeze %dma_wait3A_409 : memref<1x64xi32, #tpu.memory_space<hbm>> -> memref<64xi32, #tpu.memory_space<hbm>>
        tpu.wait_dma2 semaphore(%arg27 : memref<!tpu.dma_semaphore, #tpu.memory_space<semaphore_mem>>) src(%dma_wait3A_410 : memref<64xi32, #tpu.memory_space<hbm>>) dst(%arg14 : memref<64xi32, #tpu.memory_space<vmem>>)
        %dma_start3A_411 = arith.constant 0 : i32
        %dma_start3A_412 = arith.constant 0 : i32
        %dma_start3A_413 = tpu.memref_slice %arg2[%dma_start3A_411, %dma_start3A_412] : memref<10000x128xf32, #tpu.memory_space<hbm>> -> memref<10000x128xf32, #tpu.memory_space<hbm>>
        tpu.enqueue_indirect_dma source(%dma_start3A_413 : memref<10000x128xf32, #tpu.memory_space<hbm>>) target(%arg5 : memref<64x128xf32, #tpu.memory_space<vmem>>) offsets(%arg11 : memref<64xi32, #tpu.memory_space<vmem>>) semaphore(%arg21 : memref<!tpu.dma_semaphore, #tpu.memory_space<semaphore_mem>>)
        %dma_start3A_414 = arith.constant 0 : i32
        %dma_start3A_415 = arith.constant 0 : i32
        %dma_start3A_416 = tpu.memref_slice %arg2[%dma_start3A_414, %dma_start3A_415] : memref<10000x128xf32, #tpu.memory_space<hbm>> -> memref<10000x128xf32, #tpu.memory_space<hbm>>
        tpu.enqueue_indirect_dma source(%dma_start3A_416 : memref<10000x128xf32, #tpu.memory_space<hbm>>) target(%arg8 : memref<64x128xf32, #tpu.memory_space<vmem>>) offsets(%arg14 : memref<64xi32, #tpu.memory_space<vmem>>) semaphore(%arg21 : memref<!tpu.dma_semaphore, #tpu.memory_space<semaphore_mem>>)
        %add3A_417 = arith.constant 2 : i32
        %add3A_418 = arith.addi %add3A_362, %add3A_417 : i32
        %add3A_419 = arith.addi %select_n3A_18, %add3A_418 : i32
        %mul3A_420 = arith.constant 64 : i32
        %mul3A_421 = arith.muli %add3A_419, %mul3A_420 : i32
        %multiple_of3A_422 = tpu.assume_multiple %mul3A_421, 64 : i32
        %dma_start3A_423 = arith.constant 1 : i32
        %dma_start3A_424 = tpu.memref_slice %arg3[%dma_start3A_423, %multiple_of3A_422] : memref<2x320000xi32, #tpu.memory_space<hbm>> -> memref<1x64xi32, #tpu.memory_space<hbm>>
        %dma_start3A_425 = tpu.memref_squeeze %dma_start3A_424 : memref<1x64xi32, #tpu.memory_space<hbm>> -> memref<64xi32, #tpu.memory_space<hbm>>
        %dma_start3A_426 = tpu.memref_slice %arg3[%dma_start3A_423, %multiple_of3A_422] : memref<2x320000xi32, #tpu.memory_space<hbm>> -> memref<1x64xi32, #tpu.memory_space<hbm>>
        %dma_start3A_427 = tpu.memref_squeeze %dma_start3A_426 : memref<1x64xi32, #tpu.memory_space<hbm>> -> memref<64xi32, #tpu.memory_space<hbm>>
        tpu.enqueue_dma source(%dma_start3A_427 : memref<64xi32, #tpu.memory_space<hbm>>) target(%arg17 : memref<64xi32, #tpu.memory_space<vmem>>) target_semaphore(%arg30 : memref<!tpu.dma_semaphore, #tpu.memory_space<semaphore_mem>>)
      } else {
      }
      %mul3A_373 = arith.constant 3 : i32
      %mul3A_374 = arith.muli %mul3A_373, %while3A_343 : i32
      %add3A_375 = arith.constant 2 : i32
      %add3A_376 = arith.addi %mul3A_374, %add3A_375 : i32
      %lt3A_377 = arith.cmpi slt, %add3A_376, %select_n3A : i32
      %convert_element_type3A_378 = arith.extui %lt3A_377 : i1 to i32
      %cond3A_379 = arith.constant 0 : i32
      %cond3A_380 = arith.cmpi ne, %convert_element_type3A_378, %cond3A_379 : i32
      scf.if %cond3A_380 {
        %dma_wait3A_388 = arith.constant 0 : i32
        %dma_wait3A_389 = arith.constant 0 : i32
        %dma_wait3A_390 = tpu.memref_slice %arg2[%dma_wait3A_388, %dma_wait3A_389] : memref<10000x128xf32, #tpu.memory_space<hbm>> -> memref<10000x128xf32, #tpu.memory_space<hbm>>
        tpu.wait_indirect_dma semaphore(%arg23 : memref<!tpu.dma_semaphore, #tpu.memory_space<semaphore_mem>>) src(%dma_wait3A_390 : memref<10000x128xf32, #tpu.memory_space<hbm>>) dst(%arg7 : memref<64x128xf32, #tpu.memory_space<vmem>>)
        %dma_wait3A_391 = arith.constant 0 : i32
        %dma_wait3A_392 = arith.constant 0 : i32
        %dma_wait3A_393 = tpu.memref_slice %arg2[%dma_wait3A_391, %dma_wait3A_392] : memref<10000x128xf32, #tpu.memory_space<hbm>> -> memref<10000x128xf32, #tpu.memory_space<hbm>>
        tpu.wait_indirect_dma semaphore(%arg23 : memref<!tpu.dma_semaphore, #tpu.memory_space<semaphore_mem>>) src(%dma_wait3A_393 : memref<10000x128xf32, #tpu.memory_space<hbm>>) dst(%arg10 : memref<64x128xf32, #tpu.memory_space<vmem>>)
        %add3A_394 = arith.constant 3 : i32
        %add3A_395 = arith.addi %add3A_376, %add3A_394 : i32
        %lt3A_396 = arith.cmpi slt, %add3A_395, %select_n3A : i32
        %convert_element_type3A_397 = arith.extui %lt3A_396 : i1 to i32
        %cond3A_398 = arith.constant 0 : i32
        %cond3A_399 = arith.cmpi ne, %convert_element_type3A_397, %cond3A_398 : i32
        scf.if %cond3A_399 {
          %add3A_414 = arith.constant 3 : i32
          %add3A_415 = arith.addi %add3A_376, %add3A_414 : i32
          %add3A_416 = arith.addi %select_n3A_18, %add3A_415 : i32
          %mul3A_417 = arith.constant 64 : i32
          %mul3A_418 = arith.muli %add3A_416, %mul3A_417 : i32
          %multiple_of3A_419 = tpu.assume_multiple %mul3A_418, 64 : i32
          %dma_start3A_420 = arith.constant 0 : i32
          %dma_start3A_421 = tpu.memref_slice %arg3[%dma_start3A_420, %multiple_of3A_419] : memref<2x320000xi32, #tpu.memory_space<hbm>> -> memref<1x64xi32, #tpu.memory_space<hbm>>
          %dma_start3A_422 = tpu.memref_squeeze %dma_start3A_421 : memref<1x64xi32, #tpu.memory_space<hbm>> -> memref<64xi32, #tpu.memory_space<hbm>>
          %dma_start3A_423 = tpu.memref_slice %arg3[%dma_start3A_420, %multiple_of3A_419] : memref<2x320000xi32, #tpu.memory_space<hbm>> -> memref<1x64xi32, #tpu.memory_space<hbm>>
          %dma_start3A_424 = tpu.memref_squeeze %dma_start3A_423 : memref<1x64xi32, #tpu.memory_space<hbm>> -> memref<64xi32, #tpu.memory_space<hbm>>
          tpu.enqueue_dma source(%dma_start3A_424 : memref<64xi32, #tpu.memory_space<hbm>>) target(%arg13 : memref<64xi32, #tpu.memory_space<vmem>>) target_semaphore(%arg29 : memref<!tpu.dma_semaphore, #tpu.memory_space<semaphore_mem>>)
          %add3A_425 = arith.addi %select_n3A_18, %add3A_415 : i32
          %mul3A_426 = arith.constant 64 : i32
          %mul3A_427 = arith.muli %add3A_425, %mul3A_426 : i32
          %multiple_of3A_428 = tpu.assume_multiple %mul3A_427, 64 : i32
          %dma_start3A_429 = arith.constant 1 : i32
          %dma_start3A_430 = tpu.memref_slice %arg3[%dma_start3A_429, %multiple_of3A_428] : memref<2x320000xi32, #tpu.memory_space<hbm>> -> memref<1x64xi32, #tpu.memory_space<hbm>>
          %dma_start3A_431 = tpu.memref_squeeze %dma_start3A_430 : memref<1x64xi32, #tpu.memory_space<hbm>> -> memref<64xi32, #tpu.memory_space<hbm>>
          %dma_start3A_432 = tpu.memref_slice %arg3[%dma_start3A_429, %multiple_of3A_428] : memref<2x320000xi32, #tpu.memory_space<hbm>> -> memref<1x64xi32, #tpu.memory_space<hbm>>
          %dma_start3A_433 = tpu.memref_squeeze %dma_start3A_432 : memref<1x64xi32, #tpu.memory_space<hbm>> -> memref<64xi32, #tpu.memory_space<hbm>>
          tpu.enqueue_dma source(%dma_start3A_433 : memref<64xi32, #tpu.memory_space<hbm>>) target(%arg16 : memref<64xi32, #tpu.memory_space<vmem>>) target_semaphore(%arg29 : memref<!tpu.dma_semaphore, #tpu.memory_space<semaphore_mem>>)
        } else {
        }
        %parallel_loop3A = arith.constant 0 : i32
        %parallel_loop3A_400 = arith.constant 64 : i32
        %parallel_loop3A_401 = arith.constant 1 : i32
        scf.for %parallel_loop3A_414 = %parallel_loop3A to %parallel_loop3A_400 step %parallel_loop3A_401  : i32 {
          %parallel_loop3A_415 = arith.index_cast %parallel_loop3A_414 : i32 to index
          %parallel_loop3A_416 = arith.constant 0 : index
          %parallel_loop3A_417 = tpu.vector_load %arg7[%parallel_loop3A_415, %parallel_loop3A_416] {strides = array<i32>} : memref<64x128xf32, #tpu.memory_space<vmem>>, vector<1x16xf32>,
          %parallel_loop3A_418 = vector.shape_cast %parallel_loop3A_417 : vector<1x16xf32> to vector<16xf32>
          %parallel_loop3A_419 = arith.index_cast %parallel_loop3A_414 : i32 to index
          %parallel_loop3A_420 = arith.constant 16 : index
          %parallel_loop3A_421 = tpu.vector_load %arg7[%parallel_loop3A_419, %parallel_loop3A_420] {strides = array<i32>} : memref<64x128xf32, #tpu.memory_space<vmem>>, vector<1x16xf32>,
          %parallel_loop3A_422 = vector.shape_cast %parallel_loop3A_421 : vector<1x16xf32> to vector<16xf32>
          %parallel_loop3A_423 = arith.index_cast %parallel_loop3A_414 : i32 to index
          %parallel_loop3A_424 = arith.constant 32 : index
          %parallel_loop3A_425 = tpu.vector_load %arg7[%parallel_loop3A_423, %parallel_loop3A_424] {strides = array<i32>} : memref<64x128xf32, #tpu.memory_space<vmem>>, vector<1x16xf32>,
          %parallel_loop3A_426 = vector.shape_cast %parallel_loop3A_425 : vector<1x16xf32> to vector<16xf32>
          %parallel_loop3A_427 = arith.index_cast %parallel_loop3A_414 : i32 to index
          %parallel_loop3A_428 = arith.constant 48 : index
          %parallel_loop3A_429 = tpu.vector_load %arg7[%parallel_loop3A_427, %parallel_loop3A_428] {strides = array<i32>} : memref<64x128xf32, #tpu.memory_space<vmem>>, vector<1x16xf32>,
          %parallel_loop3A_430 = vector.shape_cast %parallel_loop3A_429 : vector<1x16xf32> to vector<16xf32>
          %parallel_loop3A_431 = arith.index_cast %parallel_loop3A_414 : i32 to index
          %parallel_loop3A_432 = arith.constant 64 : index
          %parallel_loop3A_433 = tpu.vector_load %arg7[%parallel_loop3A_431, %parallel_loop3A_432] {strides = array<i32>} : memref<64x128xf32, #tpu.memory_space<vmem>>, vector<1x16xf32>,
          %parallel_loop3A_434 = vector.shape_cast %parallel_loop3A_433 : vector<1x16xf32> to vector<16xf32>
          %parallel_loop3A_435 = arith.index_cast %parallel_loop3A_414 : i32 to index
          %parallel_loop3A_436 = arith.constant 80 : index
          %parallel_loop3A_437 = tpu.vector_load %arg7[%parallel_loop3A_435, %parallel_loop3A_436] {strides = array<i32>} : memref<64x128xf32, #tpu.memory_space<vmem>>, vector<1x16xf32>,
          %parallel_loop3A_438 = vector.shape_cast %parallel_loop3A_437 : vector<1x16xf32> to vector<16xf32>
          %parallel_loop3A_439 = arith.index_cast %parallel_loop3A_414 : i32 to index
          %parallel_loop3A_440 = arith.constant 96 : index
          %parallel_loop3A_441 = tpu.vector_load %arg7[%parallel_loop3A_439, %parallel_loop3A_440] {strides = array<i32>} : memref<64x128xf32, #tpu.memory_space<vmem>>, vector<1x16xf32>,
          %parallel_loop3A_442 = vector.shape_cast %parallel_loop3A_441 : vector<1x16xf32> to vector<16xf32>
          %parallel_loop3A_443 = arith.index_cast %parallel_loop3A_414 : i32 to index
          %parallel_loop3A_444 = arith.constant 112 : index
          %parallel_loop3A_445 = tpu.vector_load %arg7[%parallel_loop3A_443, %parallel_loop3A_444] {strides = array<i32>} : memref<64x128xf32, #tpu.memory_space<vmem>>, vector<1x16xf32>,
          %parallel_loop3A_446 = vector.shape_cast %parallel_loop3A_445 : vector<1x16xf32> to vector<16xf32>
          %parallel_loop3A_447 = arith.index_cast %parallel_loop3A_414 : i32 to index
          %parallel_loop3A_448 = arith.constant 0 : index
          %parallel_loop3A_449 = tpu.vector_load %arg10[%parallel_loop3A_447, %parallel_loop3A_448] {strides = array<i32>} : memref<64x128xf32, #tpu.memory_space<vmem>>, vector<1x16xf32>,
          %parallel_loop3A_450 = vector.shape_cast %parallel_loop3A_449 : vector<1x16xf32> to vector<16xf32>
          %parallel_loop3A_451 = arith.index_cast %parallel_loop3A_414 : i32 to index
          %parallel_loop3A_452 = arith.constant 16 : index
          %parallel_loop3A_453 = tpu.vector_load %arg10[%parallel_loop3A_451, %parallel_loop3A_452] {strides = array<i32>} : memref<64x128xf32, #tpu.memory_space<vmem>>, vector<1x16xf32>,
          %parallel_loop3A_454 = vector.shape_cast %parallel_loop3A_453 : vector<1x16xf32> to vector<16xf32>
          %parallel_loop3A_455 = arith.index_cast %parallel_loop3A_414 : i32 to index
          %parallel_loop3A_456 = arith.constant 32 : index
          %parallel_loop3A_457 = tpu.vector_load %arg10[%parallel_loop3A_455, %parallel_loop3A_456] {strides = array<i32>} : memref<64x128xf32, #tpu.memory_space<vmem>>, vector<1x16xf32>,
          %parallel_loop3A_458 = vector.shape_cast %parallel_loop3A_457 : vector<1x16xf32> to vector<16xf32>
          %parallel_loop3A_459 = arith.index_cast %parallel_loop3A_414 : i32 to index
          %parallel_loop3A_460 = arith.constant 48 : index
          %parallel_loop3A_461 = tpu.vector_load %arg10[%parallel_loop3A_459, %parallel_loop3A_460] {strides = array<i32>} : memref<64x128xf32, #tpu.memory_space<vmem>>, vector<1x16xf32>,
          %parallel_loop3A_462 = vector.shape_cast %parallel_loop3A_461 : vector<1x16xf32> to vector<16xf32>
          %parallel_loop3A_463 = arith.index_cast %parallel_loop3A_414 : i32 to index
          %parallel_loop3A_464 = arith.constant 64 : index
          %parallel_loop3A_465 = tpu.vector_load %arg10[%parallel_loop3A_463, %parallel_loop3A_464] {strides = array<i32>} : memref<64x128xf32, #tpu.memory_space<vmem>>, vector<1x16xf32>,
          %parallel_loop3A_466 = vector.shape_cast %parallel_loop3A_465 : vector<1x16xf32> to vector<16xf32>
          %parallel_loop3A_467 = arith.index_cast %parallel_loop3A_414 : i32 to index
          %parallel_loop3A_468 = arith.constant 80 : index
          %parallel_loop3A_469 = tpu.vector_load %arg10[%parallel_loop3A_467, %parallel_loop3A_468] {strides = array<i32>} : memref<64x128xf32, #tpu.memory_space<vmem>>, vector<1x16xf32>,
          %parallel_loop3A_470 = vector.shape_cast %parallel_loop3A_469 : vector<1x16xf32> to vector<16xf32>
          %parallel_loop3A_471 = arith.index_cast %parallel_loop3A_414 : i32 to index
          %parallel_loop3A_472 = arith.constant 96 : index
          %parallel_loop3A_473 = tpu.vector_load %arg10[%parallel_loop3A_471, %parallel_loop3A_472] {strides = array<i32>} : memref<64x128xf32, #tpu.memory_space<vmem>>, vector<1x16xf32>,
          %parallel_loop3A_474 = vector.shape_cast %parallel_loop3A_473 : vector<1x16xf32> to vector<16xf32>
          %parallel_loop3A_475 = arith.index_cast %parallel_loop3A_414 : i32 to index
          %parallel_loop3A_476 = arith.constant 112 : index
          %parallel_loop3A_477 = tpu.vector_load %arg10[%parallel_loop3A_475, %parallel_loop3A_476] {strides = array<i32>} : memref<64x128xf32, #tpu.memory_space<vmem>>, vector<1x16xf32>,
          %parallel_loop3A_478 = vector.shape_cast %parallel_loop3A_477 : vector<1x16xf32> to vector<16xf32>
          %parallel_loop3A_479 = arith.mulf %parallel_loop3A_418, %parallel_loop3A_450 : vector<16xf32>
          %parallel_loop3A_480 = arith.mulf %parallel_loop3A_422, %parallel_loop3A_454 : vector<16xf32>
          %parallel_loop3A_481 = arith.addf %parallel_loop3A_479, %parallel_loop3A_480 : vector<16xf32>
          %parallel_loop3A_482 = arith.mulf %parallel_loop3A_426, %parallel_loop3A_458 : vector<16xf32>
          %parallel_loop3A_483 = arith.addf %parallel_loop3A_481, %parallel_loop3A_482 : vector<16xf32>
          %parallel_loop3A_484 = arith.mulf %parallel_loop3A_430, %parallel_loop3A_462 : vector<16xf32>
          %parallel_loop3A_485 = arith.addf %parallel_loop3A_483, %parallel_loop3A_484 : vector<16xf32>
          %parallel_loop3A_486 = arith.mulf %parallel_loop3A_434, %parallel_loop3A_466 : vector<16xf32>
          %parallel_loop3A_487 = arith.addf %parallel_loop3A_485, %parallel_loop3A_486 : vector<16xf32>
          %parallel_loop3A_488 = arith.mulf %parallel_loop3A_438, %parallel_loop3A_470 : vector<16xf32>
          %parallel_loop3A_489 = arith.addf %parallel_loop3A_487, %parallel_loop3A_488 : vector<16xf32>
          %parallel_loop3A_490 = arith.mulf %parallel_loop3A_442, %parallel_loop3A_474 : vector<16xf32>
          %parallel_loop3A_491 = arith.addf %parallel_loop3A_489, %parallel_loop3A_490 : vector<16xf32>
          %parallel_loop3A_492 = arith.mulf %parallel_loop3A_446, %parallel_loop3A_478 : vector<16xf32>
          %parallel_loop3A_493 = arith.addf %parallel_loop3A_491, %parallel_loop3A_492 : vector<16xf32>
          %parallel_loop3A_494 = tpu.iota {dimensions = array<i32: 0>} : vector<16xi32>
          %parallel_loop3A_495 = arith.constant 8 : i32
          %parallel_loop3A_496 = vector.broadcast %parallel_loop3A_495 : i32 to vector<16xi32>
          %parallel_loop3A_497 = arith.xori %parallel_loop3A_494, %parallel_loop3A_496 : vector<16xi32>
          %parallel_loop3A_498 = arith.constant 0 : i32
          %parallel_loop3A_499 = vector.broadcast %parallel_loop3A_498 : i32 to vector<16xi32>
          %parallel_loop3A_500 = arith.cmpi slt, %parallel_loop3A_497, %parallel_loop3A_499 : vector<16xi32>
          %parallel_loop3A_501 = arith.constant 16 : i32
          %parallel_loop3A_502 = vector.broadcast %parallel_loop3A_501 : i32 to vector<16xi32>
          %parallel_loop3A_503 = arith.addi %parallel_loop3A_497, %parallel_loop3A_502 : vector<16xi32>
          %parallel_loop3A_504 = arith.select %parallel_loop3A_500, %parallel_loop3A_503, %parallel_loop3A_497 : vector<16xi1>, vector<16xi32>
          %parallel_loop3A_505 = vector.shape_cast %parallel_loop3A_504 : vector<16xi32> to vector<16x1xi32>
          %parallel_loop3A_506 = vector.shape_cast %parallel_loop3A_505 : vector<16x1xi32> to vector<16xi32>
          %parallel_loop3A_507 = tpu.dynamic_gather %parallel_loop3A_493[%parallel_loop3A_506] in [0] : vector<16xf32>, vector<16xi32> -> vector<16xf32>
          %parallel_loop3A_508 = arith.addf %parallel_loop3A_493, %parallel_loop3A_507 : vector<16xf32>
          %parallel_loop3A_509 = arith.constant 4 : i32
          %parallel_loop3A_510 = vector.broadcast %parallel_loop3A_509 : i32 to vector<16xi32>
          %parallel_loop3A_511 = arith.xori %parallel_loop3A_494, %parallel_loop3A_510 : vector<16xi32>
          %parallel_loop3A_512 = arith.constant 0 : i32
          %parallel_loop3A_513 = vector.broadcast %parallel_loop3A_512 : i32 to vector<16xi32>
          %parallel_loop3A_514 = arith.cmpi slt, %parallel_loop3A_511, %parallel_loop3A_513 : vector<16xi32>
          %parallel_loop3A_515 = arith.constant 16 : i32
          %parallel_loop3A_516 = vector.broadcast %parallel_loop3A_515 : i32 to vector<16xi32>
          %parallel_loop3A_517 = arith.addi %parallel_loop3A_511, %parallel_loop3A_516 : vector<16xi32>
          %parallel_loop3A_518 = arith.select %parallel_loop3A_514, %parallel_loop3A_517, %parallel_loop3A_511 : vector<16xi1>, vector<16xi32>
          %parallel_loop3A_519 = vector.shape_cast %parallel_loop3A_518 : vector<16xi32> to vector<16x1xi32>
          %parallel_loop3A_520 = vector.shape_cast %parallel_loop3A_519 : vector<16x1xi32> to vector<16xi32>
          %parallel_loop3A_521 = tpu.dynamic_gather %parallel_loop3A_508[%parallel_loop3A_520] in [0] : vector<16xf32>, vector<16xi32> -> vector<16xf32>
          %parallel_loop3A_522 = arith.addf %parallel_loop3A_508, %parallel_loop3A_521 : vector<16xf32>
          %parallel_loop3A_523 = arith.constant 2 : i32
          %parallel_loop3A_524 = vector.broadcast %parallel_loop3A_523 : i32 to vector<16xi32>
          %parallel_loop3A_525 = arith.xori %parallel_loop3A_494, %parallel_loop3A_524 : vector<16xi32>
          %parallel_loop3A_526 = arith.constant 0 : i32
          %parallel_loop3A_527 = vector.broadcast %parallel_loop3A_526 : i32 to vector<16xi32>
          %parallel_loop3A_528 = arith.cmpi slt, %parallel_loop3A_525, %parallel_loop3A_527 : vector<16xi32>
          %parallel_loop3A_529 = arith.constant 16 : i32
          %parallel_loop3A_530 = vector.broadcast %parallel_loop3A_529 : i32 to vector<16xi32>
          %parallel_loop3A_531 = arith.addi %parallel_loop3A_525, %parallel_loop3A_530 : vector<16xi32>
          %parallel_loop3A_532 = arith.select %parallel_loop3A_528, %parallel_loop3A_531, %parallel_loop3A_525 : vector<16xi1>, vector<16xi32>
          %parallel_loop3A_533 = vector.shape_cast %parallel_loop3A_532 : vector<16xi32> to vector<16x1xi32>
          %parallel_loop3A_534 = vector.shape_cast %parallel_loop3A_533 : vector<16x1xi32> to vector<16xi32>
          %parallel_loop3A_535 = tpu.dynamic_gather %parallel_loop3A_522[%parallel_loop3A_534] in [0] : vector<16xf32>, vector<16xi32> -> vector<16xf32>
          %parallel_loop3A_536 = arith.addf %parallel_loop3A_522, %parallel_loop3A_535 : vector<16xf32>
          %parallel_loop3A_537 = arith.constant 1 : i32
          %parallel_loop3A_538 = vector.broadcast %parallel_loop3A_537 : i32 to vector<16xi32>
          %parallel_loop3A_539 = arith.xori %parallel_loop3A_494, %parallel_loop3A_538 : vector<16xi32>
          %parallel_loop3A_540 = arith.constant 0 : i32
          %parallel_loop3A_541 = vector.broadcast %parallel_loop3A_540 : i32 to vector<16xi32>
          %parallel_loop3A_542 = arith.cmpi slt, %parallel_loop3A_539, %parallel_loop3A_541 : vector<16xi32>
          %parallel_loop3A_543 = arith.constant 16 : i32
          %parallel_loop3A_544 = vector.broadcast %parallel_loop3A_543 : i32 to vector<16xi32>
          %parallel_loop3A_545 = arith.addi %parallel_loop3A_539, %parallel_loop3A_544 : vector<16xi32>
          %parallel_loop3A_546 = arith.select %parallel_loop3A_542, %parallel_loop3A_545, %parallel_loop3A_539 : vector<16xi1>, vector<16xi32>
          %parallel_loop3A_547 = vector.shape_cast %parallel_loop3A_546 : vector<16xi32> to vector<16x1xi32>
          %parallel_loop3A_548 = vector.shape_cast %parallel_loop3A_547 : vector<16x1xi32> to vector<16xi32>
          %parallel_loop3A_549 = tpu.dynamic_gather %parallel_loop3A_536[%parallel_loop3A_548] in [0] : vector<16xf32>, vector<16xi32> -> vector<16xf32>
          %parallel_loop3A_550 = arith.addf %parallel_loop3A_536, %parallel_loop3A_549 : vector<16xf32>
          %parallel_loop3A_551 = arith.mulf %parallel_loop3A_418, %parallel_loop3A_550 : vector<16xf32>
          %parallel_loop3A_552 = arith.index_cast %parallel_loop3A_414 : i32 to index
          %parallel_loop3A_553 = arith.constant 0 : index
          %parallel_loop3A_554 = tpu.vector_load %arg7[%parallel_loop3A_552, %parallel_loop3A_553] {strides = array<i32>} : memref<64x128xf32, #tpu.memory_space<vmem>>, vector<1x16xf32>,
          %parallel_loop3A_555 = vector.shape_cast %parallel_loop3A_554 : vector<1x16xf32> to vector<16xf32>
          %parallel_loop3A_556 = vector.shape_cast %parallel_loop3A_551 : vector<16xf32> to vector<1x16xf32>
          tpu.vector_store %arg7[%parallel_loop3A_552, %parallel_loop3A_553], %parallel_loop3A_556 {strides = array<i32>} : memref<64x128xf32, #tpu.memory_space<vmem>>, vector<1x16xf32>,
          %parallel_loop3A_557 = arith.mulf %parallel_loop3A_422, %parallel_loop3A_550 : vector<16xf32>
          %parallel_loop3A_558 = arith.index_cast %parallel_loop3A_414 : i32 to index
          %parallel_loop3A_559 = arith.constant 16 : index
          %parallel_loop3A_560 = tpu.vector_load %arg7[%parallel_loop3A_558, %parallel_loop3A_559] {strides = array<i32>} : memref<64x128xf32, #tpu.memory_space<vmem>>, vector<1x16xf32>,
          %parallel_loop3A_561 = vector.shape_cast %parallel_loop3A_560 : vector<1x16xf32> to vector<16xf32>
          %parallel_loop3A_562 = vector.shape_cast %parallel_loop3A_557 : vector<16xf32> to vector<1x16xf32>
          tpu.vector_store %arg7[%parallel_loop3A_558, %parallel_loop3A_559], %parallel_loop3A_562 {strides = array<i32>} : memref<64x128xf32, #tpu.memory_space<vmem>>, vector<1x16xf32>,
          %parallel_loop3A_563 = arith.mulf %parallel_loop3A_426, %parallel_loop3A_550 : vector<16xf32>
          %parallel_loop3A_564 = arith.index_cast %parallel_loop3A_414 : i32 to index
          %parallel_loop3A_565 = arith.constant 32 : index
          %parallel_loop3A_566 = tpu.vector_load %arg7[%parallel_loop3A_564, %parallel_loop3A_565] {strides = array<i32>} : memref<64x128xf32, #tpu.memory_space<vmem>>, vector<1x16xf32>,
          %parallel_loop3A_567 = vector.shape_cast %parallel_loop3A_566 : vector<1x16xf32> to vector<16xf32>
          %parallel_loop3A_568 = vector.shape_cast %parallel_loop3A_563 : vector<16xf32> to vector<1x16xf32>
          tpu.vector_store %arg7[%parallel_loop3A_564, %parallel_loop3A_565], %parallel_loop3A_568 {strides = array<i32>} : memref<64x128xf32, #tpu.memory_space<vmem>>, vector<1x16xf32>,
          %parallel_loop3A_569 = arith.mulf %parallel_loop3A_430, %parallel_loop3A_550 : vector<16xf32>
          %parallel_loop3A_570 = arith.index_cast %parallel_loop3A_414 : i32 to index
          %parallel_loop3A_571 = arith.constant 48 : index
          %parallel_loop3A_572 = tpu.vector_load %arg7[%parallel_loop3A_570, %parallel_loop3A_571] {strides = array<i32>} : memref<64x128xf32, #tpu.memory_space<vmem>>, vector<1x16xf32>,
          %parallel_loop3A_573 = vector.shape_cast %parallel_loop3A_572 : vector<1x16xf32> to vector<16xf32>
          %parallel_loop3A_574 = vector.shape_cast %parallel_loop3A_569 : vector<16xf32> to vector<1x16xf32>
          tpu.vector_store %arg7[%parallel_loop3A_570, %parallel_loop3A_571], %parallel_loop3A_574 {strides = array<i32>} : memref<64x128xf32, #tpu.memory_space<vmem>>, vector<1x16xf32>,
          %parallel_loop3A_575 = arith.mulf %parallel_loop3A_434, %parallel_loop3A_550 : vector<16xf32>
          %parallel_loop3A_576 = arith.index_cast %parallel_loop3A_414 : i32 to index
          %parallel_loop3A_577 = arith.constant 64 : index
          %parallel_loop3A_578 = tpu.vector_load %arg7[%parallel_loop3A_576, %parallel_loop3A_577] {strides = array<i32>} : memref<64x128xf32, #tpu.memory_space<vmem>>, vector<1x16xf32>,
          %parallel_loop3A_579 = vector.shape_cast %parallel_loop3A_578 : vector<1x16xf32> to vector<16xf32>
          %parallel_loop3A_580 = vector.shape_cast %parallel_loop3A_575 : vector<16xf32> to vector<1x16xf32>
          tpu.vector_store %arg7[%parallel_loop3A_576, %parallel_loop3A_577], %parallel_loop3A_580 {strides = array<i32>} : memref<64x128xf32, #tpu.memory_space<vmem>>, vector<1x16xf32>,
          %parallel_loop3A_581 = arith.mulf %parallel_loop3A_438, %parallel_loop3A_550 : vector<16xf32>
          %parallel_loop3A_582 = arith.index_cast %parallel_loop3A_414 : i32 to index
          %parallel_loop3A_583 = arith.constant 80 : index
          %parallel_loop3A_584 = tpu.vector_load %arg7[%parallel_loop3A_582, %parallel_loop3A_583] {strides = array<i32>} : memref<64x128xf32, #tpu.memory_space<vmem>>, vector<1x16xf32>,
          %parallel_loop3A_585 = vector.shape_cast %parallel_loop3A_584 : vector<1x16xf32> to vector<16xf32>
          %parallel_loop3A_586 = vector.shape_cast %parallel_loop3A_581 : vector<16xf32> to vector<1x16xf32>
          tpu.vector_store %arg7[%parallel_loop3A_582, %parallel_loop3A_583], %parallel_loop3A_586 {strides = array<i32>} : memref<64x128xf32, #tpu.memory_space<vmem>>, vector<1x16xf32>,
          %parallel_loop3A_587 = arith.mulf %parallel_loop3A_442, %parallel_loop3A_550 : vector<16xf32>
          %parallel_loop3A_588 = arith.index_cast %parallel_loop3A_414 : i32 to index
          %parallel_loop3A_589 = arith.constant 96 : index
          %parallel_loop3A_590 = tpu.vector_load %arg7[%parallel_loop3A_588, %parallel_loop3A_589] {strides = array<i32>} : memref<64x128xf32, #tpu.memory_space<vmem>>, vector<1x16xf32>,
          %parallel_loop3A_591 = vector.shape_cast %parallel_loop3A_590 : vector<1x16xf32> to vector<16xf32>
          %parallel_loop3A_592 = vector.shape_cast %parallel_loop3A_587 : vector<16xf32> to vector<1x16xf32>
          tpu.vector_store %arg7[%parallel_loop3A_588, %parallel_loop3A_589], %parallel_loop3A_592 {strides = array<i32>} : memref<64x128xf32, #tpu.memory_space<vmem>>, vector<1x16xf32>,
          %parallel_loop3A_593 = arith.mulf %parallel_loop3A_446, %parallel_loop3A_550 : vector<16xf32>
          %parallel_loop3A_594 = arith.index_cast %parallel_loop3A_414 : i32 to index
          %parallel_loop3A_595 = arith.constant 112 : index
          %parallel_loop3A_596 = tpu.vector_load %arg7[%parallel_loop3A_594, %parallel_loop3A_595] {strides = array<i32>} : memref<64x128xf32, #tpu.memory_space<vmem>>, vector<1x16xf32>,
          %parallel_loop3A_597 = vector.shape_cast %parallel_loop3A_596 : vector<1x16xf32> to vector<16xf32>
          %parallel_loop3A_598 = vector.shape_cast %parallel_loop3A_593 : vector<16xf32> to vector<1x16xf32>
          tpu.vector_store %arg7[%parallel_loop3A_594, %parallel_loop3A_595], %parallel_loop3A_598 {strides = array<i32>} : memref<64x128xf32, #tpu.memory_space<vmem>>, vector<1x16xf32>,
        } {sc.loop_unroll_factor = 4 : i64, sc.parallel_access}
        %add3A_402 = arith.addi %select_n3A_18, %add3A_376 : i32
        %mul3A_403 = arith.constant 64 : i32
        %mul3A_404 = arith.muli %add3A_402, %mul3A_403 : i32
        %multiple_of3A_405 = tpu.assume_multiple %mul3A_404, 64 : i32
        %dma_wait3A_406 = arith.constant 1 : i32
        %dma_wait3A_407 = tpu.memref_slice %arg3[%dma_wait3A_406, %multiple_of3A_405] : memref<2x320000xi32, #tpu.memory_space<hbm>> -> memref<1x64xi32, #tpu.memory_space<hbm>>
        %dma_wait3A_408 = tpu.memref_squeeze %dma_wait3A_407 : memref<1x64xi32, #tpu.memory_space<hbm>> -> memref<64xi32, #tpu.memory_space<hbm>>
        %dma_wait3A_409 = tpu.memref_slice %arg3[%dma_wait3A_406, %multiple_of3A_405] : memref<2x320000xi32, #tpu.memory_space<hbm>> -> memref<1x64xi32, #tpu.memory_space<hbm>>
        %dma_wait3A_410 = tpu.memref_squeeze %dma_wait3A_409 : memref<1x64xi32, #tpu.memory_space<hbm>> -> memref<64xi32, #tpu.memory_space<hbm>>
        tpu.wait_dma2 semaphore(%arg32 : memref<!tpu.dma_semaphore, #tpu.memory_space<semaphore_mem>>) src(%dma_wait3A_410 : memref<64xi32, #tpu.memory_space<hbm>>) dst(%arg19 : memref<64xi32, #tpu.memory_space<vmem>>)
        %dma_start3A_411 = arith.constant 0 : i32
        %dma_start3A_412 = arith.constant 0 : i32
        %dma_start3A_413 = tpu.memref_slice %arg20[%dma_start3A_411, %dma_start3A_412] : memref<10000x128xf32, #tpu.memory_space<vmem_shared>> -> memref<10000x128xf32, #tpu.memory_space<vmem_shared>>
        tpu.enqueue_indirect_dma source(%arg7 : memref<64x128xf32, #tpu.memory_space<vmem>>) target(%dma_start3A_413 : memref<10000x128xf32, #tpu.memory_space<vmem_shared>>) offsets(%arg19 : memref<64xi32, #tpu.memory_space<vmem>>) semaphore(%arg26 : memref<!tpu.dma_semaphore, #tpu.memory_space<semaphore_mem>>) {add = true}
      } else {
      }
      %add3A_381 = arith.constant 2 : i32
      %add3A_382 = arith.addi %add3A_376, %add3A_381 : i32
      %lt3A_383 = arith.cmpi slt, %add3A_382, %select_n3A : i32
      %convert_element_type3A_384 = arith.extui %lt3A_383 : i1 to i32
      %cond3A_385 = arith.constant 0 : i32
      %cond3A_386 = arith.cmpi ne, %convert_element_type3A_384, %cond3A_385 : i32
      scf.if %cond3A_386 {
        %dma_wait3A_388 = arith.constant 0 : i32
        %dma_wait3A_389 = arith.constant 0 : i32
        %dma_wait3A_390 = tpu.memref_slice %arg20[%dma_wait3A_388, %dma_wait3A_389] : memref<10000x128xf32, #tpu.memory_space<vmem_shared>> -> memref<10000x128xf32, #tpu.memory_space<vmem_shared>>
        tpu.wait_indirect_dma semaphore(%arg25 : memref<!tpu.dma_semaphore, #tpu.memory_space<semaphore_mem>>) src(%arg6 : memref<64x128xf32, #tpu.memory_space<vmem>>) dst(%dma_wait3A_390 : memref<10000x128xf32, #tpu.memory_space<vmem_shared>>)
        %add3A_391 = arith.constant 2 : i32
        %add3A_392 = arith.addi %add3A_376, %add3A_391 : i32
        %add3A_393 = arith.addi %select_n3A_18, %add3A_392 : i32
        %mul3A_394 = arith.constant 64 : i32
        %mul3A_395 = arith.muli %add3A_393, %mul3A_394 : i32
        %multiple_of3A_396 = tpu.assume_multiple %mul3A_395, 64 : i32
        %dma_wait3A_397 = arith.constant 0 : i32
        %dma_wait3A_398 = tpu.memref_slice %arg3[%dma_wait3A_397, %multiple_of3A_396] : memref<2x320000xi32, #tpu.memory_space<hbm>> -> memref<1x64xi32, #tpu.memory_space<hbm>>
        %dma_wait3A_399 = tpu.memref_squeeze %dma_wait3A_398 : memref<1x64xi32, #tpu.memory_space<hbm>> -> memref<64xi32, #tpu.memory_space<hbm>>
        %dma_wait3A_400 = tpu.memref_slice %arg3[%dma_wait3A_397, %multiple_of3A_396] : memref<2x320000xi32, #tpu.memory_space<hbm>> -> memref<1x64xi32, #tpu.memory_space<hbm>>
        %dma_wait3A_401 = tpu.memref_squeeze %dma_wait3A_400 : memref<1x64xi32, #tpu.memory_space<hbm>> -> memref<64xi32, #tpu.memory_space<hbm>>
        tpu.wait_dma2 semaphore(%arg28 : memref<!tpu.dma_semaphore, #tpu.memory_space<semaphore_mem>>) src(%dma_wait3A_401 : memref<64xi32, #tpu.memory_space<hbm>>) dst(%arg12 : memref<64xi32, #tpu.memory_space<vmem>>)
        %add3A_402 = arith.addi %select_n3A_18, %add3A_392 : i32
        %mul3A_403 = arith.constant 64 : i32
        %mul3A_404 = arith.muli %add3A_402, %mul3A_403 : i32
        %multiple_of3A_405 = tpu.assume_multiple %mul3A_404, 64 : i32
        %dma_wait3A_406 = arith.constant 1 : i32
        %dma_wait3A_407 = tpu.memref_slice %arg3[%dma_wait3A_406, %multiple_of3A_405] : memref<2x320000xi32, #tpu.memory_space<hbm>> -> memref<1x64xi32, #tpu.memory_space<hbm>>
        %dma_wait3A_408 = tpu.memref_squeeze %dma_wait3A_407 : memref<1x64xi32, #tpu.memory_space<hbm>> -> memref<64xi32, #tpu.memory_space<hbm>>
        %dma_wait3A_409 = tpu.memref_slice %arg3[%dma_wait3A_406, %multiple_of3A_405] : memref<2x320000xi32, #tpu.memory_space<hbm>> -> memref<1x64xi32, #tpu.memory_space<hbm>>
        %dma_wait3A_410 = tpu.memref_squeeze %dma_wait3A_409 : memref<1x64xi32, #tpu.memory_space<hbm>> -> memref<64xi32, #tpu.memory_space<hbm>>
        tpu.wait_dma2 semaphore(%arg28 : memref<!tpu.dma_semaphore, #tpu.memory_space<semaphore_mem>>) src(%dma_wait3A_410 : memref<64xi32, #tpu.memory_space<hbm>>) dst(%arg15 : memref<64xi32, #tpu.memory_space<vmem>>)
        %dma_start3A_411 = arith.constant 0 : i32
        %dma_start3A_412 = arith.constant 0 : i32
        %dma_start3A_413 = tpu.memref_slice %arg2[%dma_start3A_411, %dma_start3A_412] : memref<10000x128xf32, #tpu.memory_space<hbm>> -> memref<10000x128xf32, #tpu.memory_space<hbm>>
        tpu.enqueue_indirect_dma source(%dma_start3A_413 : memref<10000x128xf32, #tpu.memory_space<hbm>>) target(%arg6 : memref<64x128xf32, #tpu.memory_space<vmem>>) offsets(%arg12 : memref<64xi32, #tpu.memory_space<vmem>>) semaphore(%arg22 : memref<!tpu.dma_semaphore, #tpu.memory_space<semaphore_mem>>)
        %dma_start3A_414 = arith.constant 0 : i32
        %dma_start3A_415 = arith.constant 0 : i32
        %dma_start3A_416 = tpu.memref_slice %arg2[%dma_start3A_414, %dma_start3A_415] : memref<10000x128xf32, #tpu.memory_space<hbm>> -> memref<10000x128xf32, #tpu.memory_space<hbm>>
        tpu.enqueue_indirect_dma source(%dma_start3A_416 : memref<10000x128xf32, #tpu.memory_space<hbm>>) target(%arg9 : memref<64x128xf32, #tpu.memory_space<vmem>>) offsets(%arg15 : memref<64xi32, #tpu.memory_space<vmem>>) semaphore(%arg22 : memref<!tpu.dma_semaphore, #tpu.memory_space<semaphore_mem>>)
        %add3A_417 = arith.constant 2 : i32
        %add3A_418 = arith.addi %add3A_376, %add3A_417 : i32
        %add3A_419 = arith.addi %select_n3A_18, %add3A_418 : i32
        %mul3A_420 = arith.constant 64 : i32
        %mul3A_421 = arith.muli %add3A_419, %mul3A_420 : i32
        %multiple_of3A_422 = tpu.assume_multiple %mul3A_421, 64 : i32
        %dma_start3A_423 = arith.constant 1 : i32
        %dma_start3A_424 = tpu.memref_slice %arg3[%dma_start3A_423, %multiple_of3A_422] : memref<2x320000xi32, #tpu.memory_space<hbm>> -> memref<1x64xi32, #tpu.memory_space<hbm>>
        %dma_start3A_425 = tpu.memref_squeeze %dma_start3A_424 : memref<1x64xi32, #tpu.memory_space<hbm>> -> memref<64xi32, #tpu.memory_space<hbm>>
        %dma_start3A_426 = tpu.memref_slice %arg3[%dma_start3A_423, %multiple_of3A_422] : memref<2x320000xi32, #tpu.memory_space<hbm>> -> memref<1x64xi32, #tpu.memory_space<hbm>>
        %dma_start3A_427 = tpu.memref_squeeze %dma_start3A_426 : memref<1x64xi32, #tpu.memory_space<hbm>> -> memref<64xi32, #tpu.memory_space<hbm>>
        tpu.enqueue_dma source(%dma_start3A_427 : memref<64xi32, #tpu.memory_space<hbm>>) target(%arg18 : memref<64xi32, #tpu.memory_space<vmem>>) target_semaphore(%arg31 : memref<!tpu.dma_semaphore, #tpu.memory_space<semaphore_mem>>)
      } else {
      }
      %while3A_387 = arith.constant 0 : i32
      scf.yield %while3A_387 : i32
    }
    %while3A_256 = arith.constant 1 : i32
    %while3A_257 = scf.for %while3A_343 = %while3A_253 to %while3A_249 step %while3A_256 iter_args(%while3A_344 = %while3A_255) -> (i32)  : i32 {
      %mul3A_345 = arith.constant 3 : i32
      %mul3A_346 = arith.muli %mul3A_345, %while3A_343 : i32
      %add3A_347 = arith.constant 0 : i32
      %add3A_348 = arith.addi %mul3A_346, %add3A_347 : i32
      %lt3A_349 = arith.cmpi slt, %add3A_348, %select_n3A : i32
      %convert_element_type3A_350 = arith.extui %lt3A_349 : i1 to i32
      %cond3A_351 = arith.constant 0 : i32
      %cond3A_352 = arith.cmpi ne, %convert_element_type3A_350, %cond3A_351 : i32
      scf.if %cond3A_352 {
        %dma_wait3A_388 = arith.constant 0 : i32
        %dma_wait3A_389 = arith.constant 0 : i32
        %dma_wait3A_390 = tpu.memref_slice %arg2[%dma_wait3A_388, %dma_wait3A_389] : memref<10000x128xf32, #tpu.memory_space<hbm>> -> memref<10000x128xf32, #tpu.memory_space<hbm>>
        tpu.wait_indirect_dma semaphore(%arg21 : memref<!tpu.dma_semaphore, #tpu.memory_space<semaphore_mem>>) src(%dma_wait3A_390 : memref<10000x128xf32, #tpu.memory_space<hbm>>) dst(%arg5 : memref<64x128xf32, #tpu.memory_space<vmem>>)
        %dma_wait3A_391 = arith.constant 0 : i32
        %dma_wait3A_392 = arith.constant 0 : i32
        %dma_wait3A_393 = tpu.memref_slice %arg2[%dma_wait3A_391, %dma_wait3A_392] : memref<10000x128xf32, #tpu.memory_space<hbm>> -> memref<10000x128xf32, #tpu.memory_space<hbm>>
        tpu.wait_indirect_dma semaphore(%arg21 : memref<!tpu.dma_semaphore, #tpu.memory_space<semaphore_mem>>) src(%dma_wait3A_393 : memref<10000x128xf32, #tpu.memory_space<hbm>>) dst(%arg8 : memref<64x128xf32, #tpu.memory_space<vmem>>)
        %add3A_394 = arith.constant 3 : i32
        %add3A_395 = arith.addi %add3A_348, %add3A_394 : i32
        %lt3A_396 = arith.cmpi slt, %add3A_395, %select_n3A : i32
        %convert_element_type3A_397 = arith.extui %lt3A_396 : i1 to i32
        %cond3A_398 = arith.constant 0 : i32
        %cond3A_399 = arith.cmpi ne, %convert_element_type3A_397, %cond3A_398 : i32
        scf.if %cond3A_399 {
          %add3A_414 = arith.constant 3 : i32
          %add3A_415 = arith.addi %add3A_348, %add3A_414 : i32
          %add3A_416 = arith.addi %select_n3A_18, %add3A_415 : i32
          %mul3A_417 = arith.constant 64 : i32
          %mul3A_418 = arith.muli %add3A_416, %mul3A_417 : i32
          %multiple_of3A_419 = tpu.assume_multiple %mul3A_418, 64 : i32
          %dma_start3A_420 = arith.constant 0 : i32
          %dma_start3A_421 = tpu.memref_slice %arg3[%dma_start3A_420, %multiple_of3A_419] : memref<2x320000xi32, #tpu.memory_space<hbm>> -> memref<1x64xi32, #tpu.memory_space<hbm>>
          %dma_start3A_422 = tpu.memref_squeeze %dma_start3A_421 : memref<1x64xi32, #tpu.memory_space<hbm>> -> memref<64xi32, #tpu.memory_space<hbm>>
          %dma_start3A_423 = tpu.memref_slice %arg3[%dma_start3A_420, %multiple_of3A_419] : memref<2x320000xi32, #tpu.memory_space<hbm>> -> memref<1x64xi32, #tpu.memory_space<hbm>>
          %dma_start3A_424 = tpu.memref_squeeze %dma_start3A_423 : memref<1x64xi32, #tpu.memory_space<hbm>> -> memref<64xi32, #tpu.memory_space<hbm>>
          tpu.enqueue_dma source(%dma_start3A_424 : memref<64xi32, #tpu.memory_space<hbm>>) target(%arg11 : memref<64xi32, #tpu.memory_space<vmem>>) target_semaphore(%arg27 : memref<!tpu.dma_semaphore, #tpu.memory_space<semaphore_mem>>)
          %add3A_425 = arith.addi %select_n3A_18, %add3A_415 : i32
          %mul3A_426 = arith.constant 64 : i32
          %mul3A_427 = arith.muli %add3A_425, %mul3A_426 : i32
          %multiple_of3A_428 = tpu.assume_multiple %mul3A_427, 64 : i32
          %dma_start3A_429 = arith.constant 1 : i32
          %dma_start3A_430 = tpu.memref_slice %arg3[%dma_start3A_429, %multiple_of3A_428] : memref<2x320000xi32, #tpu.memory_space<hbm>> -> memref<1x64xi32, #tpu.memory_space<hbm>>
          %dma_start3A_431 = tpu.memref_squeeze %dma_start3A_430 : memref<1x64xi32, #tpu.memory_space<hbm>> -> memref<64xi32, #tpu.memory_space<hbm>>
          %dma_start3A_432 = tpu.memref_slice %arg3[%dma_start3A_429, %multiple_of3A_428] : memref<2x320000xi32, #tpu.memory_space<hbm>> -> memref<1x64xi32, #tpu.memory_space<hbm>>
          %dma_start3A_433 = tpu.memref_squeeze %dma_start3A_432 : memref<1x64xi32, #tpu.memory_space<hbm>> -> memref<64xi32, #tpu.memory_space<hbm>>
          tpu.enqueue_dma source(%dma_start3A_433 : memref<64xi32, #tpu.memory_space<hbm>>) target(%arg14 : memref<64xi32, #tpu.memory_space<vmem>>) target_semaphore(%arg27 : memref<!tpu.dma_semaphore, #tpu.memory_space<semaphore_mem>>)
        } else {
        }
        %parallel_loop3A = arith.constant 0 : i32
        %parallel_loop3A_400 = arith.constant 64 : i32
        %parallel_loop3A_401 = arith.constant 1 : i32
        scf.for %parallel_loop3A_414 = %parallel_loop3A to %parallel_loop3A_400 step %parallel_loop3A_401  : i32 {
          %parallel_loop3A_415 = arith.index_cast %parallel_loop3A_414 : i32 to index
          %parallel_loop3A_416 = arith.constant 0 : index
          %parallel_loop3A_417 = tpu.vector_load %arg5[%parallel_loop3A_415, %parallel_loop3A_416] {strides = array<i32>} : memref<64x128xf32, #tpu.memory_space<vmem>>, vector<1x16xf32>,
          %parallel_loop3A_418 = vector.shape_cast %parallel_loop3A_417 : vector<1x16xf32> to vector<16xf32>
          %parallel_loop3A_419 = arith.index_cast %parallel_loop3A_414 : i32 to index
          %parallel_loop3A_420 = arith.constant 16 : index
          %parallel_loop3A_421 = tpu.vector_load %arg5[%parallel_loop3A_419, %parallel_loop3A_420] {strides = array<i32>} : memref<64x128xf32, #tpu.memory_space<vmem>>, vector<1x16xf32>,
          %parallel_loop3A_422 = vector.shape_cast %parallel_loop3A_421 : vector<1x16xf32> to vector<16xf32>
          %parallel_loop3A_423 = arith.index_cast %parallel_loop3A_414 : i32 to index
          %parallel_loop3A_424 = arith.constant 32 : index
          %parallel_loop3A_425 = tpu.vector_load %arg5[%parallel_loop3A_423, %parallel_loop3A_424] {strides = array<i32>} : memref<64x128xf32, #tpu.memory_space<vmem>>, vector<1x16xf32>,
          %parallel_loop3A_426 = vector.shape_cast %parallel_loop3A_425 : vector<1x16xf32> to vector<16xf32>
          %parallel_loop3A_427 = arith.index_cast %parallel_loop3A_414 : i32 to index
          %parallel_loop3A_428 = arith.constant 48 : index
          %parallel_loop3A_429 = tpu.vector_load %arg5[%parallel_loop3A_427, %parallel_loop3A_428] {strides = array<i32>} : memref<64x128xf32, #tpu.memory_space<vmem>>, vector<1x16xf32>,
          %parallel_loop3A_430 = vector.shape_cast %parallel_loop3A_429 : vector<1x16xf32> to vector<16xf32>
          %parallel_loop3A_431 = arith.index_cast %parallel_loop3A_414 : i32 to index
          %parallel_loop3A_432 = arith.constant 64 : index
          %parallel_loop3A_433 = tpu.vector_load %arg5[%parallel_loop3A_431, %parallel_loop3A_432] {strides = array<i32>} : memref<64x128xf32, #tpu.memory_space<vmem>>, vector<1x16xf32>,
          %parallel_loop3A_434 = vector.shape_cast %parallel_loop3A_433 : vector<1x16xf32> to vector<16xf32>
          %parallel_loop3A_435 = arith.index_cast %parallel_loop3A_414 : i32 to index
          %parallel_loop3A_436 = arith.constant 80 : index
          %parallel_loop3A_437 = tpu.vector_load %arg5[%parallel_loop3A_435, %parallel_loop3A_436] {strides = array<i32>} : memref<64x128xf32, #tpu.memory_space<vmem>>, vector<1x16xf32>,
          %parallel_loop3A_438 = vector.shape_cast %parallel_loop3A_437 : vector<1x16xf32> to vector<16xf32>
          %parallel_loop3A_439 = arith.index_cast %parallel_loop3A_414 : i32 to index
          %parallel_loop3A_440 = arith.constant 96 : index
          %parallel_loop3A_441 = tpu.vector_load %arg5[%parallel_loop3A_439, %parallel_loop3A_440] {strides = array<i32>} : memref<64x128xf32, #tpu.memory_space<vmem>>, vector<1x16xf32>,
          %parallel_loop3A_442 = vector.shape_cast %parallel_loop3A_441 : vector<1x16xf32> to vector<16xf32>
          %parallel_loop3A_443 = arith.index_cast %parallel_loop3A_414 : i32 to index
          %parallel_loop3A_444 = arith.constant 112 : index
          %parallel_loop3A_445 = tpu.vector_load %arg5[%parallel_loop3A_443, %parallel_loop3A_444] {strides = array<i32>} : memref<64x128xf32, #tpu.memory_space<vmem>>, vector<1x16xf32>,
          %parallel_loop3A_446 = vector.shape_cast %parallel_loop3A_445 : vector<1x16xf32> to vector<16xf32>
          %parallel_loop3A_447 = arith.index_cast %parallel_loop3A_414 : i32 to index
          %parallel_loop3A_448 = arith.constant 0 : index
          %parallel_loop3A_449 = tpu.vector_load %arg8[%parallel_loop3A_447, %parallel_loop3A_448] {strides = array<i32>} : memref<64x128xf32, #tpu.memory_space<vmem>>, vector<1x16xf32>,
          %parallel_loop3A_450 = vector.shape_cast %parallel_loop3A_449 : vector<1x16xf32> to vector<16xf32>
          %parallel_loop3A_451 = arith.index_cast %parallel_loop3A_414 : i32 to index
          %parallel_loop3A_452 = arith.constant 16 : index
          %parallel_loop3A_453 = tpu.vector_load %arg8[%parallel_loop3A_451, %parallel_loop3A_452] {strides = array<i32>} : memref<64x128xf32, #tpu.memory_space<vmem>>, vector<1x16xf32>,
          %parallel_loop3A_454 = vector.shape_cast %parallel_loop3A_453 : vector<1x16xf32> to vector<16xf32>
          %parallel_loop3A_455 = arith.index_cast %parallel_loop3A_414 : i32 to index
          %parallel_loop3A_456 = arith.constant 32 : index
          %parallel_loop3A_457 = tpu.vector_load %arg8[%parallel_loop3A_455, %parallel_loop3A_456] {strides = array<i32>} : memref<64x128xf32, #tpu.memory_space<vmem>>, vector<1x16xf32>,
          %parallel_loop3A_458 = vector.shape_cast %parallel_loop3A_457 : vector<1x16xf32> to vector<16xf32>
          %parallel_loop3A_459 = arith.index_cast %parallel_loop3A_414 : i32 to index
          %parallel_loop3A_460 = arith.constant 48 : index
          %parallel_loop3A_461 = tpu.vector_load %arg8[%parallel_loop3A_459, %parallel_loop3A_460] {strides = array<i32>} : memref<64x128xf32, #tpu.memory_space<vmem>>, vector<1x16xf32>,
          %parallel_loop3A_462 = vector.shape_cast %parallel_loop3A_461 : vector<1x16xf32> to vector<16xf32>
          %parallel_loop3A_463 = arith.index_cast %parallel_loop3A_414 : i32 to index
          %parallel_loop3A_464 = arith.constant 64 : index
          %parallel_loop3A_465 = tpu.vector_load %arg8[%parallel_loop3A_463, %parallel_loop3A_464] {strides = array<i32>} : memref<64x128xf32, #tpu.memory_space<vmem>>, vector<1x16xf32>,
          %parallel_loop3A_466 = vector.shape_cast %parallel_loop3A_465 : vector<1x16xf32> to vector<16xf32>
          %parallel_loop3A_467 = arith.index_cast %parallel_loop3A_414 : i32 to index
          %parallel_loop3A_468 = arith.constant 80 : index
          %parallel_loop3A_469 = tpu.vector_load %arg8[%parallel_loop3A_467, %parallel_loop3A_468] {strides = array<i32>} : memref<64x128xf32, #tpu.memory_space<vmem>>, vector<1x16xf32>,
          %parallel_loop3A_470 = vector.shape_cast %parallel_loop3A_469 : vector<1x16xf32> to vector<16xf32>
          %parallel_loop3A_471 = arith.index_cast %parallel_loop3A_414 : i32 to index
          %parallel_loop3A_472 = arith.constant 96 : index
          %parallel_loop3A_473 = tpu.vector_load %arg8[%parallel_loop3A_471, %parallel_loop3A_472] {strides = array<i32>} : memref<64x128xf32, #tpu.memory_space<vmem>>, vector<1x16xf32>,
          %parallel_loop3A_474 = vector.shape_cast %parallel_loop3A_473 : vector<1x16xf32> to vector<16xf32>
          %parallel_loop3A_475 = arith.index_cast %parallel_loop3A_414 : i32 to index
          %parallel_loop3A_476 = arith.constant 112 : index
          %parallel_loop3A_477 = tpu.vector_load %arg8[%parallel_loop3A_475, %parallel_loop3A_476] {strides = array<i32>} : memref<64x128xf32, #tpu.memory_space<vmem>>, vector<1x16xf32>,
          %parallel_loop3A_478 = vector.shape_cast %parallel_loop3A_477 : vector<1x16xf32> to vector<16xf32>
          %parallel_loop3A_479 = arith.mulf %parallel_loop3A_418, %parallel_loop3A_450 : vector<16xf32>
          %parallel_loop3A_480 = arith.mulf %parallel_loop3A_422, %parallel_loop3A_454 : vector<16xf32>
          %parallel_loop3A_481 = arith.addf %parallel_loop3A_479, %parallel_loop3A_480 : vector<16xf32>
          %parallel_loop3A_482 = arith.mulf %parallel_loop3A_426, %parallel_loop3A_458 : vector<16xf32>
          %parallel_loop3A_483 = arith.addf %parallel_loop3A_481, %parallel_loop3A_482 : vector<16xf32>
          %parallel_loop3A_484 = arith.mulf %parallel_loop3A_430, %parallel_loop3A_462 : vector<16xf32>
          %parallel_loop3A_485 = arith.addf %parallel_loop3A_483, %parallel_loop3A_484 : vector<16xf32>
          %parallel_loop3A_486 = arith.mulf %parallel_loop3A_434, %parallel_loop3A_466 : vector<16xf32>
          %parallel_loop3A_487 = arith.addf %parallel_loop3A_485, %parallel_loop3A_486 : vector<16xf32>
          %parallel_loop3A_488 = arith.mulf %parallel_loop3A_438, %parallel_loop3A_470 : vector<16xf32>
          %parallel_loop3A_489 = arith.addf %parallel_loop3A_487, %parallel_loop3A_488 : vector<16xf32>
          %parallel_loop3A_490 = arith.mulf %parallel_loop3A_442, %parallel_loop3A_474 : vector<16xf32>
          %parallel_loop3A_491 = arith.addf %parallel_loop3A_489, %parallel_loop3A_490 : vector<16xf32>
          %parallel_loop3A_492 = arith.mulf %parallel_loop3A_446, %parallel_loop3A_478 : vector<16xf32>
          %parallel_loop3A_493 = arith.addf %parallel_loop3A_491, %parallel_loop3A_492 : vector<16xf32>
          %parallel_loop3A_494 = tpu.iota {dimensions = array<i32: 0>} : vector<16xi32>
          %parallel_loop3A_495 = arith.constant 8 : i32
          %parallel_loop3A_496 = vector.broadcast %parallel_loop3A_495 : i32 to vector<16xi32>
          %parallel_loop3A_497 = arith.xori %parallel_loop3A_494, %parallel_loop3A_496 : vector<16xi32>
          %parallel_loop3A_498 = arith.constant 0 : i32
          %parallel_loop3A_499 = vector.broadcast %parallel_loop3A_498 : i32 to vector<16xi32>
          %parallel_loop3A_500 = arith.cmpi slt, %parallel_loop3A_497, %parallel_loop3A_499 : vector<16xi32>
          %parallel_loop3A_501 = arith.constant 16 : i32
          %parallel_loop3A_502 = vector.broadcast %parallel_loop3A_501 : i32 to vector<16xi32>
          %parallel_loop3A_503 = arith.addi %parallel_loop3A_497, %parallel_loop3A_502 : vector<16xi32>
          %parallel_loop3A_504 = arith.select %parallel_loop3A_500, %parallel_loop3A_503, %parallel_loop3A_497 : vector<16xi1>, vector<16xi32>
          %parallel_loop3A_505 = vector.shape_cast %parallel_loop3A_504 : vector<16xi32> to vector<16x1xi32>
          %parallel_loop3A_506 = vector.shape_cast %parallel_loop3A_505 : vector<16x1xi32> to vector<16xi32>
          %parallel_loop3A_507 = tpu.dynamic_gather %parallel_loop3A_493[%parallel_loop3A_506] in [0] : vector<16xf32>, vector<16xi32> -> vector<16xf32>
          %parallel_loop3A_508 = arith.addf %parallel_loop3A_493, %parallel_loop3A_507 : vector<16xf32>
          %parallel_loop3A_509 = arith.constant 4 : i32
          %parallel_loop3A_510 = vector.broadcast %parallel_loop3A_509 : i32 to vector<16xi32>
          %parallel_loop3A_511 = arith.xori %parallel_loop3A_494, %parallel_loop3A_510 : vector<16xi32>
          %parallel_loop3A_512 = arith.constant 0 : i32
          %parallel_loop3A_513 = vector.broadcast %parallel_loop3A_512 : i32 to vector<16xi32>
          %parallel_loop3A_514 = arith.cmpi slt, %parallel_loop3A_511, %parallel_loop3A_513 : vector<16xi32>
          %parallel_loop3A_515 = arith.constant 16 : i32
          %parallel_loop3A_516 = vector.broadcast %parallel_loop3A_515 : i32 to vector<16xi32>
          %parallel_loop3A_517 = arith.addi %parallel_loop3A_511, %parallel_loop3A_516 : vector<16xi32>
          %parallel_loop3A_518 = arith.select %parallel_loop3A_514, %parallel_loop3A_517, %parallel_loop3A_511 : vector<16xi1>, vector<16xi32>
          %parallel_loop3A_519 = vector.shape_cast %parallel_loop3A_518 : vector<16xi32> to vector<16x1xi32>
          %parallel_loop3A_520 = vector.shape_cast %parallel_loop3A_519 : vector<16x1xi32> to vector<16xi32>
          %parallel_loop3A_521 = tpu.dynamic_gather %parallel_loop3A_508[%parallel_loop3A_520] in [0] : vector<16xf32>, vector<16xi32> -> vector<16xf32>
          %parallel_loop3A_522 = arith.addf %parallel_loop3A_508, %parallel_loop3A_521 : vector<16xf32>
          %parallel_loop3A_523 = arith.constant 2 : i32
          %parallel_loop3A_524 = vector.broadcast %parallel_loop3A_523 : i32 to vector<16xi32>
          %parallel_loop3A_525 = arith.xori %parallel_loop3A_494, %parallel_loop3A_524 : vector<16xi32>
          %parallel_loop3A_526 = arith.constant 0 : i32
          %parallel_loop3A_527 = vector.broadcast %parallel_loop3A_526 : i32 to vector<16xi32>
          %parallel_loop3A_528 = arith.cmpi slt, %parallel_loop3A_525, %parallel_loop3A_527 : vector<16xi32>
          %parallel_loop3A_529 = arith.constant 16 : i32
          %parallel_loop3A_530 = vector.broadcast %parallel_loop3A_529 : i32 to vector<16xi32>
          %parallel_loop3A_531 = arith.addi %parallel_loop3A_525, %parallel_loop3A_530 : vector<16xi32>
          %parallel_loop3A_532 = arith.select %parallel_loop3A_528, %parallel_loop3A_531, %parallel_loop3A_525 : vector<16xi1>, vector<16xi32>
          %parallel_loop3A_533 = vector.shape_cast %parallel_loop3A_532 : vector<16xi32> to vector<16x1xi32>
          %parallel_loop3A_534 = vector.shape_cast %parallel_loop3A_533 : vector<16x1xi32> to vector<16xi32>
          %parallel_loop3A_535 = tpu.dynamic_gather %parallel_loop3A_522[%parallel_loop3A_534] in [0] : vector<16xf32>, vector<16xi32> -> vector<16xf32>
          %parallel_loop3A_536 = arith.addf %parallel_loop3A_522, %parallel_loop3A_535 : vector<16xf32>
          %parallel_loop3A_537 = arith.constant 1 : i32
          %parallel_loop3A_538 = vector.broadcast %parallel_loop3A_537 : i32 to vector<16xi32>
          %parallel_loop3A_539 = arith.xori %parallel_loop3A_494, %parallel_loop3A_538 : vector<16xi32>
          %parallel_loop3A_540 = arith.constant 0 : i32
          %parallel_loop3A_541 = vector.broadcast %parallel_loop3A_540 : i32 to vector<16xi32>
          %parallel_loop3A_542 = arith.cmpi slt, %parallel_loop3A_539, %parallel_loop3A_541 : vector<16xi32>
          %parallel_loop3A_543 = arith.constant 16 : i32
          %parallel_loop3A_544 = vector.broadcast %parallel_loop3A_543 : i32 to vector<16xi32>
          %parallel_loop3A_545 = arith.addi %parallel_loop3A_539, %parallel_loop3A_544 : vector<16xi32>
          %parallel_loop3A_546 = arith.select %parallel_loop3A_542, %parallel_loop3A_545, %parallel_loop3A_539 : vector<16xi1>, vector<16xi32>
          %parallel_loop3A_547 = vector.shape_cast %parallel_loop3A_546 : vector<16xi32> to vector<16x1xi32>
          %parallel_loop3A_548 = vector.shape_cast %parallel_loop3A_547 : vector<16x1xi32> to vector<16xi32>
          %parallel_loop3A_549 = tpu.dynamic_gather %parallel_loop3A_536[%parallel_loop3A_548] in [0] : vector<16xf32>, vector<16xi32> -> vector<16xf32>
          %parallel_loop3A_550 = arith.addf %parallel_loop3A_536, %parallel_loop3A_549 : vector<16xf32>
          %parallel_loop3A_551 = arith.mulf %parallel_loop3A_418, %parallel_loop3A_550 : vector<16xf32>
          %parallel_loop3A_552 = arith.index_cast %parallel_loop3A_414 : i32 to index
          %parallel_loop3A_553 = arith.constant 0 : index
          %parallel_loop3A_554 = tpu.vector_load %arg5[%parallel_loop3A_552, %parallel_loop3A_553] {strides = array<i32>} : memref<64x128xf32, #tpu.memory_space<vmem>>, vector<1x16xf32>,
          %parallel_loop3A_555 = vector.shape_cast %parallel_loop3A_554 : vector<1x16xf32> to vector<16xf32>
          %parallel_loop3A_556 = vector.shape_cast %parallel_loop3A_551 : vector<16xf32> to vector<1x16xf32>
          tpu.vector_store %arg5[%parallel_loop3A_552, %parallel_loop3A_553], %parallel_loop3A_556 {strides = array<i32>} : memref<64x128xf32, #tpu.memory_space<vmem>>, vector<1x16xf32>,
          %parallel_loop3A_557 = arith.mulf %parallel_loop3A_422, %parallel_loop3A_550 : vector<16xf32>
          %parallel_loop3A_558 = arith.index_cast %parallel_loop3A_414 : i32 to index
          %parallel_loop3A_559 = arith.constant 16 : index
          %parallel_loop3A_560 = tpu.vector_load %arg5[%parallel_loop3A_558, %parallel_loop3A_559] {strides = array<i32>} : memref<64x128xf32, #tpu.memory_space<vmem>>, vector<1x16xf32>,
          %parallel_loop3A_561 = vector.shape_cast %parallel_loop3A_560 : vector<1x16xf32> to vector<16xf32>
          %parallel_loop3A_562 = vector.shape_cast %parallel_loop3A_557 : vector<16xf32> to vector<1x16xf32>
          tpu.vector_store %arg5[%parallel_loop3A_558, %parallel_loop3A_559], %parallel_loop3A_562 {strides = array<i32>} : memref<64x128xf32, #tpu.memory_space<vmem>>, vector<1x16xf32>,
          %parallel_loop3A_563 = arith.mulf %parallel_loop3A_426, %parallel_loop3A_550 : vector<16xf32>
          %parallel_loop3A_564 = arith.index_cast %parallel_loop3A_414 : i32 to index
          %parallel_loop3A_565 = arith.constant 32 : index
          %parallel_loop3A_566 = tpu.vector_load %arg5[%parallel_loop3A_564, %parallel_loop3A_565] {strides = array<i32>} : memref<64x128xf32, #tpu.memory_space<vmem>>, vector<1x16xf32>,
          %parallel_loop3A_567 = vector.shape_cast %parallel_loop3A_566 : vector<1x16xf32> to vector<16xf32>
          %parallel_loop3A_568 = vector.shape_cast %parallel_loop3A_563 : vector<16xf32> to vector<1x16xf32>
          tpu.vector_store %arg5[%parallel_loop3A_564, %parallel_loop3A_565], %parallel_loop3A_568 {strides = array<i32>} : memref<64x128xf32, #tpu.memory_space<vmem>>, vector<1x16xf32>,
          %parallel_loop3A_569 = arith.mulf %parallel_loop3A_430, %parallel_loop3A_550 : vector<16xf32>
          %parallel_loop3A_570 = arith.index_cast %parallel_loop3A_414 : i32 to index
          %parallel_loop3A_571 = arith.constant 48 : index
          %parallel_loop3A_572 = tpu.vector_load %arg5[%parallel_loop3A_570, %parallel_loop3A_571] {strides = array<i32>} : memref<64x128xf32, #tpu.memory_space<vmem>>, vector<1x16xf32>,
          %parallel_loop3A_573 = vector.shape_cast %parallel_loop3A_572 : vector<1x16xf32> to vector<16xf32>
          %parallel_loop3A_574 = vector.shape_cast %parallel_loop3A_569 : vector<16xf32> to vector<1x16xf32>
          tpu.vector_store %arg5[%parallel_loop3A_570, %parallel_loop3A_571], %parallel_loop3A_574 {strides = array<i32>} : memref<64x128xf32, #tpu.memory_space<vmem>>, vector<1x16xf32>,
          %parallel_loop3A_575 = arith.mulf %parallel_loop3A_434, %parallel_loop3A_550 : vector<16xf32>
          %parallel_loop3A_576 = arith.index_cast %parallel_loop3A_414 : i32 to index
          %parallel_loop3A_577 = arith.constant 64 : index
          %parallel_loop3A_578 = tpu.vector_load %arg5[%parallel_loop3A_576, %parallel_loop3A_577] {strides = array<i32>} : memref<64x128xf32, #tpu.memory_space<vmem>>, vector<1x16xf32>,
          %parallel_loop3A_579 = vector.shape_cast %parallel_loop3A_578 : vector<1x16xf32> to vector<16xf32>
          %parallel_loop3A_580 = vector.shape_cast %parallel_loop3A_575 : vector<16xf32> to vector<1x16xf32>
          tpu.vector_store %arg5[%parallel_loop3A_576, %parallel_loop3A_577], %parallel_loop3A_580 {strides = array<i32>} : memref<64x128xf32, #tpu.memory_space<vmem>>, vector<1x16xf32>,
          %parallel_loop3A_581 = arith.mulf %parallel_loop3A_438, %parallel_loop3A_550 : vector<16xf32>
          %parallel_loop3A_582 = arith.index_cast %parallel_loop3A_414 : i32 to index
          %parallel_loop3A_583 = arith.constant 80 : index
          %parallel_loop3A_584 = tpu.vector_load %arg5[%parallel_loop3A_582, %parallel_loop3A_583] {strides = array<i32>} : memref<64x128xf32, #tpu.memory_space<vmem>>, vector<1x16xf32>,
          %parallel_loop3A_585 = vector.shape_cast %parallel_loop3A_584 : vector<1x16xf32> to vector<16xf32>
          %parallel_loop3A_586 = vector.shape_cast %parallel_loop3A_581 : vector<16xf32> to vector<1x16xf32>
          tpu.vector_store %arg5[%parallel_loop3A_582, %parallel_loop3A_583], %parallel_loop3A_586 {strides = array<i32>} : memref<64x128xf32, #tpu.memory_space<vmem>>, vector<1x16xf32>,
          %parallel_loop3A_587 = arith.mulf %parallel_loop3A_442, %parallel_loop3A_550 : vector<16xf32>
          %parallel_loop3A_588 = arith.index_cast %parallel_loop3A_414 : i32 to index
          %parallel_loop3A_589 = arith.constant 96 : index
          %parallel_loop3A_590 = tpu.vector_load %arg5[%parallel_loop3A_588, %parallel_loop3A_589] {strides = array<i32>} : memref<64x128xf32, #tpu.memory_space<vmem>>, vector<1x16xf32>,
          %parallel_loop3A_591 = vector.shape_cast %parallel_loop3A_590 : vector<1x16xf32> to vector<16xf32>
          %parallel_loop3A_592 = vector.shape_cast %parallel_loop3A_587 : vector<16xf32> to vector<1x16xf32>
          tpu.vector_store %arg5[%parallel_loop3A_588, %parallel_loop3A_589], %parallel_loop3A_592 {strides = array<i32>} : memref<64x128xf32, #tpu.memory_space<vmem>>, vector<1x16xf32>,
          %parallel_loop3A_593 = arith.mulf %parallel_loop3A_446, %parallel_loop3A_550 : vector<16xf32>
          %parallel_loop3A_594 = arith.index_cast %parallel_loop3A_414 : i32 to index
          %parallel_loop3A_595 = arith.constant 112 : index
          %parallel_loop3A_596 = tpu.vector_load %arg5[%parallel_loop3A_594, %parallel_loop3A_595] {strides = array<i32>} : memref<64x128xf32, #tpu.memory_space<vmem>>, vector<1x16xf32>,
          %parallel_loop3A_597 = vector.shape_cast %parallel_loop3A_596 : vector<1x16xf32> to vector<16xf32>
          %parallel_loop3A_598 = vector.shape_cast %parallel_loop3A_593 : vector<16xf32> to vector<1x16xf32>
          tpu.vector_store %arg5[%parallel_loop3A_594, %parallel_loop3A_595], %parallel_loop3A_598 {strides = array<i32>} : memref<64x128xf32, #tpu.memory_space<vmem>>, vector<1x16xf32>,
        } {sc.loop_unroll_factor = 4 : i64, sc.parallel_access}
        %add3A_402 = arith.addi %select_n3A_18, %add3A_348 : i32
        %mul3A_403 = arith.constant 64 : i32
        %mul3A_404 = arith.muli %add3A_402, %mul3A_403 : i32
        %multiple_of3A_405 = tpu.assume_multiple %mul3A_404, 64 : i32
        %dma_wait3A_406 = arith.constant 1 : i32
        %dma_wait3A_407 = tpu.memref_slice %arg3[%dma_wait3A_406, %multiple_of3A_405] : memref<2x320000xi32, #tpu.memory_space<hbm>> -> memref<1x64xi32, #tpu.memory_space<hbm>>
        %dma_wait3A_408 = tpu.memref_squeeze %dma_wait3A_407 : memref<1x64xi32, #tpu.memory_space<hbm>> -> memref<64xi32, #tpu.memory_space<hbm>>
        %dma_wait3A_409 = tpu.memref_slice %arg3[%dma_wait3A_406, %multiple_of3A_405] : memref<2x320000xi32, #tpu.memory_space<hbm>> -> memref<1x64xi32, #tpu.memory_space<hbm>>
        %dma_wait3A_410 = tpu.memref_squeeze %dma_wait3A_409 : memref<1x64xi32, #tpu.memory_space<hbm>> -> memref<64xi32, #tpu.memory_space<hbm>>
        tpu.wait_dma2 semaphore(%arg30 : memref<!tpu.dma_semaphore, #tpu.memory_space<semaphore_mem>>) src(%dma_wait3A_410 : memref<64xi32, #tpu.memory_space<hbm>>) dst(%arg17 : memref<64xi32, #tpu.memory_space<vmem>>)
        %dma_start3A_411 = arith.constant 0 : i32
        %dma_start3A_412 = arith.constant 0 : i32
        %dma_start3A_413 = tpu.memref_slice %arg20[%dma_start3A_411, %dma_start3A_412] : memref<10000x128xf32, #tpu.memory_space<vmem_shared>> -> memref<10000x128xf32, #tpu.memory_space<vmem_shared>>
        tpu.enqueue_indirect_dma source(%arg5 : memref<64x128xf32, #tpu.memory_space<vmem>>) target(%dma_start3A_413 : memref<10000x128xf32, #tpu.memory_space<vmem_shared>>) offsets(%arg17 : memref<64xi32, #tpu.memory_space<vmem>>) semaphore(%arg24 : memref<!tpu.dma_semaphore, #tpu.memory_space<semaphore_mem>>) {add = true}
      } else {
      }
      %add3A_353 = arith.constant 2 : i32
      %add3A_354 = arith.addi %add3A_348, %add3A_353 : i32
      %lt3A_355 = arith.cmpi slt, %add3A_354, %select_n3A : i32
      %convert_element_type3A_356 = arith.extui %lt3A_355 : i1 to i32
      %cond3A_357 = arith.constant 0 : i32
      %cond3A_358 = arith.cmpi ne, %convert_element_type3A_356, %cond3A_357 : i32
      scf.if %cond3A_358 {
        %gt3A = arith.constant 0 : i32
        %gt3A_388 = arith.cmpi sgt, %while3A_343, %gt3A : i32
        %convert_element_type3A_389 = arith.extui %gt3A_388 : i1 to i32
        %cond3A_390 = arith.constant 0 : i32
        %cond3A_391 = arith.cmpi ne, %convert_element_type3A_389, %cond3A_390 : i32
        scf.if %cond3A_391 {
          %dma_wait3A_429 = arith.constant 0 : i32
          %dma_wait3A_430 = arith.constant 0 : i32
          %dma_wait3A_431 = tpu.memref_slice %arg20[%dma_wait3A_429, %dma_wait3A_430] : memref<10000x128xf32, #tpu.memory_space<vmem_shared>> -> memref<10000x128xf32, #tpu.memory_space<vmem_shared>>
          tpu.wait_indirect_dma semaphore(%arg26 : memref<!tpu.dma_semaphore, #tpu.memory_space<semaphore_mem>>) src(%arg7 : memref<64x128xf32, #tpu.memory_space<vmem>>) dst(%dma_wait3A_431 : memref<10000x128xf32, #tpu.memory_space<vmem_shared>>)
        } else {
        }
        %add3A_392 = arith.constant 2 : i32
        %add3A_393 = arith.addi %add3A_348, %add3A_392 : i32
        %add3A_394 = arith.addi %select_n3A_18, %add3A_393 : i32
        %mul3A_395 = arith.constant 64 : i32
        %mul3A_396 = arith.muli %add3A_394, %mul3A_395 : i32
        %multiple_of3A_397 = tpu.assume_multiple %mul3A_396, 64 : i32
        %dma_wait3A_398 = arith.constant 0 : i32
        %dma_wait3A_399 = tpu.memref_slice %arg3[%dma_wait3A_398, %multiple_of3A_397] : memref<2x320000xi32, #tpu.memory_space<hbm>> -> memref<1x64xi32, #tpu.memory_space<hbm>>
        %dma_wait3A_400 = tpu.memref_squeeze %dma_wait3A_399 : memref<1x64xi32, #tpu.memory_space<hbm>> -> memref<64xi32, #tpu.memory_space<hbm>>
        %dma_wait3A_401 = tpu.memref_slice %arg3[%dma_wait3A_398, %multiple_of3A_397] : memref<2x320000xi32, #tpu.memory_space<hbm>> -> memref<1x64xi32, #tpu.memory_space<hbm>>
        %dma_wait3A_402 = tpu.memref_squeeze %dma_wait3A_401 : memref<1x64xi32, #tpu.memory_space<hbm>> -> memref<64xi32, #tpu.memory_space<hbm>>
        tpu.wait_dma2 semaphore(%arg29 : memref<!tpu.dma_semaphore, #tpu.memory_space<semaphore_mem>>) src(%dma_wait3A_402 : memref<64xi32, #tpu.memory_space<hbm>>) dst(%arg13 : memref<64xi32, #tpu.memory_space<vmem>>)
        %add3A_403 = arith.addi %select_n3A_18, %add3A_393 : i32
        %mul3A_404 = arith.constant 64 : i32
        %mul3A_405 = arith.muli %add3A_403, %mul3A_404 : i32
        %multiple_of3A_406 = tpu.assume_multiple %mul3A_405, 64 : i32
        %dma_wait3A_407 = arith.constant 1 : i32
        %dma_wait3A_408 = tpu.memref_slice %arg3[%dma_wait3A_407, %multiple_of3A_406] : memref<2x320000xi32, #tpu.memory_space<hbm>> -> memref<1x64xi32, #tpu.memory_space<hbm>>
        %dma_wait3A_409 = tpu.memref_squeeze %dma_wait3A_408 : memref<1x64xi32, #tpu.memory_space<hbm>> -> memref<64xi32, #tpu.memory_space<hbm>>
        %dma_wait3A_410 = tpu.memref_slice %arg3[%dma_wait3A_407, %multiple_of3A_406] : memref<2x320000xi32, #tpu.memory_space<hbm>> -> memref<1x64xi32, #tpu.memory_space<hbm>>
        %dma_wait3A_411 = tpu.memref_squeeze %dma_wait3A_410 : memref<1x64xi32, #tpu.memory_space<hbm>> -> memref<64xi32, #tpu.memory_space<hbm>>
        tpu.wait_dma2 semaphore(%arg29 : memref<!tpu.dma_semaphore, #tpu.memory_space<semaphore_mem>>) src(%dma_wait3A_411 : memref<64xi32, #tpu.memory_space<hbm>>) dst(%arg16 : memref<64xi32, #tpu.memory_space<vmem>>)
        %dma_start3A_412 = arith.constant 0 : i32
        %dma_start3A_413 = arith.constant 0 : i32
        %dma_start3A_414 = tpu.memref_slice %arg2[%dma_start3A_412, %dma_start3A_413] : memref<10000x128xf32, #tpu.memory_space<hbm>> -> memref<10000x128xf32, #tpu.memory_space<hbm>>
        tpu.enqueue_indirect_dma source(%dma_start3A_414 : memref<10000x128xf32, #tpu.memory_space<hbm>>) target(%arg7 : memref<64x128xf32, #tpu.memory_space<vmem>>) offsets(%arg13 : memref<64xi32, #tpu.memory_space<vmem>>) semaphore(%arg23 : memref<!tpu.dma_semaphore, #tpu.memory_space<semaphore_mem>>)
        %dma_start3A_415 = arith.constant 0 : i32
        %dma_start3A_416 = arith.constant 0 : i32
        %dma_start3A_417 = tpu.memref_slice %arg2[%dma_start3A_415, %dma_start3A_416] : memref<10000x128xf32, #tpu.memory_space<hbm>> -> memref<10000x128xf32, #tpu.memory_space<hbm>>
        tpu.enqueue_indirect_dma source(%dma_start3A_417 : memref<10000x128xf32, #tpu.memory_space<hbm>>) target(%arg10 : memref<64x128xf32, #tpu.memory_space<vmem>>) offsets(%arg16 : memref<64xi32, #tpu.memory_space<vmem>>) semaphore(%arg23 : memref<!tpu.dma_semaphore, #tpu.memory_space<semaphore_mem>>)
        %add3A_418 = arith.constant 2 : i32
        %add3A_419 = arith.addi %add3A_348, %add3A_418 : i32
        %add3A_420 = arith.addi %select_n3A_18, %add3A_419 : i32
        %mul3A_421 = arith.constant 64 : i32
        %mul3A_422 = arith.muli %add3A_420, %mul3A_421 : i32
        %multiple_of3A_423 = tpu.assume_multiple %mul3A_422, 64 : i32
        %dma_start3A_424 = arith.constant 1 : i32
        %dma_start3A_425 = tpu.memref_slice %arg3[%dma_start3A_424, %multiple_of3A_423] : memref<2x320000xi32, #tpu.memory_space<hbm>> -> memref<1x64xi32, #tpu.memory_space<hbm>>
        %dma_start3A_426 = tpu.memref_squeeze %dma_start3A_425 : memref<1x64xi32, #tpu.memory_space<hbm>> -> memref<64xi32, #tpu.memory_space<hbm>>
        %dma_start3A_427 = tpu.memref_slice %arg3[%dma_start3A_424, %multiple_of3A_423] : memref<2x320000xi32, #tpu.memory_space<hbm>> -> memref<1x64xi32, #tpu.memory_space<hbm>>
        %dma_start3A_428 = tpu.memref_squeeze %dma_start3A_427 : memref<1x64xi32, #tpu.memory_space<hbm>> -> memref<64xi32, #tpu.memory_space<hbm>>
        tpu.enqueue_dma source(%dma_start3A_428 : memref<64xi32, #tpu.memory_space<hbm>>) target(%arg19 : memref<64xi32, #tpu.memory_space<vmem>>) target_semaphore(%arg32 : memref<!tpu.dma_semaphore, #tpu.memory_space<semaphore_mem>>)
      } else {
      }
      %mul3A_359 = arith.constant 3 : i32
      %mul3A_360 = arith.muli %mul3A_359, %while3A_343 : i32
      %add3A_361 = arith.constant 1 : i32
      %add3A_362 = arith.addi %mul3A_360, %add3A_361 : i32
      %lt3A_363 = arith.cmpi slt, %add3A_362, %select_n3A : i32
      %convert_element_type3A_364 = arith.extui %lt3A_363 : i1 to i32
      %cond3A_365 = arith.constant 0 : i32
      %cond3A_366 = arith.cmpi ne, %convert_element_type3A_364, %cond3A_365 : i32
      scf.if %cond3A_366 {
        %dma_wait3A_388 = arith.constant 0 : i32
        %dma_wait3A_389 = arith.constant 0 : i32
        %dma_wait3A_390 = tpu.memref_slice %arg2[%dma_wait3A_388, %dma_wait3A_389] : memref<10000x128xf32, #tpu.memory_space<hbm>> -> memref<10000x128xf32, #tpu.memory_space<hbm>>
        tpu.wait_indirect_dma semaphore(%arg22 : memref<!tpu.dma_semaphore, #tpu.memory_space<semaphore_mem>>) src(%dma_wait3A_390 : memref<10000x128xf32, #tpu.memory_space<hbm>>) dst(%arg6 : memref<64x128xf32, #tpu.memory_space<vmem>>)
        %dma_wait3A_391 = arith.constant 0 : i32
        %dma_wait3A_392 = arith.constant 0 : i32
        %dma_wait3A_393 = tpu.memref_slice %arg2[%dma_wait3A_391, %dma_wait3A_392] : memref<10000x128xf32, #tpu.memory_space<hbm>> -> memref<10000x128xf32, #tpu.memory_space<hbm>>
        tpu.wait_indirect_dma semaphore(%arg22 : memref<!tpu.dma_semaphore, #tpu.memory_space<semaphore_mem>>) src(%dma_wait3A_393 : memref<10000x128xf32, #tpu.memory_space<hbm>>) dst(%arg9 : memref<64x128xf32, #tpu.memory_space<vmem>>)
        %add3A_394 = arith.constant 3 : i32
        %add3A_395 = arith.addi %add3A_362, %add3A_394 : i32
        %lt3A_396 = arith.cmpi slt, %add3A_395, %select_n3A : i32
        %convert_element_type3A_397 = arith.extui %lt3A_396 : i1 to i32
        %cond3A_398 = arith.constant 0 : i32
        %cond3A_399 = arith.cmpi ne, %convert_element_type3A_397, %cond3A_398 : i32
        scf.if %cond3A_399 {
          %add3A_414 = arith.constant 3 : i32
          %add3A_415 = arith.addi %add3A_362, %add3A_414 : i32
          %add3A_416 = arith.addi %select_n3A_18, %add3A_415 : i32
          %mul3A_417 = arith.constant 64 : i32
          %mul3A_418 = arith.muli %add3A_416, %mul3A_417 : i32
          %multiple_of3A_419 = tpu.assume_multiple %mul3A_418, 64 : i32
          %dma_start3A_420 = arith.constant 0 : i32
          %dma_start3A_421 = tpu.memref_slice %arg3[%dma_start3A_420, %multiple_of3A_419] : memref<2x320000xi32, #tpu.memory_space<hbm>> -> memref<1x64xi32, #tpu.memory_space<hbm>>
          %dma_start3A_422 = tpu.memref_squeeze %dma_start3A_421 : memref<1x64xi32, #tpu.memory_space<hbm>> -> memref<64xi32, #tpu.memory_space<hbm>>
          %dma_start3A_423 = tpu.memref_slice %arg3[%dma_start3A_420, %multiple_of3A_419] : memref<2x320000xi32, #tpu.memory_space<hbm>> -> memref<1x64xi32, #tpu.memory_space<hbm>>
          %dma_start3A_424 = tpu.memref_squeeze %dma_start3A_423 : memref<1x64xi32, #tpu.memory_space<hbm>> -> memref<64xi32, #tpu.memory_space<hbm>>
          tpu.enqueue_dma source(%dma_start3A_424 : memref<64xi32, #tpu.memory_space<hbm>>) target(%arg12 : memref<64xi32, #tpu.memory_space<vmem>>) target_semaphore(%arg28 : memref<!tpu.dma_semaphore, #tpu.memory_space<semaphore_mem>>)
          %add3A_425 = arith.addi %select_n3A_18, %add3A_415 : i32
          %mul3A_426 = arith.constant 64 : i32
          %mul3A_427 = arith.muli %add3A_425, %mul3A_426 : i32
          %multiple_of3A_428 = tpu.assume_multiple %mul3A_427, 64 : i32
          %dma_start3A_429 = arith.constant 1 : i32
          %dma_start3A_430 = tpu.memref_slice %arg3[%dma_start3A_429, %multiple_of3A_428] : memref<2x320000xi32, #tpu.memory_space<hbm>> -> memref<1x64xi32, #tpu.memory_space<hbm>>
          %dma_start3A_431 = tpu.memref_squeeze %dma_start3A_430 : memref<1x64xi32, #tpu.memory_space<hbm>> -> memref<64xi32, #tpu.memory_space<hbm>>
          %dma_start3A_432 = tpu.memref_slice %arg3[%dma_start3A_429, %multiple_of3A_428] : memref<2x320000xi32, #tpu.memory_space<hbm>> -> memref<1x64xi32, #tpu.memory_space<hbm>>
          %dma_start3A_433 = tpu.memref_squeeze %dma_start3A_432 : memref<1x64xi32, #tpu.memory_space<hbm>> -> memref<64xi32, #tpu.memory_space<hbm>>
          tpu.enqueue_dma source(%dma_start3A_433 : memref<64xi32, #tpu.memory_space<hbm>>) target(%arg15 : memref<64xi32, #tpu.memory_space<vmem>>) target_semaphore(%arg28 : memref<!tpu.dma_semaphore, #tpu.memory_space<semaphore_mem>>)
        } else {
        }
        %parallel_loop3A = arith.constant 0 : i32
        %parallel_loop3A_400 = arith.constant 64 : i32
        %parallel_loop3A_401 = arith.constant 1 : i32
        scf.for %parallel_loop3A_414 = %parallel_loop3A to %parallel_loop3A_400 step %parallel_loop3A_401  : i32 {
          %parallel_loop3A_415 = arith.index_cast %parallel_loop3A_414 : i32 to index
          %parallel_loop3A_416 = arith.constant 0 : index
          %parallel_loop3A_417 = tpu.vector_load %arg6[%parallel_loop3A_415, %parallel_loop3A_416] {strides = array<i32>} : memref<64x128xf32, #tpu.memory_space<vmem>>, vector<1x16xf32>,
          %parallel_loop3A_418 = vector.shape_cast %parallel_loop3A_417 : vector<1x16xf32> to vector<16xf32>
          %parallel_loop3A_419 = arith.index_cast %parallel_loop3A_414 : i32 to index
          %parallel_loop3A_420 = arith.constant 16 : index
          %parallel_loop3A_421 = tpu.vector_load %arg6[%parallel_loop3A_419, %parallel_loop3A_420] {strides = array<i32>} : memref<64x128xf32, #tpu.memory_space<vmem>>, vector<1x16xf32>,
          %parallel_loop3A_422 = vector.shape_cast %parallel_loop3A_421 : vector<1x16xf32> to vector<16xf32>
          %parallel_loop3A_423 = arith.index_cast %parallel_loop3A_414 : i32 to index
          %parallel_loop3A_424 = arith.constant 32 : index
          %parallel_loop3A_425 = tpu.vector_load %arg6[%parallel_loop3A_423, %parallel_loop3A_424] {strides = array<i32>} : memref<64x128xf32, #tpu.memory_space<vmem>>, vector<1x16xf32>,
          %parallel_loop3A_426 = vector.shape_cast %parallel_loop3A_425 : vector<1x16xf32> to vector<16xf32>
          %parallel_loop3A_427 = arith.index_cast %parallel_loop3A_414 : i32 to index
          %parallel_loop3A_428 = arith.constant 48 : index
          %parallel_loop3A_429 = tpu.vector_load %arg6[%parallel_loop3A_427, %parallel_loop3A_428] {strides = array<i32>} : memref<64x128xf32, #tpu.memory_space<vmem>>, vector<1x16xf32>,
          %parallel_loop3A_430 = vector.shape_cast %parallel_loop3A_429 : vector<1x16xf32> to vector<16xf32>
          %parallel_loop3A_431 = arith.index_cast %parallel_loop3A_414 : i32 to index
          %parallel_loop3A_432 = arith.constant 64 : index
          %parallel_loop3A_433 = tpu.vector_load %arg6[%parallel_loop3A_431, %parallel_loop3A_432] {strides = array<i32>} : memref<64x128xf32, #tpu.memory_space<vmem>>, vector<1x16xf32>,
          %parallel_loop3A_434 = vector.shape_cast %parallel_loop3A_433 : vector<1x16xf32> to vector<16xf32>
          %parallel_loop3A_435 = arith.index_cast %parallel_loop3A_414 : i32 to index
          %parallel_loop3A_436 = arith.constant 80 : index
          %parallel_loop3A_437 = tpu.vector_load %arg6[%parallel_loop3A_435, %parallel_loop3A_436] {strides = array<i32>} : memref<64x128xf32, #tpu.memory_space<vmem>>, vector<1x16xf32>,
          %parallel_loop3A_438 = vector.shape_cast %parallel_loop3A_437 : vector<1x16xf32> to vector<16xf32>
          %parallel_loop3A_439 = arith.index_cast %parallel_loop3A_414 : i32 to index
          %parallel_loop3A_440 = arith.constant 96 : index
          %parallel_loop3A_441 = tpu.vector_load %arg6[%parallel_loop3A_439, %parallel_loop3A_440] {strides = array<i32>} : memref<64x128xf32, #tpu.memory_space<vmem>>, vector<1x16xf32>,
          %parallel_loop3A_442 = vector.shape_cast %parallel_loop3A_441 : vector<1x16xf32> to vector<16xf32>
          %parallel_loop3A_443 = arith.index_cast %parallel_loop3A_414 : i32 to index
          %parallel_loop3A_444 = arith.constant 112 : index
          %parallel_loop3A_445 = tpu.vector_load %arg6[%parallel_loop3A_443, %parallel_loop3A_444] {strides = array<i32>} : memref<64x128xf32, #tpu.memory_space<vmem>>, vector<1x16xf32>,
          %parallel_loop3A_446 = vector.shape_cast %parallel_loop3A_445 : vector<1x16xf32> to vector<16xf32>
          %parallel_loop3A_447 = arith.index_cast %parallel_loop3A_414 : i32 to index
          %parallel_loop3A_448 = arith.constant 0 : index
          %parallel_loop3A_449 = tpu.vector_load %arg9[%parallel_loop3A_447, %parallel_loop3A_448] {strides = array<i32>} : memref<64x128xf32, #tpu.memory_space<vmem>>, vector<1x16xf32>,
          %parallel_loop3A_450 = vector.shape_cast %parallel_loop3A_449 : vector<1x16xf32> to vector<16xf32>
          %parallel_loop3A_451 = arith.index_cast %parallel_loop3A_414 : i32 to index
          %parallel_loop3A_452 = arith.constant 16 : index
          %parallel_loop3A_453 = tpu.vector_load %arg9[%parallel_loop3A_451, %parallel_loop3A_452] {strides = array<i32>} : memref<64x128xf32, #tpu.memory_space<vmem>>, vector<1x16xf32>,
          %parallel_loop3A_454 = vector.shape_cast %parallel_loop3A_453 : vector<1x16xf32> to vector<16xf32>
          %parallel_loop3A_455 = arith.index_cast %parallel_loop3A_414 : i32 to index
          %parallel_loop3A_456 = arith.constant 32 : index
          %parallel_loop3A_457 = tpu.vector_load %arg9[%parallel_loop3A_455, %parallel_loop3A_456] {strides = array<i32>} : memref<64x128xf32, #tpu.memory_space<vmem>>, vector<1x16xf32>,
          %parallel_loop3A_458 = vector.shape_cast %parallel_loop3A_457 : vector<1x16xf32> to vector<16xf32>
          %parallel_loop3A_459 = arith.index_cast %parallel_loop3A_414 : i32 to index
          %parallel_loop3A_460 = arith.constant 48 : index
          %parallel_loop3A_461 = tpu.vector_load %arg9[%parallel_loop3A_459, %parallel_loop3A_460] {strides = array<i32>} : memref<64x128xf32, #tpu.memory_space<vmem>>, vector<1x16xf32>,
          %parallel_loop3A_462 = vector.shape_cast %parallel_loop3A_461 : vector<1x16xf32> to vector<16xf32>
          %parallel_loop3A_463 = arith.index_cast %parallel_loop3A_414 : i32 to index
          %parallel_loop3A_464 = arith.constant 64 : index
          %parallel_loop3A_465 = tpu.vector_load %arg9[%parallel_loop3A_463, %parallel_loop3A_464] {strides = array<i32>} : memref<64x128xf32, #tpu.memory_space<vmem>>, vector<1x16xf32>,
          %parallel_loop3A_466 = vector.shape_cast %parallel_loop3A_465 : vector<1x16xf32> to vector<16xf32>
          %parallel_loop3A_467 = arith.index_cast %parallel_loop3A_414 : i32 to index
          %parallel_loop3A_468 = arith.constant 80 : index
          %parallel_loop3A_469 = tpu.vector_load %arg9[%parallel_loop3A_467, %parallel_loop3A_468] {strides = array<i32>} : memref<64x128xf32, #tpu.memory_space<vmem>>, vector<1x16xf32>,
          %parallel_loop3A_470 = vector.shape_cast %parallel_loop3A_469 : vector<1x16xf32> to vector<16xf32>
          %parallel_loop3A_471 = arith.index_cast %parallel_loop3A_414 : i32 to index
          %parallel_loop3A_472 = arith.constant 96 : index
          %parallel_loop3A_473 = tpu.vector_load %arg9[%parallel_loop3A_471, %parallel_loop3A_472] {strides = array<i32>} : memref<64x128xf32, #tpu.memory_space<vmem>>, vector<1x16xf32>,
          %parallel_loop3A_474 = vector.shape_cast %parallel_loop3A_473 : vector<1x16xf32> to vector<16xf32>
          %parallel_loop3A_475 = arith.index_cast %parallel_loop3A_414 : i32 to index
          %parallel_loop3A_476 = arith.constant 112 : index
          %parallel_loop3A_477 = tpu.vector_load %arg9[%parallel_loop3A_475, %parallel_loop3A_476] {strides = array<i32>} : memref<64x128xf32, #tpu.memory_space<vmem>>, vector<1x16xf32>,
          %parallel_loop3A_478 = vector.shape_cast %parallel_loop3A_477 : vector<1x16xf32> to vector<16xf32>
          %parallel_loop3A_479 = arith.mulf %parallel_loop3A_418, %parallel_loop3A_450 : vector<16xf32>
          %parallel_loop3A_480 = arith.mulf %parallel_loop3A_422, %parallel_loop3A_454 : vector<16xf32>
          %parallel_loop3A_481 = arith.addf %parallel_loop3A_479, %parallel_loop3A_480 : vector<16xf32>
          %parallel_loop3A_482 = arith.mulf %parallel_loop3A_426, %parallel_loop3A_458 : vector<16xf32>
          %parallel_loop3A_483 = arith.addf %parallel_loop3A_481, %parallel_loop3A_482 : vector<16xf32>
          %parallel_loop3A_484 = arith.mulf %parallel_loop3A_430, %parallel_loop3A_462 : vector<16xf32>
          %parallel_loop3A_485 = arith.addf %parallel_loop3A_483, %parallel_loop3A_484 : vector<16xf32>
          %parallel_loop3A_486 = arith.mulf %parallel_loop3A_434, %parallel_loop3A_466 : vector<16xf32>
          %parallel_loop3A_487 = arith.addf %parallel_loop3A_485, %parallel_loop3A_486 : vector<16xf32>
          %parallel_loop3A_488 = arith.mulf %parallel_loop3A_438, %parallel_loop3A_470 : vector<16xf32>
          %parallel_loop3A_489 = arith.addf %parallel_loop3A_487, %parallel_loop3A_488 : vector<16xf32>
          %parallel_loop3A_490 = arith.mulf %parallel_loop3A_442, %parallel_loop3A_474 : vector<16xf32>
          %parallel_loop3A_491 = arith.addf %parallel_loop3A_489, %parallel_loop3A_490 : vector<16xf32>
          %parallel_loop3A_492 = arith.mulf %parallel_loop3A_446, %parallel_loop3A_478 : vector<16xf32>
          %parallel_loop3A_493 = arith.addf %parallel_loop3A_491, %parallel_loop3A_492 : vector<16xf32>
          %parallel_loop3A_494 = tpu.iota {dimensions = array<i32: 0>} : vector<16xi32>
          %parallel_loop3A_495 = arith.constant 8 : i32
          %parallel_loop3A_496 = vector.broadcast %parallel_loop3A_495 : i32 to vector<16xi32>
          %parallel_loop3A_497 = arith.xori %parallel_loop3A_494, %parallel_loop3A_496 : vector<16xi32>
          %parallel_loop3A_498 = arith.constant 0 : i32
          %parallel_loop3A_499 = vector.broadcast %parallel_loop3A_498 : i32 to vector<16xi32>
          %parallel_loop3A_500 = arith.cmpi slt, %parallel_loop3A_497, %parallel_loop3A_499 : vector<16xi32>
          %parallel_loop3A_501 = arith.constant 16 : i32
          %parallel_loop3A_502 = vector.broadcast %parallel_loop3A_501 : i32 to vector<16xi32>
          %parallel_loop3A_503 = arith.addi %parallel_loop3A_497, %parallel_loop3A_502 : vector<16xi32>
          %parallel_loop3A_504 = arith.select %parallel_loop3A_500, %parallel_loop3A_503, %parallel_loop3A_497 : vector<16xi1>, vector<16xi32>
          %parallel_loop3A_505 = vector.shape_cast %parallel_loop3A_504 : vector<16xi32> to vector<16x1xi32>
          %parallel_loop3A_506 = vector.shape_cast %parallel_loop3A_505 : vector<16x1xi32> to vector<16xi32>
          %parallel_loop3A_507 = tpu.dynamic_gather %parallel_loop3A_493[%parallel_loop3A_506] in [0] : vector<16xf32>, vector<16xi32> -> vector<16xf32>
          %parallel_loop3A_508 = arith.addf %parallel_loop3A_493, %parallel_loop3A_507 : vector<16xf32>
          %parallel_loop3A_509 = arith.constant 4 : i32
          %parallel_loop3A_510 = vector.broadcast %parallel_loop3A_509 : i32 to vector<16xi32>
          %parallel_loop3A_511 = arith.xori %parallel_loop3A_494, %parallel_loop3A_510 : vector<16xi32>
          %parallel_loop3A_512 = arith.constant 0 : i32
          %parallel_loop3A_513 = vector.broadcast %parallel_loop3A_512 : i32 to vector<16xi32>
          %parallel_loop3A_514 = arith.cmpi slt, %parallel_loop3A_511, %parallel_loop3A_513 : vector<16xi32>
          %parallel_loop3A_515 = arith.constant 16 : i32
          %parallel_loop3A_516 = vector.broadcast %parallel_loop3A_515 : i32 to vector<16xi32>
          %parallel_loop3A_517 = arith.addi %parallel_loop3A_511, %parallel_loop3A_516 : vector<16xi32>
          %parallel_loop3A_518 = arith.select %parallel_loop3A_514, %parallel_loop3A_517, %parallel_loop3A_511 : vector<16xi1>, vector<16xi32>
          %parallel_loop3A_519 = vector.shape_cast %parallel_loop3A_518 : vector<16xi32> to vector<16x1xi32>
          %parallel_loop3A_520 = vector.shape_cast %parallel_loop3A_519 : vector<16x1xi32> to vector<16xi32>
          %parallel_loop3A_521 = tpu.dynamic_gather %parallel_loop3A_508[%parallel_loop3A_520] in [0] : vector<16xf32>, vector<16xi32> -> vector<16xf32>
          %parallel_loop3A_522 = arith.addf %parallel_loop3A_508, %parallel_loop3A_521 : vector<16xf32>
          %parallel_loop3A_523 = arith.constant 2 : i32
          %parallel_loop3A_524 = vector.broadcast %parallel_loop3A_523 : i32 to vector<16xi32>
          %parallel_loop3A_525 = arith.xori %parallel_loop3A_494, %parallel_loop3A_524 : vector<16xi32>
          %parallel_loop3A_526 = arith.constant 0 : i32
          %parallel_loop3A_527 = vector.broadcast %parallel_loop3A_526 : i32 to vector<16xi32>
          %parallel_loop3A_528 = arith.cmpi slt, %parallel_loop3A_525, %parallel_loop3A_527 : vector<16xi32>
          %parallel_loop3A_529 = arith.constant 16 : i32
          %parallel_loop3A_530 = vector.broadcast %parallel_loop3A_529 : i32 to vector<16xi32>
          %parallel_loop3A_531 = arith.addi %parallel_loop3A_525, %parallel_loop3A_530 : vector<16xi32>
          %parallel_loop3A_532 = arith.select %parallel_loop3A_528, %parallel_loop3A_531, %parallel_loop3A_525 : vector<16xi1>, vector<16xi32>
          %parallel_loop3A_533 = vector.shape_cast %parallel_loop3A_532 : vector<16xi32> to vector<16x1xi32>
          %parallel_loop3A_534 = vector.shape_cast %parallel_loop3A_533 : vector<16x1xi32> to vector<16xi32>
          %parallel_loop3A_535 = tpu.dynamic_gather %parallel_loop3A_522[%parallel_loop3A_534] in [0] : vector<16xf32>, vector<16xi32> -> vector<16xf32>
          %parallel_loop3A_536 = arith.addf %parallel_loop3A_522, %parallel_loop3A_535 : vector<16xf32>
          %parallel_loop3A_537 = arith.constant 1 : i32
          %parallel_loop3A_538 = vector.broadcast %parallel_loop3A_537 : i32 to vector<16xi32>
          %parallel_loop3A_539 = arith.xori %parallel_loop3A_494, %parallel_loop3A_538 : vector<16xi32>
          %parallel_loop3A_540 = arith.constant 0 : i32
          %parallel_loop3A_541 = vector.broadcast %parallel_loop3A_540 : i32 to vector<16xi32>
          %parallel_loop3A_542 = arith.cmpi slt, %parallel_loop3A_539, %parallel_loop3A_541 : vector<16xi32>
          %parallel_loop3A_543 = arith.constant 16 : i32
          %parallel_loop3A_544 = vector.broadcast %parallel_loop3A_543 : i32 to vector<16xi32>
          %parallel_loop3A_545 = arith.addi %parallel_loop3A_539, %parallel_loop3A_544 : vector<16xi32>
          %parallel_loop3A_546 = arith.select %parallel_loop3A_542, %parallel_loop3A_545, %parallel_loop3A_539 : vector<16xi1>, vector<16xi32>
          %parallel_loop3A_547 = vector.shape_cast %parallel_loop3A_546 : vector<16xi32> to vector<16x1xi32>
          %parallel_loop3A_548 = vector.shape_cast %parallel_loop3A_547 : vector<16x1xi32> to vector<16xi32>
          %parallel_loop3A_549 = tpu.dynamic_gather %parallel_loop3A_536[%parallel_loop3A_548] in [0] : vector<16xf32>, vector<16xi32> -> vector<16xf32>
          %parallel_loop3A_550 = arith.addf %parallel_loop3A_536, %parallel_loop3A_549 : vector<16xf32>
          %parallel_loop3A_551 = arith.mulf %parallel_loop3A_418, %parallel_loop3A_550 : vector<16xf32>
          %parallel_loop3A_552 = arith.index_cast %parallel_loop3A_414 : i32 to index
          %parallel_loop3A_553 = arith.constant 0 : index
          %parallel_loop3A_554 = tpu.vector_load %arg6[%parallel_loop3A_552, %parallel_loop3A_553] {strides = array<i32>} : memref<64x128xf32, #tpu.memory_space<vmem>>, vector<1x16xf32>,
          %parallel_loop3A_555 = vector.shape_cast %parallel_loop3A_554 : vector<1x16xf32> to vector<16xf32>
          %parallel_loop3A_556 = vector.shape_cast %parallel_loop3A_551 : vector<16xf32> to vector<1x16xf32>
          tpu.vector_store %arg6[%parallel_loop3A_552, %parallel_loop3A_553], %parallel_loop3A_556 {strides = array<i32>} : memref<64x128xf32, #tpu.memory_space<vmem>>, vector<1x16xf32>,
          %parallel_loop3A_557 = arith.mulf %parallel_loop3A_422, %parallel_loop3A_550 : vector<16xf32>
          %parallel_loop3A_558 = arith.index_cast %parallel_loop3A_414 : i32 to index
          %parallel_loop3A_559 = arith.constant 16 : index
          %parallel_loop3A_560 = tpu.vector_load %arg6[%parallel_loop3A_558, %parallel_loop3A_559] {strides = array<i32>} : memref<64x128xf32, #tpu.memory_space<vmem>>, vector<1x16xf32>,
          %parallel_loop3A_561 = vector.shape_cast %parallel_loop3A_560 : vector<1x16xf32> to vector<16xf32>
          %parallel_loop3A_562 = vector.shape_cast %parallel_loop3A_557 : vector<16xf32> to vector<1x16xf32>
          tpu.vector_store %arg6[%parallel_loop3A_558, %parallel_loop3A_559], %parallel_loop3A_562 {strides = array<i32>} : memref<64x128xf32, #tpu.memory_space<vmem>>, vector<1x16xf32>,
          %parallel_loop3A_563 = arith.mulf %parallel_loop3A_426, %parallel_loop3A_550 : vector<16xf32>
          %parallel_loop3A_564 = arith.index_cast %parallel_loop3A_414 : i32 to index
          %parallel_loop3A_565 = arith.constant 32 : index
          %parallel_loop3A_566 = tpu.vector_load %arg6[%parallel_loop3A_564, %parallel_loop3A_565] {strides = array<i32>} : memref<64x128xf32, #tpu.memory_space<vmem>>, vector<1x16xf32>,
          %parallel_loop3A_567 = vector.shape_cast %parallel_loop3A_566 : vector<1x16xf32> to vector<16xf32>
          %parallel_loop3A_568 = vector.shape_cast %parallel_loop3A_563 : vector<16xf32> to vector<1x16xf32>
          tpu.vector_store %arg6[%parallel_loop3A_564, %parallel_loop3A_565], %parallel_loop3A_568 {strides = array<i32>} : memref<64x128xf32, #tpu.memory_space<vmem>>, vector<1x16xf32>,
          %parallel_loop3A_569 = arith.mulf %parallel_loop3A_430, %parallel_loop3A_550 : vector<16xf32>
          %parallel_loop3A_570 = arith.index_cast %parallel_loop3A_414 : i32 to index
          %parallel_loop3A_571 = arith.constant 48 : index
          %parallel_loop3A_572 = tpu.vector_load %arg6[%parallel_loop3A_570, %parallel_loop3A_571] {strides = array<i32>} : memref<64x128xf32, #tpu.memory_space<vmem>>, vector<1x16xf32>,
          %parallel_loop3A_573 = vector.shape_cast %parallel_loop3A_572 : vector<1x16xf32> to vector<16xf32>
          %parallel_loop3A_574 = vector.shape_cast %parallel_loop3A_569 : vector<16xf32> to vector<1x16xf32>
          tpu.vector_store %arg6[%parallel_loop3A_570, %parallel_loop3A_571], %parallel_loop3A_574 {strides = array<i32>} : memref<64x128xf32, #tpu.memory_space<vmem>>, vector<1x16xf32>,
          %parallel_loop3A_575 = arith.mulf %parallel_loop3A_434, %parallel_loop3A_550 : vector<16xf32>
          %parallel_loop3A_576 = arith.index_cast %parallel_loop3A_414 : i32 to index
          %parallel_loop3A_577 = arith.constant 64 : index
          %parallel_loop3A_578 = tpu.vector_load %arg6[%parallel_loop3A_576, %parallel_loop3A_577] {strides = array<i32>} : memref<64x128xf32, #tpu.memory_space<vmem>>, vector<1x16xf32>,
          %parallel_loop3A_579 = vector.shape_cast %parallel_loop3A_578 : vector<1x16xf32> to vector<16xf32>
          %parallel_loop3A_580 = vector.shape_cast %parallel_loop3A_575 : vector<16xf32> to vector<1x16xf32>
          tpu.vector_store %arg6[%parallel_loop3A_576, %parallel_loop3A_577], %parallel_loop3A_580 {strides = array<i32>} : memref<64x128xf32, #tpu.memory_space<vmem>>, vector<1x16xf32>,
          %parallel_loop3A_581 = arith.mulf %parallel_loop3A_438, %parallel_loop3A_550 : vector<16xf32>
          %parallel_loop3A_582 = arith.index_cast %parallel_loop3A_414 : i32 to index
          %parallel_loop3A_583 = arith.constant 80 : index
          %parallel_loop3A_584 = tpu.vector_load %arg6[%parallel_loop3A_582, %parallel_loop3A_583] {strides = array<i32>} : memref<64x128xf32, #tpu.memory_space<vmem>>, vector<1x16xf32>,
          %parallel_loop3A_585 = vector.shape_cast %parallel_loop3A_584 : vector<1x16xf32> to vector<16xf32>
          %parallel_loop3A_586 = vector.shape_cast %parallel_loop3A_581 : vector<16xf32> to vector<1x16xf32>
          tpu.vector_store %arg6[%parallel_loop3A_582, %parallel_loop3A_583], %parallel_loop3A_586 {strides = array<i32>} : memref<64x128xf32, #tpu.memory_space<vmem>>, vector<1x16xf32>,
          %parallel_loop3A_587 = arith.mulf %parallel_loop3A_442, %parallel_loop3A_550 : vector<16xf32>
          %parallel_loop3A_588 = arith.index_cast %parallel_loop3A_414 : i32 to index
          %parallel_loop3A_589 = arith.constant 96 : index
          %parallel_loop3A_590 = tpu.vector_load %arg6[%parallel_loop3A_588, %parallel_loop3A_589] {strides = array<i32>} : memref<64x128xf32, #tpu.memory_space<vmem>>, vector<1x16xf32>,
          %parallel_loop3A_591 = vector.shape_cast %parallel_loop3A_590 : vector<1x16xf32> to vector<16xf32>
          %parallel_loop3A_592 = vector.shape_cast %parallel_loop3A_587 : vector<16xf32> to vector<1x16xf32>
          tpu.vector_store %arg6[%parallel_loop3A_588, %parallel_loop3A_589], %parallel_loop3A_592 {strides = array<i32>} : memref<64x128xf32, #tpu.memory_space<vmem>>, vector<1x16xf32>,
          %parallel_loop3A_593 = arith.mulf %parallel_loop3A_446, %parallel_loop3A_550 : vector<16xf32>
          %parallel_loop3A_594 = arith.index_cast %parallel_loop3A_414 : i32 to index
          %parallel_loop3A_595 = arith.constant 112 : index
          %parallel_loop3A_596 = tpu.vector_load %arg6[%parallel_loop3A_594, %parallel_loop3A_595] {strides = array<i32>} : memref<64x128xf32, #tpu.memory_space<vmem>>, vector<1x16xf32>,
          %parallel_loop3A_597 = vector.shape_cast %parallel_loop3A_596 : vector<1x16xf32> to vector<16xf32>
          %parallel_loop3A_598 = vector.shape_cast %parallel_loop3A_593 : vector<16xf32> to vector<1x16xf32>
          tpu.vector_store %arg6[%parallel_loop3A_594, %parallel_loop3A_595], %parallel_loop3A_598 {strides = array<i32>} : memref<64x128xf32, #tpu.memory_space<vmem>>, vector<1x16xf32>,
        } {sc.loop_unroll_factor = 4 : i64, sc.parallel_access}
        %add3A_402 = arith.addi %select_n3A_18, %add3A_362 : i32
        %mul3A_403 = arith.constant 64 : i32
        %mul3A_404 = arith.muli %add3A_402, %mul3A_403 : i32
        %multiple_of3A_405 = tpu.assume_multiple %mul3A_404, 64 : i32
        %dma_wait3A_406 = arith.constant 1 : i32
        %dma_wait3A_407 = tpu.memref_slice %arg3[%dma_wait3A_406, %multiple_of3A_405] : memref<2x320000xi32, #tpu.memory_space<hbm>> -> memref<1x64xi32, #tpu.memory_space<hbm>>
        %dma_wait3A_408 = tpu.memref_squeeze %dma_wait3A_407 : memref<1x64xi32, #tpu.memory_space<hbm>> -> memref<64xi32, #tpu.memory_space<hbm>>
        %dma_wait3A_409 = tpu.memref_slice %arg3[%dma_wait3A_406, %multiple_of3A_405] : memref<2x320000xi32, #tpu.memory_space<hbm>> -> memref<1x64xi32, #tpu.memory_space<hbm>>
        %dma_wait3A_410 = tpu.memref_squeeze %dma_wait3A_409 : memref<1x64xi32, #tpu.memory_space<hbm>> -> memref<64xi32, #tpu.memory_space<hbm>>
        tpu.wait_dma2 semaphore(%arg31 : memref<!tpu.dma_semaphore, #tpu.memory_space<semaphore_mem>>) src(%dma_wait3A_410 : memref<64xi32, #tpu.memory_space<hbm>>) dst(%arg18 : memref<64xi32, #tpu.memory_space<vmem>>)
        %dma_start3A_411 = arith.constant 0 : i32
        %dma_start3A_412 = arith.constant 0 : i32
        %dma_start3A_413 = tpu.memref_slice %arg20[%dma_start3A_411, %dma_start3A_412] : memref<10000x128xf32, #tpu.memory_space<vmem_shared>> -> memref<10000x128xf32, #tpu.memory_space<vmem_shared>>
        tpu.enqueue_indirect_dma source(%arg6 : memref<64x128xf32, #tpu.memory_space<vmem>>) target(%dma_start3A_413 : memref<10000x128xf32, #tpu.memory_space<vmem_shared>>) offsets(%arg18 : memref<64xi32, #tpu.memory_space<vmem>>) semaphore(%arg25 : memref<!tpu.dma_semaphore, #tpu.memory_space<semaphore_mem>>) {add = true}
      } else {
      }
      %add3A_367 = arith.constant 2 : i32
      %add3A_368 = arith.addi %add3A_362, %add3A_367 : i32
      %lt3A_369 = arith.cmpi slt, %add3A_368, %select_n3A : i32
      %convert_element_type3A_370 = arith.extui %lt3A_369 : i1 to i32
      %cond3A_371 = arith.constant 0 : i32
      %cond3A_372 = arith.cmpi ne, %convert_element_type3A_370, %cond3A_371 : i32
      scf.if %cond3A_372 {
        %dma_wait3A_388 = arith.constant 0 : i32
        %dma_wait3A_389 = arith.constant 0 : i32
        %dma_wait3A_390 = tpu.memref_slice %arg20[%dma_wait3A_388, %dma_wait3A_389] : memref<10000x128xf32, #tpu.memory_space<vmem_shared>> -> memref<10000x128xf32, #tpu.memory_space<vmem_shared>>
        tpu.wait_indirect_dma semaphore(%arg24 : memref<!tpu.dma_semaphore, #tpu.memory_space<semaphore_mem>>) src(%arg5 : memref<64x128xf32, #tpu.memory_space<vmem>>) dst(%dma_wait3A_390 : memref<10000x128xf32, #tpu.memory_space<vmem_shared>>)
        %add3A_391 = arith.constant 2 : i32
        %add3A_392 = arith.addi %add3A_362, %add3A_391 : i32
        %add3A_393 = arith.addi %select_n3A_18, %add3A_392 : i32
        %mul3A_394 = arith.constant 64 : i32
        %mul3A_395 = arith.muli %add3A_393, %mul3A_394 : i32
        %multiple_of3A_396 = tpu.assume_multiple %mul3A_395, 64 : i32
        %dma_wait3A_397 = arith.constant 0 : i32
        %dma_wait3A_398 = tpu.memref_slice %arg3[%dma_wait3A_397, %multiple_of3A_396] : memref<2x320000xi32, #tpu.memory_space<hbm>> -> memref<1x64xi32, #tpu.memory_space<hbm>>
        %dma_wait3A_399 = tpu.memref_squeeze %dma_wait3A_398 : memref<1x64xi32, #tpu.memory_space<hbm>> -> memref<64xi32, #tpu.memory_space<hbm>>
        %dma_wait3A_400 = tpu.memref_slice %arg3[%dma_wait3A_397, %multiple_of3A_396] : memref<2x320000xi32, #tpu.memory_space<hbm>> -> memref<1x64xi32, #tpu.memory_space<hbm>>
        %dma_wait3A_401 = tpu.memref_squeeze %dma_wait3A_400 : memref<1x64xi32, #tpu.memory_space<hbm>> -> memref<64xi32, #tpu.memory_space<hbm>>
        tpu.wait_dma2 semaphore(%arg27 : memref<!tpu.dma_semaphore, #tpu.memory_space<semaphore_mem>>) src(%dma_wait3A_401 : memref<64xi32, #tpu.memory_space<hbm>>) dst(%arg11 : memref<64xi32, #tpu.memory_space<vmem>>)
        %add3A_402 = arith.addi %select_n3A_18, %add3A_392 : i32
        %mul3A_403 = arith.constant 64 : i32
        %mul3A_404 = arith.muli %add3A_402, %mul3A_403 : i32
        %multiple_of3A_405 = tpu.assume_multiple %mul3A_404, 64 : i32
        %dma_wait3A_406 = arith.constant 1 : i32
        %dma_wait3A_407 = tpu.memref_slice %arg3[%dma_wait3A_406, %multiple_of3A_405] : memref<2x320000xi32, #tpu.memory_space<hbm>> -> memref<1x64xi32, #tpu.memory_space<hbm>>
        %dma_wait3A_408 = tpu.memref_squeeze %dma_wait3A_407 : memref<1x64xi32, #tpu.memory_space<hbm>> -> memref<64xi32, #tpu.memory_space<hbm>>
        %dma_wait3A_409 = tpu.memref_slice %arg3[%dma_wait3A_406, %multiple_of3A_405] : memref<2x320000xi32, #tpu.memory_space<hbm>> -> memref<1x64xi32, #tpu.memory_space<hbm>>
        %dma_wait3A_410 = tpu.memref_squeeze %dma_wait3A_409 : memref<1x64xi32, #tpu.memory_space<hbm>> -> memref<64xi32, #tpu.memory_space<hbm>>
        tpu.wait_dma2 semaphore(%arg27 : memref<!tpu.dma_semaphore, #tpu.memory_space<semaphore_mem>>) src(%dma_wait3A_410 : memref<64xi32, #tpu.memory_space<hbm>>) dst(%arg14 : memref<64xi32, #tpu.memory_space<vmem>>)
        %dma_start3A_411 = arith.constant 0 : i32
        %dma_start3A_412 = arith.constant 0 : i32
        %dma_start3A_413 = tpu.memref_slice %arg2[%dma_start3A_411, %dma_start3A_412] : memref<10000x128xf32, #tpu.memory_space<hbm>> -> memref<10000x128xf32, #tpu.memory_space<hbm>>
        tpu.enqueue_indirect_dma source(%dma_start3A_413 : memref<10000x128xf32, #tpu.memory_space<hbm>>) target(%arg5 : memref<64x128xf32, #tpu.memory_space<vmem>>) offsets(%arg11 : memref<64xi32, #tpu.memory_space<vmem>>) semaphore(%arg21 : memref<!tpu.dma_semaphore, #tpu.memory_space<semaphore_mem>>)
        %dma_start3A_414 = arith.constant 0 : i32
        %dma_start3A_415 = arith.constant 0 : i32
        %dma_start3A_416 = tpu.memref_slice %arg2[%dma_start3A_414, %dma_start3A_415] : memref<10000x128xf32, #tpu.memory_space<hbm>> -> memref<10000x128xf32, #tpu.memory_space<hbm>>
        tpu.enqueue_indirect_dma source(%dma_start3A_416 : memref<10000x128xf32, #tpu.memory_space<hbm>>) target(%arg8 : memref<64x128xf32, #tpu.memory_space<vmem>>) offsets(%arg14 : memref<64xi32, #tpu.memory_space<vmem>>) semaphore(%arg21 : memref<!tpu.dma_semaphore, #tpu.memory_space<semaphore_mem>>)
        %add3A_417 = arith.constant 2 : i32
        %add3A_418 = arith.addi %add3A_362, %add3A_417 : i32
        %add3A_419 = arith.addi %select_n3A_18, %add3A_418 : i32
        %mul3A_420 = arith.constant 64 : i32
        %mul3A_421 = arith.muli %add3A_419, %mul3A_420 : i32
        %multiple_of3A_422 = tpu.assume_multiple %mul3A_421, 64 : i32
        %dma_start3A_423 = arith.constant 1 : i32
        %dma_start3A_424 = tpu.memref_slice %arg3[%dma_start3A_423, %multiple_of3A_422] : memref<2x320000xi32, #tpu.memory_space<hbm>> -> memref<1x64xi32, #tpu.memory_space<hbm>>
        %dma_start3A_425 = tpu.memref_squeeze %dma_start3A_424 : memref<1x64xi32, #tpu.memory_space<hbm>> -> memref<64xi32, #tpu.memory_space<hbm>>
        %dma_start3A_426 = tpu.memref_slice %arg3[%dma_start3A_423, %multiple_of3A_422] : memref<2x320000xi32, #tpu.memory_space<hbm>> -> memref<1x64xi32, #tpu.memory_space<hbm>>
        %dma_start3A_427 = tpu.memref_squeeze %dma_start3A_426 : memref<1x64xi32, #tpu.memory_space<hbm>> -> memref<64xi32, #tpu.memory_space<hbm>>
        tpu.enqueue_dma source(%dma_start3A_427 : memref<64xi32, #tpu.memory_space<hbm>>) target(%arg17 : memref<64xi32, #tpu.memory_space<vmem>>) target_semaphore(%arg30 : memref<!tpu.dma_semaphore, #tpu.memory_space<semaphore_mem>>)
      } else {
      }
      %mul3A_373 = arith.constant 3 : i32
      %mul3A_374 = arith.muli %mul3A_373, %while3A_343 : i32
      %add3A_375 = arith.constant 2 : i32
      %add3A_376 = arith.addi %mul3A_374, %add3A_375 : i32
      %lt3A_377 = arith.cmpi slt, %add3A_376, %select_n3A : i32
      %convert_element_type3A_378 = arith.extui %lt3A_377 : i1 to i32
      %cond3A_379 = arith.constant 0 : i32
      %cond3A_380 = arith.cmpi ne, %convert_element_type3A_378, %cond3A_379 : i32
      scf.if %cond3A_380 {
        %dma_wait3A_388 = arith.constant 0 : i32
        %dma_wait3A_389 = arith.constant 0 : i32
        %dma_wait3A_390 = tpu.memref_slice %arg2[%dma_wait3A_388, %dma_wait3A_389] : memref<10000x128xf32, #tpu.memory_space<hbm>> -> memref<10000x128xf32, #tpu.memory_space<hbm>>
        tpu.wait_indirect_dma semaphore(%arg23 : memref<!tpu.dma_semaphore, #tpu.memory_space<semaphore_mem>>) src(%dma_wait3A_390 : memref<10000x128xf32, #tpu.memory_space<hbm>>) dst(%arg7 : memref<64x128xf32, #tpu.memory_space<vmem>>)
        %dma_wait3A_391 = arith.constant 0 : i32
        %dma_wait3A_392 = arith.constant 0 : i32
        %dma_wait3A_393 = tpu.memref_slice %arg2[%dma_wait3A_391, %dma_wait3A_392] : memref<10000x128xf32, #tpu.memory_space<hbm>> -> memref<10000x128xf32, #tpu.memory_space<hbm>>
        tpu.wait_indirect_dma semaphore(%arg23 : memref<!tpu.dma_semaphore, #tpu.memory_space<semaphore_mem>>) src(%dma_wait3A_393 : memref<10000x128xf32, #tpu.memory_space<hbm>>) dst(%arg10 : memref<64x128xf32, #tpu.memory_space<vmem>>)
        %add3A_394 = arith.constant 3 : i32
        %add3A_395 = arith.addi %add3A_376, %add3A_394 : i32
        %lt3A_396 = arith.cmpi slt, %add3A_395, %select_n3A : i32
        %convert_element_type3A_397 = arith.extui %lt3A_396 : i1 to i32
        %cond3A_398 = arith.constant 0 : i32
        %cond3A_399 = arith.cmpi ne, %convert_element_type3A_397, %cond3A_398 : i32
        scf.if %cond3A_399 {
          %add3A_414 = arith.constant 3 : i32
          %add3A_415 = arith.addi %add3A_376, %add3A_414 : i32
          %add3A_416 = arith.addi %select_n3A_18, %add3A_415 : i32
          %mul3A_417 = arith.constant 64 : i32
          %mul3A_418 = arith.muli %add3A_416, %mul3A_417 : i32
          %multiple_of3A_419 = tpu.assume_multiple %mul3A_418, 64 : i32
          %dma_start3A_420 = arith.constant 0 : i32
          %dma_start3A_421 = tpu.memref_slice %arg3[%dma_start3A_420, %multiple_of3A_419] : memref<2x320000xi32, #tpu.memory_space<hbm>> -> memref<1x64xi32, #tpu.memory_space<hbm>>
          %dma_start3A_422 = tpu.memref_squeeze %dma_start3A_421 : memref<1x64xi32, #tpu.memory_space<hbm>> -> memref<64xi32, #tpu.memory_space<hbm>>
          %dma_start3A_423 = tpu.memref_slice %arg3[%dma_start3A_420, %multiple_of3A_419] : memref<2x320000xi32, #tpu.memory_space<hbm>> -> memref<1x64xi32, #tpu.memory_space<hbm>>
          %dma_start3A_424 = tpu.memref_squeeze %dma_start3A_423 : memref<1x64xi32, #tpu.memory_space<hbm>> -> memref<64xi32, #tpu.memory_space<hbm>>
          tpu.enqueue_dma source(%dma_start3A_424 : memref<64xi32, #tpu.memory_space<hbm>>) target(%arg13 : memref<64xi32, #tpu.memory_space<vmem>>) target_semaphore(%arg29 : memref<!tpu.dma_semaphore, #tpu.memory_space<semaphore_mem>>)
          %add3A_425 = arith.addi %select_n3A_18, %add3A_415 : i32
          %mul3A_426 = arith.constant 64 : i32
          %mul3A_427 = arith.muli %add3A_425, %mul3A_426 : i32
          %multiple_of3A_428 = tpu.assume_multiple %mul3A_427, 64 : i32
          %dma_start3A_429 = arith.constant 1 : i32
          %dma_start3A_430 = tpu.memref_slice %arg3[%dma_start3A_429, %multiple_of3A_428] : memref<2x320000xi32, #tpu.memory_space<hbm>> -> memref<1x64xi32, #tpu.memory_space<hbm>>
          %dma_start3A_431 = tpu.memref_squeeze %dma_start3A_430 : memref<1x64xi32, #tpu.memory_space<hbm>> -> memref<64xi32, #tpu.memory_space<hbm>>
          %dma_start3A_432 = tpu.memref_slice %arg3[%dma_start3A_429, %multiple_of3A_428] : memref<2x320000xi32, #tpu.memory_space<hbm>> -> memref<1x64xi32, #tpu.memory_space<hbm>>
          %dma_start3A_433 = tpu.memref_squeeze %dma_start3A_432 : memref<1x64xi32, #tpu.memory_space<hbm>> -> memref<64xi32, #tpu.memory_space<hbm>>
          tpu.enqueue_dma source(%dma_start3A_433 : memref<64xi32, #tpu.memory_space<hbm>>) target(%arg16 : memref<64xi32, #tpu.memory_space<vmem>>) target_semaphore(%arg29 : memref<!tpu.dma_semaphore, #tpu.memory_space<semaphore_mem>>)
        } else {
        }
        %parallel_loop3A = arith.constant 0 : i32
        %parallel_loop3A_400 = arith.constant 64 : i32
        %parallel_loop3A_401 = arith.constant 1 : i32
        scf.for %parallel_loop3A_414 = %parallel_loop3A to %parallel_loop3A_400 step %parallel_loop3A_401  : i32 {
          %parallel_loop3A_415 = arith.index_cast %parallel_loop3A_414 : i32 to index
          %parallel_loop3A_416 = arith.constant 0 : index
          %parallel_loop3A_417 = tpu.vector_load %arg7[%parallel_loop3A_415, %parallel_loop3A_416] {strides = array<i32>} : memref<64x128xf32, #tpu.memory_space<vmem>>, vector<1x16xf32>,
          %parallel_loop3A_418 = vector.shape_cast %parallel_loop3A_417 : vector<1x16xf32> to vector<16xf32>
          %parallel_loop3A_419 = arith.index_cast %parallel_loop3A_414 : i32 to index
          %parallel_loop3A_420 = arith.constant 16 : index
          %parallel_loop3A_421 = tpu.vector_load %arg7[%parallel_loop3A_419, %parallel_loop3A_420] {strides = array<i32>} : memref<64x128xf32, #tpu.memory_space<vmem>>, vector<1x16xf32>,
          %parallel_loop3A_422 = vector.shape_cast %parallel_loop3A_421 : vector<1x16xf32> to vector<16xf32>
          %parallel_loop3A_423 = arith.index_cast %parallel_loop3A_414 : i32 to index
          %parallel_loop3A_424 = arith.constant 32 : index
          %parallel_loop3A_425 = tpu.vector_load %arg7[%parallel_loop3A_423, %parallel_loop3A_424] {strides = array<i32>} : memref<64x128xf32, #tpu.memory_space<vmem>>, vector<1x16xf32>,
          %parallel_loop3A_426 = vector.shape_cast %parallel_loop3A_425 : vector<1x16xf32> to vector<16xf32>
          %parallel_loop3A_427 = arith.index_cast %parallel_loop3A_414 : i32 to index
          %parallel_loop3A_428 = arith.constant 48 : index
          %parallel_loop3A_429 = tpu.vector_load %arg7[%parallel_loop3A_427, %parallel_loop3A_428] {strides = array<i32>} : memref<64x128xf32, #tpu.memory_space<vmem>>, vector<1x16xf32>,
          %parallel_loop3A_430 = vector.shape_cast %parallel_loop3A_429 : vector<1x16xf32> to vector<16xf32>
          %parallel_loop3A_431 = arith.index_cast %parallel_loop3A_414 : i32 to index
          %parallel_loop3A_432 = arith.constant 64 : index
          %parallel_loop3A_433 = tpu.vector_load %arg7[%parallel_loop3A_431, %parallel_loop3A_432] {strides = array<i32>} : memref<64x128xf32, #tpu.memory_space<vmem>>, vector<1x16xf32>,
          %parallel_loop3A_434 = vector.shape_cast %parallel_loop3A_433 : vector<1x16xf32> to vector<16xf32>
          %parallel_loop3A_435 = arith.index_cast %parallel_loop3A_414 : i32 to index
          %parallel_loop3A_436 = arith.constant 80 : index
          %parallel_loop3A_437 = tpu.vector_load %arg7[%parallel_loop3A_435, %parallel_loop3A_436] {strides = array<i32>} : memref<64x128xf32, #tpu.memory_space<vmem>>, vector<1x16xf32>,
          %parallel_loop3A_438 = vector.shape_cast %parallel_loop3A_437 : vector<1x16xf32> to vector<16xf32>
          %parallel_loop3A_439 = arith.index_cast %parallel_loop3A_414 : i32 to index
          %parallel_loop3A_440 = arith.constant 96 : index
          %parallel_loop3A_441 = tpu.vector_load %arg7[%parallel_loop3A_439, %parallel_loop3A_440] {strides = array<i32>} : memref<64x128xf32, #tpu.memory_space<vmem>>, vector<1x16xf32>,
          %parallel_loop3A_442 = vector.shape_cast %parallel_loop3A_441 : vector<1x16xf32> to vector<16xf32>
          %parallel_loop3A_443 = arith.index_cast %parallel_loop3A_414 : i32 to index
          %parallel_loop3A_444 = arith.constant 112 : index
          %parallel_loop3A_445 = tpu.vector_load %arg7[%parallel_loop3A_443, %parallel_loop3A_444] {strides = array<i32>} : memref<64x128xf32, #tpu.memory_space<vmem>>, vector<1x16xf32>,
          %parallel_loop3A_446 = vector.shape_cast %parallel_loop3A_445 : vector<1x16xf32> to vector<16xf32>
          %parallel_loop3A_447 = arith.index_cast %parallel_loop3A_414 : i32 to index
          %parallel_loop3A_448 = arith.constant 0 : index
          %parallel_loop3A_449 = tpu.vector_load %arg10[%parallel_loop3A_447, %parallel_loop3A_448] {strides = array<i32>} : memref<64x128xf32, #tpu.memory_space<vmem>>, vector<1x16xf32>,
          %parallel_loop3A_450 = vector.shape_cast %parallel_loop3A_449 : vector<1x16xf32> to vector<16xf32>
          %parallel_loop3A_451 = arith.index_cast %parallel_loop3A_414 : i32 to index
          %parallel_loop3A_452 = arith.constant 16 : index
          %parallel_loop3A_453 = tpu.vector_load %arg10[%parallel_loop3A_451, %parallel_loop3A_452] {strides = array<i32>} : memref<64x128xf32, #tpu.memory_space<vmem>>, vector<1x16xf32>,
          %parallel_loop3A_454 = vector.shape_cast %parallel_loop3A_453 : vector<1x16xf32> to vector<16xf32>
          %parallel_loop3A_455 = arith.index_cast %parallel_loop3A_414 : i32 to index
          %parallel_loop3A_456 = arith.constant 32 : index
          %parallel_loop3A_457 = tpu.vector_load %arg10[%parallel_loop3A_455, %parallel_loop3A_456] {strides = array<i32>} : memref<64x128xf32, #tpu.memory_space<vmem>>, vector<1x16xf32>,
          %parallel_loop3A_458 = vector.shape_cast %parallel_loop3A_457 : vector<1x16xf32> to vector<16xf32>
          %parallel_loop3A_459 = arith.index_cast %parallel_loop3A_414 : i32 to index
          %parallel_loop3A_460 = arith.constant 48 : index
          %parallel_loop3A_461 = tpu.vector_load %arg10[%parallel_loop3A_459, %parallel_loop3A_460] {strides = array<i32>} : memref<64x128xf32, #tpu.memory_space<vmem>>, vector<1x16xf32>,
          %parallel_loop3A_462 = vector.shape_cast %parallel_loop3A_461 : vector<1x16xf32> to vector<16xf32>
          %parallel_loop3A_463 = arith.index_cast %parallel_loop3A_414 : i32 to index
          %parallel_loop3A_464 = arith.constant 64 : index
          %parallel_loop3A_465 = tpu.vector_load %arg10[%parallel_loop3A_463, %parallel_loop3A_464] {strides = array<i32>} : memref<64x128xf32, #tpu.memory_space<vmem>>, vector<1x16xf32>,
          %parallel_loop3A_466 = vector.shape_cast %parallel_loop3A_465 : vector<1x16xf32> to vector<16xf32>
          %parallel_loop3A_467 = arith.index_cast %parallel_loop3A_414 : i32 to index
          %parallel_loop3A_468 = arith.constant 80 : index
          %parallel_loop3A_469 = tpu.vector_load %arg10[%parallel_loop3A_467, %parallel_loop3A_468] {strides = array<i32>} : memref<64x128xf32, #tpu.memory_space<vmem>>, vector<1x16xf32>,
          %parallel_loop3A_470 = vector.shape_cast %parallel_loop3A_469 : vector<1x16xf32> to vector<16xf32>
          %parallel_loop3A_471 = arith.index_cast %parallel_loop3A_414 : i32 to index
          %parallel_loop3A_472 = arith.constant 96 : index
          %parallel_loop3A_473 = tpu.vector_load %arg10[%parallel_loop3A_471, %parallel_loop3A_472] {strides = array<i32>} : memref<64x128xf32, #tpu.memory_space<vmem>>, vector<1x16xf32>,
          %parallel_loop3A_474 = vector.shape_cast %parallel_loop3A_473 : vector<1x16xf32> to vector<16xf32>
          %parallel_loop3A_475 = arith.index_cast %parallel_loop3A_414 : i32 to index
          %parallel_loop3A_476 = arith.constant 112 : index
          %parallel_loop3A_477 = tpu.vector_load %arg10[%parallel_loop3A_475, %parallel_loop3A_476] {strides = array<i32>} : memref<64x128xf32, #tpu.memory_space<vmem>>, vector<1x16xf32>,
          %parallel_loop3A_478 = vector.shape_cast %parallel_loop3A_477 : vector<1x16xf32> to vector<16xf32>
          %parallel_loop3A_479 = arith.mulf %parallel_loop3A_418, %parallel_loop3A_450 : vector<16xf32>
          %parallel_loop3A_480 = arith.mulf %parallel_loop3A_422, %parallel_loop3A_454 : vector<16xf32>
          %parallel_loop3A_481 = arith.addf %parallel_loop3A_479, %parallel_loop3A_480 : vector<16xf32>
          %parallel_loop3A_482 = arith.mulf %parallel_loop3A_426, %parallel_loop3A_458 : vector<16xf32>
          %parallel_loop3A_483 = arith.addf %parallel_loop3A_481, %parallel_loop3A_482 : vector<16xf32>
          %parallel_loop3A_484 = arith.mulf %parallel_loop3A_430, %parallel_loop3A_462 : vector<16xf32>
          %parallel_loop3A_485 = arith.addf %parallel_loop3A_483, %parallel_loop3A_484 : vector<16xf32>
          %parallel_loop3A_486 = arith.mulf %parallel_loop3A_434, %parallel_loop3A_466 : vector<16xf32>
          %parallel_loop3A_487 = arith.addf %parallel_loop3A_485, %parallel_loop3A_486 : vector<16xf32>
          %parallel_loop3A_488 = arith.mulf %parallel_loop3A_438, %parallel_loop3A_470 : vector<16xf32>
          %parallel_loop3A_489 = arith.addf %parallel_loop3A_487, %parallel_loop3A_488 : vector<16xf32>
          %parallel_loop3A_490 = arith.mulf %parallel_loop3A_442, %parallel_loop3A_474 : vector<16xf32>
          %parallel_loop3A_491 = arith.addf %parallel_loop3A_489, %parallel_loop3A_490 : vector<16xf32>
          %parallel_loop3A_492 = arith.mulf %parallel_loop3A_446, %parallel_loop3A_478 : vector<16xf32>
          %parallel_loop3A_493 = arith.addf %parallel_loop3A_491, %parallel_loop3A_492 : vector<16xf32>
          %parallel_loop3A_494 = tpu.iota {dimensions = array<i32: 0>} : vector<16xi32>
          %parallel_loop3A_495 = arith.constant 8 : i32
          %parallel_loop3A_496 = vector.broadcast %parallel_loop3A_495 : i32 to vector<16xi32>
          %parallel_loop3A_497 = arith.xori %parallel_loop3A_494, %parallel_loop3A_496 : vector<16xi32>
          %parallel_loop3A_498 = arith.constant 0 : i32
          %parallel_loop3A_499 = vector.broadcast %parallel_loop3A_498 : i32 to vector<16xi32>
          %parallel_loop3A_500 = arith.cmpi slt, %parallel_loop3A_497, %parallel_loop3A_499 : vector<16xi32>
          %parallel_loop3A_501 = arith.constant 16 : i32
          %parallel_loop3A_502 = vector.broadcast %parallel_loop3A_501 : i32 to vector<16xi32>
          %parallel_loop3A_503 = arith.addi %parallel_loop3A_497, %parallel_loop3A_502 : vector<16xi32>
          %parallel_loop3A_504 = arith.select %parallel_loop3A_500, %parallel_loop3A_503, %parallel_loop3A_497 : vector<16xi1>, vector<16xi32>
          %parallel_loop3A_505 = vector.shape_cast %parallel_loop3A_504 : vector<16xi32> to vector<16x1xi32>
          %parallel_loop3A_506 = vector.shape_cast %parallel_loop3A_505 : vector<16x1xi32> to vector<16xi32>
          %parallel_loop3A_507 = tpu.dynamic_gather %parallel_loop3A_493[%parallel_loop3A_506] in [0] : vector<16xf32>, vector<16xi32> -> vector<16xf32>
          %parallel_loop3A_508 = arith.addf %parallel_loop3A_493, %parallel_loop3A_507 : vector<16xf32>
          %parallel_loop3A_509 = arith.constant 4 : i32
          %parallel_loop3A_510 = vector.broadcast %parallel_loop3A_509 : i32 to vector<16xi32>
          %parallel_loop3A_511 = arith.xori %parallel_loop3A_494, %parallel_loop3A_510 : vector<16xi32>
          %parallel_loop3A_512 = arith.constant 0 : i32
          %parallel_loop3A_513 = vector.broadcast %parallel_loop3A_512 : i32 to vector<16xi32>
          %parallel_loop3A_514 = arith.cmpi slt, %parallel_loop3A_511, %parallel_loop3A_513 : vector<16xi32>
          %parallel_loop3A_515 = arith.constant 16 : i32
          %parallel_loop3A_516 = vector.broadcast %parallel_loop3A_515 : i32 to vector<16xi32>
          %parallel_loop3A_517 = arith.addi %parallel_loop3A_511, %parallel_loop3A_516 : vector<16xi32>
          %parallel_loop3A_518 = arith.select %parallel_loop3A_514, %parallel_loop3A_517, %parallel_loop3A_511 : vector<16xi1>, vector<16xi32>
          %parallel_loop3A_519 = vector.shape_cast %parallel_loop3A_518 : vector<16xi32> to vector<16x1xi32>
          %parallel_loop3A_520 = vector.shape_cast %parallel_loop3A_519 : vector<16x1xi32> to vector<16xi32>
          %parallel_loop3A_521 = tpu.dynamic_gather %parallel_loop3A_508[%parallel_loop3A_520] in [0] : vector<16xf32>, vector<16xi32> -> vector<16xf32>
          %parallel_loop3A_522 = arith.addf %parallel_loop3A_508, %parallel_loop3A_521 : vector<16xf32>
          %parallel_loop3A_523 = arith.constant 2 : i32
          %parallel_loop3A_524 = vector.broadcast %parallel_loop3A_523 : i32 to vector<16xi32>
          %parallel_loop3A_525 = arith.xori %parallel_loop3A_494, %parallel_loop3A_524 : vector<16xi32>
          %parallel_loop3A_526 = arith.constant 0 : i32
          %parallel_loop3A_527 = vector.broadcast %parallel_loop3A_526 : i32 to vector<16xi32>
          %parallel_loop3A_528 = arith.cmpi slt, %parallel_loop3A_525, %parallel_loop3A_527 : vector<16xi32>
          %parallel_loop3A_529 = arith.constant 16 : i32
          %parallel_loop3A_530 = vector.broadcast %parallel_loop3A_529 : i32 to vector<16xi32>
          %parallel_loop3A_531 = arith.addi %parallel_loop3A_525, %parallel_loop3A_530 : vector<16xi32>
          %parallel_loop3A_532 = arith.select %parallel_loop3A_528, %parallel_loop3A_531, %parallel_loop3A_525 : vector<16xi1>, vector<16xi32>
          %parallel_loop3A_533 = vector.shape_cast %parallel_loop3A_532 : vector<16xi32> to vector<16x1xi32>
          %parallel_loop3A_534 = vector.shape_cast %parallel_loop3A_533 : vector<16x1xi32> to vector<16xi32>
          %parallel_loop3A_535 = tpu.dynamic_gather %parallel_loop3A_522[%parallel_loop3A_534] in [0] : vector<16xf32>, vector<16xi32> -> vector<16xf32>
          %parallel_loop3A_536 = arith.addf %parallel_loop3A_522, %parallel_loop3A_535 : vector<16xf32>
          %parallel_loop3A_537 = arith.constant 1 : i32
          %parallel_loop3A_538 = vector.broadcast %parallel_loop3A_537 : i32 to vector<16xi32>
          %parallel_loop3A_539 = arith.xori %parallel_loop3A_494, %parallel_loop3A_538 : vector<16xi32>
          %parallel_loop3A_540 = arith.constant 0 : i32
          %parallel_loop3A_541 = vector.broadcast %parallel_loop3A_540 : i32 to vector<16xi32>
          %parallel_loop3A_542 = arith.cmpi slt, %parallel_loop3A_539, %parallel_loop3A_541 : vector<16xi32>
          %parallel_loop3A_543 = arith.constant 16 : i32
          %parallel_loop3A_544 = vector.broadcast %parallel_loop3A_543 : i32 to vector<16xi32>
          %parallel_loop3A_545 = arith.addi %parallel_loop3A_539, %parallel_loop3A_544 : vector<16xi32>
          %parallel_loop3A_546 = arith.select %parallel_loop3A_542, %parallel_loop3A_545, %parallel_loop3A_539 : vector<16xi1>, vector<16xi32>
          %parallel_loop3A_547 = vector.shape_cast %parallel_loop3A_546 : vector<16xi32> to vector<16x1xi32>
          %parallel_loop3A_548 = vector.shape_cast %parallel_loop3A_547 : vector<16x1xi32> to vector<16xi32>
          %parallel_loop3A_549 = tpu.dynamic_gather %parallel_loop3A_536[%parallel_loop3A_548] in [0] : vector<16xf32>, vector<16xi32> -> vector<16xf32>
          %parallel_loop3A_550 = arith.addf %parallel_loop3A_536, %parallel_loop3A_549 : vector<16xf32>
          %parallel_loop3A_551 = arith.mulf %parallel_loop3A_418, %parallel_loop3A_550 : vector<16xf32>
          %parallel_loop3A_552 = arith.index_cast %parallel_loop3A_414 : i32 to index
          %parallel_loop3A_553 = arith.constant 0 : index
          %parallel_loop3A_554 = tpu.vector_load %arg7[%parallel_loop3A_552, %parallel_loop3A_553] {strides = array<i32>} : memref<64x128xf32, #tpu.memory_space<vmem>>, vector<1x16xf32>,
          %parallel_loop3A_555 = vector.shape_cast %parallel_loop3A_554 : vector<1x16xf32> to vector<16xf32>
          %parallel_loop3A_556 = vector.shape_cast %parallel_loop3A_551 : vector<16xf32> to vector<1x16xf32>
          tpu.vector_store %arg7[%parallel_loop3A_552, %parallel_loop3A_553], %parallel_loop3A_556 {strides = array<i32>} : memref<64x128xf32, #tpu.memory_space<vmem>>, vector<1x16xf32>,
          %parallel_loop3A_557 = arith.mulf %parallel_loop3A_422, %parallel_loop3A_550 : vector<16xf32>
          %parallel_loop3A_558 = arith.index_cast %parallel_loop3A_414 : i32 to index
          %parallel_loop3A_559 = arith.constant 16 : index
          %parallel_loop3A_560 = tpu.vector_load %arg7[%parallel_loop3A_558, %parallel_loop3A_559] {strides = array<i32>} : memref<64x128xf32, #tpu.memory_space<vmem>>, vector<1x16xf32>,
          %parallel_loop3A_561 = vector.shape_cast %parallel_loop3A_560 : vector<1x16xf32> to vector<16xf32>
          %parallel_loop3A_562 = vector.shape_cast %parallel_loop3A_557 : vector<16xf32> to vector<1x16xf32>
          tpu.vector_store %arg7[%parallel_loop3A_558, %parallel_loop3A_559], %parallel_loop3A_562 {strides = array<i32>} : memref<64x128xf32, #tpu.memory_space<vmem>>, vector<1x16xf32>,
          %parallel_loop3A_563 = arith.mulf %parallel_loop3A_426, %parallel_loop3A_550 : vector<16xf32>
          %parallel_loop3A_564 = arith.index_cast %parallel_loop3A_414 : i32 to index
          %parallel_loop3A_565 = arith.constant 32 : index
          %parallel_loop3A_566 = tpu.vector_load %arg7[%parallel_loop3A_564, %parallel_loop3A_565] {strides = array<i32>} : memref<64x128xf32, #tpu.memory_space<vmem>>, vector<1x16xf32>,
          %parallel_loop3A_567 = vector.shape_cast %parallel_loop3A_566 : vector<1x16xf32> to vector<16xf32>
          %parallel_loop3A_568 = vector.shape_cast %parallel_loop3A_563 : vector<16xf32> to vector<1x16xf32>
          tpu.vector_store %arg7[%parallel_loop3A_564, %parallel_loop3A_565], %parallel_loop3A_568 {strides = array<i32>} : memref<64x128xf32, #tpu.memory_space<vmem>>, vector<1x16xf32>,
          %parallel_loop3A_569 = arith.mulf %parallel_loop3A_430, %parallel_loop3A_550 : vector<16xf32>
          %parallel_loop3A_570 = arith.index_cast %parallel_loop3A_414 : i32 to index
          %parallel_loop3A_571 = arith.constant 48 : index
          %parallel_loop3A_572 = tpu.vector_load %arg7[%parallel_loop3A_570, %parallel_loop3A_571] {strides = array<i32>} : memref<64x128xf32, #tpu.memory_space<vmem>>, vector<1x16xf32>,
          %parallel_loop3A_573 = vector.shape_cast %parallel_loop3A_572 : vector<1x16xf32> to vector<16xf32>
          %parallel_loop3A_574 = vector.shape_cast %parallel_loop3A_569 : vector<16xf32> to vector<1x16xf32>
          tpu.vector_store %arg7[%parallel_loop3A_570, %parallel_loop3A_571], %parallel_loop3A_574 {strides = array<i32>} : memref<64x128xf32, #tpu.memory_space<vmem>>, vector<1x16xf32>,
          %parallel_loop3A_575 = arith.mulf %parallel_loop3A_434, %parallel_loop3A_550 : vector<16xf32>
          %parallel_loop3A_576 = arith.index_cast %parallel_loop3A_414 : i32 to index
          %parallel_loop3A_577 = arith.constant 64 : index
          %parallel_loop3A_578 = tpu.vector_load %arg7[%parallel_loop3A_576, %parallel_loop3A_577] {strides = array<i32>} : memref<64x128xf32, #tpu.memory_space<vmem>>, vector<1x16xf32>,
          %parallel_loop3A_579 = vector.shape_cast %parallel_loop3A_578 : vector<1x16xf32> to vector<16xf32>
          %parallel_loop3A_580 = vector.shape_cast %parallel_loop3A_575 : vector<16xf32> to vector<1x16xf32>
          tpu.vector_store %arg7[%parallel_loop3A_576, %parallel_loop3A_577], %parallel_loop3A_580 {strides = array<i32>} : memref<64x128xf32, #tpu.memory_space<vmem>>, vector<1x16xf32>,
          %parallel_loop3A_581 = arith.mulf %parallel_loop3A_438, %parallel_loop3A_550 : vector<16xf32>
          %parallel_loop3A_582 = arith.index_cast %parallel_loop3A_414 : i32 to index
          %parallel_loop3A_583 = arith.constant 80 : index
          %parallel_loop3A_584 = tpu.vector_load %arg7[%parallel_loop3A_582, %parallel_loop3A_583] {strides = array<i32>} : memref<64x128xf32, #tpu.memory_space<vmem>>, vector<1x16xf32>,
          %parallel_loop3A_585 = vector.shape_cast %parallel_loop3A_584 : vector<1x16xf32> to vector<16xf32>
          %parallel_loop3A_586 = vector.shape_cast %parallel_loop3A_581 : vector<16xf32> to vector<1x16xf32>
          tpu.vector_store %arg7[%parallel_loop3A_582, %parallel_loop3A_583], %parallel_loop3A_586 {strides = array<i32>} : memref<64x128xf32, #tpu.memory_space<vmem>>, vector<1x16xf32>,
          %parallel_loop3A_587 = arith.mulf %parallel_loop3A_442, %parallel_loop3A_550 : vector<16xf32>
          %parallel_loop3A_588 = arith.index_cast %parallel_loop3A_414 : i32 to index
          %parallel_loop3A_589 = arith.constant 96 : index
          %parallel_loop3A_590 = tpu.vector_load %arg7[%parallel_loop3A_588, %parallel_loop3A_589] {strides = array<i32>} : memref<64x128xf32, #tpu.memory_space<vmem>>, vector<1x16xf32>,
          %parallel_loop3A_591 = vector.shape_cast %parallel_loop3A_590 : vector<1x16xf32> to vector<16xf32>
          %parallel_loop3A_592 = vector.shape_cast %parallel_loop3A_587 : vector<16xf32> to vector<1x16xf32>
          tpu.vector_store %arg7[%parallel_loop3A_588, %parallel_loop3A_589], %parallel_loop3A_592 {strides = array<i32>} : memref<64x128xf32, #tpu.memory_space<vmem>>, vector<1x16xf32>,
          %parallel_loop3A_593 = arith.mulf %parallel_loop3A_446, %parallel_loop3A_550 : vector<16xf32>
          %parallel_loop3A_594 = arith.index_cast %parallel_loop3A_414 : i32 to index
          %parallel_loop3A_595 = arith.constant 112 : index
          %parallel_loop3A_596 = tpu.vector_load %arg7[%parallel_loop3A_594, %parallel_loop3A_595] {strides = array<i32>} : memref<64x128xf32, #tpu.memory_space<vmem>>, vector<1x16xf32>,
          %parallel_loop3A_597 = vector.shape_cast %parallel_loop3A_596 : vector<1x16xf32> to vector<16xf32>
          %parallel_loop3A_598 = vector.shape_cast %parallel_loop3A_593 : vector<16xf32> to vector<1x16xf32>
          tpu.vector_store %arg7[%parallel_loop3A_594, %parallel_loop3A_595], %parallel_loop3A_598 {strides = array<i32>} : memref<64x128xf32, #tpu.memory_space<vmem>>, vector<1x16xf32>,
        } {sc.loop_unroll_factor = 4 : i64, sc.parallel_access}
        %add3A_402 = arith.addi %select_n3A_18, %add3A_376 : i32
        %mul3A_403 = arith.constant 64 : i32
        %mul3A_404 = arith.muli %add3A_402, %mul3A_403 : i32
        %multiple_of3A_405 = tpu.assume_multiple %mul3A_404, 64 : i32
        %dma_wait3A_406 = arith.constant 1 : i32
        %dma_wait3A_407 = tpu.memref_slice %arg3[%dma_wait3A_406, %multiple_of3A_405] : memref<2x320000xi32, #tpu.memory_space<hbm>> -> memref<1x64xi32, #tpu.memory_space<hbm>>
        %dma_wait3A_408 = tpu.memref_squeeze %dma_wait3A_407 : memref<1x64xi32, #tpu.memory_space<hbm>> -> memref<64xi32, #tpu.memory_space<hbm>>
        %dma_wait3A_409 = tpu.memref_slice %arg3[%dma_wait3A_406, %multiple_of3A_405] : memref<2x320000xi32, #tpu.memory_space<hbm>> -> memref<1x64xi32, #tpu.memory_space<hbm>>
        %dma_wait3A_410 = tpu.memref_squeeze %dma_wait3A_409 : memref<1x64xi32, #tpu.memory_space<hbm>> -> memref<64xi32, #tpu.memory_space<hbm>>
        tpu.wait_dma2 semaphore(%arg32 : memref<!tpu.dma_semaphore, #tpu.memory_space<semaphore_mem>>) src(%dma_wait3A_410 : memref<64xi32, #tpu.memory_space<hbm>>) dst(%arg19 : memref<64xi32, #tpu.memory_space<vmem>>)
        %dma_start3A_411 = arith.constant 0 : i32
        %dma_start3A_412 = arith.constant 0 : i32
        %dma_start3A_413 = tpu.memref_slice %arg20[%dma_start3A_411, %dma_start3A_412] : memref<10000x128xf32, #tpu.memory_space<vmem_shared>> -> memref<10000x128xf32, #tpu.memory_space<vmem_shared>>
        tpu.enqueue_indirect_dma source(%arg7 : memref<64x128xf32, #tpu.memory_space<vmem>>) target(%dma_start3A_413 : memref<10000x128xf32, #tpu.memory_space<vmem_shared>>) offsets(%arg19 : memref<64xi32, #tpu.memory_space<vmem>>) semaphore(%arg26 : memref<!tpu.dma_semaphore, #tpu.memory_space<semaphore_mem>>) {add = true}
      } else {
      }
      %add3A_381 = arith.constant 2 : i32
      %add3A_382 = arith.addi %add3A_376, %add3A_381 : i32
      %lt3A_383 = arith.cmpi slt, %add3A_382, %select_n3A : i32
      %convert_element_type3A_384 = arith.extui %lt3A_383 : i1 to i32
      %cond3A_385 = arith.constant 0 : i32
      %cond3A_386 = arith.cmpi ne, %convert_element_type3A_384, %cond3A_385 : i32
      scf.if %cond3A_386 {
        %dma_wait3A_388 = arith.constant 0 : i32
        %dma_wait3A_389 = arith.constant 0 : i32
        %dma_wait3A_390 = tpu.memref_slice %arg20[%dma_wait3A_388, %dma_wait3A_389] : memref<10000x128xf32, #tpu.memory_space<vmem_shared>> -> memref<10000x128xf32, #tpu.memory_space<vmem_shared>>
        tpu.wait_indirect_dma semaphore(%arg25 : memref<!tpu.dma_semaphore, #tpu.memory_space<semaphore_mem>>) src(%arg6 : memref<64x128xf32, #tpu.memory_space<vmem>>) dst(%dma_wait3A_390 : memref<10000x128xf32, #tpu.memory_space<vmem_shared>>)
        %add3A_391 = arith.constant 2 : i32
        %add3A_392 = arith.addi %add3A_376, %add3A_391 : i32
        %add3A_393 = arith.addi %select_n3A_18, %add3A_392 : i32
        %mul3A_394 = arith.constant 64 : i32
        %mul3A_395 = arith.muli %add3A_393, %mul3A_394 : i32
        %multiple_of3A_396 = tpu.assume_multiple %mul3A_395, 64 : i32
        %dma_wait3A_397 = arith.constant 0 : i32
        %dma_wait3A_398 = tpu.memref_slice %arg3[%dma_wait3A_397, %multiple_of3A_396] : memref<2x320000xi32, #tpu.memory_space<hbm>> -> memref<1x64xi32, #tpu.memory_space<hbm>>
        %dma_wait3A_399 = tpu.memref_squeeze %dma_wait3A_398 : memref<1x64xi32, #tpu.memory_space<hbm>> -> memref<64xi32, #tpu.memory_space<hbm>>
        %dma_wait3A_400 = tpu.memref_slice %arg3[%dma_wait3A_397, %multiple_of3A_396] : memref<2x320000xi32, #tpu.memory_space<hbm>> -> memref<1x64xi32, #tpu.memory_space<hbm>>
        %dma_wait3A_401 = tpu.memref_squeeze %dma_wait3A_400 : memref<1x64xi32, #tpu.memory_space<hbm>> -> memref<64xi32, #tpu.memory_space<hbm>>
        tpu.wait_dma2 semaphore(%arg28 : memref<!tpu.dma_semaphore, #tpu.memory_space<semaphore_mem>>) src(%dma_wait3A_401 : memref<64xi32, #tpu.memory_space<hbm>>) dst(%arg12 : memref<64xi32, #tpu.memory_space<vmem>>)
        %add3A_402 = arith.addi %select_n3A_18, %add3A_392 : i32
        %mul3A_403 = arith.constant 64 : i32
        %mul3A_404 = arith.muli %add3A_402, %mul3A_403 : i32
        %multiple_of3A_405 = tpu.assume_multiple %mul3A_404, 64 : i32
        %dma_wait3A_406 = arith.constant 1 : i32
        %dma_wait3A_407 = tpu.memref_slice %arg3[%dma_wait3A_406, %multiple_of3A_405] : memref<2x320000xi32, #tpu.memory_space<hbm>> -> memref<1x64xi32, #tpu.memory_space<hbm>>
        %dma_wait3A_408 = tpu.memref_squeeze %dma_wait3A_407 : memref<1x64xi32, #tpu.memory_space<hbm>> -> memref<64xi32, #tpu.memory_space<hbm>>
        %dma_wait3A_409 = tpu.memref_slice %arg3[%dma_wait3A_406, %multiple_of3A_405] : memref<2x320000xi32, #tpu.memory_space<hbm>> -> memref<1x64xi32, #tpu.memory_space<hbm>>
        %dma_wait3A_410 = tpu.memref_squeeze %dma_wait3A_409 : memref<1x64xi32, #tpu.memory_space<hbm>> -> memref<64xi32, #tpu.memory_space<hbm>>
        tpu.wait_dma2 semaphore(%arg28 : memref<!tpu.dma_semaphore, #tpu.memory_space<semaphore_mem>>) src(%dma_wait3A_410 : memref<64xi32, #tpu.memory_space<hbm>>) dst(%arg15 : memref<64xi32, #tpu.memory_space<vmem>>)
        %dma_start3A_411 = arith.constant 0 : i32
        %dma_start3A_412 = arith.constant 0 : i32
        %dma_start3A_413 = tpu.memref_slice %arg2[%dma_start3A_411, %dma_start3A_412] : memref<10000x128xf32, #tpu.memory_space<hbm>> -> memref<10000x128xf32, #tpu.memory_space<hbm>>
        tpu.enqueue_indirect_dma source(%dma_start3A_413 : memref<10000x128xf32, #tpu.memory_space<hbm>>) target(%arg6 : memref<64x128xf32, #tpu.memory_space<vmem>>) offsets(%arg12 : memref<64xi32, #tpu.memory_space<vmem>>) semaphore(%arg22 : memref<!tpu.dma_semaphore, #tpu.memory_space<semaphore_mem>>)
        %dma_start3A_414 = arith.constant 0 : i32
        %dma_start3A_415 = arith.constant 0 : i32
        %dma_start3A_416 = tpu.memref_slice %arg2[%dma_start3A_414, %dma_start3A_415] : memref<10000x128xf32, #tpu.memory_space<hbm>> -> memref<10000x128xf32, #tpu.memory_space<hbm>>
        tpu.enqueue_indirect_dma source(%dma_start3A_416 : memref<10000x128xf32, #tpu.memory_space<hbm>>) target(%arg9 : memref<64x128xf32, #tpu.memory_space<vmem>>) offsets(%arg15 : memref<64xi32, #tpu.memory_space<vmem>>) semaphore(%arg22 : memref<!tpu.dma_semaphore, #tpu.memory_space<semaphore_mem>>)
        %add3A_417 = arith.constant 2 : i32
        %add3A_418 = arith.addi %add3A_376, %add3A_417 : i32
        %add3A_419 = arith.addi %select_n3A_18, %add3A_418 : i32
        %mul3A_420 = arith.constant 64 : i32
        %mul3A_421 = arith.muli %add3A_419, %mul3A_420 : i32
        %multiple_of3A_422 = tpu.assume_multiple %mul3A_421, 64 : i32
        %dma_start3A_423 = arith.constant 1 : i32
        %dma_start3A_424 = tpu.memref_slice %arg3[%dma_start3A_423, %multiple_of3A_422] : memref<2x320000xi32, #tpu.memory_space<hbm>> -> memref<1x64xi32, #tpu.memory_space<hbm>>
        %dma_start3A_425 = tpu.memref_squeeze %dma_start3A_424 : memref<1x64xi32, #tpu.memory_space<hbm>> -> memref<64xi32, #tpu.memory_space<hbm>>
        %dma_start3A_426 = tpu.memref_slice %arg3[%dma_start3A_423, %multiple_of3A_422] : memref<2x320000xi32, #tpu.memory_space<hbm>> -> memref<1x64xi32, #tpu.memory_space<hbm>>
        %dma_start3A_427 = tpu.memref_squeeze %dma_start3A_426 : memref<1x64xi32, #tpu.memory_space<hbm>> -> memref<64xi32, #tpu.memory_space<hbm>>
        tpu.enqueue_dma source(%dma_start3A_427 : memref<64xi32, #tpu.memory_space<hbm>>) target(%arg18 : memref<64xi32, #tpu.memory_space<vmem>>) target_semaphore(%arg31 : memref<!tpu.dma_semaphore, #tpu.memory_space<semaphore_mem>>)
      } else {
      }
      %while3A_387 = arith.constant 0 : i32
      scf.yield %while3A_387 : i32
    }
    %dma_wait3A_258 = arith.constant 0 : i32
    %dma_wait3A_259 = arith.constant 0 : i32
    %dma_wait3A_260 = tpu.memref_slice %arg20[%dma_wait3A_258, %dma_wait3A_259] : memref<10000x128xf32, #tpu.memory_space<vmem_shared>> -> memref<10000x128xf32, #tpu.memory_space<vmem_shared>>
    tpu.wait_indirect_dma semaphore(%arg24 : memref<!tpu.dma_semaphore, #tpu.memory_space<semaphore_mem>>) src(%arg5 : memref<64x128xf32, #tpu.memory_space<vmem>>) dst(%dma_wait3A_260 : memref<10000x128xf32, #tpu.memory_space<vmem_shared>>)
    %dma_wait3A_261 = arith.constant 0 : i32
    %dma_wait3A_262 = arith.constant 0 : i32
    %dma_wait3A_263 = tpu.memref_slice %arg20[%dma_wait3A_261, %dma_wait3A_262] : memref<10000x128xf32, #tpu.memory_space<vmem_shared>> -> memref<10000x128xf32, #tpu.memory_space<vmem_shared>>
    tpu.wait_indirect_dma semaphore(%arg25 : memref<!tpu.dma_semaphore, #tpu.memory_space<semaphore_mem>>) src(%arg6 : memref<64x128xf32, #tpu.memory_space<vmem>>) dst(%dma_wait3A_263 : memref<10000x128xf32, #tpu.memory_space<vmem_shared>>)
    %dma_wait3A_264 = arith.constant 0 : i32
    %dma_wait3A_265 = arith.constant 0 : i32
    %dma_wait3A_266 = tpu.memref_slice %arg20[%dma_wait3A_264, %dma_wait3A_265] : memref<10000x128xf32, #tpu.memory_space<vmem_shared>> -> memref<10000x128xf32, #tpu.memory_space<vmem_shared>>
    tpu.wait_indirect_dma semaphore(%arg26 : memref<!tpu.dma_semaphore, #tpu.memory_space<semaphore_mem>>) src(%arg7 : memref<64x128xf32, #tpu.memory_space<vmem>>) dst(%dma_wait3A_266 : memref<10000x128xf32, #tpu.memory_space<vmem_shared>>)
    %barrier3A_267 = arith.constant 0 : index
    tpu.barrier barrier_id(%barrier3A_267)
    %add3A_268 = arith.constant 0 : i32
    %add3A_269 = arith.addi %add3A_268, %arg1 : i32
    %lt3A_270 = arith.constant 156 : i32
    %lt3A_271 = arith.cmpi slt, %add3A_269, %lt3A_270 : i32
    %convert_element_type3A_272 = arith.extui %lt3A_271 : i1 to i32
    %cond3A_273 = arith.constant 0 : i32
    %cond3A_274 = arith.cmpi ne, %convert_element_type3A_272, %cond3A_273 : i32
    scf.if %cond3A_274 {
      %mul3A_343 = arith.constant 64 : i32
      %mul3A_344 = arith.muli %add3A_269, %mul3A_343 : i32
      %multiple_of3A_345 = tpu.assume_multiple %mul3A_344, 64 : i32
      "tpu.region"() ({
        %run_scoped3A = tpu.sem_alloc : memref<!tpu.dma_semaphore, #tpu.memory_space<semaphore_mem>>
        %dma_start3A_346 = arith.constant 0 : i32
        %dma_start3A_347 = tpu.memref_slice %arg4[%arg0, %multiple_of3A_345, %dma_start3A_346] : memref<2x10000x128xf32, #tpu.memory_space<hbm>> -> memref<1x64x128xf32, #tpu.memory_space<hbm>>
        %dma_start3A_348 = tpu.memref_squeeze %dma_start3A_347 : memref<1x64x128xf32, #tpu.memory_space<hbm>> -> memref<64x128xf32, #tpu.memory_space<hbm>>
        %dma_start3A_349 = arith.constant 0 : i32
        %dma_start3A_350 = tpu.memref_slice %arg20[%multiple_of3A_345, %dma_start3A_349] : memref<10000x128xf32, #tpu.memory_space<vmem_shared>> -> memref<64x128xf32, #tpu.memory_space<vmem_shared>>
        tpu.enqueue_dma source(%dma_start3A_350 : memref<64x128xf32, #tpu.memory_space<vmem_shared>>) target(%dma_start3A_348 : memref<64x128xf32, #tpu.memory_space<hbm>>) target_semaphore(%run_scoped3A : memref<!tpu.dma_semaphore, #tpu.memory_space<semaphore_mem>>)
        %dma_wait3A_351 = arith.constant 0 : i32
        %dma_wait3A_352 = tpu.memref_slice %arg4[%arg0, %multiple_of3A_345, %dma_wait3A_351] : memref<2x10000x128xf32, #tpu.memory_space<hbm>> -> memref<1x64x128xf32, #tpu.memory_space<hbm>>
        %dma_wait3A_353 = tpu.memref_squeeze %dma_wait3A_352 : memref<1x64x128xf32, #tpu.memory_space<hbm>> -> memref<64x128xf32, #tpu.memory_space<hbm>>
        %dma_wait3A_354 = arith.constant 0 : i32
        %dma_wait3A_355 = tpu.memref_slice %arg20[%multiple_of3A_345, %dma_wait3A_354] : memref<10000x128xf32, #tpu.memory_space<vmem_shared>> -> memref<64x128xf32, #tpu.memory_space<vmem_shared>>
        tpu.wait_dma2 semaphore(%run_scoped3A : memref<!tpu.dma_semaphore, #tpu.memory_space<semaphore_mem>>) src(%dma_wait3A_355 : memref<64x128xf32, #tpu.memory_space<vmem_shared>>) dst(%dma_wait3A_353 : memref<64x128xf32, #tpu.memory_space<hbm>>)
        tpu.yield
      }) : () -> ()
    } else {
    }
    %add3A_275 = arith.constant 16 : i32
    %add3A_276 = arith.addi %add3A_275, %arg1 : i32
    %lt3A_277 = arith.constant 156 : i32
    %lt3A_278 = arith.cmpi slt, %add3A_276, %lt3A_277 : i32
    %convert_element_type3A_279 = arith.extui %lt3A_278 : i1 to i32
    %cond3A_280 = arith.constant 0 : i32
    %cond3A_281 = arith.cmpi ne, %convert_element_type3A_279, %cond3A_280 : i32
    scf.if %cond3A_281 {
      %mul3A_343 = arith.constant 64 : i32
      %mul3A_344 = arith.muli %add3A_276, %mul3A_343 : i32
      %multiple_of3A_345 = tpu.assume_multiple %mul3A_344, 64 : i32
      "tpu.region"() ({
        %run_scoped3A = tpu.sem_alloc : memref<!tpu.dma_semaphore, #tpu.memory_space<semaphore_mem>>
        %dma_start3A_346 = arith.constant 0 : i32
        %dma_start3A_347 = tpu.memref_slice %arg4[%arg0, %multiple_of3A_345, %dma_start3A_346] : memref<2x10000x128xf32, #tpu.memory_space<hbm>> -> memref<1x64x128xf32, #tpu.memory_space<hbm>>
        %dma_start3A_348 = tpu.memref_squeeze %dma_start3A_347 : memref<1x64x128xf32, #tpu.memory_space<hbm>> -> memref<64x128xf32, #tpu.memory_space<hbm>>
        %dma_start3A_349 = arith.constant 0 : i32
        %dma_start3A_350 = tpu.memref_slice %arg20[%multiple_of3A_345, %dma_start3A_349] : memref<10000x128xf32, #tpu.memory_space<vmem_shared>> -> memref<64x128xf32, #tpu.memory_space<vmem_shared>>
        tpu.enqueue_dma source(%dma_start3A_350 : memref<64x128xf32, #tpu.memory_space<vmem_shared>>) target(%dma_start3A_348 : memref<64x128xf32, #tpu.memory_space<hbm>>) target_semaphore(%run_scoped3A : memref<!tpu.dma_semaphore, #tpu.memory_space<semaphore_mem>>)
        %dma_wait3A_351 = arith.constant 0 : i32
        %dma_wait3A_352 = tpu.memref_slice %arg4[%arg0, %multiple_of3A_345, %dma_wait3A_351] : memref<2x10000x128xf32, #tpu.memory_space<hbm>> -> memref<1x64x128xf32, #tpu.memory_space<hbm>>
        %dma_wait3A_353 = tpu.memref_squeeze %dma_wait3A_352 : memref<1x64x128xf32, #tpu.memory_space<hbm>> -> memref<64x128xf32, #tpu.memory_space<hbm>>
        %dma_wait3A_354 = arith.constant 0 : i32
        %dma_wait3A_355 = tpu.memref_slice %arg20[%multiple_of3A_345, %dma_wait3A_354] : memref<10000x128xf32, #tpu.memory_space<vmem_shared>> -> memref<64x128xf32, #tpu.memory_space<vmem_shared>>
        tpu.wait_dma2 semaphore(%run_scoped3A : memref<!tpu.dma_semaphore, #tpu.memory_space<semaphore_mem>>) src(%dma_wait3A_355 : memref<64x128xf32, #tpu.memory_space<vmem_shared>>) dst(%dma_wait3A_353 : memref<64x128xf32, #tpu.memory_space<hbm>>)
        tpu.yield
      }) : () -> ()
    } else {
    }
    %add3A_282 = arith.constant 32 : i32
    %add3A_283 = arith.addi %add3A_282, %arg1 : i32
    %lt3A_284 = arith.constant 156 : i32
    %lt3A_285 = arith.cmpi slt, %add3A_283, %lt3A_284 : i32
    %convert_element_type3A_286 = arith.extui %lt3A_285 : i1 to i32
    %cond3A_287 = arith.constant 0 : i32
    %cond3A_288 = arith.cmpi ne, %convert_element_type3A_286, %cond3A_287 : i32
    scf.if %cond3A_288 {
      %mul3A_343 = arith.constant 64 : i32
      %mul3A_344 = arith.muli %add3A_283, %mul3A_343 : i32
      %multiple_of3A_345 = tpu.assume_multiple %mul3A_344, 64 : i32
      "tpu.region"() ({
        %run_scoped3A = tpu.sem_alloc : memref<!tpu.dma_semaphore, #tpu.memory_space<semaphore_mem>>
        %dma_start3A_346 = arith.constant 0 : i32
        %dma_start3A_347 = tpu.memref_slice %arg4[%arg0, %multiple_of3A_345, %dma_start3A_346] : memref<2x10000x128xf32, #tpu.memory_space<hbm>> -> memref<1x64x128xf32, #tpu.memory_space<hbm>>
        %dma_start3A_348 = tpu.memref_squeeze %dma_start3A_347 : memref<1x64x128xf32, #tpu.memory_space<hbm>> -> memref<64x128xf32, #tpu.memory_space<hbm>>
        %dma_start3A_349 = arith.constant 0 : i32
        %dma_start3A_350 = tpu.memref_slice %arg20[%multiple_of3A_345, %dma_start3A_349] : memref<10000x128xf32, #tpu.memory_space<vmem_shared>> -> memref<64x128xf32, #tpu.memory_space<vmem_shared>>
        tpu.enqueue_dma source(%dma_start3A_350 : memref<64x128xf32, #tpu.memory_space<vmem_shared>>) target(%dma_start3A_348 : memref<64x128xf32, #tpu.memory_space<hbm>>) target_semaphore(%run_scoped3A : memref<!tpu.dma_semaphore, #tpu.memory_space<semaphore_mem>>)
        %dma_wait3A_351 = arith.constant 0 : i32
        %dma_wait3A_352 = tpu.memref_slice %arg4[%arg0, %multiple_of3A_345, %dma_wait3A_351] : memref<2x10000x128xf32, #tpu.memory_space<hbm>> -> memref<1x64x128xf32, #tpu.memory_space<hbm>>
        %dma_wait3A_353 = tpu.memref_squeeze %dma_wait3A_352 : memref<1x64x128xf32, #tpu.memory_space<hbm>> -> memref<64x128xf32, #tpu.memory_space<hbm>>
        %dma_wait3A_354 = arith.constant 0 : i32
        %dma_wait3A_355 = tpu.memref_slice %arg20[%multiple_of3A_345, %dma_wait3A_354] : memref<10000x128xf32, #tpu.memory_space<vmem_shared>> -> memref<64x128xf32, #tpu.memory_space<vmem_shared>>
        tpu.wait_dma2 semaphore(%run_scoped3A : memref<!tpu.dma_semaphore, #tpu.memory_space<semaphore_mem>>) src(%dma_wait3A_355 : memref<64x128xf32, #tpu.memory_space<vmem_shared>>) dst(%dma_wait3A_353 : memref<64x128xf32, #tpu.memory_space<hbm>>)
        tpu.yield
      }) : () -> ()
    } else {
    }
    %add3A_289 = arith.constant 48 : i32
    %add3A_290 = arith.addi %add3A_289, %arg1 : i32
    %lt3A_291 = arith.constant 156 : i32
    %lt3A_292 = arith.cmpi slt, %add3A_290, %lt3A_291 : i32
    %convert_element_type3A_293 = arith.extui %lt3A_292 : i1 to i32
    %cond3A_294 = arith.constant 0 : i32
    %cond3A_295 = arith.cmpi ne, %convert_element_type3A_293, %cond3A_294 : i32
    scf.if %cond3A_295 {
      %mul3A_343 = arith.constant 64 : i32
      %mul3A_344 = arith.muli %add3A_290, %mul3A_343 : i32
      %multiple_of3A_345 = tpu.assume_multiple %mul3A_344, 64 : i32
      "tpu.region"() ({
        %run_scoped3A = tpu.sem_alloc : memref<!tpu.dma_semaphore, #tpu.memory_space<semaphore_mem>>
        %dma_start3A_346 = arith.constant 0 : i32
        %dma_start3A_347 = tpu.memref_slice %arg4[%arg0, %multiple_of3A_345, %dma_start3A_346] : memref<2x10000x128xf32, #tpu.memory_space<hbm>> -> memref<1x64x128xf32, #tpu.memory_space<hbm>>
        %dma_start3A_348 = tpu.memref_squeeze %dma_start3A_347 : memref<1x64x128xf32, #tpu.memory_space<hbm>> -> memref<64x128xf32, #tpu.memory_space<hbm>>
        %dma_start3A_349 = arith.constant 0 : i32
        %dma_start3A_350 = tpu.memref_slice %arg20[%multiple_of3A_345, %dma_start3A_349] : memref<10000x128xf32, #tpu.memory_space<vmem_shared>> -> memref<64x128xf32, #tpu.memory_space<vmem_shared>>
        tpu.enqueue_dma source(%dma_start3A_350 : memref<64x128xf32, #tpu.memory_space<vmem_shared>>) target(%dma_start3A_348 : memref<64x128xf32, #tpu.memory_space<hbm>>) target_semaphore(%run_scoped3A : memref<!tpu.dma_semaphore, #tpu.memory_space<semaphore_mem>>)
        %dma_wait3A_351 = arith.constant 0 : i32
        %dma_wait3A_352 = tpu.memref_slice %arg4[%arg0, %multiple_of3A_345, %dma_wait3A_351] : memref<2x10000x128xf32, #tpu.memory_space<hbm>> -> memref<1x64x128xf32, #tpu.memory_space<hbm>>
        %dma_wait3A_353 = tpu.memref_squeeze %dma_wait3A_352 : memref<1x64x128xf32, #tpu.memory_space<hbm>> -> memref<64x128xf32, #tpu.memory_space<hbm>>
        %dma_wait3A_354 = arith.constant 0 : i32
        %dma_wait3A_355 = tpu.memref_slice %arg20[%multiple_of3A_345, %dma_wait3A_354] : memref<10000x128xf32, #tpu.memory_space<vmem_shared>> -> memref<64x128xf32, #tpu.memory_space<vmem_shared>>
        tpu.wait_dma2 semaphore(%run_scoped3A : memref<!tpu.dma_semaphore, #tpu.memory_space<semaphore_mem>>) src(%dma_wait3A_355 : memref<64x128xf32, #tpu.memory_space<vmem_shared>>) dst(%dma_wait3A_353 : memref<64x128xf32, #tpu.memory_space<hbm>>)
        tpu.yield
      }) : () -> ()
    } else {
    }
    %add3A_296 = arith.constant 64 : i32
    %add3A_297 = arith.addi %add3A_296, %arg1 : i32
    %lt3A_298 = arith.constant 156 : i32
    %lt3A_299 = arith.cmpi slt, %add3A_297, %lt3A_298 : i32
    %convert_element_type3A_300 = arith.extui %lt3A_299 : i1 to i32
    %cond3A_301 = arith.constant 0 : i32
    %cond3A_302 = arith.cmpi ne, %convert_element_type3A_300, %cond3A_301 : i32
    scf.if %cond3A_302 {
      %mul3A_343 = arith.constant 64 : i32
      %mul3A_344 = arith.muli %add3A_297, %mul3A_343 : i32
      %multiple_of3A_345 = tpu.assume_multiple %mul3A_344, 64 : i32
      "tpu.region"() ({
        %run_scoped3A = tpu.sem_alloc : memref<!tpu.dma_semaphore, #tpu.memory_space<semaphore_mem>>
        %dma_start3A_346 = arith.constant 0 : i32
        %dma_start3A_347 = tpu.memref_slice %arg4[%arg0, %multiple_of3A_345, %dma_start3A_346] : memref<2x10000x128xf32, #tpu.memory_space<hbm>> -> memref<1x64x128xf32, #tpu.memory_space<hbm>>
        %dma_start3A_348 = tpu.memref_squeeze %dma_start3A_347 : memref<1x64x128xf32, #tpu.memory_space<hbm>> -> memref<64x128xf32, #tpu.memory_space<hbm>>
        %dma_start3A_349 = arith.constant 0 : i32
        %dma_start3A_350 = tpu.memref_slice %arg20[%multiple_of3A_345, %dma_start3A_349] : memref<10000x128xf32, #tpu.memory_space<vmem_shared>> -> memref<64x128xf32, #tpu.memory_space<vmem_shared>>
        tpu.enqueue_dma source(%dma_start3A_350 : memref<64x128xf32, #tpu.memory_space<vmem_shared>>) target(%dma_start3A_348 : memref<64x128xf32, #tpu.memory_space<hbm>>) target_semaphore(%run_scoped3A : memref<!tpu.dma_semaphore, #tpu.memory_space<semaphore_mem>>)
        %dma_wait3A_351 = arith.constant 0 : i32
        %dma_wait3A_352 = tpu.memref_slice %arg4[%arg0, %multiple_of3A_345, %dma_wait3A_351] : memref<2x10000x128xf32, #tpu.memory_space<hbm>> -> memref<1x64x128xf32, #tpu.memory_space<hbm>>
        %dma_wait3A_353 = tpu.memref_squeeze %dma_wait3A_352 : memref<1x64x128xf32, #tpu.memory_space<hbm>> -> memref<64x128xf32, #tpu.memory_space<hbm>>
        %dma_wait3A_354 = arith.constant 0 : i32
        %dma_wait3A_355 = tpu.memref_slice %arg20[%multiple_of3A_345, %dma_wait3A_354] : memref<10000x128xf32, #tpu.memory_space<vmem_shared>> -> memref<64x128xf32, #tpu.memory_space<vmem_shared>>
        tpu.wait_dma2 semaphore(%run_scoped3A : memref<!tpu.dma_semaphore, #tpu.memory_space<semaphore_mem>>) src(%dma_wait3A_355 : memref<64x128xf32, #tpu.memory_space<vmem_shared>>) dst(%dma_wait3A_353 : memref<64x128xf32, #tpu.memory_space<hbm>>)
        tpu.yield
      }) : () -> ()
    } else {
    }
    %add3A_303 = arith.constant 80 : i32
    %add3A_304 = arith.addi %add3A_303, %arg1 : i32
    %lt3A_305 = arith.constant 156 : i32
    %lt3A_306 = arith.cmpi slt, %add3A_304, %lt3A_305 : i32
    %convert_element_type3A_307 = arith.extui %lt3A_306 : i1 to i32
    %cond3A_308 = arith.constant 0 : i32
    %cond3A_309 = arith.cmpi ne, %convert_element_type3A_307, %cond3A_308 : i32
    scf.if %cond3A_309 {
      %mul3A_343 = arith.constant 64 : i32
      %mul3A_344 = arith.muli %add3A_304, %mul3A_343 : i32
      %multiple_of3A_345 = tpu.assume_multiple %mul3A_344, 64 : i32
      "tpu.region"() ({
        %run_scoped3A = tpu.sem_alloc : memref<!tpu.dma_semaphore, #tpu.memory_space<semaphore_mem>>
        %dma_start3A_346 = arith.constant 0 : i32
        %dma_start3A_347 = tpu.memref_slice %arg4[%arg0, %multiple_of3A_345, %dma_start3A_346] : memref<2x10000x128xf32, #tpu.memory_space<hbm>> -> memref<1x64x128xf32, #tpu.memory_space<hbm>>
        %dma_start3A_348 = tpu.memref_squeeze %dma_start3A_347 : memref<1x64x128xf32, #tpu.memory_space<hbm>> -> memref<64x128xf32, #tpu.memory_space<hbm>>
        %dma_start3A_349 = arith.constant 0 : i32
        %dma_start3A_350 = tpu.memref_slice %arg20[%multiple_of3A_345, %dma_start3A_349] : memref<10000x128xf32, #tpu.memory_space<vmem_shared>> -> memref<64x128xf32, #tpu.memory_space<vmem_shared>>
        tpu.enqueue_dma source(%dma_start3A_350 : memref<64x128xf32, #tpu.memory_space<vmem_shared>>) target(%dma_start3A_348 : memref<64x128xf32, #tpu.memory_space<hbm>>) target_semaphore(%run_scoped3A : memref<!tpu.dma_semaphore, #tpu.memory_space<semaphore_mem>>)
        %dma_wait3A_351 = arith.constant 0 : i32
        %dma_wait3A_352 = tpu.memref_slice %arg4[%arg0, %multiple_of3A_345, %dma_wait3A_351] : memref<2x10000x128xf32, #tpu.memory_space<hbm>> -> memref<1x64x128xf32, #tpu.memory_space<hbm>>
        %dma_wait3A_353 = tpu.memref_squeeze %dma_wait3A_352 : memref<1x64x128xf32, #tpu.memory_space<hbm>> -> memref<64x128xf32, #tpu.memory_space<hbm>>
        %dma_wait3A_354 = arith.constant 0 : i32
        %dma_wait3A_355 = tpu.memref_slice %arg20[%multiple_of3A_345, %dma_wait3A_354] : memref<10000x128xf32, #tpu.memory_space<vmem_shared>> -> memref<64x128xf32, #tpu.memory_space<vmem_shared>>
        tpu.wait_dma2 semaphore(%run_scoped3A : memref<!tpu.dma_semaphore, #tpu.memory_space<semaphore_mem>>) src(%dma_wait3A_355 : memref<64x128xf32, #tpu.memory_space<vmem_shared>>) dst(%dma_wait3A_353 : memref<64x128xf32, #tpu.memory_space<hbm>>)
        tpu.yield
      }) : () -> ()
    } else {
    }
    %add3A_310 = arith.constant 96 : i32
    %add3A_311 = arith.addi %add3A_310, %arg1 : i32
    %lt3A_312 = arith.constant 156 : i32
    %lt3A_313 = arith.cmpi slt, %add3A_311, %lt3A_312 : i32
    %convert_element_type3A_314 = arith.extui %lt3A_313 : i1 to i32
    %cond3A_315 = arith.constant 0 : i32
    %cond3A_316 = arith.cmpi ne, %convert_element_type3A_314, %cond3A_315 : i32
    scf.if %cond3A_316 {
      %mul3A_343 = arith.constant 64 : i32
      %mul3A_344 = arith.muli %add3A_311, %mul3A_343 : i32
      %multiple_of3A_345 = tpu.assume_multiple %mul3A_344, 64 : i32
      "tpu.region"() ({
        %run_scoped3A = tpu.sem_alloc : memref<!tpu.dma_semaphore, #tpu.memory_space<semaphore_mem>>
        %dma_start3A_346 = arith.constant 0 : i32
        %dma_start3A_347 = tpu.memref_slice %arg4[%arg0, %multiple_of3A_345, %dma_start3A_346] : memref<2x10000x128xf32, #tpu.memory_space<hbm>> -> memref<1x64x128xf32, #tpu.memory_space<hbm>>
        %dma_start3A_348 = tpu.memref_squeeze %dma_start3A_347 : memref<1x64x128xf32, #tpu.memory_space<hbm>> -> memref<64x128xf32, #tpu.memory_space<hbm>>
        %dma_start3A_349 = arith.constant 0 : i32
        %dma_start3A_350 = tpu.memref_slice %arg20[%multiple_of3A_345, %dma_start3A_349] : memref<10000x128xf32, #tpu.memory_space<vmem_shared>> -> memref<64x128xf32, #tpu.memory_space<vmem_shared>>
        tpu.enqueue_dma source(%dma_start3A_350 : memref<64x128xf32, #tpu.memory_space<vmem_shared>>) target(%dma_start3A_348 : memref<64x128xf32, #tpu.memory_space<hbm>>) target_semaphore(%run_scoped3A : memref<!tpu.dma_semaphore, #tpu.memory_space<semaphore_mem>>)
        %dma_wait3A_351 = arith.constant 0 : i32
        %dma_wait3A_352 = tpu.memref_slice %arg4[%arg0, %multiple_of3A_345, %dma_wait3A_351] : memref<2x10000x128xf32, #tpu.memory_space<hbm>> -> memref<1x64x128xf32, #tpu.memory_space<hbm>>
        %dma_wait3A_353 = tpu.memref_squeeze %dma_wait3A_352 : memref<1x64x128xf32, #tpu.memory_space<hbm>> -> memref<64x128xf32, #tpu.memory_space<hbm>>
        %dma_wait3A_354 = arith.constant 0 : i32
        %dma_wait3A_355 = tpu.memref_slice %arg20[%multiple_of3A_345, %dma_wait3A_354] : memref<10000x128xf32, #tpu.memory_space<vmem_shared>> -> memref<64x128xf32, #tpu.memory_space<vmem_shared>>
        tpu.wait_dma2 semaphore(%run_scoped3A : memref<!tpu.dma_semaphore, #tpu.memory_space<semaphore_mem>>) src(%dma_wait3A_355 : memref<64x128xf32, #tpu.memory_space<vmem_shared>>) dst(%dma_wait3A_353 : memref<64x128xf32, #tpu.memory_space<hbm>>)
        tpu.yield
      }) : () -> ()
    } else {
    }
    %add3A_317 = arith.constant 112 : i32
    %add3A_318 = arith.addi %add3A_317, %arg1 : i32
    %lt3A_319 = arith.constant 156 : i32
    %lt3A_320 = arith.cmpi slt, %add3A_318, %lt3A_319 : i32
    %convert_element_type3A_321 = arith.extui %lt3A_320 : i1 to i32
    %cond3A_322 = arith.constant 0 : i32
    %cond3A_323 = arith.cmpi ne, %convert_element_type3A_321, %cond3A_322 : i32
    scf.if %cond3A_323 {
      %mul3A_343 = arith.constant 64 : i32
      %mul3A_344 = arith.muli %add3A_318, %mul3A_343 : i32
      %multiple_of3A_345 = tpu.assume_multiple %mul3A_344, 64 : i32
      "tpu.region"() ({
        %run_scoped3A = tpu.sem_alloc : memref<!tpu.dma_semaphore, #tpu.memory_space<semaphore_mem>>
        %dma_start3A_346 = arith.constant 0 : i32
        %dma_start3A_347 = tpu.memref_slice %arg4[%arg0, %multiple_of3A_345, %dma_start3A_346] : memref<2x10000x128xf32, #tpu.memory_space<hbm>> -> memref<1x64x128xf32, #tpu.memory_space<hbm>>
        %dma_start3A_348 = tpu.memref_squeeze %dma_start3A_347 : memref<1x64x128xf32, #tpu.memory_space<hbm>> -> memref<64x128xf32, #tpu.memory_space<hbm>>
        %dma_start3A_349 = arith.constant 0 : i32
        %dma_start3A_350 = tpu.memref_slice %arg20[%multiple_of3A_345, %dma_start3A_349] : memref<10000x128xf32, #tpu.memory_space<vmem_shared>> -> memref<64x128xf32, #tpu.memory_space<vmem_shared>>
        tpu.enqueue_dma source(%dma_start3A_350 : memref<64x128xf32, #tpu.memory_space<vmem_shared>>) target(%dma_start3A_348 : memref<64x128xf32, #tpu.memory_space<hbm>>) target_semaphore(%run_scoped3A : memref<!tpu.dma_semaphore, #tpu.memory_space<semaphore_mem>>)
        %dma_wait3A_351 = arith.constant 0 : i32
        %dma_wait3A_352 = tpu.memref_slice %arg4[%arg0, %multiple_of3A_345, %dma_wait3A_351] : memref<2x10000x128xf32, #tpu.memory_space<hbm>> -> memref<1x64x128xf32, #tpu.memory_space<hbm>>
        %dma_wait3A_353 = tpu.memref_squeeze %dma_wait3A_352 : memref<1x64x128xf32, #tpu.memory_space<hbm>> -> memref<64x128xf32, #tpu.memory_space<hbm>>
        %dma_wait3A_354 = arith.constant 0 : i32
        %dma_wait3A_355 = tpu.memref_slice %arg20[%multiple_of3A_345, %dma_wait3A_354] : memref<10000x128xf32, #tpu.memory_space<vmem_shared>> -> memref<64x128xf32, #tpu.memory_space<vmem_shared>>
        tpu.wait_dma2 semaphore(%run_scoped3A : memref<!tpu.dma_semaphore, #tpu.memory_space<semaphore_mem>>) src(%dma_wait3A_355 : memref<64x128xf32, #tpu.memory_space<vmem_shared>>) dst(%dma_wait3A_353 : memref<64x128xf32, #tpu.memory_space<hbm>>)
        tpu.yield
      }) : () -> ()
    } else {
    }
    %add3A_324 = arith.constant 128 : i32
    %add3A_325 = arith.addi %add3A_324, %arg1 : i32
    %lt3A_326 = arith.constant 156 : i32
    %lt3A_327 = arith.cmpi slt, %add3A_325, %lt3A_326 : i32
    %convert_element_type3A_328 = arith.extui %lt3A_327 : i1 to i32
    %cond3A_329 = arith.constant 0 : i32
    %cond3A_330 = arith.cmpi ne, %convert_element_type3A_328, %cond3A_329 : i32
    scf.if %cond3A_330 {
      %mul3A_343 = arith.constant 64 : i32
      %mul3A_344 = arith.muli %add3A_325, %mul3A_343 : i32
      %multiple_of3A_345 = tpu.assume_multiple %mul3A_344, 64 : i32
      "tpu.region"() ({
        %run_scoped3A = tpu.sem_alloc : memref<!tpu.dma_semaphore, #tpu.memory_space<semaphore_mem>>
        %dma_start3A_346 = arith.constant 0 : i32
        %dma_start3A_347 = tpu.memref_slice %arg4[%arg0, %multiple_of3A_345, %dma_start3A_346] : memref<2x10000x128xf32, #tpu.memory_space<hbm>> -> memref<1x64x128xf32, #tpu.memory_space<hbm>>
        %dma_start3A_348 = tpu.memref_squeeze %dma_start3A_347 : memref<1x64x128xf32, #tpu.memory_space<hbm>> -> memref<64x128xf32, #tpu.memory_space<hbm>>
        %dma_start3A_349 = arith.constant 0 : i32
        %dma_start3A_350 = tpu.memref_slice %arg20[%multiple_of3A_345, %dma_start3A_349] : memref<10000x128xf32, #tpu.memory_space<vmem_shared>> -> memref<64x128xf32, #tpu.memory_space<vmem_shared>>
        tpu.enqueue_dma source(%dma_start3A_350 : memref<64x128xf32, #tpu.memory_space<vmem_shared>>) target(%dma_start3A_348 : memref<64x128xf32, #tpu.memory_space<hbm>>) target_semaphore(%run_scoped3A : memref<!tpu.dma_semaphore, #tpu.memory_space<semaphore_mem>>)
        %dma_wait3A_351 = arith.constant 0 : i32
        %dma_wait3A_352 = tpu.memref_slice %arg4[%arg0, %multiple_of3A_345, %dma_wait3A_351] : memref<2x10000x128xf32, #tpu.memory_space<hbm>> -> memref<1x64x128xf32, #tpu.memory_space<hbm>>
        %dma_wait3A_353 = tpu.memref_squeeze %dma_wait3A_352 : memref<1x64x128xf32, #tpu.memory_space<hbm>> -> memref<64x128xf32, #tpu.memory_space<hbm>>
        %dma_wait3A_354 = arith.constant 0 : i32
        %dma_wait3A_355 = tpu.memref_slice %arg20[%multiple_of3A_345, %dma_wait3A_354] : memref<10000x128xf32, #tpu.memory_space<vmem_shared>> -> memref<64x128xf32, #tpu.memory_space<vmem_shared>>
        tpu.wait_dma2 semaphore(%run_scoped3A : memref<!tpu.dma_semaphore, #tpu.memory_space<semaphore_mem>>) src(%dma_wait3A_355 : memref<64x128xf32, #tpu.memory_space<vmem_shared>>) dst(%dma_wait3A_353 : memref<64x128xf32, #tpu.memory_space<hbm>>)
        tpu.yield
      }) : () -> ()
    } else {
    }
    %add3A_331 = arith.constant 144 : i32
    %add3A_332 = arith.addi %add3A_331, %arg1 : i32
    %lt3A_333 = arith.constant 156 : i32
    %lt3A_334 = arith.cmpi slt, %add3A_332, %lt3A_333 : i32
    %convert_element_type3A_335 = arith.extui %lt3A_334 : i1 to i32
    %cond3A_336 = arith.constant 0 : i32
    %cond3A_337 = arith.cmpi ne, %convert_element_type3A_335, %cond3A_336 : i32
    scf.if %cond3A_337 {
      %mul3A_343 = arith.constant 64 : i32
      %mul3A_344 = arith.muli %add3A_332, %mul3A_343 : i32
      %multiple_of3A_345 = tpu.assume_multiple %mul3A_344, 64 : i32
      "tpu.region"() ({
        %run_scoped3A = tpu.sem_alloc : memref<!tpu.dma_semaphore, #tpu.memory_space<semaphore_mem>>
        %dma_start3A_346 = arith.constant 0 : i32
        %dma_start3A_347 = tpu.memref_slice %arg4[%arg0, %multiple_of3A_345, %dma_start3A_346] : memref<2x10000x128xf32, #tpu.memory_space<hbm>> -> memref<1x64x128xf32, #tpu.memory_space<hbm>>
        %dma_start3A_348 = tpu.memref_squeeze %dma_start3A_347 : memref<1x64x128xf32, #tpu.memory_space<hbm>> -> memref<64x128xf32, #tpu.memory_space<hbm>>
        %dma_start3A_349 = arith.constant 0 : i32
        %dma_start3A_350 = tpu.memref_slice %arg20[%multiple_of3A_345, %dma_start3A_349] : memref<10000x128xf32, #tpu.memory_space<vmem_shared>> -> memref<64x128xf32, #tpu.memory_space<vmem_shared>>
        tpu.enqueue_dma source(%dma_start3A_350 : memref<64x128xf32, #tpu.memory_space<vmem_shared>>) target(%dma_start3A_348 : memref<64x128xf32, #tpu.memory_space<hbm>>) target_semaphore(%run_scoped3A : memref<!tpu.dma_semaphore, #tpu.memory_space<semaphore_mem>>)
        %dma_wait3A_351 = arith.constant 0 : i32
        %dma_wait3A_352 = tpu.memref_slice %arg4[%arg0, %multiple_of3A_345, %dma_wait3A_351] : memref<2x10000x128xf32, #tpu.memory_space<hbm>> -> memref<1x64x128xf32, #tpu.memory_space<hbm>>
        %dma_wait3A_353 = tpu.memref_squeeze %dma_wait3A_352 : memref<1x64x128xf32, #tpu.memory_space<hbm>> -> memref<64x128xf32, #tpu.memory_space<hbm>>
        %dma_wait3A_354 = arith.constant 0 : i32
        %dma_wait3A_355 = tpu.memref_slice %arg20[%multiple_of3A_345, %dma_wait3A_354] : memref<10000x128xf32, #tpu.memory_space<vmem_shared>> -> memref<64x128xf32, #tpu.memory_space<vmem_shared>>
        tpu.wait_dma2 semaphore(%run_scoped3A : memref<!tpu.dma_semaphore, #tpu.memory_space<semaphore_mem>>) src(%dma_wait3A_355 : memref<64x128xf32, #tpu.memory_space<vmem_shared>>) dst(%dma_wait3A_353 : memref<64x128xf32, #tpu.memory_space<hbm>>)
        tpu.yield
      }) : () -> ()
    } else {
    }
    %eq3A_338 = arith.constant 0 : i32
    %eq3A_339 = arith.cmpi eq, %arg1, %eq3A_338 : i32
    %convert_element_type3A_340 = arith.extui %eq3A_339 : i1 to i32
    %cond3A_341 = arith.constant 0 : i32
    %cond3A_342 = arith.cmpi ne, %convert_element_type3A_340, %cond3A_341 : i32
    scf.if %cond3A_342 {
      "tpu.region"() ({
        %run_scoped3A = tpu.sem_alloc : memref<!tpu.dma_semaphore, #tpu.memory_space<semaphore_mem>>
        %dma_start3A_343 = arith.constant 9984 : i32
        %dma_start3A_344 = arith.constant 0 : i32
        %dma_start3A_345 = tpu.memref_slice %arg4[%arg0, %dma_start3A_343, %dma_start3A_344] : memref<2x10000x128xf32, #tpu.memory_space<hbm>> -> memref<1x16x128xf32, #tpu.memory_space<hbm>>
        %dma_start3A_346 = tpu.memref_squeeze %dma_start3A_345 : memref<1x16x128xf32, #tpu.memory_space<hbm>> -> memref<16x128xf32, #tpu.memory_space<hbm>>
        %dma_start3A_347 = arith.constant 9984 : i32
        %dma_start3A_348 = arith.constant 0 : i32
        %dma_start3A_349 = tpu.memref_slice %arg20[%dma_start3A_347, %dma_start3A_348] : memref<10000x128xf32, #tpu.memory_space<vmem_shared>> -> memref<16x128xf32, #tpu.memory_space<vmem_shared>>
        tpu.enqueue_dma source(%dma_start3A_349 : memref<16x128xf32, #tpu.memory_space<vmem_shared>>) target(%dma_start3A_346 : memref<16x128xf32, #tpu.memory_space<hbm>>) target_semaphore(%run_scoped3A : memref<!tpu.dma_semaphore, #tpu.memory_space<semaphore_mem>>)
        %dma_wait3A_350 = arith.constant 9984 : i32
        %dma_wait3A_351 = arith.constant 0 : i32
        %dma_wait3A_352 = tpu.memref_slice %arg4[%arg0, %dma_wait3A_350, %dma_wait3A_351] : memref<2x10000x128xf32, #tpu.memory_space<hbm>> -> memref<1x16x128xf32, #tpu.memory_space<hbm>>
        %dma_wait3A_353 = tpu.memref_squeeze %dma_wait3A_352 : memref<1x16x128xf32, #tpu.memory_space<hbm>> -> memref<16x128xf32, #tpu.memory_space<hbm>>
        %dma_wait3A_354 = arith.constant 9984 : i32
        %dma_wait3A_355 = arith.constant 0 : i32
        %dma_wait3A_356 = tpu.memref_slice %arg20[%dma_wait3A_354, %dma_wait3A_355] : memref<10000x128xf32, #tpu.memory_space<vmem_shared>> -> memref<16x128xf32, #tpu.memory_space<vmem_shared>>
        tpu.wait_dma2 semaphore(%run_scoped3A : memref<!tpu.dma_semaphore, #tpu.memory_space<semaphore_mem>>) src(%dma_wait3A_356 : memref<16x128xf32, #tpu.memory_space<vmem_shared>>) dst(%dma_wait3A_353 : memref<16x128xf32, #tpu.memory_space<hbm>>)
        tpu.yield
      }) : () -> ()
    } else {
    }
    return
  }
}

module attributes {stable_mosaic.version = 14 : i64} {
  func.func @_combine_body(%arg0: i32, %arg1: memref<1x8xf32, #tpu.memory_space<smem>>, %arg2: memref<1x1000x128xf32, #tpu.memory_space<vmem>>, %arg3: memref<1x1000x128xf32, #tpu.memory_space<vmem>>, %arg4: memref<1000x128xf32, #tpu.memory_space<vmem>>) attributes {dimension_semantics = [#tpu.dimension_semantics<arbitrary>], iteration_bounds = array<i64: 10>, scalar_prefetch = 0 : i64, scratch_operands = 0 : i64, tpu.core_type = #tpu.core_type<tc>, window_params = [{transform_indices = @transform_0, window_bounds = array<i64: 1, 8>}, {transform_indices = @transform_1, window_bounds = array<i64: 1, 1000, 128>}, {transform_indices = @transform_2, window_bounds = array<i64: 1, 1000, 128>}, {transform_indices = @transform_3, window_bounds = array<i64: 1000, 128>}]} {
    %get3A = arith.constant 0 : index
    %get3A_0 = arith.constant 0 : index
    %get3A_1 = memref.load %arg1[%get3A, %get3A_0] : memref<1x8xf32, #tpu.memory_space<smem>>
    %get3A_2 = arith.constant 0 : index
    %get3A_3 = arith.constant 1 : index
    %get3A_4 = memref.load %arg1[%get3A_2, %get3A_3] : memref<1x8xf32, #tpu.memory_space<smem>>
    %add3A = arith.addf %get3A_1, %get3A_4 : f32
    %get3A_5 = arith.constant 0 : index
    %get3A_6 = arith.constant 2 : index
    %get3A_7 = memref.load %arg1[%get3A_5, %get3A_6] : memref<1x8xf32, #tpu.memory_space<smem>>
    %add3A_8 = arith.addf %add3A, %get3A_7 : f32
    %get3A_9 = arith.constant 0 : index
    %get3A_10 = arith.constant 3 : index
    %get3A_11 = memref.load %arg1[%get3A_9, %get3A_10] : memref<1x8xf32, #tpu.memory_space<smem>>
    %add3A_12 = arith.addf %add3A_8, %get3A_11 : f32
    %get3A_13 = arith.constant 0 : index
    %get3A_14 = arith.constant 4 : index
    %get3A_15 = memref.load %arg1[%get3A_13, %get3A_14] : memref<1x8xf32, #tpu.memory_space<smem>>
    %add3A_16 = arith.addf %add3A_12, %get3A_15 : f32
    %get3A_17 = arith.constant 0 : index
    %get3A_18 = arith.constant 5 : index
    %get3A_19 = memref.load %arg1[%get3A_17, %get3A_18] : memref<1x8xf32, #tpu.memory_space<smem>>
    %add3A_20 = arith.addf %add3A_16, %get3A_19 : f32
    %get3A_21 = arith.constant 0 : index
    %get3A_22 = arith.constant 6 : index
    %get3A_23 = memref.load %arg1[%get3A_21, %get3A_22] : memref<1x8xf32, #tpu.memory_space<smem>>
    %add3A_24 = arith.addf %add3A_20, %get3A_23 : f32
    %get3A_25 = arith.constant 0 : index
    %get3A_26 = arith.constant 7 : index
    %get3A_27 = memref.load %arg1[%get3A_25, %get3A_26] : memref<1x8xf32, #tpu.memory_space<smem>>
    %add3A_28 = arith.addf %add3A_24, %get3A_27 : f32
    %get3A_29 = arith.constant 0 : index
    %get3A_30 = arith.constant 0 : index
    %get3A_31 = arith.constant 0 : index
    %get3A_32 = vector.load %arg2[%get3A_29, %get3A_30, %get3A_31] : memref<1x1000x128xf32, #tpu.memory_space<vmem>>, vector<1x1000x128xf32>
    %get3A_33 = vector.shape_cast %get3A_32 : vector<1x1000x128xf32> to vector<1000x128xf32>
    %get3A_34 = arith.constant 0 : index
    %get3A_35 = arith.constant 0 : index
    %get3A_36 = arith.constant 0 : index
    %get3A_37 = vector.load %arg3[%get3A_34, %get3A_35, %get3A_36] : memref<1x1000x128xf32, #tpu.memory_space<vmem>>, vector<1x1000x128xf32>
    %get3A_38 = vector.shape_cast %get3A_37 : vector<1x1000x128xf32> to vector<1000x128xf32>
    %add3A_39 = arith.addf %get3A_33, %get3A_38 : vector<1000x128xf32>
    %mul3A = vector.broadcast %add3A_28 : f32 to vector<1000x128xf32>
    %mul3A_40 = arith.mulf %mul3A, %add3A_39 : vector<1000x128xf32>
    %swap3A = arith.constant 0 : index
    %swap3A_41 = arith.constant 0 : index
    %swap3A_42 = vector.load %arg4[%swap3A, %swap3A_41] : memref<1000x128xf32, #tpu.memory_space<vmem>>, vector<1000x128xf32>
    tpu.vector_store %arg4[%swap3A, %swap3A_41], %mul3A_40 {strides = array<i32>} : memref<1000x128xf32, #tpu.memory_space<vmem>>, vector<1000x128xf32>,
    return
  }
  func.func @transform_0(%arg0: i32) -> (i32, i32) {
    %c0_i32 = arith.constant 0 : i32
    %c0_i32_0 = arith.constant 0 : i32
    %c0_i32_1 = arith.constant 0 : i32
    return %c0_i32, %c0_i32_0 : i32, i32
  }
  func.func @transform_1(%arg0: i32) -> (i32, i32, i32) {
    %c0_i32 = arith.constant 0 : i32
    %c0_i32_0 = arith.constant 0 : i32
    %c0_i32_1 = arith.constant 0 : i32
    return %c0_i32, %arg0, %c0_i32_0 : i32, i32, i32
  }
  func.func @transform_2(%arg0: i32) -> (i32, i32, i32) {
    %c1_i32 = arith.constant 1 : i32
    %c0_i32 = arith.constant 0 : i32
    %c0_i32_0 = arith.constant 0 : i32
    return %c1_i32, %arg0, %c0_i32 : i32, i32, i32
  }
  func.func @transform_3(%arg0: i32) -> (i32, i32) {
    %c0_i32 = arith.constant 0 : i32
    %c0_i32_0 = arith.constant 0 : i32
    return %arg0, %c0_i32 : i32, i32
  }
}

module attributes {stable_mosaic.version = 14 : i64} {
  func.func @_mm_body(%arg0: i32, %arg1: memref<1000x128xf32, #tpu.memory_space<vmem>>, %arg2: memref<128x128xf32, #tpu.memory_space<vmem>>, %arg3: memref<1000x128xf32, #tpu.memory_space<vmem>>) attributes {dimension_semantics = [#tpu.dimension_semantics<arbitrary>], iteration_bounds = array<i64: 10>, scalar_prefetch = 0 : i64, scratch_operands = 0 : i64, tpu.core_type = #tpu.core_type<tc>, window_params = [{transform_indices = @transform_0, window_bounds = array<i64: 1000, 128>}, {pipeline_mode = #tpu.pipeline_mode<synchronous>, transform_indices = @transform_1, window_bounds = array<i64: 128, 128>}, {transform_indices = @transform_2, window_bounds = array<i64: 1000, 128>}]} {
    %get3A = arith.constant 0 : index
    %get3A_0 = arith.constant 0 : index
    %get3A_1 = vector.load %arg1[%get3A, %get3A_0] : memref<1000x128xf32, #tpu.memory_space<vmem>>, vector<1000x128xf32>
    %get3A_2 = arith.constant 0 : index
    %get3A_3 = arith.constant 0 : index
    %get3A_4 = vector.load %arg2[%get3A_2, %get3A_3] : memref<128x128xf32, #tpu.memory_space<vmem>>, vector<128x128xf32>
    %dot_general3A = arith.constant dense<0.000000e+00> : vector<1000x128xf32>
    %dot_general3A_5 = tpu.matmul %get3A_1, %get3A_4, %dot_general3A {dimension_numbers = #tpu.dot_dimension_numbers<[1], [0], [0], [1], [0, 0, 1, 1], [], []>, transpose_lhs_hint = false} : vector<1000x128xf32>, vector<128x128xf32>, vector<1000x128xf32> -> vector<1000x128xf32>
    %swap3A = arith.constant 0 : index
    %swap3A_6 = arith.constant 0 : index
    %swap3A_7 = vector.load %arg3[%swap3A, %swap3A_6] : memref<1000x128xf32, #tpu.memory_space<vmem>>, vector<1000x128xf32>
    tpu.vector_store %arg3[%swap3A, %swap3A_6], %dot_general3A_5 {strides = array<i32>} : memref<1000x128xf32, #tpu.memory_space<vmem>>, vector<1000x128xf32>,
    return
  }
  func.func @transform_0(%arg0: i32) -> (i32, i32) {
    %c0_i32 = arith.constant 0 : i32
    %c0_i32_0 = arith.constant 0 : i32
    return %arg0, %c0_i32 : i32, i32
  }
  func.func @transform_1(%arg0: i32) -> (i32, i32) {
    %c0_i32 = arith.constant 0 : i32
    %c0_i32_0 = arith.constant 0 : i32
    %c0_i32_1 = arith.constant 0 : i32
    return %c0_i32, %c0_i32_0 : i32, i32
  }
  func.func @transform_2(%arg0: i32) -> (i32, i32) {
    %c0_i32 = arith.constant 0 : i32
    %c0_i32_0 = arith.constant 0 : i32
    return %arg0, %c0_i32 : i32, i32
  }
}

</mosaic_0001>

<sc_bundles>
// kernel: kernel.5.cloned.1.call-start
scs
__scs_entry_jumppad:
0x0: {  	(pc) =	sbr.rel $0x88, $3  }
0x1: {  	(tag) =	ssettag $0x0;
	lr =	simm.s32 $0x1  }
0x2: {  	[smem:$0x3F9D] =	sst lr;
	_ =	strace $0xD0000000  }
0x3: {  	_ = 	snop  }
0x4: {  	_ = 	snop  }
0x5: {  	_ = 	snop  }
0x6: {  	_ = 	snop  }
0x7: {  	_ = 	snop  }
__scs_overlays_trampoline_lowered:
0x8: {  	[smem:$0x3FAC] =	sst s0  }
0x9: {  	[smem:$0x3FAD] =	sst s1  }
0xa: {  	[smem:$0x3FAE] =	sst s2  }
0xb: {  	[smem:$0x3FAF] =	sst s3  }
0xc: {  	[smem:$0x3FB0] =	sst s4  }
0xd: {  	[smem:$0x3FB1] =	sst s5  }
0xe: {  	[smem:$0x3FB2] =	sst s6  }
0xf: {  	[smem:$0x3FB3] =	sst s7  }
0x10: {  	[smem:$0x3FB4] =	sst s8  }
0x11: {  	[smem:$0x3FB5] =	sst s9;
	s0 =	simm.s32 @!p0 $0x0  }
0x12: {  	s1 =	sld [smem:$0x3F9B];
	s0 =	simm.s32 @p0 $0x1  }
0x13: {  	[smem:$0x3FB6] =	sst s0;
	s0 =	simm.s32 @!p1 $0x0  }
0x14: {  	s2 =	sld [smem:$0x3F9A];
	s0 =	simm.s32 @p1 $0x1  }
0x15: {  	[smem:$0x3FB7] =	sst s0;
	s0 =	simm.s32 @!p2 $0x0  }
0x16: {  	s3 =	sld [smem:$0x3FDB];
	s0 =	simm.s32 @p2 $0x1  }
0x17: {  	s4 =	simm.s32 $0x1BF5;
	[smem:$0x3FB9] =	sst s0  }
0x18: {  	s0 =	sld [smem:$0x3F9C];
	_ =	swait.ge [sflag:s4], $0x0  }
0x19: {  	s7 =	sld [smem:$0x3F9D]  }
0x1a: {  	s8 =	sadd.s32 $0xFFFFE003, lr  }
0x1b: {  	s9 =	sadd.s32 $0xFFFFFEF7, lr;
	s5 =	simm.s32 $0xFFFFFFFF;
	p2 =	slt.u32 s8, $0xFFFFF086  }
0x1c: {  	p1 =	slt.u32 s9, $0xF7A;
	s5 =	simm.s32 @!p2 $0x0  }
0x1d: {  	s5 =	simm.s32 @p1 $0x1;
	p0 =	seq.s32 s7, s2  }
0x1e: {  	s7 =	smul.u32 @!p0 $0xF7A, s2;
	p2 =	seq.s32 @!p0 s5, $0x0  }
0x1f: {  	s9 =	smul.u32 $0xF7A, s1;
	s8 =	simm.s32 @!p0 $0x1BF5;
	p2 =	por !p2, p0  }
0x20: {  	[sflag:s8] =	ssyncset.s32 @!p0 $0xFFFFF086;
	s6 =	sadd.s32 @!p0 s3, s7;
	s7 =	simm.s32 @!p0 $0x108  }
0x21: {  	s3 =	sadd.s32 s3, s9;
	s6 =	sadd.s32 @!p0 $0x88, s6;
	s7 =	simm.s32 @p2 $0x1082  }
0x22: {  	[simem:s7], [sflag:s8] =	dma.local @!p0 [hbm:s6], $0xF7A  }
0x23: {  	s9 =	sor.u32 $0xD0000000, s2;
	s6 =	simm.s32 $0x108;
	_ =	swait.ge @!p0 [sflag:s8], $0x0  }
0x24: {  	s3 =	sadd.s32 $0x88, s3;
	s6 =	simm.s32 @!p1 $0x1082;
	[sflag:s4] =	ssyncset.s32 $0xFFFFF086  }
0x25: {  	[simem:s6], [sflag:s4] =	dma.local [hbm:s3], $0xF7A  }
0x26: {  	[smem:$0x3F9D] =	sst s1;
	(tag) =	ssettag s2;
	_ =	strace s9  }
0x27: {  	s1 =	sld [smem:$0x3FAD]  }
0x28: {  	s2 =	sld [smem:$0x3FAE]  }
0x29: {  	s4 =	sld [smem:$0x3FB0]  }
0x2a: {  	p0 =	seq.s32 s5, $0x0;
	s5 =	sld [smem:$0x3FB1]  }
0x2b: {  	s6 =	sld [smem:$0x3FB2]  }
0x2c: {  	s7 =	sld [smem:$0x3FB3]  }
0x2d: {  	s3 =	simm.s32 $0x108;
	s8 =	sld [smem:$0x3FB4]  }
0x2e: {  	s3 =	simm.s32 @!p0 $0x1082;
	s9 =	sld [smem:$0x3FB5]  }
0x2f: {  	lr =	sadd.s32 s0, s3;
	s0 =	sld [smem:$0x3FAC]  }
0x30: {  	s3 =	sld [smem:$0x3FAF]  }
0x31: {  	[smem:$0x3FB8] =	sst s10  }
0x32: {  	s10 =	sld [smem:$0x3FB6];
	_ =	sdelay $0x3  }
0x33: {  	p0 =	seq.s32 s10, $0x1;
	s10 =	sld [smem:$0x3FB8];
	_ =	sdelay $0x3  }
0x34: {  	[smem:$0x3FB8] =	sst s10  }
0x35: {  	s10 =	sld [smem:$0x3FB7];
	_ =	sdelay $0x3  }
0x36: {  	p1 =	seq.s32 s10, $0x1;
	s10 =	sld [smem:$0x3FB8];
	_ =	sdelay $0x3  }
0x37: {  	[smem:$0x3FB8] =	sst s10  }
0x38: {  	s10 =	sld [smem:$0x3FB9]  }
0x39: {  	_ = 	snop;
	(pc) =	sbr.ind lr, $3  }
0x3a: {  	_ = 	snop  }
0x3b: {  	_ = 	snop  }
0x3c: {  	p2 =	seq.s32 s10, $0x1;
	s10 =	sld [smem:$0x3FB8]  }
0x3d: {  	_ =	shalt  }
0x3e: {  	_ =	shalt  }
0x3f: {  	_ =	shalt  }
0x40: {  	_ =	shalt  }
0x41: {  	_ =	shalt  }
0x42: {  	_ =	shalt  }
0x43: {  	_ =	shalt  }
0x44: {  	_ =	shalt  }
0x45: {  	_ =	shalt  }
0x46: {  	_ =	shalt  }
0x47: {  	_ =	shalt  }
0x48: {  	_ =	shalt  }
0x49: {  	_ =	shalt  }
0x4a: {  	_ =	shalt  }
0x4b: {  	_ =	shalt  }
0x4c: {  	_ =	shalt  }
0x4d: {  	_ =	shalt  }
0x4e: {  	_ =	shalt  }
0x4f: {  	_ =	shalt  }
0x50: {  	_ =	shalt  }
0x51: {  	_ =	shalt  }
0x52: {  	_ =	shalt  }
0x53: {  	_ =	shalt  }
0x54: {  	_ =	shalt  }
0x55: {  	_ =	shalt  }
0x56: {  	_ =	shalt  }
0x57: {  	_ =	shalt  }
0x58: {  	_ =	shalt  }
0x59: {  	_ =	shalt  }
0x5a: {  	_ =	shalt  }
0x5b: {  	_ =	shalt  }
0x5c: {  	_ =	shalt  }
0x5d: {  	_ =	shalt  }
0x5e: {  	_ =	shalt  }
0x5f: {  	_ =	shalt  }
0x60: {  	_ =	shalt  }
0x61: {  	_ =	shalt  }
0x62: {  	_ =	shalt  }
0x63: {  	_ =	shalt  }
0x64: {  	_ =	shalt  }
0x65: {  	_ =	shalt  }
0x66: {  	_ =	shalt  }
0x67: {  	_ =	shalt  }
0x68: {  	_ =	shalt  }
0x69: {  	_ =	shalt  }
0x6a: {  	_ =	shalt  }
0x6b: {  	_ =	shalt  }
0x6c: {  	_ =	shalt  }
0x6d: {  	_ =	shalt  }
0x6e: {  	_ =	shalt  }
0x6f: {  	_ =	shalt  }
0x70: {  	_ =	shalt  }
0x71: {  	_ =	shalt  }
0x72: {  	_ =	shalt  }
0x73: {  	_ =	shalt  }
0x74: {  	_ =	shalt  }
0x75: {  	_ =	shalt  }
0x76: {  	_ =	shalt  }
0x77: {  	_ =	shalt  }
0x78: {  	_ =	shalt  }
0x79: {  	_ =	shalt  }
0x7a: {  	_ =	shalt  }
0x7b: {  	_ =	shalt  }
0x7c: {  	_ =	shalt  }
0x7d: {  	_ =	shalt  }
0x7e: {  	_ =	shalt  }
0x7f: {  	_ =	shalt  }
0x80: {  	_ =	shalt  }
0x81: {  	_ =	shalt  }
0x82: {  	_ =	shalt  }
0x83: {  	_ =	shalt  }
0x84: {  	_ =	shalt  }
0x85: {  	_ =	shalt  }
0x86: {  	_ =	shalt  }
0x87: {  	_ =	shalt  }
.Lfunc_end0:
.L_simem_size_0:
called_computation_lowered:
.L_overlay_start_0:
0x88: {  	s2 =	sld [smem:$0x3FD9]  }
0x89: {  	s3 =	sld [smem:$0x3FFE];
	_ =	sdelay $0x1  }
0x8a: {  	s1 =	srdreg.scid  }
0x8b: {  	s0 =	sand.u32 $0x1, s1  }
0x8c: {  	s17 =	sshll.u32 s0, $0xA;
	s2 =	sadd.s32 s3, s2  }
0x8d: {  	s2 =	sadd.s32 s2, s17  }
0x8e: {  	[smem:$0x3FC4] =	sst s2  }
0x8f: {  	_ = 	snop  }
0x90: {  	s2 =	sld [smem:$0x3FC8]  }
0x91: {  	s18 =	sld [smem:$0x3FD0];
	(tm) =	ssettm $0x1  }
0x92: {  	s4 =	sld [smem:$0x3FFB];
	_ =	sdelay $0x3  }
0x93: {  	_ =	strace s4  }
0x94: {  	s4 =	sld [smem:$0x3FFC];
	_ =	sdelay $0x3  }
0x95: {  	_ =	strace s4  }
0x96: {  	s4 =	sld [smem:$0x3FFD];
	_ =	sdelay $0x3  }
0x97: {  	_ =	strace s4  }
0x98: {  	_ =	strace $0x8FFFFFFF  }
0x99: {  	s19 =	sld [smem:$0x3FDB];
	_ =	sdelay $0x1  }
0x9a: {  	s5 =	simm.s32 $_scs_section_size  }
0x9b: {  	s6 =	simm.s32 $_size__tile_overlayer_lowered;
	s7 =	simm.s32 $_tile_overlayer_lowered  }
0x9c: {  	s22 =	simm.s32 $0x1BFF;
	s21 =	sshll.u32 s7, $0x1;
	s4 =	sadd.s32 s5, s19  }
0x9d: {  	s8 =	simm.s32 $0x0;
	s20 =	sshll.u32 s6, $0x1;
	s6 =	sadd.s32 s21, s4  }
0x9e: {  	[timem:s8], [sflag:s22] =	dma.local [hbm:s6], s20  }
0x9f: {  	_ =	swait.ge [sflag:s22], s20  }
0xa0: {  	s5 =	ssub.s32 $0x0, s20;
	[sflag:s22] =	ssyncset.done $0x0  }
0xa1: {  	[sflag:s22] =	ssyncadd.s32 s5;
	_ =	sdelay $0x1  }
0xa2: {  	s23 =	simm.s32 $0x1B8B  }
0xa3: {  	_ =	swait.ge [sflag:s23], $0x1  }
0xa4: {  	[sflag:s23] =	ssyncset.done $0x0  }
0xa5: {  	s25 =	simm.s32 $0x1B8E;
	s24 =	sld [smem:$0x3FFE];
	[sflag:s23] =	ssyncadd.s32 $0xFFFFFFFF  }
0xa6: {  	s26 =	simm.s32 $execute0_lowered;
	[smem:$0x3FD2] =	sst s25  }
0xa7: {  	s6 =	sshll.u32 s26, $0x1;
	_ =	strace $0x80000046;
	[dreg:$0x1] =	wrdreg $0xFFFFFFFF  }
0xa8: {  	s28 =	simm.s32 $_size_execute0_lowered;
	s4 =	sadd.s32 s4, s6;
	[dreg:$0x0] =	wrdreg $0x0  }
0xa9: {  	s6 =	sshll.u32 s28, $0x1;
	[dreg:$0x2] =	wrdreg s4  }
0xaa: {  	[dreg:$0x3] =	wrdreg s6  }
0xab: {  	[dreg:$0x4] =	wrdreg $0xC0  }
0xac: {  	_ =	task [dreg:s8], $0x5FFFF  }
0xad: {  	[dreg:$0x1] =	wrdreg $0xFFFFFFFF  }
0xae: {  	[dreg:$0x0] =	wrdreg $0x60  }
0xaf: {  	[dreg:$0x2] =	wrdreg s18  }
0xb0: {  	[dreg:$0x3] =	wrdreg s2  }
0xb1: {  	[dreg:$0x4] =	wrdreg s24  }
0xb2: {  	[dreg:$0x5] =	wrdreg $0xC4800  }
0xb3: {  	[dreg:$0x6] =	wrdreg $0x9  }
0xb4: {  	_ =	task.clear_ibuf [dreg:s8], $0x7FFFF;
	_ =	strace $0x90000046  }
0xb5: {  	s29 =	simm.s32 $0x9;
	_ =	strace $0x80000048  }
0xb6: {  	_ =	swait.ge [sflag:s29], $0x1  }
0xb7: {  	[sflag:s29] =	ssyncadd.s32 $0xFFFFFFFF  }
0xb8: {  	_ =	strace $0x90000048  }
0xb9: {  	_ =	sfence  }
0xba: {  	s30 =	sld [smem:$0x0];
	_ =	sdelay $0x2  }
0xbb: {  	s31 =	sshll.u32 s1, $0xD;
	s1 =	sshrl.u32 s1, $0x2  }
0xbc: {  	s3 =	sand.u32 $0x4000, s31;
	s1 =	sadd.s32 s1, s30  }
0xbd: {  	s0 =	sor.u32 s3, s0;
	s1 =	sshll.u32 s1, $0x11  }
0xbe: {  	s0 =	sor.u32 s1, s0  }
0xbf: {  	s0 =	sadd.s32 $0x8F2B, s0  }
0xc0: {  	[sflag:s0] =	ssyncadd.remote.s32 $0x1  }
0xc1: {  	_ =	sfence.sel $0xFFFF  }
0xc2: {  	[dreg:$0x0] =	wrdreg $0xFFFFFFFF;
	(pc) =	sbr.abs _section_cstart, $3  }
0xc3: {  	[dreg:$0x1] =	wrdreg $0xFFFFFFFF  }
0xc4: {  	_ =	task.clear_ibuf [dreg:s8], $0x2FFFF;
	_ =	strace $0x9FFFFFFF  }
0xc5: {  	(tm) =	ssettm $0x7FFFFFFF  }
tec
execute0_lowered:
.L_overlay_start_1:
0x0: {  	(tag) =	ssettag $0x1  }
0x1: {  	s0 =	srdreg.scid  }
0x2: {  	s21 =	rddreg [dreg:$0x2];
	s23 =	stileid.u32;
	s1 =	simm.s32 $0x0  }
0x3: {  	s29 =	simm.s32 $0x2000;
	s31 =	simm.s32 $0xC200;
	s3 =	sand.u32 $0x1, s0  }
0x4: {  	s6 =	smul.u32 $0x9C, s23;
	[smem:$0x7FF] =	sst s1;
	s4 =	sadd.s32 $0xE00, s21  }
0x5: {  	p1 =	slt.u32 s23, $0x4;
	s11 =	smin.u32 s23, $0x4;
	s2 =	ssub.s32 $0x2, s3  }
0x6: {  	p0 =	seq.s32 s3, $0x0;
	s17 =	smul.u32 $0x138800, s3;
	s5 =	sshrl.u32 s2, $0x1  }
0x7: {  	s0 =	ssub.s32 s2, s5;
	s2 =	sadd.s32 $0x9C4, s6;
	s5 =	sshll.u32 s23, $0xD  }
0x8: {  	s2 =	smov.u32 @p0 s6;
	s6 =	sor.u32 $0x20000, s5;
	s7 =	sor.u32 $0x40000, s5  }
0x9: {  	s8 =	sor.u32 $0x60000, s5;
	s9 =	sor.u32 $0x80000, s5;
	s10 =	sor.u32 $0xA0000, s5  }
0xa: {  	s12 =	sor.u32 $0xC0000, s5;
	s14 =	sor.u32 $0xE0000, s5;
	s18 =	sadd.s32 s5, s17  }
0xb: {  	p0 =	sgt.u32 s23, $0xB;
	s0 =	smax.u32 s0, $0x1;
	s2 =	sadd.s32 s11, s2  }
0xc: {  	s11 =	sshll.u32 s11, $0x6;
	s25 =	sshrl.u32 s18, $0x3;
	s26 =	sadd.s32 s17, s6  }
0xd: {  	s21 =	sadd.s32 s17, s7;
	s13 =	sshll.u32 s2, $0x7;
	s16 =	sshll.u32 s2, $0x6  }
0xe: {  	s11 =	sand.u32 $0x40, s11;
	s18 =	sshrl.u32 s26, $0x3;
	s15 =	sand.u32 $0x1FFF00, s13  }
0xf: {  	s16 =	sadd.s32 $0x40, s16;
	s3 =	sor.u32 s11, s15;
	s15 =	sor.u32 s11, s13  }
0x10: {  	s22 =	sshll.u32 s16, $0x1;
	s16 =	sand.u32 $0x40, s16;
	s11 =	sadd.s32 s4, s18  }
0x11: {  	s18 =	sadd.s32 s17, s14;
	s24 =	sand.u32 $0x7FFFFF00, s22;
	s20 =	sor.u32 s16, s22  }
0x12: {  	[dreg:$0x6] =	wrdreg s11;
	s22 =	sadd.s32 s17, s8;
	s11 =	sshrl.u32 s21, $0x3  }
0x13: {  	s19 =	sor.u32 s16, s24;
	s16 =	sadd.s32 s4, s25;
	s13 =	sshrl.u32 s22, $0x3  }
0x14: {  	s24 =	sadd.s32 s17, s9;
	s11 =	sadd.s32 s4, s11;
	[dreg:$0x5] =	wrdreg s16  }
0x15: {  	s22 =	sshrl.u32 s18, $0x3;
	s18 =	sor.u32 $0x100000, s5;
	[dreg:$0x7] =	wrdreg s11  }
0x16: {  	s25 =	sadd.s32 s4, s13;
	s26 =	sshrl.u32 s24, $0x3;
	s13 =	sadd.s32 s17, s10  }
0x17: {  	s16 =	sadd.s32 s17, s12;
	[dreg:$0x8] =	wrdreg s25;
	s11 =	sadd.s32 s4, s26  }
0x18: {  	[dreg:$0x9] =	wrdreg s11;
	s11 =	sshrl.u32 s13, $0x3;
	s13 =	sshrl.u32 s16, $0x3  }
0x19: {  	s11 =	sadd.s32 s4, s11;
	s21 =	sadd.s32 s4, s13;
	s13 =	rddreg [dreg:$0x1]  }
0x1a: {  	p2 =	sne.s32 @!p0 s23, $0x0;
	s24 =	sadd.s32 s17, s18;
	[dreg:$0xa] =	wrdreg s11  }
0x1b: {  	[dreg:$0xb] =	wrdreg s21;
	s11 =	sadd.s32 s4, s22;
	s21 =	sor.u32 $0x120000, s5  }
0x1c: {  	s22 =	sshrl.u32 s24, $0x3;
	[dreg:$0xc] =	wrdreg s11;
	s25 =	sadd.s32 s17, s21  }
0x1d: {  	s11 =	rddreg [dreg:$0x0];
	s22 =	sadd.s32 s4, s22;
	s16 =	sshrl.u32 s25, $0x3  }
0x1e: {  	s23 =	simm.s32 $0x0;
	[dreg:$0xd] =	wrdreg s22;
	s16 =	sadd.s32 s4, s16  }
0x1f: {  	s26 =	sshrl.u32 s17, $0x3;
	s17 =	simm.s32 $0x9D;
	[dreg:$0xe] =	wrdreg s16  }
0x20: {  	s17 =	simm.s32 @!p1 $0x9C;
	s4 =	sadd.s32 s4, s26;
	s16 =	rddreg [dreg:$0x3]  }
0x21: {  	s4 =	sadd.s32 $0x27000, s4;
	_ =	strace $0x80000047;
	s25 =	sadd.s32 s5, s16  }
0x22: {  	s26 =	sadd.s32 s6, s16;
	s28 =	sadd.s32 s7, s16;
	s30 =	sadd.s32 s8, s16  }
0x23: {  	s22 =	sadd.s32 s9, s16;
	s24 =	sadd.s32 s10, s16;
	[dreg:$0x1f] =	wrdreg s4  }
0x24: {  	s6 =	sadd.s32 s12, s16;
	s7 =	sadd.s32 s14, s16;
	[smem:$0x7FC] =	sst s0  }
0x25: {  	s8 =	sshrl.u32 s15, $0x3;
	s9 =	sadd.s32 s18, s16;
	[dreg:$0x13] =	wrdreg s22  }
0x26: {  	s10 =	sshrl.u32 s3, $0x3;
	s12 =	sadd.s32 s21, s16;
	[dreg:$0x14] =	wrdreg s24  }
0x27: {  	s14 =	sshrl.u32 s19, $0x3;
	s15 =	sshrl.u32 s20, $0x3;
	[dreg:$0x15] =	wrdreg s6  }
0x28: {  	s18 =	sadd.s32 $0x100, s3;
	s3 =	sadd.s32 $0x180, s3;
	[dreg:$0x16] =	wrdreg s7  }
0x29: {  	s0 =	simm.s32 $0x40;
	s4 =	simm.s32 $0x1;
	[dreg:$0x17] =	wrdreg s9  }
0x2a: {  	v0 =	vimm.s32 $0x76543210;
	s5 =	sor.u32 $0x10, s8;
	[dreg:$0x18] =	wrdreg s12;
	s6 =	sadd.s32 s13, s10  }
0x2b: {  	v1 =	vimm.s32 $0xFEDCBA98;
	v2 =	vimm.s32 $0xBA98FEDC;
	v3 =	vimm.s32 $0x32107654;
	s19 =	sor.u32 $0x10, s15;
	s20 =	sshrl.u32 s18, $0x3;
	[dreg:$0xf] =	wrdreg s25  }
0x2c: {  	v4 =	vimm.s32 $0xDCFE98BA;
	v5 =	vimm.s32 $0x54761032;
	s22 =	sshrl.u32 s3, $0x3;
	s3 =	simm.s32 $0x35;
	[dreg:$0x10] =	wrdreg s26  }
0x2d: {  	v6 =	vimm.s32 $0xEFCDAB89;
	v7 =	vimm.s32 $0x67452301;
	s24 =	sadd.s32 $0x138000, s16;
	s8 =	sadd.s32 $0xFFFFFFFF, s17;
	[dreg:$0x11] =	wrdreg s28  }
0x2e: {  	v1 =	vunpack.c.l.s4.s8 v1;
	v0 =	vunpack.c.l.s4.s8 v0;
	v2 =	vunpack.c.l.s4.s8 v2;
	s9 =	simm.s32 $0xD;
	s10 =	simm.s32 $0xC300;
	[dreg:$0x12] =	wrdreg s30  }
0x2f: {  	v3 =	vunpack.c.l.s4.s8 v3;
	v4 =	vunpack.c.l.s4.s8 v4;
	v5 =	vunpack.c.l.s4.s8 v5;
	s18 =	simm.s32 $0xB;
	[dreg:$0x19] =	wrdreg s6;
	s5 =	sadd.s32 s13, s5  }
0x30: {  	v6 =	vunpack.c.l.s4.s8 v6;
	v7 =	vunpack.c.l.s4.s8 v7;
	v1 =	vunpack.c.0.s8.s32 v1;
	s21 =	sadd.s32 s13, s20;
	s3 =	simm.s32 @!p1 $0x34;
	p1 =	por p2, p0  }
0x31: {  	v2 =	vunpack.c.0.s8.s32 v2;
	v3 =	vunpack.c.0.s8.s32 v3;
	v4 =	vunpack.c.0.s8.s32 v4;
	p2 =	por !p2, p0;
	[smem:$0x7FD] =	sst s24;
	s6 =	simm.s32 $0x2  }
.Ltmp0:
0x32: {  	v5 =	vunpack.c.0.s8.s32 v5;
	v6 =	vunpack.c.0.s8.s32 v6;
	v7 =	vunpack.c.0.s8.s32 v7;
	s20 =	simm.s32 $0xC;
	[dreg:$0x1a] =	wrdreg s5;
	(pc) =	sbr.rel .LBB2_1-.Ltmp0, $4  }
0x33: {  	v2 =	vcombine.low v3, v2;
	v3 =	vunpack.c.0.s8.s32 v0;
	s5 =	sadd.s32 s13, s14;
	[dreg:$0x1d] =	wrdreg s21;
	s14 =	simm.s32 $0xC380  }
0x34: {  	v4 =	vcombine.low v5, v4;
	v1 =	vand.u32 $0xF, v1;
	v5 =	vcombine.low v7, v6;
	s21 =	simm.s32 $0xC400;
	[dreg:$0x1b] =	wrdreg s5;
	s5 =	sadd.s32 s13, s19  }
0x35: {  	v0 =	vimm.f32 $0.0e+00;
	v1 =	vcombine.low v1, v3;
	s19 =	simm.s32 $0x3;
	[dreg:$0x1c] =	wrdreg s5;
	s5 =	sadd.s32 s13, s22  }
0x36: {  	v2 =	vand.u32 $0xF, v2;
	v3 =	vand.u32 $0xF, v4;
	v4 =	vand.u32 $0xF, v5;
	s22 =	simm.s32 $0x4000;
	[dreg:$0x1e] =	wrdreg s5;
	s5 =	simm.s32 $0xA  }
.LBB2_17:
0x37: {  	s7 =	simm.s32 $0x4  }
0x38: {  	_ =	swait.ge [sflag:s7], $0x2000  }
0x39: {  	[sflag:s7] =	ssyncset.done $0x0  }
0x3a: {  	s26 =	simm.s32 $0x5;
	[sflag:s7] =	ssyncadd.s32 $0xFFFFE000  }
0x3b: {  	_ =	swait.ge [sflag:s26], $0x2000  }
0x3c: {  	[sflag:s26] =	ssyncset.done $0x0  }
0x3d: {  	s12 =	simm.s32 $0x6;
	[sflag:s26] =	ssyncadd.s32 $0xFFFFE000  }
0x3e: {  	_ =	swait.ge [sflag:s12], $0x2000  }
0x3f: {  	[sflag:s12] =	ssyncset.done $0x0  }
0x40: {  	[sflag:s12] =	ssyncadd.s32 $0xFFFFE000  }
0x41: {  	s15 =	stileid.u32;
	[bflag:$0x0] =	sbarrier.arrive $0xFFFF  }
0x42: {  	s7 =	sshll.u32 s15, $0x6;
	s25 =	rddreg [dreg:$0xf]  }
0x43: {  	s7 =	sor.u32 $0x1C0D, s7;
	s24 =	rddreg [dreg:$0x5];
	s12 =	sshrl.u32 s25, $0x3  }
0x44: {  	[hbm:s24], [sflag:s7] =	dma.local [spmem:s12], $0x400  }
0x45: {  	_ =	swait.ge [sflag:s9], $0x400  }
0x46: {  	[sflag:s9] =	ssyncset.done $0x0;
	s26 =	rddreg [dreg:$0x10]  }
0x47: {  	s15 =	rddreg [dreg:$0x6];
	[sflag:s9] =	ssyncadd.s32 $0xFFFFFC00;
	s24 =	sshrl.u32 s26, $0x3  }
0x48: {  	[hbm:s15], [sflag:s7] =	dma.local [spmem:s24], $0x400  }
0x49: {  	_ =	swait.ge [sflag:s9], $0x400  }
0x4a: {  	[sflag:s9] =	ssyncset.done $0x0;
	s28 =	rddreg [dreg:$0x11]  }
0x4b: {  	s15 =	rddreg [dreg:$0x7];
	[sflag:s9] =	ssyncadd.s32 $0xFFFFFC00;
	s24 =	sshrl.u32 s28, $0x3  }
0x4c: {  	[hbm:s15], [sflag:s7] =	dma.local [spmem:s24], $0x400  }
0x4d: {  	_ =	swait.ge [sflag:s9], $0x400  }
0x4e: {  	[sflag:s9] =	ssyncset.done $0x0;
	s30 =	rddreg [dreg:$0x12]  }
0x4f: {  	s15 =	rddreg [dreg:$0x8];
	[sflag:s9] =	ssyncadd.s32 $0xFFFFFC00;
	s24 =	sshrl.u32 s30, $0x3  }
0x50: {  	[hbm:s15], [sflag:s7] =	dma.local [spmem:s24], $0x400  }
0x51: {  	_ =	swait.ge [sflag:s9], $0x400  }
0x52: {  	[sflag:s9] =	ssyncset.done $0x0;
	s24 =	rddreg [dreg:$0x13]  }
0x53: {  	s15 =	rddreg [dreg:$0x9];
	[sflag:s9] =	ssyncadd.s32 $0xFFFFFC00;
	s12 =	sshrl.u32 s24, $0x3  }
0x54: {  	[hbm:s15], [sflag:s7] =	dma.local [spmem:s12], $0x400  }
0x55: {  	_ =	swait.ge [sflag:s9], $0x400  }
0x56: {  	[sflag:s9] =	ssyncset.done $0x0;
	s24 =	rddreg [dreg:$0x14]  }
0x57: {  	s15 =	rddreg [dreg:$0xa];
	[sflag:s9] =	ssyncadd.s32 $0xFFFFFC00;
	s12 =	sshrl.u32 s24, $0x3  }
0x58: {  	[hbm:s15], [sflag:s7] =	dma.local [spmem:s12], $0x400  }
0x59: {  	_ =	swait.ge [sflag:s9], $0x400  }
0x5a: {  	[sflag:s9] =	ssyncset.done $0x0;
	s24 =	rddreg [dreg:$0x15]  }
0x5b: {  	s15 =	rddreg [dreg:$0xb];
	[sflag:s9] =	ssyncadd.s32 $0xFFFFFC00;
	s12 =	sshrl.u32 s24, $0x3  }
0x5c: {  	[hbm:s15], [sflag:s7] =	dma.local [spmem:s12], $0x400  }
0x5d: {  	_ =	swait.ge [sflag:s9], $0x400  }
0x5e: {  	[sflag:s9] =	ssyncset.done $0x0;
	s24 =	rddreg [dreg:$0x16]  }
0x5f: {  	s15 =	rddreg [dreg:$0xc];
	[sflag:s9] =	ssyncadd.s32 $0xFFFFFC00;
	s12 =	sshrl.u32 s24, $0x3  }
0x60: {  	[hbm:s15], [sflag:s7] =	dma.local [spmem:s12], $0x400  }
0x61: {  	_ =	swait.ge [sflag:s9], $0x400  }
0x62: {  	[sflag:s9] =	ssyncset.done $0x0;
	s24 =	rddreg [dreg:$0x17]  }
0x63: {  	s15 =	rddreg [dreg:$0xd];
	[sflag:s9] =	ssyncadd.s32 $0xFFFFFC00;
	s12 =	sshrl.u32 s24, $0x3  }
0x64: {  	[hbm:s15], [sflag:s7] =	dma.local [spmem:s12], $0x400  }
0x65: {  	_ =	swait.ge [sflag:s9], $0x400  }
0x66: {  	[sflag:s9] =	ssyncset.done $0x0;
	s12 =	rddreg [dreg:$0x18]  }
0x67: {  	s24 =	rddreg [dreg:$0xe];
	[sflag:s9] =	ssyncadd.s32 $0xFFFFFC00;
	s12 =	sshrl.u32 @!p0 s12, $0x3  }
0x68: {  	[hbm:s24], [sflag:s7] =	dma.local @!p0 [spmem:s12], $0x400  }
0x69: {  	s12 =	simm.s32 @!p0 $0xD  }
0x6a: {  	_ =	swait.ge @!p0 [sflag:s12], $0x400  }
0x6b: {  	[sflag:s12] =	ssyncset.done @!p0 $0x0  }
0x6c: {  	[sflag:s12] =	ssyncadd.s32 @!p0 $0xFFFFFC00;
	s12 =	sld [smem:$0x7FD];
	_ =	sdelay $0x2  }
0x6d: {  	s24 =	rddreg [dreg:$0x1f];
	s12 =	sshrl.u32 @p3 s12, $0x3  }
0x6e: {  	[hbm:s24], [sflag:s7] =	dma.local @p3 [spmem:s12], $0x100  }
0x6f: {  	s7 =	simm.s32 @p3 $0xD  }
0x70: {  	_ =	swait.ge @p3 [sflag:s7], $0x100  }
0x71: {  	s24 =	sld [smem:$0x7FC];
	_ =	sdelay $0x1  }
0x72: {  	s23 =	sadd.s32 $0x1, s23  }
0x73: {  	p4 =	sne.s32 s23, s24  }
.Ltmp1:
0x74: {  	_ = 	snop;
	(pc) =	sbr.rel @!p4 .LBB2_18-.Ltmp1, $3  }
0x75: {  	_ =	sdelay $0x1  }
0x76: {  	[sflag:s7] =	ssyncset.done @p3 $0x0  }
0x77: {  	[sflag:s7] =	ssyncadd.s32 @p3 $0xFFFFFF00  }
.LBB2_1:
0x78: {  	s12 =	simm.s32 $0x0;
	s24 =	simm.s32 $0x200  }
.LBB2_2:
0x79: {  	p3 =	sne.s32 s24, $0x7E00;
	[tilespmem:s12+$0x70] =	vst v0  }
0x7a: {  	[tilespmem:s12+$0x0] =	vst v0  }
0x7b: {  	[tilespmem:s12+$0x10] =	vst v0  }
.Ltmp2:
0x7c: {  	[tilespmem:s12+$0x20] =	vst v0;
	(pc) =	sbr.rel @p3 .LBB2_2-.Ltmp2, $4  }
0x7d: {  	[tilespmem:s12+$0x30] =	vst v0  }
0x7e: {  	[tilespmem:s12+$0x40] =	vst v0  }
0x7f: {  	[tilespmem:s12+$0x50] =	vst v0  }
0x80: {  	[tilespmem:s12+$0x60] =	vst v0;
	s12 =	sshra.s32 s24, $0x2;
	s24 =	sadd.s32 $0x200, s24  }
0x81: {  	[tilespmem:s12+$0x70] =	vst v0  }
0x82: {  	[tilespmem:s12+$0x0] =	vst v0  }
0x83: {  	[tilespmem:s12+$0x10] =	vst v0  }
0x84: {  	[tilespmem:s12+$0x20] =	vst v0  }
0x85: {  	[tilespmem:s12+$0x30] =	vst v0  }
0x86: {  	[tilespmem:s12+$0x40] =	vst v0  }
0x87: {  	[tilespmem:s12+$0x50] =	vst v0  }
0x88: {  	[tilespmem:s12+$0x60] =	vst v0  }
0x89: {  	[spmem:s25] =	stream.linear.scatter [tilespmem:s1], [sflag:$0xD], $0x2000, $0x38;
	[tilespmem:$0x1FD00] =	vst v63  }
0x8a: {  	_ =	swait.ge [sflag:s9], $0x2000  }
0x8b: {  	[sflag:s9] =	ssyncset.done $0x0  }
0x8c: {  	[sflag:s9] =	ssyncadd.s32 $0xFFFFE000  }
0x8d: {  	[spmem:s26] =	stream.linear.scatter [tilespmem:s1], [sflag:$0xD], $0x2000, $0x38;
	[tilespmem:$0x1FD00] =	vst v63  }
0x8e: {  	_ =	swait.ge [sflag:s9], $0x2000  }
0x8f: {  	[sflag:s9] =	ssyncset.done $0x0  }
0x90: {  	[sflag:s9] =	ssyncadd.s32 $0xFFFFE000  }
0x91: {  	[spmem:s28] =	stream.linear.scatter [tilespmem:s1], [sflag:$0xD], $0x2000, $0x38;
	[tilespmem:$0x1FD00] =	vst v63  }
0x92: {  	_ =	swait.ge [sflag:s9], $0x2000  }
0x93: {  	[sflag:s9] =	ssyncset.done $0x0  }
0x94: {  	[sflag:s9] =	ssyncadd.s32 $0xFFFFE000  }
0x95: {  	[spmem:s30] =	stream.linear.scatter [tilespmem:s1], [sflag:$0xD], $0x2000, $0x38;
	[tilespmem:$0x1FD00] =	vst v63  }
0x96: {  	_ =	swait.ge [sflag:s9], $0x2000  }
0x97: {  	[sflag:s9] =	ssyncset.done $0x0  }
0x98: {  	s7 =	rddreg [dreg:$0x13];
	[sflag:s9] =	ssyncadd.s32 $0xFFFFE000  }
0x99: {  	[spmem:s7] =	stream.linear.scatter [tilespmem:s1], [sflag:$0xD], $0x2000, $0x38;
	[tilespmem:$0x1FD00] =	vst v63  }
0x9a: {  	_ =	swait.ge [sflag:s9], $0x2000  }
0x9b: {  	[sflag:s9] =	ssyncset.done $0x0  }
0x9c: {  	s26 =	rddreg [dreg:$0x14];
	[sflag:s9] =	ssyncadd.s32 $0xFFFFE000  }
0x9d: {  	[spmem:s26] =	stream.linear.scatter [tilespmem:s1], [sflag:$0xD], $0x2000, $0x38;
	[tilespmem:$0x1FD00] =	vst v63  }
0x9e: {  	_ =	swait.ge [sflag:s9], $0x2000  }
0x9f: {  	[sflag:s9] =	ssyncset.done $0x0  }
0xa0: {  	s28 =	rddreg [dreg:$0x15];
	[sflag:s9] =	ssyncadd.s32 $0xFFFFE000  }
0xa1: {  	[spmem:s28] =	stream.linear.scatter [tilespmem:s1], [sflag:$0xD], $0x2000, $0x38;
	[tilespmem:$0x1FD00] =	vst v63  }
0xa2: {  	_ =	swait.ge [sflag:s9], $0x2000  }
0xa3: {  	[sflag:s9] =	ssyncset.done $0x0  }
0xa4: {  	s30 =	rddreg [dreg:$0x16];
	[sflag:s9] =	ssyncadd.s32 $0xFFFFE000  }
0xa5: {  	[spmem:s30] =	stream.linear.scatter [tilespmem:s1], [sflag:$0xD], $0x2000, $0x38;
	[tilespmem:$0x1FD00] =	vst v63  }
0xa6: {  	_ =	swait.ge [sflag:s9], $0x2000  }
0xa7: {  	[sflag:s9] =	ssyncset.done $0x0  }
0xa8: {  	s12 =	rddreg [dreg:$0x17];
	[sflag:s9] =	ssyncadd.s32 $0xFFFFE000  }
0xa9: {  	[spmem:s12] =	stream.linear.scatter [tilespmem:s1], [sflag:$0xD], $0x2000, $0x38;
	[tilespmem:$0x1FD00] =	vst v63  }
0xaa: {  	_ =	swait.ge [sflag:s9], $0x2000  }
0xab: {  	[sflag:s9] =	ssyncset.done $0x0  }
0xac: {  	s12 =	simm.s32 @!p0 $0x0;
	s7 =	rddreg [dreg:$0x18];
	[sflag:s9] =	ssyncadd.s32 $0xFFFFE000  }
0xad: {  	[spmem:s7] =	stream.linear.scatter @!p0 [tilespmem:s12], [sflag:$0xD], $0x2000, $0x38;
	[tilespmem:$0x1FD00] =	vst v63  }
0xae: {  	s12 =	simm.s32 @!p0 $0xD  }
0xaf: {  	_ =	swait.ge @!p0 [sflag:s12], $0x2000  }
0xb0: {  	s7 =	sld [smem:$0x7FD]  }
0xb1: {  	[sflag:s12] =	ssyncset.done @!p0 $0x0  }
0xb2: {  	[sflag:s12] =	ssyncadd.s32 @!p0 $0xFFFFE000;
	s12 =	simm.s32 @!p1 $0x0  }
0xb3: {  	[spmem:s7] =	stream.linear.scatter @!p1 [tilespmem:s12], [sflag:$0xD], $0x800, $0x38;
	[tilespmem:$0x1FD00] =	vst v63  }
0xb4: {  	s12 =	simm.s32 @!p1 $0xD  }
0xb5: {  	_ =	swait.ge @!p1 [sflag:s12], $0x800  }
0xb6: {  	[sflag:s12] =	ssyncset.done @!p1 $0x0  }
0xb7: {  	[sflag:s12] =	ssyncadd.s32 @!p1 $0xFFFFF800  }
0xb8: {  	[bflag:$0x0] =	sbarrier.arrive $0xFFFF  }
0xb9: {  	s24 =	simm.s32 $0x0;
	s26 =	simm.s32 $0xC000;
	s15 =	rddreg [dreg:$0x19]  }
0xba: {  	[tilespmem:s26], [sflag:$0x7] =	stream.linear.gather [hbm4b:s15+s24], $0x40, $0x38;
	[tilespmem:$0x1FD00] =	vst v63  }
0xbb: {  	s28 =	simm.s32 $0xC180;
	s7 =	rddreg [dreg:$0x1a]  }
0xbc: {  	[tilespmem:s28], [sflag:$0x7] =	stream.linear.gather [hbm4b:s7+s24], $0x40, $0x38;
	[tilespmem:$0x1FD00] =	vst v63  }
0xbd: {  	s30 =	simm.s32 $0xC080;
	s25 =	rddreg [dreg:$0x1b]  }
0xbe: {  	[tilespmem:s30], [sflag:$0x8] =	stream.linear.gather [hbm4b:s25+s24], $0x40, $0x38;
	[tilespmem:$0x1FD00] =	vst v63  }
0xbf: {  	s12 =	rddreg [dreg:$0x1c]  }
0xc0: {  	[tilespmem:s31], [sflag:$0x8] =	stream.linear.gather [hbm4b:s12+s24], $0x40, $0x38;
	[tilespmem:$0x1FD00] =	vst v63  }
0xc1: {  	s15 =	simm.s32 $0xC100;
	s25 =	rddreg [dreg:$0x1d]  }
0xc2: {  	[tilespmem:s15], [sflag:$0x9] =	stream.linear.gather [hbm4b:s25+s24], $0x40, $0x38;
	[tilespmem:$0x1FD00] =	vst v63  }
0xc3: {  	s25 =	rddreg [dreg:$0x1e];
	s15 =	simm.s32 $0xC280  }
0xc4: {  	[tilespmem:s15], [sflag:$0x9] =	stream.linear.gather [hbm4b:s25+s24], $0x40, $0x38;
	[tilespmem:$0x1FD00] =	vst v63  }
0xc5: {  	_ = 	snop  }
0xc6: {  	[tilespmem:s10], [sflag:$0xA] =	stream.linear.gather [hbm4b:s7+s24], $0x40, $0x38;
	[tilespmem:$0x1FD00] =	vst v63  }
0xc7: {  	s15 =	simm.s32 $0x7  }
0xc8: {  	[tilespmem:s14], [sflag:$0xB] =	stream.linear.gather [hbm4b:s12+s24], $0x40, $0x38;
	[tilespmem:$0x1FD00] =	vst v63  }
0xc9: {  	_ =	swait.ge [sflag:s15], $0x40  }
0xca: {  	[sflag:s15] =	ssyncset.done $0x0  }
0xcb: {  	[sflag:s15] =	ssyncadd.s32 $0xFFFFFFC0  }
0xcc: {  	_ =	swait.ge [sflag:s15], $0x40  }
0xcd: {  	[sflag:s15] =	ssyncset.done $0x0  }
0xce: {  	s25 =	simm.s32 $0x8;
	[sflag:s15] =	ssyncadd.s32 $0xFFFFFFC0  }
0xcf: {  	_ =	swait.ge [sflag:s25], $0x40  }
0xd0: {  	[sflag:s25] =	ssyncset.done $0x0  }
0xd1: {  	[sflag:s25] =	ssyncadd.s32 $0xFFFFFFC0  }
0xd2: {  	_ =	swait.ge [sflag:s25], $0x40  }
0xd3: {  	[sflag:s25] =	ssyncset.done $0x0  }
0xd4: {  	[sflag:s25] =	ssyncadd.s32 $0xFFFFFFC0  }
0xd5: {  	[tilespmem:s24], [sflag:$0x1] =	stream.indirect.gather [hbm4b:s11+s0], $0x80, s26, s0, $0xb8;
	[tilespmem:$0x1FD00] =	vst v63  }
0xd6: {  	s26 =	simm.s32 $0x6000  }
0xd7: {  	[tilespmem:s26], [sflag:$0x1] =	stream.indirect.gather [hbm4b:s11+s0], $0x80, s28, s0, $0xb8;
	[tilespmem:$0x1FD00] =	vst v63  }
.Ltmp3:
0xd8: {  	p3 =	por @!p0 $0x0, $0x0;
	p4 =	por @!p1 $0x1, $0x1;
	(pc) =	sbr.rel .LBB2_4-.Ltmp3, $4  }
0xd9: {  	p4 =	por @!p2 p3, p3;
	p3 =	por $0x0, $0x0  }
0xda: {  	[tilespmem:s29], [sflag:$0x2] =	stream.indirect.gather [hbm4b:s11+s0], $0x80, s30, s0, $0xb8;
	[tilespmem:$0x1FD00] =	vst v63  }
0xdb: {  	p3 =	por @!p0 p4, p4;
	s30 =	simm.s32 $0x8000  }
0xdc: {  	[tilespmem:s30], [sflag:$0x2] =	stream.indirect.gather [hbm4b:s11+s0], $0x80, s31, s0, $0xb8;
	[tilespmem:$0x1FD00] =	vst v63  }
.LBB2_16:
0xdd: {  	s7 =	sadd.s32 $0x4, s25  }
0xde: {  	p4 =	sge.u32 s7, s17  }
0xdf: {  	s12 =	simm.s32 @!p4 $0x5  }
0xe0: {  	_ =	swait.ge @!p4 [sflag:s12], $0x2000  }
0xe1: {  	[sflag:s12] =	ssyncset.done @!p4 $0x0  }
0xe2: {  	[sflag:s12] =	ssyncadd.s32 @!p4 $0xFFFFE000;
	s12 =	simm.s32 @!p4 $0x8  }
0xe3: {  	_ =	swait.ge @!p4 [sflag:s12], $0x40  }
0xe4: {  	s24 =	sadd.s32 $0x1, s24;
	s7 =	sadd.s32 @!p4 s2, s7;
	[sflag:s12] =	ssyncset.done @!p4 $0x0  }
0xe5: {  	s26 =	simm.s32 @!p4 $0x2000;
	s25 =	sshll.u32 @!p4 s7, $0x6;
	[sflag:s12] =	ssyncadd.s32 @!p4 $0xFFFFFFC0  }
0xe6: {  	s7 =	sshll.u32 @!p4 s7, $0x7;
	s25 =	sand.u32 @!p4 $0x40, s25;
	_ =	swait.ge @!p4 [sflag:s12], $0x40  }
0xe7: {  	s7 =	sor.u32 @!p4 s7, s25;
	s25 =	simm.s32 @!p4 $0xC080;
	[sflag:s12] =	ssyncset.done @!p4 $0x0  }
0xe8: {  	s7 =	sshrl.u32 @!p4 s7, $0x3;
	[sflag:s12] =	ssyncadd.s32 @!p4 $0xFFFFFFC0;
	s12 =	simm.s32 @!p4 $0x40  }
0xe9: {  	[tilespmem:s26], [sflag:$0x2] =	stream.indirect.gather @!p4 [hbm4b:s11+s12], $0x80, s25, s12, $0xb8;
	[tilespmem:$0x1FD00] =	vst v63  }
0xea: {  	s7 =	sor.u32 @!p4 $0x10, s7;
	s25 =	simm.s32 @!p4 $0xC200;
	s26 =	simm.s32 @!p4 $0x8000  }
0xeb: {  	[tilespmem:s26], [sflag:$0x2] =	stream.indirect.gather @!p4 [hbm4b:s11+s12], $0x80, s25, s12, $0xb8;
	[tilespmem:$0x1FD00] =	vst v63  }
0xec: {  	s7 =	sadd.s32 @!p4 s13, s7;
	s12 =	simm.s32 @!p4 $0x0;
	s25 =	simm.s32 @!p4 $0xC380  }
0xed: {  	[tilespmem:s25], [sflag:$0xB] =	stream.linear.gather @!p4 [hbm4b:s7+s12], $0x40, $0x38;
	[tilespmem:$0x1FD00] =	vst v63  }
0xee: {  	p4 =	sne.s32 s24, s3  }
.Ltmp4:
0xef: {  	_ = 	snop;
	(pc) =	sbr.rel @!p4 .LBB2_17-.Ltmp4, $1  }
0xf0: {  	_ =	sdelay $0x3  }
.LBB2_4:
0xf1: {  	s25 =	smul.u32 $0x3, s24;
	_ =	sdelay $0x1  }
0xf2: {  	p4 =	sge.u32 s25, s17  }
.Ltmp5:
0xf3: {  	_ = 	snop;
	(pc) =	sbr.rel @p4 .LBB2_8-.Ltmp5, $1  }
0xf4: {  	_ =	sdelay $0x3  }
0xf5: {  	s12 =	sadd.s32 $0x3, s25  }
0xf6: {  	p4 =	sge.u32 s12, s17  }
0xf7: {  	_ =	swait.ge [sflag:s4], $0x2000;
	s12 =	sadd.s32 @!p4 s2, s12  }
0xf8: {  	[sflag:s4] =	ssyncset.done $0x0;
	s26 =	sshll.u32 @!p4 s12, $0x7;
	s12 =	sshll.u32 @!p4 s12, $0x6  }
0xf9: {  	[sflag:s4] =	ssyncadd.s32 $0xFFFFE000;
	s28 =	sand.u32 @!p4 $0x7FFFFF00, s26;
	s12 =	sand.u32 @!p4 $0x40, s12  }
0xfa: {  	_ =	swait.ge [sflag:s4], $0x2000;
	s28 =	sor.u32 @!p4 s12, s28  }
0xfb: {  	s30 =	simm.s32 @!p4 $0x0;
	[sflag:s4] =	ssyncset.done $0x0;
	s28 =	sshrl.u32 @!p4 s28, $0x3  }
0xfc: {  	s7 =	simm.s32 @!p4 $0xC000;
	[sflag:s4] =	ssyncadd.s32 $0xFFFFE000;
	s28 =	sadd.s32 @!p4 s13, s28  }
0xfd: {  	[tilespmem:s7], [sflag:$0x7] =	stream.linear.gather @!p4 [hbm4b:s28+s30], $0x40, $0x38;
	[tilespmem:$0x1FD00] =	vst v63  }
0xfe: {  	s7 =	sor.u32 @!p4 s26, s12  }
0xff: {  	s7 =	sshrl.u32 @!p4 s7, $0x3  }
0x100: {  	s7 =	sor.u32 @!p4 $0x10, s7  }
0x101: {  	s12 =	simm.s32 @!p4 $0xC180;
	s26 =	simm.s32 $0x100;
	s7 =	sadd.s32 @!p4 s13, s7  }
0x102: {  	[tilespmem:s12], [sflag:$0x7] =	stream.linear.gather @!p4 [hbm4b:s7+s30], $0x40, $0x38;
	[tilespmem:$0x1FD00] =	vst v63  }
0x103: {  	v20 =	vld [tilespmem:s26+$0x80]  }
0x104: {  	s28 =	simm.s32 $0x6100;
	v23 =	vld [tilespmem:s26+$0x90]  }
0x105: {  	v5 =	vld [tilespmem:s28+$0x80]  }
0x106: {  	v6 =	vld [tilespmem:s28+$0x90]  }
0x107: {  	v24 =	vld [tilespmem:s26+$0xA0]  }
0x108: {  	v9 =	vld [tilespmem:s28+$0xA0]  }
0x109: {  	v26 =	vld [tilespmem:s26+$0xB0]  }
0x10a: {  	v10 =	vld [tilespmem:s28+$0xB0]  }
0x10b: {  	v28 =	vld [tilespmem:s26+$0xC0]  }
0x10c: {  	v12 =	vld [tilespmem:s28+$0xC0]  }
0x10d: {  	v29 =	vld [tilespmem:s26+$0xD0]  }
0x10e: {  	v13 =	vld [tilespmem:s28+$0xD0]  }
0x10f: {  	v31 =	vld [tilespmem:s26+$0xE0]  }
0x110: {  	v14 =	vld [tilespmem:s28+$0xE0]  }
0x111: {  	v27 =	vld [tilespmem:s26+$0xF0]  }
0x112: {  	v17 =	vld [tilespmem:s28+$0xF0]  }
0x113: {  	v11 =	vld [tilespmem:s26+$0xFFFFFF10]  }
0x114: {  	v21 =	vld [tilespmem:s28+$0xFFFFFF00]  }
0x115: {  	v25 =	vld [tilespmem:s28+$0xFFFFFF10]  }
0x116: {  	v7 =	vld [tilespmem:s26+$0xFFFFFF80]  }
0x117: {  	v8 =	vld [tilespmem:s26+$0xFFFFFF90]  }
0x118: {  	v30 =	vld [tilespmem:s28+$0xFFFFFF80]  }
0x119: {  	v32 =	vld [tilespmem:s28+$0xFFFFFF90];
	v5 =	vmul.f32 v5, v20;
	v6 =	vmul.f32 v6, v23  }
0x11a: {  	v33 =	vld [tilespmem:s28+$0x0]  }
0x11b: {  	v34 =	vld [tilespmem:s28+$0x10];
	v9 =	vmul.f32 v9, v24;
	v6 =	vadd.f32 v6, v5  }
0x11c: {  	v16 =	vld [tilespmem:s26+$0xFFFFFF00]  }
0x11d: {  	v15 =	vld [tilespmem:s26+$0xFFFFFF20];
	v10 =	vmul.f32 v10, v26;
	v9 =	vadd.f32 v9, v6  }
0x11e: {  	v35 =	vld [tilespmem:s28+$0xFFFFFF20]  }
0x11f: {  	v36 =	vld [tilespmem:s28+$0xFFFFFFA0];
	v9 =	vadd.f32 v10, v9;
	v10 =	vmul.f32 v12, v28  }
0x120: {  	v37 =	vld [tilespmem:s28+$0x20]  }
0x121: {  	v19 =	vld [tilespmem:s26+$0xFFFFFF30];
	v9 =	vadd.f32 v10, v9;
	v10 =	vmul.f32 v13, v29  }
0x122: {  	v38 =	vld [tilespmem:s28+$0xFFFFFF30]  }
0x123: {  	v39 =	vld [tilespmem:s28+$0xFFFFFFB0];
	v9 =	vadd.f32 v10, v9;
	v10 =	vmul.f32 v14, v31  }
0x124: {  	v40 =	vld [tilespmem:s28+$0x30]  }
0x125: {  	v22 =	vld [tilespmem:s26+$0xFFFFFF40];
	v13 =	vmul.f32 v17, v27;
	v10 =	vadd.f32 v10, v9  }
0x126: {  	v41 =	vld [tilespmem:s28+$0xFFFFFF40]  }
0x127: {  	v18 =	vld [tilespmem:s26+$0xFFFFFFC0];
	v10 =	vadd.f32 v13, v10  }
0x128: {  	v42 =	vld [tilespmem:s28+$0xFFFFFFC0]  }
0x129: {  	v44 =	vld [tilespmem:s28+$0x40];
	v13 =	vperm.xlane v10, v1  }
0x12a: {  	v60 =	vld [tilespmem:s28+$0xFFFFFFD0]  }
0x12b: {  	v48 =	vld [tilespmem:s28+$0x50];
	v13 =	vadd.f32 v10, v13  }
0x12c: {  	v52 =	vld [tilespmem:s28+$0xFFFFFF60]  }
0x12d: {  	v55 =	vld [tilespmem:s28+$0xFFFFFFE0];
	v17 =	vperm.xlane v13, v2  }
0x12e: {  	v46 =	vmul.f32 v21, v16;
	v21 =	vld [tilespmem:s26+$0xFFFFFFD0]  }
0x12f: {  	v5 =	vld [tilespmem:s26+$0x0];
	v17 =	vadd.f32 v13, v17  }
0x130: {  	v12 =	vld [tilespmem:s26+$0xFFFFFFA0]  }
0x131: {  	v6 =	vld [tilespmem:s26+$0x10];
	v43 =	vperm.xlane v17, v3  }
0x132: {  	v45 =	vmul.f32 v25, v11;
	v30 =	vmul.f32 v30, v7;
	v14 =	vld [tilespmem:s26+$0xFFFFFFB0]  }
0x133: {  	v32 =	vmul.f32 v32, v8;
	v35 =	vmul.f32 v35, v15;
	v9 =	vld [tilespmem:s26+$0x20];
	v17 =	vadd.f32 v17, v43  }
0x134: {  	v57 =	vld [tilespmem:s28+$0x60];
	v38 =	vmul.f32 v38, v19;
	v56 =	vmul.f32 v42, v18;
	v45 =	vadd.f32 v45, v46  }
0x135: {  	v30 =	vadd.f32 v32, v30;
	v62 =	vmul.f32 v36, v12;
	v10 =	vld [tilespmem:s26+$0x30];
	v47 =	vperm.xlane v17, v4  }
0x136: {  	v25 =	vld [tilespmem:s26+$0xFFFFFF50];
	v35 =	vadd.f32 v35, v45;
	v58 =	vmul.f32 v33, v5;
	v59 =	vmul.f32 v34, v6  }
0x137: {  	v30 =	vadd.f32 v62, v30;
	v50 =	vmul.f32 v39, v14;
	v43 =	vld [tilespmem:s28+$0xFFFFFF50];
	v61 =	vadd.f32 v17, v47  }
0x138: {  	v34 =	vmul.f32 v60, v21;
	v32 =	vadd.f32 v59, v58;
	v63 =	vmul.f32 v37, v9;
	v13 =	vld [tilespmem:s26+$0x40]  }
0x139: {  	v33 =	vadd.f32 v50, v30;
	v30 =	vmul.f32 v41, v22;
	v17 =	vld [tilespmem:s26+$0x50];
	v49 =	vmul.f32 v61, v27  }
0x13a: {  	v35 =	vadd.f32 v38, v35;
	v54 =	vmul.f32 v40, v10;
	v27 =	vld [tilespmem:s26+$0xFFFFFF60];
	v51 =	vmul.f32 v61, v20  }
0x13b: {  	v32 =	vadd.f32 v63, v32;
	v23 =	vmul.f32 v61, v23;
	v53 =	vmul.f32 v61, v24;
	v24 =	vld [tilespmem:s26+$0xFFFFFFE0];
	[tilespmem:s26+$0xF0] =	vst v49  }
0x13c: {  	v35 =	vadd.f32 v30, v35;
	v58 =	vmul.f32 v43, v25;
	v26 =	vmul.f32 v61, v26;
	v20 =	vld [tilespmem:s26+$0x60];
	[tilespmem:s26+$0x80] =	vst v51  }
0x13d: {  	v30 =	vld [tilespmem:s26+$0xFFFFFF70];
	v32 =	vadd.f32 v54, v32;
	v28 =	vmul.f32 v61, v28;
	[tilespmem:s26+$0x90] =	vst v23;
	v23 =	vmul.f32 v44, v13  }
0x13e: {  	v33 =	vadd.f32 v56, v33;
	v29 =	vmul.f32 v61, v29;
	v59 =	vmul.f32 v61, v31;
	v31 =	vld [tilespmem:s28+$0xFFFFFF70];
	[tilespmem:s26+$0xA0] =	vst v53  }
0x13f: {  	v60 =	vadd.f32 v58, v35;
	[tilespmem:s26+$0xB0] =	vst v26;
	v26 =	vld [tilespmem:s26+$0xFFFFFFF0];
	v61 =	vmul.f32 v48, v17;
	v23 =	vadd.f32 v23, v32  }
0x140: {  	[tilespmem:s26+$0xC0] =	vst v28;
	v28 =	vadd.f32 v34, v33;
	v34 =	vld [tilespmem:s28+$0xFFFFFFF0];
	v62 =	vmul.f32 v52, v27;
	v63 =	vmul.f32 v55, v24  }
0x141: {  	[tilespmem:s26+$0xD0] =	vst v29;
	v32 =	vld [tilespmem:s28+$0x70];
	v36 =	vmul.f32 v57, v20;
	v29 =	vadd.f32 v61, v23  }
0x142: {  	s30 =	simm.s32 $0x0;
	s12 =	simm.s32 $0x300;
	[tilespmem:s26+$0xE0] =	vst v59;
	v23 =	vld [tilespmem:s26+$0x70];
	v35 =	vadd.f32 v62, v60;
	v33 =	vadd.f32 v63, v28  }
.LBB2_6:
0x143: {  	v28 =	vld [tilespmem:s12+$0x80];
	v31 =	vmul.f32 v31, v30;
	v36 =	vadd.f32 v36, v29  }
0x144: {  	s28 =	sadd.s32 $0x200, s28;
	v29 =	vld [tilespmem:s12+$0x90]  }
0x145: {  	v37 =	vld [tilespmem:s28+$0x80];
	v35 =	vadd.f32 v31, v35;
	v34 =	vmul.f32 v34, v26  }
0x146: {  	s30 =	sadd.s32 $0x4, s30;
	v38 =	vld [tilespmem:s28+$0x90]  }
0x147: {  	p4 =	slt.u32 s30, $0x3C;
	v31 =	vld [tilespmem:s12+$0xA0];
	v39 =	vperm.xlane v35, v1;
	v34 =	vadd.f32 v34, v33;
	v33 =	vmul.f32 v32, v23  }
0x148: {  	v40 =	vld [tilespmem:s28+$0xA0]  }
0x149: {  	v32 =	vld [tilespmem:s12+$0xB0];
	v35 =	vadd.f32 v35, v39;
	v39 =	vperm.xlane v34, v1;
	v36 =	vadd.f32 v33, v36  }
0x14a: {  	v41 =	vld [tilespmem:s28+$0xB0]  }
0x14b: {  	v37 =	vmul.f32 v37, v28;
	v33 =	vld [tilespmem:s12+$0xC0];
	v38 =	vmul.f32 v38, v29;
	v39 =	vadd.f32 v34, v39  }
0x14c: {  	v43 =	vperm.xlane v35, v2;
	v44 =	vperm.xlane v36, v1;
	v42 =	vld [tilespmem:s28+$0xC0]  }
0x14d: {  	v34 =	vld [tilespmem:s12+$0xD0];
	v37 =	vadd.f32 v38, v37;
	v38 =	vmul.f32 v40, v31;
	v40 =	vperm.xlane v39, v2  }
0x14e: {  	v43 =	vadd.f32 v35, v43;
	v44 =	vadd.f32 v36, v44;
	v45 =	vld [tilespmem:s28+$0xD0]  }
0x14f: {  	v35 =	vld [tilespmem:s12+$0xE0];
	v37 =	vadd.f32 v38, v37;
	v38 =	vmul.f32 v41, v32;
	v39 =	vadd.f32 v39, v40  }
0x150: {  	v41 =	vperm.xlane v43, v3;
	v46 =	vperm.xlane v44, v2;
	v40 =	vld [tilespmem:s28+$0xE0]  }
0x151: {  	v36 =	vld [tilespmem:s12+$0xF0];
	v37 =	vadd.f32 v38, v37;
	v38 =	vmul.f32 v42, v33;
	v42 =	vperm.xlane v39, v3  }
0x152: {  	v41 =	vadd.f32 v43, v41;
	v43 =	vadd.f32 v44, v46;
	v47 =	vld [tilespmem:s28+$0xF0]  }
0x153: {  	v44 =	vld [tilespmem:s12+$0xFFFFFF10];
	v37 =	vadd.f32 v38, v37;
	v38 =	vmul.f32 v45, v34;
	v39 =	vadd.f32 v39, v42  }
0x154: {  	v45 =	vperm.xlane v41, v4;
	v46 =	vperm.xlane v43, v3;
	v42 =	vld [tilespmem:s28+$0xFFFFFF00]  }
0x155: {  	v48 =	vld [tilespmem:s28+$0xFFFFFF10];
	v37 =	vadd.f32 v38, v37;
	v38 =	vmul.f32 v40, v35;
	v40 =	vperm.xlane v39, v4  }
0x156: {  	v41 =	vadd.f32 v41, v45;
	v43 =	vadd.f32 v43, v46;
	v49 =	vld [tilespmem:s12+$0xFFFFFF80]  }
0x157: {  	v45 =	vld [tilespmem:s12+$0xFFFFFF90];
	v37 =	vadd.f32 v38, v37;
	v38 =	vmul.f32 v47, v36;
	v39 =	vadd.f32 v39, v40  }
0x158: {  	v16 =	vmul.f32 v41, v16;
	v46 =	vperm.xlane v43, v4;
	v40 =	vld [tilespmem:s28+$0xFFFFFF80]  }
0x159: {  	v15 =	vmul.f32 v41, v15;
	v47 =	vld [tilespmem:s28+$0xFFFFFF90];
	v37 =	vadd.f32 v38, v37;
	v38 =	vmul.f32 v41, v11;
	v11 =	vmovc v44  }
0x15a: {  	v43 =	vadd.f32 v43, v46;
	v44 =	vmul.f32 v48, v11;
	v48 =	vld [tilespmem:s12+$0x0];
	[tilespmem:s26+$0xFFFFFF00] =	vst v16;
	v16 =	vmul.f32 v41, v19  }
0x15b: {  	v22 =	vmul.f32 v41, v22;
	v46 =	vld [tilespmem:s12+$0x10];
	v19 =	vperm.xlane v37, v1;
	[tilespmem:s26+$0xFFFFFF10] =	vst v38  }
0x15c: {  	v25 =	vmul.f32 v41, v25;
	v27 =	vmul.f32 v41, v27;
	v38 =	vld [tilespmem:s28+$0x0];
	[tilespmem:s26+$0xFFFFFF20] =	vst v15  }
0x15d: {  	v30 =	vmul.f32 v41, v30;
	v40 =	vmul.f32 v40, v49;
	v50 =	vld [tilespmem:s28+$0x10];
	v19 =	vadd.f32 v37, v19;
	[tilespmem:s26+$0xFFFFFF30] =	vst v16  }
0x15e: {  	v16 =	vld [tilespmem:s12+$0xFFFFFF00];
	v37 =	vmul.f32 v47, v45;
	[tilespmem:s26+$0xFFFFFF40] =	vst v22;
	v22 =	vmul.f32 v39, v7;
	v7 =	vmov v49  }
0x15f: {  	v15 =	vld [tilespmem:s12+$0xFFFFFF20];
	v41 =	vperm.xlane v19, v2;
	[tilespmem:s26+$0xFFFFFF50] =	vst v25;
	v25 =	vmul.f32 v39, v8;
	v8 =	vmov v45  }
0x160: {  	v14 =	vmul.f32 v39, v14;
	v45 =	vld [tilespmem:s28+$0xFFFFFF20];
	v37 =	vadd.f32 v37, v40;
	[tilespmem:s26+$0xFFFFFF60] =	vst v27;
	v27 =	vmul.f32 v39, v12  }
0x161: {  	v18 =	vmul.f32 v39, v18;
	v12 =	vld [tilespmem:s12+$0xFFFFFFA0];
	v38 =	vmul.f32 v38, v48;
	v40 =	vadd.f32 v19, v41;
	[tilespmem:s26+$0xFFFFFF70] =	vst v30  }
0x162: {  	v21 =	vmul.f32 v39, v21;
	v30 =	vld [tilespmem:s28+$0xFFFFFFA0];
	v19 =	vmul.f32 v50, v46;
	[tilespmem:s26+$0xFFFFFF80] =	vst v22  }
0x163: {  	v22 =	vmul.f32 v42, v16;
	v41 =	vld [tilespmem:s12+$0x20];
	v42 =	vperm.xlane v40, v3;
	[tilespmem:s26+$0xFFFFFF90] =	vst v25  }
0x164: {  	v24 =	vmul.f32 v39, v24;
	v26 =	vmul.f32 v39, v26;
	v25 =	vld [tilespmem:s28+$0x20];
	v38 =	vadd.f32 v19, v38;
	[tilespmem:s26+$0xFFFFFFA0] =	vst v27  }
0x165: {  	v19 =	vld [tilespmem:s12+$0xFFFFFF30];
	v22 =	vadd.f32 v44, v22;
	v27 =	vmul.f32 v45, v15;
	v39 =	vadd.f32 v40, v42;
	[tilespmem:s26+$0xFFFFFFB0] =	vst v14  }
0x166: {  	v42 =	vmul.f32 v43, v6;
	v6 =	vmovc v46;
	v40 =	vld [tilespmem:s28+$0xFFFFFF30];
	[tilespmem:s26+$0xFFFFFFC0] =	vst v18;
	v18 =	vmul.f32 v43, v5;
	v5 =	vmov v48  }
0x167: {  	v27 =	vadd.f32 v27, v22;
	v14 =	vld [tilespmem:s12+$0xFFFFFFB0];
	v22 =	vmul.f32 v30, v12;
	v30 =	vperm.xlane v39, v4;
	[tilespmem:s26+$0xFFFFFFD0] =	vst v21  }
0x168: {  	v44 =	vmul.f32 v43, v10;
	v21 =	vld [tilespmem:s28+$0xFFFFFFB0];
	[tilespmem:s26+$0xFFFFFFE0] =	vst v24;
	v24 =	vmul.f32 v43, v9;
	v9 =	vmov v41  }
0x169: {  	v37 =	vadd.f32 v22, v37;
	v10 =	vld [tilespmem:s12+$0x30];
	v25 =	vmul.f32 v25, v9;
	v30 =	vadd.f32 v39, v30;
	[tilespmem:s26+$0xFFFFFFF0] =	vst v26  }
0x16a: {  	v17 =	vmul.f32 v43, v17;
	v39 =	vmul.f32 v43, v13;
	v26 =	vld [tilespmem:s28+$0x30];
	[tilespmem:s26+$0x0] =	vst v18  }
0x16b: {  	v22 =	vld [tilespmem:s12+$0xFFFFFF40];
	v13 =	vmul.f32 v40, v19;
	v38 =	vadd.f32 v25, v38;
	v25 =	vmul.f32 v30, v36;
	[tilespmem:s26+$0x10] =	vst v42  }
0x16c: {  	v20 =	vmul.f32 v43, v20;
	v23 =	vmul.f32 v43, v23;
	v36 =	vld [tilespmem:s28+$0xFFFFFF40];
	[tilespmem:s26+$0x20] =	vst v24  }
0x16d: {  	v24 =	vadd.f32 v13, v27;
	v18 =	vld [tilespmem:s12+$0xFFFFFFC0];
	v13 =	vmul.f32 v21, v14;
	v27 =	vmul.f32 v30, v28;
	[tilespmem:s12+$0xF0] =	vst v25  }
0x16e: {  	v29 =	vmul.f32 v30, v29;
	v31 =	vmul.f32 v30, v31;
	v28 =	vld [tilespmem:s28+$0xFFFFFFC0];
	[tilespmem:s26+$0x30] =	vst v44  }
0x16f: {  	v37 =	vadd.f32 v13, v37;
	v13 =	vld [tilespmem:s12+$0x40];
	v21 =	vmul.f32 v26, v10;
	v26 =	vmul.f32 v30, v32;
	[tilespmem:s26+$0x40] =	vst v39  }
0x170: {  	v33 =	vmul.f32 v30, v33;
	v34 =	vmul.f32 v30, v34;
	v32 =	vld [tilespmem:s28+$0x40];
	[tilespmem:s26+$0x50] =	vst v17  }
0x171: {  	v30 =	vmul.f32 v30, v35;
	v25 =	vld [tilespmem:s12+$0xFFFFFF50];
	v17 =	vmul.f32 v36, v22;
	v36 =	vadd.f32 v21, v38;
	[tilespmem:s26+$0x60] =	vst v20  }
0x172: {  	v20 =	vld [tilespmem:s28+$0xFFFFFF50];
	[tilespmem:s26+$0x70] =	vst v23;
	s26 =	smov.u32 s12  }
0x173: {  	v23 =	vadd.f32 v17, v24;
	v21 =	vld [tilespmem:s12+$0xFFFFFFD0];
	v17 =	vmul.f32 v28, v18;
	[tilespmem:s12+$0x80] =	vst v27  }
0x174: {  	v28 =	vld [tilespmem:s28+$0xFFFFFFD0];
	[tilespmem:s12+$0x90] =	vst v29  }
0x175: {  	v29 =	vadd.f32 v17, v37;
	v17 =	vld [tilespmem:s12+$0x50];
	v24 =	vmul.f32 v32, v13;
	[tilespmem:s12+$0xA0] =	vst v31  }
0x176: {  	v31 =	vld [tilespmem:s28+$0x50];
	[tilespmem:s12+$0xB0] =	vst v26  }
0x177: {  	v27 =	vld [tilespmem:s12+$0xFFFFFF60];
	v20 =	vmul.f32 v20, v25;
	v26 =	vadd.f32 v24, v36;
	[tilespmem:s12+$0xC0] =	vst v33  }
0x178: {  	v32 =	vld [tilespmem:s28+$0xFFFFFF60];
	[tilespmem:s12+$0xD0] =	vst v34  }
0x179: {  	v23 =	vadd.f32 v20, v23;
	v24 =	vld [tilespmem:s12+$0xFFFFFFE0];
	v20 =	vmul.f32 v28, v21;
	[tilespmem:s12+$0xE0] =	vst v30  }
0x17a: {  	v28 =	vld [tilespmem:s28+$0xFFFFFFE0]  }
0x17b: {  	v33 =	vadd.f32 v20, v29;
	v20 =	vld [tilespmem:s12+$0x60];
	v29 =	vmul.f32 v31, v17  }
0x17c: {  	v36 =	vld [tilespmem:s28+$0x60]  }
0x17d: {  	v30 =	vld [tilespmem:s12+$0xFFFFFF70];
	v32 =	vmul.f32 v32, v27;
	v29 =	vadd.f32 v29, v26  }
.Ltmp6:
0x17e: {  	v31 =	vld [tilespmem:s28+$0xFFFFFF70];
	(pc) =	sbr.rel @p4 .LBB2_6-.Ltmp6, $4  }
0x17f: {  	v35 =	vadd.f32 v32, v23;
	v26 =	vld [tilespmem:s12+$0xFFFFFFF0];
	v23 =	vmul.f32 v28, v24  }
0x180: {  	v34 =	vld [tilespmem:s28+$0xFFFFFFF0]  }
0x181: {  	v33 =	vadd.f32 v23, v33;
	v23 =	vld [tilespmem:s12+$0x70];
	v36 =	vmul.f32 v36, v20  }
0x182: {  	s12 =	sadd.s32 $0x200, s12;
	v32 =	vld [tilespmem:s28+$0x70]  }
0x183: {  	v28 =	vmul.f32 v31, v30;
	_ =	sdelay $0x1  }
0x184: {  	v28 =	vadd.f32 v28, v35;
	_ =	sdelay $0x1  }
0x185: {  	v49 =	vperm.xlane v28, v1;
	_ =	sdelay $0x1  }
0x186: {  	v28 =	vadd.f32 v28, v49;
	_ =	sdelay $0x1  }
0x187: {  	v50 =	vmul.f32 v34, v26;
	v51 =	vperm.xlane v28, v2;
	_ =	sdelay $0x1  }
0x188: {  	v31 =	vadd.f32 v50, v33;
	v28 =	vadd.f32 v28, v51;
	_ =	sdelay $0x1  }
0x189: {  	v33 =	vperm.xlane v31, v1;
	v34 =	vperm.xlane v28, v3;
	_ =	sdelay $0x1  }
0x18a: {  	v31 =	vadd.f32 v31, v33;
	v28 =	vadd.f32 v28, v34  }
0x18b: {  	v29 =	vadd.f32 v36, v29;
	v32 =	vmul.f32 v32, v23  }
0x18c: {  	v33 =	vperm.xlane v31, v2;
	v34 =	vperm.xlane v28, v4  }
0x18d: {  	v29 =	vadd.f32 v32, v29  }
0x18e: {  	v31 =	vadd.f32 v31, v33;
	v28 =	vadd.f32 v28, v34  }
0x18f: {  	v32 =	vperm.xlane v29, v1  }
0x190: {  	v33 =	vperm.xlane v31, v3;
	v16 =	vmul.f32 v28, v16  }
0x191: {  	v29 =	vadd.f32 v29, v32;
	v11 =	vmul.f32 v28, v11  }
0x192: {  	v31 =	vadd.f32 v31, v33;
	v15 =	vmul.f32 v28, v15;
	[tilespmem:s26+$0xFFFFFF00] =	vst v16  }
0x193: {  	v52 =	vperm.xlane v29, v2;
	v19 =	vmul.f32 v28, v19;
	[tilespmem:s26+$0xFFFFFF10] =	vst v11  }
0x194: {  	v53 =	vperm.xlane v31, v4;
	v22 =	vmul.f32 v28, v22;
	[tilespmem:s26+$0xFFFFFF20] =	vst v15  }
0x195: {  	v54 =	vmul.f32 v28, v25;
	[tilespmem:s26+$0xFFFFFF30] =	vst v19  }
0x196: {  	v55 =	vmul.f32 v28, v27;
	v16 =	vadd.f32 v29, v52;
	v11 =	vadd.f32 v31, v53;
	[tilespmem:s26+$0xFFFFFF40] =	vst v22  }
0x197: {  	v56 =	vmul.f32 v28, v30;
	[tilespmem:s26+$0xFFFFFF50] =	vst v54  }
0x198: {  	[tilespmem:s26+$0xFFFFFF60] =	vst v55;
	v57 =	vperm.xlane v16, v3;
	v7 =	vmul.f32 v11, v7  }
0x199: {  	[tilespmem:s26+$0xFFFFFF70] =	vst v56;
	v8 =	vmul.f32 v11, v8  }
0x19a: {  	v12 =	vmul.f32 v11, v12;
	v15 =	vadd.f32 v16, v57;
	[tilespmem:s26+$0xFFFFFF80] =	vst v7  }
0x19b: {  	v59 =	vmul.f32 v11, v18;
	[tilespmem:s26+$0xFFFFFF90] =	vst v8  }
0x19c: {  	v7 =	vmul.f32 v11, v14;
	[tilespmem:s26+$0xFFFFFFA0] =	vst v12;
	v58 =	vperm.xlane v15, v4  }
0x19d: {  	v60 =	vmul.f32 v11, v21;
	[tilespmem:s26+$0xFFFFFFC0] =	vst v59  }
0x19e: {  	v61 =	vmul.f32 v11, v24;
	[tilespmem:s26+$0xFFFFFFB0] =	vst v7;
	v7 =	vadd.f32 v15, v58  }
0x19f: {  	v11 =	vmul.f32 v11, v26;
	[tilespmem:s26+$0xFFFFFFD0] =	vst v60  }
0x1a0: {  	[tilespmem:s26+$0xFFFFFFE0] =	vst v61;
	v5 =	vmul.f32 v7, v5  }
0x1a1: {  	[tilespmem:s26+$0xFFFFFFF0] =	vst v11;
	v6 =	vmul.f32 v7, v6  }
0x1a2: {  	v62 =	vmul.f32 v7, v9;
	[tilespmem:s26+$0x0] =	vst v5  }
0x1a3: {  	v63 =	vmul.f32 v7, v17;
	[tilespmem:s26+$0x10] =	vst v6  }
0x1a4: {  	v5 =	vmul.f32 v7, v10;
	[tilespmem:s26+$0x20] =	vst v62  }
0x1a5: {  	v6 =	vmul.f32 v7, v13;
	[tilespmem:s26+$0x50] =	vst v63  }
0x1a6: {  	[tilespmem:s26+$0x30] =	vst v5;
	v5 =	vmul.f32 v7, v20  }
0x1a7: {  	[tilespmem:s26+$0x40] =	vst v6;
	v6 =	vmul.f32 v7, v23  }
0x1a8: {  	[tilespmem:s26+$0x60] =	vst v5  }
0x1a9: {  	[tilespmem:s26+$0x70] =	vst v6  }
0x1aa: {  	_ =	swait.ge [sflag:s5], $0x40  }
0x1ab: {  	[sflag:s5] =	ssyncset.done $0x0  }
0x1ac: {  	[sflag:s5] =	ssyncadd.s32 $0xFFFFFFC0  }
0x1ad: {  	[spmem:s16] =	stream.indirect.scatter.add.f32 [tilespmem:s1], [sflag:$0x4], $0x80, s10, s0, $0xb8;
	[tilespmem:$0x1FD00] =	vst v63  }
.LBB2_8:
0x1ae: {  	s7 =	sadd.s32 $0x2, s25  }
0x1af: {  	p4 =	sge.u32 s7, s17  }
0x1b0: {  	p5 =	seq.s32 @!p4 s24, $0x0  }
0x1b1: {  	p5 =	por p5, p4  }
0x1b2: {  	s12 =	simm.s32 @!p5 $0x6  }
0x1b3: {  	_ =	swait.ge @!p5 [sflag:s12], $0x2000  }
0x1b4: {  	[sflag:s12] =	ssyncset.done @!p5 $0x0  }
0x1b5: {  	[sflag:s12] =	ssyncadd.s32 @!p5 $0xFFFFE000;
	s12 =	simm.s32 @!p4 $0x9  }
0x1b6: {  	_ =	swait.ge @!p4 [sflag:s12], $0x40  }
0x1b7: {  	s7 =	sadd.s32 @!p4 s2, s7;
	[sflag:s12] =	ssyncset.done @!p4 $0x0  }
0x1b8: {  	s28 =	simm.s32 @!p4 $0x4000;
	s26 =	sshll.u32 @!p4 s7, $0x6;
	[sflag:s12] =	ssyncadd.s32 @!p4 $0xFFFFFFC0  }
0x1b9: {  	s7 =	sshll.u32 @!p4 s7, $0x7;
	s26 =	sand.u32 @!p4 $0x40, s26;
	_ =	swait.ge @!p4 [sflag:s12], $0x40  }
0x1ba: {  	s7 =	sor.u32 @!p4 s7, s26;
	s26 =	simm.s32 @!p4 $0xC100;
	[sflag:s12] =	ssyncset.done @!p4 $0x0  }
0x1bb: {  	p5 =	sge.u32 s25, s8;
	[sflag:s12] =	ssyncadd.s32 @!p4 $0xFFFFFFC0;
	s12 =	simm.s32 @!p4 $0x40  }
0x1bc: {  	[tilespmem:s28], [sflag:$0x3] =	stream.indirect.gather @!p4 [hbm4b:s11+s12], $0x80, s26, s12, $0xb8;
	[tilespmem:$0x1FD00] =	vst v63  }
.Ltmp7:
0x1bd: {  	s7 =	sshrl.u32 @!p4 s7, $0x3;
	(pc) =	sbr.rel @p5 .LBB2_12-.Ltmp7, $4  }
0x1be: {  	s7 =	sor.u32 @!p4 $0x10, s7;
	s26 =	simm.s32 @!p4 $0xC280;
	s28 =	simm.s32 @!p4 $0xA000  }
0x1bf: {  	[tilespmem:s28], [sflag:$0x3] =	stream.indirect.gather @!p4 [hbm4b:s11+s12], $0x80, s26, s12, $0xb8;
	[tilespmem:$0x1FD00] =	vst v63  }
0x1c0: {  	s7 =	sadd.s32 @!p4 s13, s7;
	s12 =	simm.s32 @!p4 $0x0;
	s26 =	simm.s32 @!p4 $0xC400  }
0x1c1: {  	[tilespmem:s26], [sflag:$0xC] =	stream.linear.gather @!p4 [hbm4b:s7+s12], $0x40, $0x38;
	[tilespmem:$0x1FD00] =	vst v63  }
0x1c2: {  	s7 =	sadd.s32 $0x4, s25;
	_ =	swait.ge [sflag:s6], $0x2000  }
0x1c3: {  	p5 =	sge.u32 s7, s17;
	[sflag:s6] =	ssyncset.done $0x0  }
0x1c4: {  	s7 =	sadd.s32 @!p5 s2, s7;
	[sflag:s6] =	ssyncadd.s32 $0xFFFFE000  }
0x1c5: {  	s28 =	simm.s32 @!p5 $0x0;
	s12 =	sshll.u32 @!p5 s7, $0x7;
	s7 =	sshll.u32 @!p5 s7, $0x6  }
0x1c6: {  	s30 =	simm.s32 @!p5 $0xC080;
	s26 =	sand.u32 @!p5 $0x7FFFFF00, s12;
	s7 =	sand.u32 @!p5 $0x40, s7  }
0x1c7: {  	_ =	swait.ge [sflag:s6], $0x2000;
	s26 =	sor.u32 @!p5 s7, s26;
	s7 =	sor.u32 @!p5 s12, s7  }
0x1c8: {  	[sflag:s6] =	ssyncset.done $0x0;
	s26 =	sshrl.u32 @!p5 s26, $0x3;
	s7 =	sshrl.u32 @!p5 s7, $0x3  }
0x1c9: {  	[sflag:s6] =	ssyncadd.s32 $0xFFFFE000;
	s26 =	sadd.s32 @!p5 s13, s26;
	s7 =	sor.u32 @!p5 $0x10, s7  }
0x1ca: {  	[tilespmem:s30], [sflag:$0x8] =	stream.linear.gather @!p5 [hbm4b:s26+s28], $0x40, $0x38;
	[tilespmem:$0x1FD00] =	vst v63  }
0x1cb: {  	s12 =	simm.s32 @!p5 $0xC200;
	s7 =	sadd.s32 @!p5 s13, s7;
	s26 =	simm.s32 $0x2100  }
0x1cc: {  	[tilespmem:s12], [sflag:$0x8] =	stream.linear.gather @!p5 [hbm4b:s7+s28], $0x40, $0x38;
	[tilespmem:$0x1FD00] =	vst v63  }
0x1cd: {  	v20 =	vld [tilespmem:s26+$0x80]  }
0x1ce: {  	s28 =	simm.s32 $0x8100;
	v23 =	vld [tilespmem:s26+$0x90]  }
0x1cf: {  	v5 =	vld [tilespmem:s28+$0x80]  }
0x1d0: {  	v6 =	vld [tilespmem:s28+$0x90]  }
0x1d1: {  	v24 =	vld [tilespmem:s26+$0xA0]  }
0x1d2: {  	v9 =	vld [tilespmem:s28+$0xA0]  }
0x1d3: {  	v26 =	vld [tilespmem:s26+$0xB0]  }
0x1d4: {  	v10 =	vld [tilespmem:s28+$0xB0]  }
0x1d5: {  	v28 =	vld [tilespmem:s26+$0xC0]  }
0x1d6: {  	v12 =	vld [tilespmem:s28+$0xC0]  }
0x1d7: {  	v29 =	vld [tilespmem:s26+$0xD0]  }
0x1d8: {  	v13 =	vld [tilespmem:s28+$0xD0]  }
0x1d9: {  	v31 =	vld [tilespmem:s26+$0xE0]  }
0x1da: {  	v14 =	vld [tilespmem:s28+$0xE0]  }
0x1db: {  	v27 =	vld [tilespmem:s26+$0xF0]  }
0x1dc: {  	v17 =	vld [tilespmem:s28+$0xF0]  }
0x1dd: {  	v11 =	vld [tilespmem:s26+$0xFFFFFF10]  }
0x1de: {  	v21 =	vld [tilespmem:s28+$0xFFFFFF00]  }
0x1df: {  	v25 =	vld [tilespmem:s28+$0xFFFFFF10]  }
0x1e0: {  	v7 =	vld [tilespmem:s26+$0xFFFFFF80]  }
0x1e1: {  	v8 =	vld [tilespmem:s26+$0xFFFFFF90]  }
0x1e2: {  	v30 =	vld [tilespmem:s28+$0xFFFFFF80]  }
0x1e3: {  	v32 =	vld [tilespmem:s28+$0xFFFFFF90];
	v5 =	vmul.f32 v5, v20;
	v6 =	vmul.f32 v6, v23  }
0x1e4: {  	v33 =	vld [tilespmem:s28+$0x0]  }
0x1e5: {  	v34 =	vld [tilespmem:s28+$0x10];
	v9 =	vmul.f32 v9, v24;
	v6 =	vadd.f32 v6, v5  }
0x1e6: {  	v16 =	vld [tilespmem:s26+$0xFFFFFF00]  }
0x1e7: {  	v15 =	vld [tilespmem:s26+$0xFFFFFF20];
	v10 =	vmul.f32 v10, v26;
	v9 =	vadd.f32 v9, v6  }
0x1e8: {  	v35 =	vld [tilespmem:s28+$0xFFFFFF20]  }
0x1e9: {  	v36 =	vld [tilespmem:s28+$0xFFFFFFA0];
	v9 =	vadd.f32 v10, v9;
	v10 =	vmul.f32 v12, v28  }
0x1ea: {  	v37 =	vld [tilespmem:s28+$0x20]  }
0x1eb: {  	v19 =	vld [tilespmem:s26+$0xFFFFFF30];
	v9 =	vadd.f32 v10, v9;
	v10 =	vmul.f32 v13, v29  }
0x1ec: {  	v38 =	vld [tilespmem:s28+$0xFFFFFF30]  }
0x1ed: {  	v39 =	vld [tilespmem:s28+$0xFFFFFFB0];
	v9 =	vadd.f32 v10, v9;
	v10 =	vmul.f32 v14, v31  }
0x1ee: {  	v40 =	vld [tilespmem:s28+$0x30]  }
0x1ef: {  	v22 =	vld [tilespmem:s26+$0xFFFFFF40];
	v13 =	vmul.f32 v17, v27;
	v10 =	vadd.f32 v10, v9  }
0x1f0: {  	v41 =	vld [tilespmem:s28+$0xFFFFFF40]  }
0x1f1: {  	v18 =	vld [tilespmem:s26+$0xFFFFFFC0];
	v10 =	vadd.f32 v13, v10  }
0x1f2: {  	v42 =	vld [tilespmem:s28+$0xFFFFFFC0]  }
0x1f3: {  	v44 =	vld [tilespmem:s28+$0x40];
	v13 =	vperm.xlane v10, v1  }
0x1f4: {  	v60 =	vld [tilespmem:s28+$0xFFFFFFD0]  }
0x1f5: {  	v48 =	vld [tilespmem:s28+$0x50];
	v13 =	vadd.f32 v10, v13  }
0x1f6: {  	v52 =	vld [tilespmem:s28+$0xFFFFFF60]  }
0x1f7: {  	v55 =	vld [tilespmem:s28+$0xFFFFFFE0];
	v17 =	vperm.xlane v13, v2  }
0x1f8: {  	v46 =	vmul.f32 v21, v16;
	v21 =	vld [tilespmem:s26+$0xFFFFFFD0]  }
0x1f9: {  	v5 =	vld [tilespmem:s26+$0x0];
	v17 =	vadd.f32 v13, v17  }
0x1fa: {  	v12 =	vld [tilespmem:s26+$0xFFFFFFA0]  }
0x1fb: {  	v6 =	vld [tilespmem:s26+$0x10];
	v43 =	vperm.xlane v17, v3  }
0x1fc: {  	v45 =	vmul.f32 v25, v11;
	v30 =	vmul.f32 v30, v7;
	v14 =	vld [tilespmem:s26+$0xFFFFFFB0]  }
0x1fd: {  	v32 =	vmul.f32 v32, v8;
	v35 =	vmul.f32 v35, v15;
	v9 =	vld [tilespmem:s26+$0x20];
	v17 =	vadd.f32 v17, v43  }
0x1fe: {  	v57 =	vld [tilespmem:s28+$0x60];
	v38 =	vmul.f32 v38, v19;
	v56 =	vmul.f32 v42, v18;
	v45 =	vadd.f32 v45, v46  }
0x1ff: {  	v30 =	vadd.f32 v32, v30;
	v62 =	vmul.f32 v36, v12;
	v10 =	vld [tilespmem:s26+$0x30];
	v47 =	vperm.xlane v17, v4  }
0x200: {  	v25 =	vld [tilespmem:s26+$0xFFFFFF50];
	v35 =	vadd.f32 v35, v45;
	v58 =	vmul.f32 v33, v5;
	v59 =	vmul.f32 v34, v6  }
0x201: {  	v30 =	vadd.f32 v62, v30;
	v50 =	vmul.f32 v39, v14;
	v43 =	vld [tilespmem:s28+$0xFFFFFF50];
	v61 =	vadd.f32 v17, v47  }
0x202: {  	v34 =	vmul.f32 v60, v21;
	v32 =	vadd.f32 v59, v58;
	v63 =	vmul.f32 v37, v9;
	v13 =	vld [tilespmem:s26+$0x40]  }
0x203: {  	v33 =	vadd.f32 v50, v30;
	v30 =	vmul.f32 v41, v22;
	v17 =	vld [tilespmem:s26+$0x50];
	v49 =	vmul.f32 v61, v27  }
0x204: {  	v35 =	vadd.f32 v38, v35;
	v54 =	vmul.f32 v40, v10;
	v27 =	vld [tilespmem:s26+$0xFFFFFF60];
	v51 =	vmul.f32 v61, v20  }
0x205: {  	v32 =	vadd.f32 v63, v32;
	v23 =	vmul.f32 v61, v23;
	v53 =	vmul.f32 v61, v24;
	v24 =	vld [tilespmem:s26+$0xFFFFFFE0];
	[tilespmem:s26+$0xF0] =	vst v49  }
0x206: {  	v35 =	vadd.f32 v30, v35;
	v58 =	vmul.f32 v43, v25;
	v26 =	vmul.f32 v61, v26;
	v20 =	vld [tilespmem:s26+$0x60];
	[tilespmem:s26+$0x80] =	vst v51  }
0x207: {  	v30 =	vld [tilespmem:s26+$0xFFFFFF70];
	v32 =	vadd.f32 v54, v32;
	v28 =	vmul.f32 v61, v28;
	[tilespmem:s26+$0x90] =	vst v23;
	v23 =	vmul.f32 v44, v13  }
0x208: {  	v33 =	vadd.f32 v56, v33;
	v29 =	vmul.f32 v61, v29;
	v59 =	vmul.f32 v61, v31;
	v31 =	vld [tilespmem:s28+$0xFFFFFF70];
	[tilespmem:s26+$0xA0] =	vst v53  }
0x209: {  	v60 =	vadd.f32 v58, v35;
	[tilespmem:s26+$0xB0] =	vst v26;
	v26 =	vld [tilespmem:s26+$0xFFFFFFF0];
	v61 =	vmul.f32 v48, v17;
	v23 =	vadd.f32 v23, v32  }
0x20a: {  	[tilespmem:s26+$0xC0] =	vst v28;
	v28 =	vadd.f32 v34, v33;
	v34 =	vld [tilespmem:s28+$0xFFFFFFF0];
	v62 =	vmul.f32 v52, v27;
	v63 =	vmul.f32 v55, v24  }
0x20b: {  	[tilespmem:s26+$0xD0] =	vst v29;
	v32 =	vld [tilespmem:s28+$0x70];
	v36 =	vmul.f32 v57, v20;
	v29 =	vadd.f32 v61, v23  }
0x20c: {  	s30 =	simm.s32 $0x0;
	s12 =	simm.s32 $0x2300;
	[tilespmem:s26+$0xE0] =	vst v59;
	v23 =	vld [tilespmem:s26+$0x70];
	v35 =	vadd.f32 v62, v60;
	v33 =	vadd.f32 v63, v28  }
.LBB2_10:
0x20d: {  	v28 =	vld [tilespmem:s12+$0x80];
	v31 =	vmul.f32 v31, v30;
	v36 =	vadd.f32 v36, v29  }
0x20e: {  	s28 =	sadd.s32 $0x200, s28;
	v29 =	vld [tilespmem:s12+$0x90]  }
0x20f: {  	v37 =	vld [tilespmem:s28+$0x80];
	v35 =	vadd.f32 v31, v35;
	v34 =	vmul.f32 v34, v26  }
0x210: {  	s30 =	sadd.s32 $0x4, s30;
	v38 =	vld [tilespmem:s28+$0x90]  }
0x211: {  	p5 =	slt.u32 s30, $0x3C;
	v31 =	vld [tilespmem:s12+$0xA0];
	v39 =	vperm.xlane v35, v1;
	v34 =	vadd.f32 v34, v33;
	v33 =	vmul.f32 v32, v23  }
0x212: {  	v40 =	vld [tilespmem:s28+$0xA0]  }
0x213: {  	v32 =	vld [tilespmem:s12+$0xB0];
	v35 =	vadd.f32 v35, v39;
	v39 =	vperm.xlane v34, v1;
	v36 =	vadd.f32 v33, v36  }
0x214: {  	v41 =	vld [tilespmem:s28+$0xB0]  }
0x215: {  	v37 =	vmul.f32 v37, v28;
	v33 =	vld [tilespmem:s12+$0xC0];
	v38 =	vmul.f32 v38, v29;
	v39 =	vadd.f32 v34, v39  }
0x216: {  	v43 =	vperm.xlane v35, v2;
	v44 =	vperm.xlane v36, v1;
	v42 =	vld [tilespmem:s28+$0xC0]  }
0x217: {  	v34 =	vld [tilespmem:s12+$0xD0];
	v37 =	vadd.f32 v38, v37;
	v38 =	vmul.f32 v40, v31;
	v40 =	vperm.xlane v39, v2  }
0x218: {  	v43 =	vadd.f32 v35, v43;
	v44 =	vadd.f32 v36, v44;
	v45 =	vld [tilespmem:s28+$0xD0]  }
0x219: {  	v35 =	vld [tilespmem:s12+$0xE0];
	v37 =	vadd.f32 v38, v37;
	v38 =	vmul.f32 v41, v32;
	v39 =	vadd.f32 v39, v40  }
0x21a: {  	v41 =	vperm.xlane v43, v3;
	v46 =	vperm.xlane v44, v2;
	v40 =	vld [tilespmem:s28+$0xE0]  }
0x21b: {  	v36 =	vld [tilespmem:s12+$0xF0];
	v37 =	vadd.f32 v38, v37;
	v38 =	vmul.f32 v42, v33;
	v42 =	vperm.xlane v39, v3  }
0x21c: {  	v41 =	vadd.f32 v43, v41;
	v43 =	vadd.f32 v44, v46;
	v47 =	vld [tilespmem:s28+$0xF0]  }
0x21d: {  	v44 =	vld [tilespmem:s12+$0xFFFFFF10];
	v37 =	vadd.f32 v38, v37;
	v38 =	vmul.f32 v45, v34;
	v39 =	vadd.f32 v39, v42  }
0x21e: {  	v45 =	vperm.xlane v41, v4;
	v46 =	vperm.xlane v43, v3;
	v42 =	vld [tilespmem:s28+$0xFFFFFF00]  }
0x21f: {  	v48 =	vld [tilespmem:s28+$0xFFFFFF10];
	v37 =	vadd.f32 v38, v37;
	v38 =	vmul.f32 v40, v35;
	v40 =	vperm.xlane v39, v4  }
0x220: {  	v41 =	vadd.f32 v41, v45;
	v43 =	vadd.f32 v43, v46;
	v49 =	vld [tilespmem:s12+$0xFFFFFF80]  }
0x221: {  	v45 =	vld [tilespmem:s12+$0xFFFFFF90];
	v37 =	vadd.f32 v38, v37;
	v38 =	vmul.f32 v47, v36;
	v39 =	vadd.f32 v39, v40  }
0x222: {  	v16 =	vmul.f32 v41, v16;
	v46 =	vperm.xlane v43, v4;
	v40 =	vld [tilespmem:s28+$0xFFFFFF80]  }
0x223: {  	v15 =	vmul.f32 v41, v15;
	v47 =	vld [tilespmem:s28+$0xFFFFFF90];
	v37 =	vadd.f32 v38, v37;
	v38 =	vmul.f32 v41, v11;
	v11 =	vmovc v44  }
0x224: {  	v43 =	vadd.f32 v43, v46;
	v44 =	vmul.f32 v48, v11;
	v48 =	vld [tilespmem:s12+$0x0];
	[tilespmem:s26+$0xFFFFFF00] =	vst v16;
	v16 =	vmul.f32 v41, v19  }
0x225: {  	v22 =	vmul.f32 v41, v22;
	v46 =	vld [tilespmem:s12+$0x10];
	v19 =	vperm.xlane v37, v1;
	[tilespmem:s26+$0xFFFFFF10] =	vst v38  }
0x226: {  	v25 =	vmul.f32 v41, v25;
	v27 =	vmul.f32 v41, v27;
	v38 =	vld [tilespmem:s28+$0x0];
	[tilespmem:s26+$0xFFFFFF20] =	vst v15  }
0x227: {  	v30 =	vmul.f32 v41, v30;
	v40 =	vmul.f32 v40, v49;
	v50 =	vld [tilespmem:s28+$0x10];
	v19 =	vadd.f32 v37, v19;
	[tilespmem:s26+$0xFFFFFF30] =	vst v16  }
0x228: {  	v16 =	vld [tilespmem:s12+$0xFFFFFF00];
	v37 =	vmul.f32 v47, v45;
	[tilespmem:s26+$0xFFFFFF40] =	vst v22;
	v22 =	vmul.f32 v39, v7;
	v7 =	vmov v49  }
0x229: {  	v15 =	vld [tilespmem:s12+$0xFFFFFF20];
	v41 =	vperm.xlane v19, v2;
	[tilespmem:s26+$0xFFFFFF50] =	vst v25;
	v25 =	vmul.f32 v39, v8;
	v8 =	vmov v45  }
0x22a: {  	v14 =	vmul.f32 v39, v14;
	v45 =	vld [tilespmem:s28+$0xFFFFFF20];
	v37 =	vadd.f32 v37, v40;
	[tilespmem:s26+$0xFFFFFF60] =	vst v27;
	v27 =	vmul.f32 v39, v12  }
0x22b: {  	v18 =	vmul.f32 v39, v18;
	v12 =	vld [tilespmem:s12+$0xFFFFFFA0];
	v38 =	vmul.f32 v38, v48;
	v40 =	vadd.f32 v19, v41;
	[tilespmem:s26+$0xFFFFFF70] =	vst v30  }
0x22c: {  	v21 =	vmul.f32 v39, v21;
	v30 =	vld [tilespmem:s28+$0xFFFFFFA0];
	v19 =	vmul.f32 v50, v46;
	[tilespmem:s26+$0xFFFFFF80] =	vst v22  }
0x22d: {  	v22 =	vmul.f32 v42, v16;
	v41 =	vld [tilespmem:s12+$0x20];
	v42 =	vperm.xlane v40, v3;
	[tilespmem:s26+$0xFFFFFF90] =	vst v25  }
0x22e: {  	v24 =	vmul.f32 v39, v24;
	v26 =	vmul.f32 v39, v26;
	v25 =	vld [tilespmem:s28+$0x20];
	v38 =	vadd.f32 v19, v38;
	[tilespmem:s26+$0xFFFFFFA0] =	vst v27  }
0x22f: {  	v19 =	vld [tilespmem:s12+$0xFFFFFF30];
	v22 =	vadd.f32 v44, v22;
	v27 =	vmul.f32 v45, v15;
	v39 =	vadd.f32 v40, v42;
	[tilespmem:s26+$0xFFFFFFB0] =	vst v14  }
0x230: {  	v42 =	vmul.f32 v43, v6;
	v6 =	vmovc v46;
	v40 =	vld [tilespmem:s28+$0xFFFFFF30];
	[tilespmem:s26+$0xFFFFFFC0] =	vst v18;
	v18 =	vmul.f32 v43, v5;
	v5 =	vmov v48  }
0x231: {  	v27 =	vadd.f32 v27, v22;
	v14 =	vld [tilespmem:s12+$0xFFFFFFB0];
	v22 =	vmul.f32 v30, v12;
	v30 =	vperm.xlane v39, v4;
	[tilespmem:s26+$0xFFFFFFD0] =	vst v21  }
0x232: {  	v44 =	vmul.f32 v43, v10;
	v21 =	vld [tilespmem:s28+$0xFFFFFFB0];
	[tilespmem:s26+$0xFFFFFFE0] =	vst v24;
	v24 =	vmul.f32 v43, v9;
	v9 =	vmov v41  }
0x233: {  	v37 =	vadd.f32 v22, v37;
	v10 =	vld [tilespmem:s12+$0x30];
	v25 =	vmul.f32 v25, v9;
	v30 =	vadd.f32 v39, v30;
	[tilespmem:s26+$0xFFFFFFF0] =	vst v26  }
0x234: {  	v17 =	vmul.f32 v43, v17;
	v39 =	vmul.f32 v43, v13;
	v26 =	vld [tilespmem:s28+$0x30];
	[tilespmem:s26+$0x0] =	vst v18  }
0x235: {  	v22 =	vld [tilespmem:s12+$0xFFFFFF40];
	v13 =	vmul.f32 v40, v19;
	v38 =	vadd.f32 v25, v38;
	v25 =	vmul.f32 v30, v36;
	[tilespmem:s26+$0x10] =	vst v42  }
0x236: {  	v20 =	vmul.f32 v43, v20;
	v23 =	vmul.f32 v43, v23;
	v36 =	vld [tilespmem:s28+$0xFFFFFF40];
	[tilespmem:s26+$0x20] =	vst v24  }
0x237: {  	v24 =	vadd.f32 v13, v27;
	v18 =	vld [tilespmem:s12+$0xFFFFFFC0];
	v13 =	vmul.f32 v21, v14;
	v27 =	vmul.f32 v30, v28;
	[tilespmem:s12+$0xF0] =	vst v25  }
0x238: {  	v29 =	vmul.f32 v30, v29;
	v31 =	vmul.f32 v30, v31;
	v28 =	vld [tilespmem:s28+$0xFFFFFFC0];
	[tilespmem:s26+$0x30] =	vst v44  }
0x239: {  	v37 =	vadd.f32 v13, v37;
	v13 =	vld [tilespmem:s12+$0x40];
	v21 =	vmul.f32 v26, v10;
	v26 =	vmul.f32 v30, v32;
	[tilespmem:s26+$0x40] =	vst v39  }
0x23a: {  	v33 =	vmul.f32 v30, v33;
	v34 =	vmul.f32 v30, v34;
	v32 =	vld [tilespmem:s28+$0x40];
	[tilespmem:s26+$0x50] =	vst v17  }
0x23b: {  	v30 =	vmul.f32 v30, v35;
	v25 =	vld [tilespmem:s12+$0xFFFFFF50];
	v17 =	vmul.f32 v36, v22;
	v36 =	vadd.f32 v21, v38;
	[tilespmem:s26+$0x60] =	vst v20  }
0x23c: {  	v20 =	vld [tilespmem:s28+$0xFFFFFF50];
	[tilespmem:s26+$0x70] =	vst v23;
	s26 =	smov.u32 s12  }
0x23d: {  	v23 =	vadd.f32 v17, v24;
	v21 =	vld [tilespmem:s12+$0xFFFFFFD0];
	v17 =	vmul.f32 v28, v18;
	[tilespmem:s12+$0x80] =	vst v27  }
0x23e: {  	v28 =	vld [tilespmem:s28+$0xFFFFFFD0];
	[tilespmem:s12+$0x90] =	vst v29  }
0x23f: {  	v29 =	vadd.f32 v17, v37;
	v17 =	vld [tilespmem:s12+$0x50];
	v24 =	vmul.f32 v32, v13;
	[tilespmem:s12+$0xA0] =	vst v31  }
0x240: {  	v31 =	vld [tilespmem:s28+$0x50];
	[tilespmem:s12+$0xB0] =	vst v26  }
0x241: {  	v27 =	vld [tilespmem:s12+$0xFFFFFF60];
	v20 =	vmul.f32 v20, v25;
	v26 =	vadd.f32 v24, v36;
	[tilespmem:s12+$0xC0] =	vst v33  }
0x242: {  	v32 =	vld [tilespmem:s28+$0xFFFFFF60];
	[tilespmem:s12+$0xD0] =	vst v34  }
0x243: {  	v23 =	vadd.f32 v20, v23;
	v24 =	vld [tilespmem:s12+$0xFFFFFFE0];
	v20 =	vmul.f32 v28, v21;
	[tilespmem:s12+$0xE0] =	vst v30  }
0x244: {  	v28 =	vld [tilespmem:s28+$0xFFFFFFE0]  }
0x245: {  	v33 =	vadd.f32 v20, v29;
	v20 =	vld [tilespmem:s12+$0x60];
	v29 =	vmul.f32 v31, v17  }
0x246: {  	v36 =	vld [tilespmem:s28+$0x60]  }
0x247: {  	v30 =	vld [tilespmem:s12+$0xFFFFFF70];
	v32 =	vmul.f32 v32, v27;
	v29 =	vadd.f32 v29, v26  }
.Ltmp8:
0x248: {  	v31 =	vld [tilespmem:s28+$0xFFFFFF70];
	(pc) =	sbr.rel @p5 .LBB2_10-.Ltmp8, $4  }
0x249: {  	v35 =	vadd.f32 v32, v23;
	v26 =	vld [tilespmem:s12+$0xFFFFFFF0];
	v23 =	vmul.f32 v28, v24  }
0x24a: {  	v34 =	vld [tilespmem:s28+$0xFFFFFFF0]  }
0x24b: {  	v33 =	vadd.f32 v23, v33;
	v23 =	vld [tilespmem:s12+$0x70];
	v36 =	vmul.f32 v36, v20  }
0x24c: {  	s12 =	sadd.s32 $0x200, s12;
	v32 =	vld [tilespmem:s28+$0x70]  }
0x24d: {  	v28 =	vmul.f32 v31, v30;
	_ =	sdelay $0x1  }
0x24e: {  	v28 =	vadd.f32 v28, v35;
	_ =	sdelay $0x1  }
0x24f: {  	v49 =	vperm.xlane v28, v1;
	_ =	sdelay $0x1  }
0x250: {  	v28 =	vadd.f32 v28, v49;
	_ =	sdelay $0x1  }
0x251: {  	v50 =	vmul.f32 v34, v26;
	v51 =	vperm.xlane v28, v2;
	_ =	sdelay $0x1  }
0x252: {  	v31 =	vadd.f32 v50, v33;
	v28 =	vadd.f32 v28, v51;
	_ =	sdelay $0x1  }
0x253: {  	v33 =	vperm.xlane v31, v1;
	v34 =	vperm.xlane v28, v3;
	_ =	sdelay $0x1  }
0x254: {  	v31 =	vadd.f32 v31, v33;
	v28 =	vadd.f32 v28, v34  }
0x255: {  	v29 =	vadd.f32 v36, v29;
	v32 =	vmul.f32 v32, v23  }
0x256: {  	v33 =	vperm.xlane v31, v2;
	v34 =	vperm.xlane v28, v4  }
0x257: {  	v29 =	vadd.f32 v32, v29  }
0x258: {  	v31 =	vadd.f32 v31, v33;
	v28 =	vadd.f32 v28, v34  }
0x259: {  	v32 =	vperm.xlane v29, v1  }
0x25a: {  	v33 =	vperm.xlane v31, v3;
	v16 =	vmul.f32 v28, v16  }
0x25b: {  	v29 =	vadd.f32 v29, v32;
	v11 =	vmul.f32 v28, v11  }
0x25c: {  	v31 =	vadd.f32 v31, v33;
	v15 =	vmul.f32 v28, v15;
	[tilespmem:s26+$0xFFFFFF00] =	vst v16  }
0x25d: {  	v52 =	vperm.xlane v29, v2;
	v19 =	vmul.f32 v28, v19;
	[tilespmem:s26+$0xFFFFFF10] =	vst v11  }
0x25e: {  	v53 =	vperm.xlane v31, v4;
	v22 =	vmul.f32 v28, v22;
	[tilespmem:s26+$0xFFFFFF20] =	vst v15  }
0x25f: {  	v54 =	vmul.f32 v28, v25;
	[tilespmem:s26+$0xFFFFFF30] =	vst v19  }
0x260: {  	v55 =	vmul.f32 v28, v27;
	v16 =	vadd.f32 v29, v52;
	v11 =	vadd.f32 v31, v53;
	[tilespmem:s26+$0xFFFFFF40] =	vst v22  }
0x261: {  	v56 =	vmul.f32 v28, v30;
	[tilespmem:s26+$0xFFFFFF50] =	vst v54  }
0x262: {  	[tilespmem:s26+$0xFFFFFF60] =	vst v55;
	v57 =	vperm.xlane v16, v3;
	v7 =	vmul.f32 v11, v7  }
0x263: {  	[tilespmem:s26+$0xFFFFFF70] =	vst v56;
	v8 =	vmul.f32 v11, v8  }
0x264: {  	v12 =	vmul.f32 v11, v12;
	v15 =	vadd.f32 v16, v57;
	[tilespmem:s26+$0xFFFFFF80] =	vst v7  }
0x265: {  	v59 =	vmul.f32 v11, v18;
	[tilespmem:s26+$0xFFFFFF90] =	vst v8  }
0x266: {  	v7 =	vmul.f32 v11, v14;
	[tilespmem:s26+$0xFFFFFFA0] =	vst v12;
	v58 =	vperm.xlane v15, v4  }
0x267: {  	v60 =	vmul.f32 v11, v21;
	[tilespmem:s26+$0xFFFFFFC0] =	vst v59  }
0x268: {  	v61 =	vmul.f32 v11, v24;
	[tilespmem:s26+$0xFFFFFFB0] =	vst v7;
	v7 =	vadd.f32 v15, v58  }
0x269: {  	v11 =	vmul.f32 v11, v26;
	[tilespmem:s26+$0xFFFFFFD0] =	vst v60  }
0x26a: {  	[tilespmem:s26+$0xFFFFFFE0] =	vst v61;
	v5 =	vmul.f32 v7, v5  }
0x26b: {  	[tilespmem:s26+$0xFFFFFFF0] =	vst v11;
	v6 =	vmul.f32 v7, v6  }
0x26c: {  	v62 =	vmul.f32 v7, v9;
	[tilespmem:s26+$0x0] =	vst v5  }
0x26d: {  	v63 =	vmul.f32 v7, v17;
	[tilespmem:s26+$0x10] =	vst v6  }
0x26e: {  	v5 =	vmul.f32 v7, v10;
	[tilespmem:s26+$0x20] =	vst v62  }
0x26f: {  	v6 =	vmul.f32 v7, v13;
	[tilespmem:s26+$0x50] =	vst v63  }
0x270: {  	[tilespmem:s26+$0x30] =	vst v5;
	v5 =	vmul.f32 v7, v20  }
0x271: {  	[tilespmem:s26+$0x40] =	vst v6;
	v6 =	vmul.f32 v7, v23  }
0x272: {  	[tilespmem:s26+$0x60] =	vst v5  }
0x273: {  	[tilespmem:s26+$0x70] =	vst v6  }
0x274: {  	_ =	swait.ge [sflag:s18], $0x40  }
0x275: {  	[sflag:s18] =	ssyncset.done $0x0  }
0x276: {  	[sflag:s18] =	ssyncadd.s32 $0xFFFFFFC0  }
0x277: {  	[spmem:s16] =	stream.indirect.scatter.add.f32 [tilespmem:s29], [sflag:$0x5], $0x80, s14, s0, $0xb8;
	[tilespmem:$0x1FD00] =	vst v63  }
.LBB2_12:
0x278: {  	s7 =	sadd.s32 $0x3, s25  }
0x279: {  	p5 =	sge.u32 s7, s17  }
0x27a: {  	s12 =	simm.s32 @!p5 $0x4  }
0x27b: {  	_ =	swait.ge @!p5 [sflag:s12], $0x2000  }
0x27c: {  	[sflag:s12] =	ssyncset.done @!p5 $0x0  }
0x27d: {  	[sflag:s12] =	ssyncadd.s32 @!p5 $0xFFFFE000;
	s12 =	simm.s32 @!p5 $0x7  }
0x27e: {  	_ =	swait.ge @!p5 [sflag:s12], $0x40  }
0x27f: {  	s7 =	sadd.s32 @!p5 s2, s7;
	[sflag:s12] =	ssyncset.done @!p5 $0x0  }
0x280: {  	s26 =	sshll.u32 @!p5 s7, $0x6;
	[sflag:s12] =	ssyncadd.s32 @!p5 $0xFFFFFFC0  }
0x281: {  	s7 =	sshll.u32 @!p5 s7, $0x7;
	s26 =	sand.u32 @!p5 $0x40, s26;
	_ =	swait.ge @!p5 [sflag:s12], $0x40  }
0x282: {  	s28 =	simm.s32 @!p5 $0x0;
	s7 =	sor.u32 @!p5 s7, s26;
	[sflag:s12] =	ssyncset.done @!p5 $0x0  }
0x283: {  	s26 =	simm.s32 @!p5 $0xC000;
	[sflag:s12] =	ssyncadd.s32 @!p5 $0xFFFFFFC0;
	s12 =	simm.s32 @!p5 $0x40  }
0x284: {  	[tilespmem:s28], [sflag:$0x1] =	stream.indirect.gather @!p5 [hbm4b:s11+s12], $0x80, s26, s12, $0xb8;
	[tilespmem:$0x1FD00] =	vst v63  }
.Ltmp9:
0x285: {  	s7 =	sshrl.u32 @!p5 s7, $0x3;
	(pc) =	sbr.rel @p4 .LBB2_16-.Ltmp9, $4  }
0x286: {  	s30 =	simm.s32 @!p5 $0x6000;
	s7 =	sor.u32 @!p5 $0x10, s7;
	s26 =	simm.s32 @!p5 $0xC180  }
0x287: {  	[tilespmem:s30], [sflag:$0x1] =	stream.indirect.gather @!p5 [hbm4b:s11+s12], $0x80, s26, s12, $0xb8;
	[tilespmem:$0x1FD00] =	vst v63  }
0x288: {  	s7 =	sadd.s32 @!p5 s13, s7;
	s12 =	simm.s32 @!p5 $0xC300  }
0x289: {  	[tilespmem:s12], [sflag:$0xA] =	stream.linear.gather @!p5 [hbm4b:s7+s28], $0x40, $0x38;
	[tilespmem:$0x1FD00] =	vst v63  }
0x28a: {  	s7 =	sadd.s32 $0x5, s25;
	_ =	swait.ge [sflag:s19], $0x2000  }
0x28b: {  	p4 =	sge.u32 s7, s17;
	[sflag:s19] =	ssyncset.done $0x0  }
0x28c: {  	s7 =	sadd.s32 @!p4 s2, s7;
	[sflag:s19] =	ssyncadd.s32 $0xFFFFE000  }
0x28d: {  	s28 =	simm.s32 @!p4 $0x0;
	s12 =	sshll.u32 @!p4 s7, $0x7;
	s7 =	sshll.u32 @!p4 s7, $0x6  }
0x28e: {  	s30 =	simm.s32 @!p4 $0xC100;
	s26 =	sand.u32 @!p4 $0x7FFFFF00, s12;
	s7 =	sand.u32 @!p4 $0x40, s7  }
0x28f: {  	_ =	swait.ge [sflag:s19], $0x2000;
	s26 =	sor.u32 @!p4 s7, s26;
	s7 =	sor.u32 @!p4 s12, s7  }
0x290: {  	[sflag:s19] =	ssyncset.done $0x0;
	s26 =	sshrl.u32 @!p4 s26, $0x3;
	s7 =	sshrl.u32 @!p4 s7, $0x3  }
0x291: {  	[sflag:s19] =	ssyncadd.s32 $0xFFFFE000;
	s26 =	sadd.s32 @!p4 s13, s26;
	s7 =	sor.u32 @!p4 $0x10, s7  }
0x292: {  	[tilespmem:s30], [sflag:$0x9] =	stream.linear.gather @!p4 [hbm4b:s26+s28], $0x40, $0x38;
	[tilespmem:$0x1FD00] =	vst v63  }
0x293: {  	s12 =	simm.s32 @!p4 $0xC280;
	s7 =	sadd.s32 @!p4 s13, s7;
	s26 =	simm.s32 $0x4100  }
0x294: {  	[tilespmem:s12], [sflag:$0x9] =	stream.linear.gather @!p4 [hbm4b:s7+s28], $0x40, $0x38;
	[tilespmem:$0x1FD00] =	vst v63  }
0x295: {  	v20 =	vld [tilespmem:s26+$0x80]  }
0x296: {  	s28 =	simm.s32 $0xA100;
	v23 =	vld [tilespmem:s26+$0x90]  }
0x297: {  	v5 =	vld [tilespmem:s28+$0x80]  }
0x298: {  	v6 =	vld [tilespmem:s28+$0x90]  }
0x299: {  	v24 =	vld [tilespmem:s26+$0xA0]  }
0x29a: {  	v9 =	vld [tilespmem:s28+$0xA0]  }
0x29b: {  	v26 =	vld [tilespmem:s26+$0xB0]  }
0x29c: {  	v10 =	vld [tilespmem:s28+$0xB0]  }
0x29d: {  	v28 =	vld [tilespmem:s26+$0xC0]  }
0x29e: {  	v12 =	vld [tilespmem:s28+$0xC0]  }
0x29f: {  	v29 =	vld [tilespmem:s26+$0xD0]  }
0x2a0: {  	v13 =	vld [tilespmem:s28+$0xD0]  }
0x2a1: {  	v31 =	vld [tilespmem:s26+$0xE0]  }
0x2a2: {  	v14 =	vld [tilespmem:s28+$0xE0]  }
0x2a3: {  	v27 =	vld [tilespmem:s26+$0xF0]  }
0x2a4: {  	v17 =	vld [tilespmem:s28+$0xF0]  }
0x2a5: {  	v11 =	vld [tilespmem:s26+$0xFFFFFF10]  }
0x2a6: {  	v21 =	vld [tilespmem:s28+$0xFFFFFF00]  }
0x2a7: {  	v25 =	vld [tilespmem:s28+$0xFFFFFF10]  }
0x2a8: {  	v7 =	vld [tilespmem:s26+$0xFFFFFF80]  }
0x2a9: {  	v8 =	vld [tilespmem:s26+$0xFFFFFF90]  }
0x2aa: {  	v30 =	vld [tilespmem:s28+$0xFFFFFF80]  }
0x2ab: {  	v32 =	vld [tilespmem:s28+$0xFFFFFF90];
	v5 =	vmul.f32 v5, v20;
	v6 =	vmul.f32 v6, v23  }
0x2ac: {  	v33 =	vld [tilespmem:s28+$0x0]  }
0x2ad: {  	v34 =	vld [tilespmem:s28+$0x10];
	v9 =	vmul.f32 v9, v24;
	v6 =	vadd.f32 v6, v5  }
0x2ae: {  	v16 =	vld [tilespmem:s26+$0xFFFFFF00]  }
0x2af: {  	v15 =	vld [tilespmem:s26+$0xFFFFFF20];
	v10 =	vmul.f32 v10, v26;
	v9 =	vadd.f32 v9, v6  }
0x2b0: {  	v35 =	vld [tilespmem:s28+$0xFFFFFF20]  }
0x2b1: {  	v36 =	vld [tilespmem:s28+$0xFFFFFFA0];
	v9 =	vadd.f32 v10, v9;
	v10 =	vmul.f32 v12, v28  }
0x2b2: {  	v37 =	vld [tilespmem:s28+$0x20]  }
0x2b3: {  	v19 =	vld [tilespmem:s26+$0xFFFFFF30];
	v9 =	vadd.f32 v10, v9;
	v10 =	vmul.f32 v13, v29  }
0x2b4: {  	v38 =	vld [tilespmem:s28+$0xFFFFFF30]  }
0x2b5: {  	v39 =	vld [tilespmem:s28+$0xFFFFFFB0];
	v9 =	vadd.f32 v10, v9;
	v10 =	vmul.f32 v14, v31  }
0x2b6: {  	v40 =	vld [tilespmem:s28+$0x30]  }
0x2b7: {  	v22 =	vld [tilespmem:s26+$0xFFFFFF40];
	v13 =	vmul.f32 v17, v27;
	v10 =	vadd.f32 v10, v9  }
0x2b8: {  	v41 =	vld [tilespmem:s28+$0xFFFFFF40]  }
0x2b9: {  	v18 =	vld [tilespmem:s26+$0xFFFFFFC0];
	v10 =	vadd.f32 v13, v10  }
0x2ba: {  	v42 =	vld [tilespmem:s28+$0xFFFFFFC0]  }
0x2bb: {  	v44 =	vld [tilespmem:s28+$0x40];
	v13 =	vperm.xlane v10, v1  }
0x2bc: {  	v60 =	vld [tilespmem:s28+$0xFFFFFFD0]  }
0x2bd: {  	v48 =	vld [tilespmem:s28+$0x50];
	v13 =	vadd.f32 v10, v13  }
0x2be: {  	v52 =	vld [tilespmem:s28+$0xFFFFFF60]  }
0x2bf: {  	v55 =	vld [tilespmem:s28+$0xFFFFFFE0];
	v17 =	vperm.xlane v13, v2  }
0x2c0: {  	v46 =	vmul.f32 v21, v16;
	v21 =	vld [tilespmem:s26+$0xFFFFFFD0]  }
0x2c1: {  	v5 =	vld [tilespmem:s26+$0x0];
	v17 =	vadd.f32 v13, v17  }
0x2c2: {  	v12 =	vld [tilespmem:s26+$0xFFFFFFA0]  }
0x2c3: {  	v6 =	vld [tilespmem:s26+$0x10];
	v43 =	vperm.xlane v17, v3  }
0x2c4: {  	v45 =	vmul.f32 v25, v11;
	v30 =	vmul.f32 v30, v7;
	v14 =	vld [tilespmem:s26+$0xFFFFFFB0]  }
0x2c5: {  	v32 =	vmul.f32 v32, v8;
	v35 =	vmul.f32 v35, v15;
	v9 =	vld [tilespmem:s26+$0x20];
	v17 =	vadd.f32 v17, v43  }
0x2c6: {  	v57 =	vld [tilespmem:s28+$0x60];
	v38 =	vmul.f32 v38, v19;
	v56 =	vmul.f32 v42, v18;
	v45 =	vadd.f32 v45, v46  }
0x2c7: {  	v30 =	vadd.f32 v32, v30;
	v62 =	vmul.f32 v36, v12;
	v10 =	vld [tilespmem:s26+$0x30];
	v47 =	vperm.xlane v17, v4  }
0x2c8: {  	v25 =	vld [tilespmem:s26+$0xFFFFFF50];
	v35 =	vadd.f32 v35, v45;
	v58 =	vmul.f32 v33, v5;
	v59 =	vmul.f32 v34, v6  }
0x2c9: {  	v30 =	vadd.f32 v62, v30;
	v50 =	vmul.f32 v39, v14;
	v43 =	vld [tilespmem:s28+$0xFFFFFF50];
	v61 =	vadd.f32 v17, v47  }
0x2ca: {  	v34 =	vmul.f32 v60, v21;
	v32 =	vadd.f32 v59, v58;
	v63 =	vmul.f32 v37, v9;
	v13 =	vld [tilespmem:s26+$0x40]  }
0x2cb: {  	v33 =	vadd.f32 v50, v30;
	v30 =	vmul.f32 v41, v22;
	v17 =	vld [tilespmem:s26+$0x50];
	v49 =	vmul.f32 v61, v27  }
0x2cc: {  	v35 =	vadd.f32 v38, v35;
	v54 =	vmul.f32 v40, v10;
	v27 =	vld [tilespmem:s26+$0xFFFFFF60];
	v51 =	vmul.f32 v61, v20  }
0x2cd: {  	v32 =	vadd.f32 v63, v32;
	v23 =	vmul.f32 v61, v23;
	v53 =	vmul.f32 v61, v24;
	v24 =	vld [tilespmem:s26+$0xFFFFFFE0];
	[tilespmem:s26+$0xF0] =	vst v49  }
0x2ce: {  	v35 =	vadd.f32 v30, v35;
	v58 =	vmul.f32 v43, v25;
	v26 =	vmul.f32 v61, v26;
	v20 =	vld [tilespmem:s26+$0x60];
	[tilespmem:s26+$0x80] =	vst v51  }
0x2cf: {  	v30 =	vld [tilespmem:s26+$0xFFFFFF70];
	v32 =	vadd.f32 v54, v32;
	v28 =	vmul.f32 v61, v28;
	[tilespmem:s26+$0x90] =	vst v23;
	v23 =	vmul.f32 v44, v13  }
0x2d0: {  	v33 =	vadd.f32 v56, v33;
	v29 =	vmul.f32 v61, v29;
	v59 =	vmul.f32 v61, v31;
	v31 =	vld [tilespmem:s28+$0xFFFFFF70];
	[tilespmem:s26+$0xA0] =	vst v53  }
0x2d1: {  	v60 =	vadd.f32 v58, v35;
	[tilespmem:s26+$0xB0] =	vst v26;
	v26 =	vld [tilespmem:s26+$0xFFFFFFF0];
	v61 =	vmul.f32 v48, v17;
	v23 =	vadd.f32 v23, v32  }
0x2d2: {  	[tilespmem:s26+$0xC0] =	vst v28;
	v28 =	vadd.f32 v34, v33;
	v34 =	vld [tilespmem:s28+$0xFFFFFFF0];
	v62 =	vmul.f32 v52, v27;
	v63 =	vmul.f32 v55, v24  }
0x2d3: {  	[tilespmem:s26+$0xD0] =	vst v29;
	v32 =	vld [tilespmem:s28+$0x70];
	v36 =	vmul.f32 v57, v20;
	v29 =	vadd.f32 v61, v23  }
0x2d4: {  	s30 =	simm.s32 $0x0;
	s12 =	simm.s32 $0x4300;
	[tilespmem:s26+$0xE0] =	vst v59;
	v23 =	vld [tilespmem:s26+$0x70];
	v35 =	vadd.f32 v62, v60;
	v33 =	vadd.f32 v63, v28  }
.LBB2_14:
0x2d5: {  	v28 =	vld [tilespmem:s12+$0x80];
	v31 =	vmul.f32 v31, v30;
	v36 =	vadd.f32 v36, v29  }
0x2d6: {  	s28 =	sadd.s32 $0x200, s28;
	v29 =	vld [tilespmem:s12+$0x90]  }
0x2d7: {  	v37 =	vld [tilespmem:s28+$0x80];
	v35 =	vadd.f32 v31, v35;
	v34 =	vmul.f32 v34, v26  }
0x2d8: {  	s30 =	sadd.s32 $0x4, s30;
	v38 =	vld [tilespmem:s28+$0x90]  }
0x2d9: {  	p4 =	slt.u32 s30, $0x3C;
	v31 =	vld [tilespmem:s12+$0xA0];
	v39 =	vperm.xlane v35, v1;
	v34 =	vadd.f32 v34, v33;
	v33 =	vmul.f32 v32, v23  }
0x2da: {  	v40 =	vld [tilespmem:s28+$0xA0]  }
0x2db: {  	v32 =	vld [tilespmem:s12+$0xB0];
	v35 =	vadd.f32 v35, v39;
	v39 =	vperm.xlane v34, v1;
	v36 =	vadd.f32 v33, v36  }
0x2dc: {  	v41 =	vld [tilespmem:s28+$0xB0]  }
0x2dd: {  	v37 =	vmul.f32 v37, v28;
	v33 =	vld [tilespmem:s12+$0xC0];
	v38 =	vmul.f32 v38, v29;
	v39 =	vadd.f32 v34, v39  }
0x2de: {  	v43 =	vperm.xlane v35, v2;
	v44 =	vperm.xlane v36, v1;
	v42 =	vld [tilespmem:s28+$0xC0]  }
0x2df: {  	v34 =	vld [tilespmem:s12+$0xD0];
	v37 =	vadd.f32 v38, v37;
	v38 =	vmul.f32 v40, v31;
	v40 =	vperm.xlane v39, v2  }
0x2e0: {  	v43 =	vadd.f32 v35, v43;
	v44 =	vadd.f32 v36, v44;
	v45 =	vld [tilespmem:s28+$0xD0]  }
0x2e1: {  	v35 =	vld [tilespmem:s12+$0xE0];
	v37 =	vadd.f32 v38, v37;
	v38 =	vmul.f32 v41, v32;
	v39 =	vadd.f32 v39, v40  }
0x2e2: {  	v41 =	vperm.xlane v43, v3;
	v46 =	vperm.xlane v44, v2;
	v40 =	vld [tilespmem:s28+$0xE0]  }
0x2e3: {  	v36 =	vld [tilespmem:s12+$0xF0];
	v37 =	vadd.f32 v38, v37;
	v38 =	vmul.f32 v42, v33;
	v42 =	vperm.xlane v39, v3  }
0x2e4: {  	v41 =	vadd.f32 v43, v41;
	v43 =	vadd.f32 v44, v46;
	v47 =	vld [tilespmem:s28+$0xF0]  }
0x2e5: {  	v44 =	vld [tilespmem:s12+$0xFFFFFF10];
	v37 =	vadd.f32 v38, v37;
	v38 =	vmul.f32 v45, v34;
	v39 =	vadd.f32 v39, v42  }
0x2e6: {  	v45 =	vperm.xlane v41, v4;
	v46 =	vperm.xlane v43, v3;
	v42 =	vld [tilespmem:s28+$0xFFFFFF00]  }
0x2e7: {  	v48 =	vld [tilespmem:s28+$0xFFFFFF10];
	v37 =	vadd.f32 v38, v37;
	v38 =	vmul.f32 v40, v35;
	v40 =	vperm.xlane v39, v4  }
0x2e8: {  	v41 =	vadd.f32 v41, v45;
	v43 =	vadd.f32 v43, v46;
	v49 =	vld [tilespmem:s12+$0xFFFFFF80]  }
0x2e9: {  	v45 =	vld [tilespmem:s12+$0xFFFFFF90];
	v37 =	vadd.f32 v38, v37;
	v38 =	vmul.f32 v47, v36;
	v39 =	vadd.f32 v39, v40  }
0x2ea: {  	v16 =	vmul.f32 v41, v16;
	v46 =	vperm.xlane v43, v4;
	v40 =	vld [tilespmem:s28+$0xFFFFFF80]  }
0x2eb: {  	v15 =	vmul.f32 v41, v15;
	v47 =	vld [tilespmem:s28+$0xFFFFFF90];
	v37 =	vadd.f32 v38, v37;
	v38 =	vmul.f32 v41, v11;
	v11 =	vmovc v44  }
0x2ec: {  	v43 =	vadd.f32 v43, v46;
	v44 =	vmul.f32 v48, v11;
	v48 =	vld [tilespmem:s12+$0x0];
	[tilespmem:s26+$0xFFFFFF00] =	vst v16;
	v16 =	vmul.f32 v41, v19  }
0x2ed: {  	v22 =	vmul.f32 v41, v22;
	v46 =	vld [tilespmem:s12+$0x10];
	v19 =	vperm.xlane v37, v1;
	[tilespmem:s26+$0xFFFFFF10] =	vst v38  }
0x2ee: {  	v25 =	vmul.f32 v41, v25;
	v27 =	vmul.f32 v41, v27;
	v38 =	vld [tilespmem:s28+$0x0];
	[tilespmem:s26+$0xFFFFFF20] =	vst v15  }
0x2ef: {  	v30 =	vmul.f32 v41, v30;
	v40 =	vmul.f32 v40, v49;
	v50 =	vld [tilespmem:s28+$0x10];
	v19 =	vadd.f32 v37, v19;
	[tilespmem:s26+$0xFFFFFF30] =	vst v16  }
0x2f0: {  	v16 =	vld [tilespmem:s12+$0xFFFFFF00];
	v37 =	vmul.f32 v47, v45;
	[tilespmem:s26+$0xFFFFFF40] =	vst v22;
	v22 =	vmul.f32 v39, v7;
	v7 =	vmov v49  }
0x2f1: {  	v15 =	vld [tilespmem:s12+$0xFFFFFF20];
	v41 =	vperm.xlane v19, v2;
	[tilespmem:s26+$0xFFFFFF50] =	vst v25;
	v25 =	vmul.f32 v39, v8;
	v8 =	vmov v45  }
0x2f2: {  	v14 =	vmul.f32 v39, v14;
	v45 =	vld [tilespmem:s28+$0xFFFFFF20];
	v37 =	vadd.f32 v37, v40;
	[tilespmem:s26+$0xFFFFFF60] =	vst v27;
	v27 =	vmul.f32 v39, v12  }
0x2f3: {  	v18 =	vmul.f32 v39, v18;
	v12 =	vld [tilespmem:s12+$0xFFFFFFA0];
	v38 =	vmul.f32 v38, v48;
	v40 =	vadd.f32 v19, v41;
	[tilespmem:s26+$0xFFFFFF70] =	vst v30  }
0x2f4: {  	v21 =	vmul.f32 v39, v21;
	v30 =	vld [tilespmem:s28+$0xFFFFFFA0];
	v19 =	vmul.f32 v50, v46;
	[tilespmem:s26+$0xFFFFFF80] =	vst v22  }
0x2f5: {  	v22 =	vmul.f32 v42, v16;
	v41 =	vld [tilespmem:s12+$0x20];
	v42 =	vperm.xlane v40, v3;
	[tilespmem:s26+$0xFFFFFF90] =	vst v25  }
0x2f6: {  	v24 =	vmul.f32 v39, v24;
	v26 =	vmul.f32 v39, v26;
	v25 =	vld [tilespmem:s28+$0x20];
	v38 =	vadd.f32 v19, v38;
	[tilespmem:s26+$0xFFFFFFA0] =	vst v27  }
0x2f7: {  	v19 =	vld [tilespmem:s12+$0xFFFFFF30];
	v22 =	vadd.f32 v44, v22;
	v27 =	vmul.f32 v45, v15;
	v39 =	vadd.f32 v40, v42;
	[tilespmem:s26+$0xFFFFFFB0] =	vst v14  }
0x2f8: {  	v42 =	vmul.f32 v43, v6;
	v6 =	vmovc v46;
	v40 =	vld [tilespmem:s28+$0xFFFFFF30];
	[tilespmem:s26+$0xFFFFFFC0] =	vst v18;
	v18 =	vmul.f32 v43, v5;
	v5 =	vmov v48  }
0x2f9: {  	v27 =	vadd.f32 v27, v22;
	v14 =	vld [tilespmem:s12+$0xFFFFFFB0];
	v22 =	vmul.f32 v30, v12;
	v30 =	vperm.xlane v39, v4;
	[tilespmem:s26+$0xFFFFFFD0] =	vst v21  }
0x2fa: {  	v44 =	vmul.f32 v43, v10;
	v21 =	vld [tilespmem:s28+$0xFFFFFFB0];
	[tilespmem:s26+$0xFFFFFFE0] =	vst v24;
	v24 =	vmul.f32 v43, v9;
	v9 =	vmov v41  }
0x2fb: {  	v37 =	vadd.f32 v22, v37;
	v10 =	vld [tilespmem:s12+$0x30];
	v25 =	vmul.f32 v25, v9;
	v30 =	vadd.f32 v39, v30;
	[tilespmem:s26+$0xFFFFFFF0] =	vst v26  }
0x2fc: {  	v17 =	vmul.f32 v43, v17;
	v39 =	vmul.f32 v43, v13;
	v26 =	vld [tilespmem:s28+$0x30];
	[tilespmem:s26+$0x0] =	vst v18  }
0x2fd: {  	v22 =	vld [tilespmem:s12+$0xFFFFFF40];
	v13 =	vmul.f32 v40, v19;
	v38 =	vadd.f32 v25, v38;
	v25 =	vmul.f32 v30, v36;
	[tilespmem:s26+$0x10] =	vst v42  }
0x2fe: {  	v20 =	vmul.f32 v43, v20;
	v23 =	vmul.f32 v43, v23;
	v36 =	vld [tilespmem:s28+$0xFFFFFF40];
	[tilespmem:s26+$0x20] =	vst v24  }
0x2ff: {  	v24 =	vadd.f32 v13, v27;
	v18 =	vld [tilespmem:s12+$0xFFFFFFC0];
	v13 =	vmul.f32 v21, v14;
	v27 =	vmul.f32 v30, v28;
	[tilespmem:s12+$0xF0] =	vst v25  }
0x300: {  	v29 =	vmul.f32 v30, v29;
	v31 =	vmul.f32 v30, v31;
	v28 =	vld [tilespmem:s28+$0xFFFFFFC0];
	[tilespmem:s26+$0x30] =	vst v44  }
0x301: {  	v37 =	vadd.f32 v13, v37;
	v13 =	vld [tilespmem:s12+$0x40];
	v21 =	vmul.f32 v26, v10;
	v26 =	vmul.f32 v30, v32;
	[tilespmem:s26+$0x40] =	vst v39  }
0x302: {  	v33 =	vmul.f32 v30, v33;
	v34 =	vmul.f32 v30, v34;
	v32 =	vld [tilespmem:s28+$0x40];
	[tilespmem:s26+$0x50] =	vst v17  }
0x303: {  	v30 =	vmul.f32 v30, v35;
	v25 =	vld [tilespmem:s12+$0xFFFFFF50];
	v17 =	vmul.f32 v36, v22;
	v36 =	vadd.f32 v21, v38;
	[tilespmem:s26+$0x60] =	vst v20  }
0x304: {  	v20 =	vld [tilespmem:s28+$0xFFFFFF50];
	[tilespmem:s26+$0x70] =	vst v23;
	s26 =	smov.u32 s12  }
0x305: {  	v23 =	vadd.f32 v17, v24;
	v21 =	vld [tilespmem:s12+$0xFFFFFFD0];
	v17 =	vmul.f32 v28, v18;
	[tilespmem:s12+$0x80] =	vst v27  }
0x306: {  	v28 =	vld [tilespmem:s28+$0xFFFFFFD0];
	[tilespmem:s12+$0x90] =	vst v29  }
0x307: {  	v29 =	vadd.f32 v17, v37;
	v17 =	vld [tilespmem:s12+$0x50];
	v24 =	vmul.f32 v32, v13;
	[tilespmem:s12+$0xA0] =	vst v31  }
0x308: {  	v31 =	vld [tilespmem:s28+$0x50];
	[tilespmem:s12+$0xB0] =	vst v26  }
0x309: {  	v27 =	vld [tilespmem:s12+$0xFFFFFF60];
	v20 =	vmul.f32 v20, v25;
	v26 =	vadd.f32 v24, v36;
	[tilespmem:s12+$0xC0] =	vst v33  }
0x30a: {  	v32 =	vld [tilespmem:s28+$0xFFFFFF60];
	[tilespmem:s12+$0xD0] =	vst v34  }
0x30b: {  	v23 =	vadd.f32 v20, v23;
	v24 =	vld [tilespmem:s12+$0xFFFFFFE0];
	v20 =	vmul.f32 v28, v21;
	[tilespmem:s12+$0xE0] =	vst v30  }
0x30c: {  	v28 =	vld [tilespmem:s28+$0xFFFFFFE0]  }
0x30d: {  	v33 =	vadd.f32 v20, v29;
	v20 =	vld [tilespmem:s12+$0x60];
	v29 =	vmul.f32 v31, v17  }
0x30e: {  	v36 =	vld [tilespmem:s28+$0x60]  }
0x30f: {  	v30 =	vld [tilespmem:s12+$0xFFFFFF70];
	v32 =	vmul.f32 v32, v27;
	v29 =	vadd.f32 v29, v26  }
.Ltmp10:
0x310: {  	v31 =	vld [tilespmem:s28+$0xFFFFFF70];
	(pc) =	sbr.rel @p4 .LBB2_14-.Ltmp10, $4  }
0x311: {  	v35 =	vadd.f32 v32, v23;
	v26 =	vld [tilespmem:s12+$0xFFFFFFF0];
	v23 =	vmul.f32 v28, v24  }
0x312: {  	v34 =	vld [tilespmem:s28+$0xFFFFFFF0]  }
0x313: {  	v33 =	vadd.f32 v23, v33;
	v23 =	vld [tilespmem:s12+$0x70];
	v36 =	vmul.f32 v36, v20  }
0x314: {  	s12 =	sadd.s32 $0x200, s12;
	v32 =	vld [tilespmem:s28+$0x70]  }
0x315: {  	v28 =	vmul.f32 v31, v30;
	_ =	sdelay $0x1  }
0x316: {  	v28 =	vadd.f32 v28, v35;
	_ =	sdelay $0x1  }
0x317: {  	v49 =	vperm.xlane v28, v1;
	_ =	sdelay $0x1  }
0x318: {  	v28 =	vadd.f32 v28, v49;
	_ =	sdelay $0x1  }
0x319: {  	v50 =	vmul.f32 v34, v26;
	v51 =	vperm.xlane v28, v2;
	_ =	sdelay $0x1  }
0x31a: {  	v31 =	vadd.f32 v50, v33;
	v28 =	vadd.f32 v28, v51;
	_ =	sdelay $0x1  }
0x31b: {  	v33 =	vperm.xlane v31, v1;
	v34 =	vperm.xlane v28, v3;
	_ =	sdelay $0x1  }
0x31c: {  	v31 =	vadd.f32 v31, v33;
	v28 =	vadd.f32 v28, v34  }
0x31d: {  	v29 =	vadd.f32 v36, v29;
	v32 =	vmul.f32 v32, v23  }
0x31e: {  	v33 =	vperm.xlane v31, v2;
	v34 =	vperm.xlane v28, v4  }
0x31f: {  	v29 =	vadd.f32 v32, v29  }
0x320: {  	v31 =	vadd.f32 v31, v33;
	v28 =	vadd.f32 v28, v34  }
0x321: {  	v32 =	vperm.xlane v29, v1  }
0x322: {  	v33 =	vperm.xlane v31, v3;
	v16 =	vmul.f32 v28, v16  }
0x323: {  	v29 =	vadd.f32 v29, v32;
	v11 =	vmul.f32 v28, v11  }
0x324: {  	v31 =	vadd.f32 v31, v33;
	v15 =	vmul.f32 v28, v15;
	[tilespmem:s26+$0xFFFFFF00] =	vst v16  }
0x325: {  	v52 =	vperm.xlane v29, v2;
	v19 =	vmul.f32 v28, v19;
	[tilespmem:s26+$0xFFFFFF10] =	vst v11  }
0x326: {  	v53 =	vperm.xlane v31, v4;
	v22 =	vmul.f32 v28, v22;
	[tilespmem:s26+$0xFFFFFF20] =	vst v15  }
0x327: {  	v54 =	vmul.f32 v28, v25;
	[tilespmem:s26+$0xFFFFFF30] =	vst v19  }
0x328: {  	v55 =	vmul.f32 v28, v27;
	v16 =	vadd.f32 v29, v52;
	v11 =	vadd.f32 v31, v53;
	[tilespmem:s26+$0xFFFFFF40] =	vst v22  }
0x329: {  	v56 =	vmul.f32 v28, v30;
	[tilespmem:s26+$0xFFFFFF50] =	vst v54  }
0x32a: {  	[tilespmem:s26+$0xFFFFFF60] =	vst v55;
	v57 =	vperm.xlane v16, v3;
	v7 =	vmul.f32 v11, v7  }
0x32b: {  	[tilespmem:s26+$0xFFFFFF70] =	vst v56;
	v8 =	vmul.f32 v11, v8  }
0x32c: {  	v12 =	vmul.f32 v11, v12;
	v15 =	vadd.f32 v16, v57;
	[tilespmem:s26+$0xFFFFFF80] =	vst v7  }
0x32d: {  	v59 =	vmul.f32 v11, v18;
	[tilespmem:s26+$0xFFFFFF90] =	vst v8  }
0x32e: {  	v7 =	vmul.f32 v11, v14;
	[tilespmem:s26+$0xFFFFFFA0] =	vst v12;
	v58 =	vperm.xlane v15, v4  }
0x32f: {  	v60 =	vmul.f32 v11, v21;
	[tilespmem:s26+$0xFFFFFFC0] =	vst v59  }
0x330: {  	v61 =	vmul.f32 v11, v24;
	[tilespmem:s26+$0xFFFFFFB0] =	vst v7;
	v7 =	vadd.f32 v15, v58  }
0x331: {  	v11 =	vmul.f32 v11, v26;
	[tilespmem:s26+$0xFFFFFFD0] =	vst v60  }
0x332: {  	[tilespmem:s26+$0xFFFFFFE0] =	vst v61;
	v5 =	vmul.f32 v7, v5  }
0x333: {  	[tilespmem:s26+$0xFFFFFFF0] =	vst v11;
	v6 =	vmul.f32 v7, v6  }
0x334: {  	v62 =	vmul.f32 v7, v9;
	[tilespmem:s26+$0x0] =	vst v5  }
0x335: {  	v63 =	vmul.f32 v7, v17;
	[tilespmem:s26+$0x10] =	vst v6  }
0x336: {  	v5 =	vmul.f32 v7, v10;
	[tilespmem:s26+$0x20] =	vst v62  }
0x337: {  	v6 =	vmul.f32 v7, v13;
	[tilespmem:s26+$0x50] =	vst v63  }
0x338: {  	[tilespmem:s26+$0x30] =	vst v5;
	v5 =	vmul.f32 v7, v20  }
0x339: {  	[tilespmem:s26+$0x40] =	vst v6;
	v6 =	vmul.f32 v7, v23  }
0x33a: {  	[tilespmem:s26+$0x60] =	vst v5  }
.Ltmp11:
0x33b: {  	[tilespmem:s26+$0x70] =	vst v6;
	(pc) =	sbr.rel .LBB2_16-.Ltmp11, $4  }
0x33c: {  	_ =	swait.ge [sflag:s20], $0x40  }
0x33d: {  	[sflag:s20] =	ssyncset.done $0x0  }
0x33e: {  	[sflag:s20] =	ssyncadd.s32 $0xFFFFFFC0  }
0x33f: {  	[spmem:s16] =	stream.indirect.scatter.add.f32 [tilespmem:s22], [sflag:$0x6], $0x80, s21, s0, $0xb8;
	[tilespmem:$0x1FD00] =	vst v63  }
.LBB2_18:
0x340: {  	_ =	sfence.sel $0x180000  }
0x341: {  	[bflag:$0x0] =	sbarrier.arrive $0xFFFF  }
0x342: {  	_ =	strace $0x90000047  }
0x343: {  	s0 =	stileid.u32;
	[bflag:$0x2] =	sbarrier.arrive $0xFFFF  }
0x344: {  	p0 =	sne.s32 s0, $0x0;
	s0 =	rddreg [dreg:$0x4]  }
0x345: {  	s0 =	sadd.s32 @!p0 $0x100000, s0  }
0x346: {  	[sflag:s0] =	ssyncadd.tile.s32 @!p0 $0x1;
	_ =	shalt  }
.Lfunc_end2:
_tile_overlayer_lowered:
.L_overlay_start_2:
0x347: {  	(tag) =	ssettag $0x2  }
0x348: {  	s0 =	rddreg [dreg:$0x0];
	s2 =	stileid.u32  }
0x349: {  	s1 =	rddreg [dreg:$0x1];
	p0 =	sne.s32 s2, $0x0  }
0x34a: {  	s3 =	rddreg [dreg:$0x2];
	[bflag:$0x3] =	sbarrier.arrive $0xFFFF;
	s2 =	simm.s32 @!p0 $0x1C0D  }
0x34b: {  	[timem:s3], [sflag:s2] =	dma.local @!p0 [hbm:s0], s1  }
0x34c: {  	s0 =	simm.s32 @!p0 $0xD  }
0x34d: {  	_ =	swait.ge @!p0 [sflag:s0], s1  }
0x34e: {  	s1 =	ssub.s32 @!p0 $0x0, s1;
	[sflag:s0] =	ssyncset.done @!p0 $0x0  }
0x34f: {  	[sflag:s0] =	ssyncadd.s32 @!p0 s1  }
0x350: {  	[bflag:$0x3] =	sbarrier.arrive $0xFFFF  }
0x351: {  	_ =	shalt  }

</sc_bundles>
